<compile_context>
chip_gen: v7x
topology: tpu7x:2x2x1
jax: 0.10.2.dev20260603
libtpu: 0.0.44.dev20260713+nightly
codegen_flags: <defaults>
</compile_context>

<pallas_src>
import functools

import jax
import jax.numpy as jnp
from jax import lax
from jax.experimental import pallas as pl
from jax.experimental.pallas import tpu as pltpu
from jax.experimental.pallas import tpu_sc as plsc

H = 512
W = 512
NSEG = 8
BAND = 5
NPOS = 2 * BAND + 1
LANES = 16
NPATH = NSEG - 1
NIMG = 8
NPROB = NIMG * 2 * NPATH
BIG = 3.0e8
GROW = H * LANES
NCHAIN = 4

_W0, _W1, _W2 = 0.2989, 0.587, 0.114


def _bands_body(x_ref, g_ref):
    xx = x_ref[0]
    gray = xx[0] * _W0 + xx[1] * _W1 + xx[2] * _W2
    zc = jnp.zeros((H, 1), dtype=jnp.float32)
    zr = jnp.zeros((1, W + 2), dtype=jnp.float32)
    g = jnp.concatenate([zr, jnp.concatenate([zc, gray, zc], axis=1), zr],
                        axis=0)
    gx = (g[:-2, 2:] + 2.0 * g[1:-1, 2:] + g[2:, 2:]) - (
        g[:-2, :-2] + 2.0 * g[1:-1, :-2] + g[2:, :-2])
    gy = (g[2:, :-2] + 2.0 * g[2:, 1:-1] + g[2:, 2:]) - (
        g[:-2, :-2] + 2.0 * g[:-2, 1:-1] + g[:-2, 2:])
    neg = -jnp.sqrt(gx * gx + gy * gy + 1e-08)
    pad_c = jnp.full((H, LANES - NPOS), BIG, dtype=jnp.float32)
    lane2d = lax.broadcasted_iota(jnp.int32, (H, LANES), 1)
    gcs, grs = [], []
    for p in range(NPATH):
        b = (W // NSEG) * (p + 1) - BAND
        gcs.append(jnp.concatenate([neg[:, b:b + NPOS], pad_c], axis=1))
        strip = neg[b:b + LANES, :].T
        grs.append(jnp.where(lane2d < NPOS, strip, BIG))
    g_ref[0] = jnp.stack([jnp.stack(gcs), jnp.stack(grs)])


HIMG = NIMG // 2


def _make_bands_call(img_off):
    return pl.pallas_call(
        _bands_body,
        grid=(HIMG,),
        in_specs=[pl.BlockSpec((1, 3, H, W),
                               lambda i: (i + img_off, 0, 0, 0))],
        out_specs=pl.BlockSpec((1, 2, NPATH, H, LANES),
                               lambda i: (i, 0, 0, 0, 0)),
        out_shape=jax.ShapeDtypeStruct((HIMG, 2, NPATH, H, LANES),
                                       jnp.float32),
    )


_bands_calls = (_make_bands_call(0), _make_bands_call(HIMG))

_NC = 2
_NS = 16
_NW = _NC * _NS


def _lanegather(vec, idx):
    dnums = lax.GatherDimensionNumbers(
        offset_dims=(), collapsed_slice_dims=(0,), start_index_map=(0,))
    return lax.gather(vec, idx[:, None], dnums, slice_sizes=(1,),
                      mode=lax.GatherScatterMode.PROMISE_IN_BOUNDS)


def _sc_dp_body(g_hbm, pos_hbm, g_v, dec_v, pos_v, dma_sem, *, nprob, nchain):
    wid = lax.axis_index("s") * _NC + lax.axis_index("c")
    jj = lax.iota(jnp.int32, LANES)
    jL = jnp.maximum(jj - 1, 0)
    jR = jnp.minimum(jj + 1, NPOS - 1)

    ks, valid = [], []
    for c in range(nchain):
        kc = c * _NW + wid
        ks.append(jnp.minimum(kc, nprob - 1))
        valid.append(None if (c + 1) * _NW <= nprob else (kc < nprob))
    NCHAIN = nchain

    copies = [pltpu.async_copy(g_hbm.at[pl.ds(ks[c] * GROW, GROW)],
                               g_v.at[pl.ds(c * GROW, GROW)], dma_sem)
              for c in range(NCHAIN)]
    for cp in copies:
        cp.wait()

    def fstep(l, costs):
        new = []
        for c in range(NCHAIN):
            cost = costs[c]
            cl = _lanegather(cost, jL)
            cr = _lanegather(cost, jR)
            m = jnp.minimum(jnp.minimum(cl, cost), cr)
            gv = g_v[pl.ds(c * GROW + l * LANES, LANES)]
            d = jnp.where((cl <= cost) & (cl <= cr), 0,
                          jnp.where(cost <= cr, 1, 2)).astype(jnp.int32)
            dec_v[pl.ds(c * GROW + l * LANES, LANES)] = d
            new.append(m + gv)
        return tuple(new)

    costs0 = tuple(g_v[pl.ds(c * GROW, LANES)] for c in range(NCHAIN))
    costsf = lax.fori_loop(1, H, fstep, costs0, unroll=4)

    idx0s, bases = [], []
    for c in range(NCHAIN):
        costf = costsf[c]
        mn = costf
        for s in (8, 4, 2, 1):
            mn = jnp.minimum(mn, _lanegather(mn, jj ^ s))
        cand = jnp.where(costf == mn, jj, LANES)
        for s in (8, 4, 2, 1):
            cand = jnp.minimum(cand, _lanegather(cand, jj ^ s))
        idx0s.append(cand)
        p = lax.rem(ks[c], NPATH)
        bases.append((W // NSEG) * (p + 1) - BAND)

    def bstep(t, carry):
        idxs, accs = carry
        l = (H - 1) - t
        lm = lax.rem(l, LANES)
        nidxs, naccs = [], []
        for c in range(NCHAIN):
            idx = idxs[c]
            naccs.append(jnp.where(jj == lm, bases[c] + idx, accs[c]))
            d = _lanegather(dec_v[pl.ds(c * GROW + l * LANES, LANES)], idx)
            nidxs.append(jnp.clip(idx + d - 1, 0, NPOS - 1))

        @pl.when(lm == 0)
        def _():
            for c in range(NCHAIN):
                pos_v[pl.ds(c * H + l, LANES)] = naccs[c]

        return tuple(nidxs), tuple(naccs)

    zacc = jnp.zeros((LANES,), jnp.int32)
    idxe, acce = lax.fori_loop(
        0, H - 1, bstep, (tuple(idx0s), (zacc,) * NCHAIN), unroll=4)
    for c in range(NCHAIN):
        first = jnp.where(jj == 0, bases[c] + idxe[c], acce[c])
        pos_v[pl.ds(c * H, LANES)] = first

    for c in range(NCHAIN):
        copy = lambda c=c: pltpu.sync_copy(
            pos_v.at[pl.ds(c * H, H)], pos_hbm.at[pl.ds(ks[c] * H, H)])
        if valid[c] is None:
            copy()
        else:
            pl.when(valid[c])(copy)


@functools.lru_cache(maxsize=None)
def _sc_dp_call(nprob):
    nchain = -(-nprob // _NW)
    body = functools.partial(_sc_dp_body, nprob=nprob, nchain=nchain)
    return functools.partial(
        pl.kernel,
        out_type=jax.ShapeDtypeStruct((nprob * H,), jnp.int32),
        mesh=plsc.VectorSubcoreMesh(core_axis_name="c", subcore_axis_name="s",
                                    num_cores=_NC, num_subcores=_NS),
        scratch_types=[
            pltpu.VMEM((nchain * GROW,), jnp.float32),
            pltpu.VMEM((nchain * GROW,), jnp.int32),
            pltpu.VMEM((nchain * H,), jnp.int32),
            pltpu.SemaphoreType.DMA,
        ],
    )(body)


def _labels_body(pos1_ref, pos2_ref, out_ref):
    half1 = pl.program_id(0) < HIMG
    sel = jnp.where(half1, pos1_ref[0], pos2_ref[0])
    vp = sel[0]
    hp = sel[1]
    vpt = vp.T
    r2 = lax.broadcasted_iota(jnp.int32, (H, W), 0)
    c2 = lax.broadcasted_iota(jnp.int32, (H, W), 1)
    acc = jnp.zeros((H, W), jnp.int32)
    for p in range(NPATH):
        acc = acc + (c2 >= vpt[:, p:p + 1]).astype(jnp.int32)
        acc = acc + 8 * (r2 >= hp[p:p + 1, :]).astype(jnp.int32)
    out_ref[0] = acc


_labels_call = pl.pallas_call(
    _labels_body,
    grid=(NIMG,),
    in_specs=[
        pl.BlockSpec((1, 2, NPATH, H),
                     lambda i: (jnp.minimum(i, HIMG - 1), 0, 0, 0)),
        pl.BlockSpec((1, 2, NPATH, H),
                     lambda i: (jnp.maximum(i - HIMG, 0), 0, 0, 0)),
    ],
    out_specs=pl.BlockSpec((1, H, W), lambda i: (i, 0, 0)),
    out_shape=jax.ShapeDtypeStruct((NIMG, H, W), jnp.int32),
)


def kernel(x):
    hprob = HIMG * 2 * NPATH
    g1 = _bands_calls[0](x)
    pos1 = _sc_dp_call(hprob)(g1.reshape(-1))
    g2 = _bands_calls[1](x)
    pos2 = _sc_dp_call(hprob)(g2.reshape(-1))
    return _labels_call(pos1.reshape(HIMG, 2, NPATH, H),
                        pos2.reshape(HIMG, 2, NPATH, H))

# --- scband reference (transcript-rebuilt; emitter-appended) ---
"""Pipeline reference for scband-boundary-path-finder-5093831213734 (READ-ONLY COPY).

The authoritative reference and input builder live on the scoring server;
editing this copy changes nothing except your own understanding.
"""

import jax, jax.numpy as jnp
import numpy as np

NUM_SEG_ROW = 8
NUM_SEG_COL = 8
H = 512
W = 512
BAND = 5


def setup_inputs(seed: int = 0) -> dict:
    key = jax.random.key(seed)
    x = jax.random.uniform(key, (8, 3, H, W), dtype=jnp.float32)
    return {"x": x}


def _gradient_map(x):
    w = jnp.array([0.2989, 0.587, 0.114], dtype=jnp.float32)
    gray = (x * w[None, :, None, None]).sum(axis=1, keepdims=True)
    sx = jnp.array([[[[-1., 0., 1.], [-2., 0., 2.], [-1., 0., 1.]]]], dtype=jnp.float32)
    sy = jnp.array([[[[-1., -2., -1.], [0., 0., 0.], [1., 2., 1.]]]], dtype=jnp.float32)
    dn = ('NCHW', 'OIHW', 'NCHW')
    gx = jax.lax.conv_general_dilated(gray, sx, (1, 1), 'SAME', dimension_numbers=dn)
    gy = jax.lax.conv_general_dilated(gray, sy, (1, 1), 'SAME', dimension_numbers=dn)
    return jnp.sqrt(gx ** 2 + gy ** 2 + 1e-08)


def _optimal_paths(gm, inits, bw):
    # gm: [L, D]; DP over L steps, band of positions around each init within D
    L, D = gm.shape
    offs = jnp.arange(-bw, bw + 1)
    idxs = jnp.clip(inits[:, None] + offs[None, :], 0, D - 1)  # [P, Np]
    P, Np = idxs.shape
    g = -gm[:, idxs]  # [L, P, Np] gathered negative gradients
    neighbor = jnp.clip(jnp.arange(Np)[:, None] + jnp.array([-1, 0, 1])[None, :], 0, Np - 1)  # [Np, 3]
    neighbor_b = jnp.broadcast_to(neighbor[None], (P, Np, 3))
    rowsP = jnp.arange(P)

    def step(prev_cost, g_row):
        padded = jnp.concatenate([
            jnp.full((P, 1), jnp.inf, dtype=prev_cost.dtype),
            prev_cost,
            jnp.full((P, 1), jnp.inf, dtype=prev_cost.dtype)], axis=1)  # [P, Np+2]
        prev_costs = padded[rowsP[:, None, None], neighbor_b + 1]  # [P, Np, 3]
        min_prev = prev_costs.min(axis=2)
        min_idx = jnp.argmin(prev_costs, axis=2)
        path_row = jnp.take_along_axis(neighbor_b, min_idx[..., None], axis=2)[..., 0]
        return min_prev + g_row, path_row

    final_cost, paths = jax.lax.scan(step, g[0], g[1:])
    paths = jnp.concatenate([jnp.zeros((1, P, Np), dtype=paths.dtype), paths], axis=0)  # path[0] = 0
    idx0 = jnp.argmin(final_cost, axis=1)  # [P]

    def back(idx, path_row):
        pos = idxs[rowsP, idx]
        return path_row[rowsP, idx], pos

    _, pos = jax.lax.scan(back, idx0, paths, reverse=True)  # [L, P]
    return pos.T  # [P, L]


def _forward(x):
    gmap = _gradient_map(x)  # [B, 1, H, W]
    # initialize_grid (computed as in the torch module; adjust_boundaries recomputes labels)
    rows = jnp.arange(H)[:, None]
    cols = jnp.arange(W)[None, :]
    _init_labels = ((rows // (H // NUM_SEG_ROW)) * NUM_SEG_COL + cols // (W // NUM_SEG_COL)).astype(jnp.int32)
    x_inits = jnp.clip(jnp.array([i * (W // NUM_SEG_COL) for i in range(1, NUM_SEG_COL)]), 0, W - 1)
    y_inits = jnp.clip(jnp.array([i * (H // NUM_SEG_ROW) for i in range(1, NUM_SEG_ROW)]), 0, H - 1)

    def per_image(gm):
        vp = _optimal_paths(gm, x_inits, BAND)      # [Pv, H] column positions per row
        hp = _optimal_paths(gm.T, y_inits, BAND)    # [Ph, W] row positions per column
        mv = jnp.zeros((H, W), dtype=bool).at[
            jnp.broadcast_to(jnp.arange(H)[None, :], vp.shape), vp].set(True)
        mh = jnp.zeros((H, W), dtype=bool).at[
            hp, jnp.broadcast_to(jnp.arange(W)[None, :], hp.shape)].set(True)
        vl = jnp.cumsum(mv.astype(jnp.int32), axis=1)
        hl = jnp.cumsum(mh.astype(jnp.int32), axis=0)
        return vl + NUM_SEG_COL * hl

    return jax.vmap(per_image)(gmap[:, 0])


def reference(x):
    return _forward(x)

if __name__ == "__main__":
    import jax
    _d = setup_inputs()
    print(jax.jit(kernel)(*tuple(_d.values())))

</pallas_src>

<mosaic_0001>
#map = affine_map<(d0, d1) -> (0)>
module attributes {stable_mosaic.version = 14 : i64} {
  func.func @_sc_dp_body(%arg0: i32, %arg1: i32, %arg2: memref<458752xf32, #tpu.memory_space<hbm>>, %arg3: memref<28672xi32, #tpu.memory_space<hbm>>, %arg4: memref<16384xf32, #tpu.memory_space<vmem>>, %arg5: memref<16384xi32, #tpu.memory_space<vmem>>, %arg6: memref<1024xi32, #tpu.memory_space<vmem>>, %arg7: memref<!tpu.dma_semaphore, #tpu.memory_space<semaphore_mem>>) attributes {dimension_semantics = [#tpu.dimension_semantics<core_parallel>, #tpu.dimension_semantics<subcore_parallel>], iteration_bounds = array<i64: 2, 16>, scalar_prefetch = 0 : i64, scratch_operands = 4 : i64, tpu.core_type = #tpu.core_type<sc_vector_subcore>, window_params = [{transform_indices = #map}, {transform_indices = #map}]} {
    %mul3A = arith.constant 2 : i32
    %mul3A_0 = arith.muli %arg1, %mul3A : i32
    %add3A = arith.addi %mul3A_0, %arg0 : i32
    %iota3A = tpu.iota {dimensions = array<i32: 0>} : vector<16xi32>
    %sub3A = arith.constant 1 : i32
    %sub3A_1 = vector.broadcast %sub3A : i32 to vector<16xi32>
    %sub3A_2 = arith.subi %iota3A, %sub3A_1 : vector<16xi32>
    %max3A = arith.constant 0 : i32
    %max3A_3 = vector.broadcast %max3A : i32 to vector<16xi32>
    %max3A_4 = arith.maxsi %sub3A_2, %max3A_3 : vector<16xi32>
    %add3A_5 = arith.constant 1 : i32
    %add3A_6 = vector.broadcast %add3A_5 : i32 to vector<16xi32>
    %add3A_7 = arith.addi %iota3A, %add3A_6 : vector<16xi32>
    %min3A = arith.constant 10 : i32
    %min3A_8 = vector.broadcast %min3A : i32 to vector<16xi32>
    %min3A_9 = arith.minsi %add3A_7, %min3A_8 : vector<16xi32>
    %add3A_10 = arith.constant 0 : i32
    %add3A_11 = arith.addi %add3A_10, %add3A : i32
    %min3A_12 = arith.constant 55 : i32
    %min3A_13 = arith.minsi %add3A_11, %min3A_12 : i32
    %add3A_14 = arith.constant 32 : i32
    %add3A_15 = arith.addi %add3A_14, %add3A : i32
    %min3A_16 = arith.constant 55 : i32
    %min3A_17 = arith.minsi %add3A_15, %min3A_16 : i32
    %lt3A = arith.constant 56 : i32
    %lt3A_18 = arith.cmpi slt, %add3A_15, %lt3A : i32
    %mul3A_19 = arith.constant 8192 : i32
    %mul3A_20 = arith.muli %min3A_13, %mul3A_19 : i32
    %dma_start3A = arith.constant 0 : i32
    %dma_start3A_21 = tpu.memref_slice %arg4[%dma_start3A] : memref<16384xf32, #tpu.memory_space<vmem>> -> memref<8192xf32, #tpu.memory_space<vmem>>
    %dma_start3A_22 = tpu.memref_slice %arg2[%mul3A_20] : memref<458752xf32, #tpu.memory_space<hbm>> -> memref<8192xf32, #tpu.memory_space<hbm>>
    %dma_start3A_23 = arith.constant 0 : i32
    %dma_start3A_24 = tpu.memref_slice %arg4[%dma_start3A_23] : memref<16384xf32, #tpu.memory_space<vmem>> -> memref<8192xf32, #tpu.memory_space<vmem>>
    %dma_start3A_25 = tpu.memref_slice %arg2[%mul3A_20] : memref<458752xf32, #tpu.memory_space<hbm>> -> memref<8192xf32, #tpu.memory_space<hbm>>
    tpu.enqueue_dma source(%dma_start3A_25 : memref<8192xf32, #tpu.memory_space<hbm>>) target(%dma_start3A_24 : memref<8192xf32, #tpu.memory_space<vmem>>) target_semaphore(%arg7 : memref<!tpu.dma_semaphore, #tpu.memory_space<semaphore_mem>>)
    %mul3A_26 = arith.constant 8192 : i32
    %mul3A_27 = arith.muli %min3A_17, %mul3A_26 : i32
    %dma_start3A_28 = arith.constant 8192 : i32
    %dma_start3A_29 = tpu.memref_slice %arg4[%dma_start3A_28] : memref<16384xf32, #tpu.memory_space<vmem>> -> memref<8192xf32, #tpu.memory_space<vmem>>
    %dma_start3A_30 = tpu.memref_slice %arg2[%mul3A_27] : memref<458752xf32, #tpu.memory_space<hbm>> -> memref<8192xf32, #tpu.memory_space<hbm>>
    %dma_start3A_31 = arith.constant 8192 : i32
    %dma_start3A_32 = tpu.memref_slice %arg4[%dma_start3A_31] : memref<16384xf32, #tpu.memory_space<vmem>> -> memref<8192xf32, #tpu.memory_space<vmem>>
    %dma_start3A_33 = tpu.memref_slice %arg2[%mul3A_27] : memref<458752xf32, #tpu.memory_space<hbm>> -> memref<8192xf32, #tpu.memory_space<hbm>>
    tpu.enqueue_dma source(%dma_start3A_33 : memref<8192xf32, #tpu.memory_space<hbm>>) target(%dma_start3A_32 : memref<8192xf32, #tpu.memory_space<vmem>>) target_semaphore(%arg7 : memref<!tpu.dma_semaphore, #tpu.memory_space<semaphore_mem>>)
    %dma_wait3A = arith.constant 0 : i32
    %dma_wait3A_34 = tpu.memref_slice %arg4[%dma_wait3A] : memref<16384xf32, #tpu.memory_space<vmem>> -> memref<8192xf32, #tpu.memory_space<vmem>>
    %dma_wait3A_35 = tpu.memref_slice %arg2[%mul3A_20] : memref<458752xf32, #tpu.memory_space<hbm>> -> memref<8192xf32, #tpu.memory_space<hbm>>
    %dma_wait3A_36 = arith.constant 0 : i32
    %dma_wait3A_37 = tpu.memref_slice %arg4[%dma_wait3A_36] : memref<16384xf32, #tpu.memory_space<vmem>> -> memref<8192xf32, #tpu.memory_space<vmem>>
    %dma_wait3A_38 = tpu.memref_slice %arg2[%mul3A_20] : memref<458752xf32, #tpu.memory_space<hbm>> -> memref<8192xf32, #tpu.memory_space<hbm>>
    tpu.wait_dma2 semaphore(%arg7 : memref<!tpu.dma_semaphore, #tpu.memory_space<semaphore_mem>>) src(%dma_wait3A_38 : memref<8192xf32, #tpu.memory_space<hbm>>) dst(%dma_wait3A_37 : memref<8192xf32, #tpu.memory_space<vmem>>)
    %dma_wait3A_39 = arith.constant 8192 : i32
    %dma_wait3A_40 = tpu.memref_slice %arg4[%dma_wait3A_39] : memref<16384xf32, #tpu.memory_space<vmem>> -> memref<8192xf32, #tpu.memory_space<vmem>>
    %dma_wait3A_41 = tpu.memref_slice %arg2[%mul3A_27] : memref<458752xf32, #tpu.memory_space<hbm>> -> memref<8192xf32, #tpu.memory_space<hbm>>
    %dma_wait3A_42 = arith.constant 8192 : i32
    %dma_wait3A_43 = tpu.memref_slice %arg4[%dma_wait3A_42] : memref<16384xf32, #tpu.memory_space<vmem>> -> memref<8192xf32, #tpu.memory_space<vmem>>
    %dma_wait3A_44 = tpu.memref_slice %arg2[%mul3A_27] : memref<458752xf32, #tpu.memory_space<hbm>> -> memref<8192xf32, #tpu.memory_space<hbm>>
    tpu.wait_dma2 semaphore(%arg7 : memref<!tpu.dma_semaphore, #tpu.memory_space<semaphore_mem>>) src(%dma_wait3A_44 : memref<8192xf32, #tpu.memory_space<hbm>>) dst(%dma_wait3A_43 : memref<8192xf32, #tpu.memory_space<vmem>>)
    %get3A = arith.constant 0 : index
    %get3A_45 = tpu.vector_load %arg4[%get3A] {strides = array<i32>} : memref<16384xf32, #tpu.memory_space<vmem>>, vector<16xf32>,
    %get3A_46 = vector.shape_cast %get3A_45 : vector<16xf32> to vector<16xf32>
    %get3A_47 = arith.constant 8192 : index
    %get3A_48 = tpu.vector_load %arg4[%get3A_47] {strides = array<i32>} : memref<16384xf32, #tpu.memory_space<vmem>>, vector<16xf32>,
    %get3A_49 = vector.shape_cast %get3A_48 : vector<16xf32> to vector<16xf32>
    %scan3A = arith.constant 1 : i32
    %scan3A_50 = arith.constant 508 : i32
    %scan3A_51 = arith.addi %scan3A, %scan3A_50 : i32
    %scan3A_52 = arith.constant 4 : i32
    %scan3A_53:2 = scf.for %scan3A_617 = %scan3A to %scan3A_51 step %scan3A_52 iter_args(%scan3A_618 = %get3A_46, %scan3A_619 = %get3A_49) -> (vector<16xf32>, vector<16xf32>)  : i32 {
      %broadcast_in_dim3A_620 = vector.shape_cast %max3A_4 : vector<16xi32> to vector<16x1xi32>
      %gather3A_621 = vector.shape_cast %broadcast_in_dim3A_620 : vector<16x1xi32> to vector<16xi32>
      %gather3A_622 = tpu.dynamic_gather %scan3A_618[%gather3A_621] in [0] : vector<16xf32>, vector<16xi32> -> vector<16xf32>
      %broadcast_in_dim3A_623 = vector.shape_cast %min3A_9 : vector<16xi32> to vector<16x1xi32>
      %gather3A_624 = vector.shape_cast %broadcast_in_dim3A_623 : vector<16x1xi32> to vector<16xi32>
      %gather3A_625 = tpu.dynamic_gather %scan3A_618[%gather3A_624] in [0] : vector<16xf32>, vector<16xi32> -> vector<16xf32>
      %min3A_626 = arith.minimumf %gather3A_622, %scan3A_618 : vector<16xf32>
      %min3A_627 = arith.minimumf %min3A_626, %gather3A_625 : vector<16xf32>
      %mul3A_628 = arith.constant 16 : i32
      %mul3A_629 = arith.muli %scan3A_617, %mul3A_628 : i32
      %add3A_630 = arith.constant 0 : i32
      %add3A_631 = arith.addi %add3A_630, %mul3A_629 : i32
      %get3A_632 = arith.index_cast %add3A_631 : i32 to index
      %get3A_633 = tpu.vector_load %arg4[%get3A_632] {strides = array<i32>} : memref<16384xf32, #tpu.memory_space<vmem>>, vector<16xf32>,
      %get3A_634 = vector.shape_cast %get3A_633 : vector<16xf32> to vector<16xf32>
      %le3A_635 = arith.cmpf ole, %gather3A_622, %scan3A_618 : vector<16xf32>
      %le3A_636 = arith.cmpf ole, %gather3A_622, %gather3A_625 : vector<16xf32>
      %and3A_637 = arith.andi %le3A_635, %le3A_636 : vector<16xi1>
      %le3A_638 = arith.cmpf ole, %scan3A_618, %gather3A_625 : vector<16xf32>
      %jit3A_639 = arith.constant 1 : i32
      %jit3A_640 = arith.constant 2 : i32
      %broadcast_in_dim3A_641 = vector.broadcast %jit3A_639 : i32 to vector<16xi32>
      %broadcast_in_dim3A_642 = vector.broadcast %jit3A_640 : i32 to vector<16xi32>
      %select_n3A_643 = arith.select %le3A_638, %broadcast_in_dim3A_641, %broadcast_in_dim3A_642 : vector<16xi1>, vector<16xi32>
      %jit3A_644 = arith.constant 0 : i32
      %broadcast_in_dim3A_645 = vector.broadcast %jit3A_644 : i32 to vector<16xi32>
      %select_n3A_646 = arith.select %and3A_637, %broadcast_in_dim3A_645, %select_n3A_643 : vector<16xi1>, vector<16xi32>
      %mul3A_647 = arith.constant 16 : i32
      %mul3A_648 = arith.muli %scan3A_617, %mul3A_647 : i32
      %add3A_649 = arith.constant 0 : i32
      %add3A_650 = arith.addi %add3A_649, %mul3A_648 : i32
      %swap3A_651 = arith.index_cast %add3A_650 : i32 to index
      %swap3A_652 = tpu.vector_load %arg5[%swap3A_651] {strides = array<i32>} : memref<16384xi32, #tpu.memory_space<vmem>>, vector<16xi32>,
      %swap3A_653 = vector.shape_cast %swap3A_652 : vector<16xi32> to vector<16xi32>
      %swap3A_654 = vector.shape_cast %select_n3A_646 : vector<16xi32> to vector<16xi32>
      tpu.vector_store %arg5[%swap3A_651], %swap3A_654 {strides = array<i32>} : memref<16384xi32, #tpu.memory_space<vmem>>, vector<16xi32>,
      %add3A_655 = arith.addf %min3A_627, %get3A_634 : vector<16xf32>
      %broadcast_in_dim3A_656 = vector.shape_cast %max3A_4 : vector<16xi32> to vector<16x1xi32>
      %gather3A_657 = vector.shape_cast %broadcast_in_dim3A_656 : vector<16x1xi32> to vector<16xi32>
      %gather3A_658 = tpu.dynamic_gather %scan3A_619[%gather3A_657] in [0] : vector<16xf32>, vector<16xi32> -> vector<16xf32>
      %broadcast_in_dim3A_659 = vector.shape_cast %min3A_9 : vector<16xi32> to vector<16x1xi32>
      %gather3A_660 = vector.shape_cast %broadcast_in_dim3A_659 : vector<16x1xi32> to vector<16xi32>
      %gather3A_661 = tpu.dynamic_gather %scan3A_619[%gather3A_660] in [0] : vector<16xf32>, vector<16xi32> -> vector<16xf32>
      %min3A_662 = arith.minimumf %gather3A_658, %scan3A_619 : vector<16xf32>
      %min3A_663 = arith.minimumf %min3A_662, %gather3A_661 : vector<16xf32>
      %mul3A_664 = arith.constant 16 : i32
      %mul3A_665 = arith.muli %scan3A_617, %mul3A_664 : i32
      %add3A_666 = arith.constant 8192 : i32
      %add3A_667 = arith.addi %add3A_666, %mul3A_665 : i32
      %get3A_668 = arith.index_cast %add3A_667 : i32 to index
      %get3A_669 = tpu.vector_load %arg4[%get3A_668] {strides = array<i32>} : memref<16384xf32, #tpu.memory_space<vmem>>, vector<16xf32>,
      %get3A_670 = vector.shape_cast %get3A_669 : vector<16xf32> to vector<16xf32>
      %le3A_671 = arith.cmpf ole, %gather3A_658, %scan3A_619 : vector<16xf32>
      %le3A_672 = arith.cmpf ole, %gather3A_658, %gather3A_661 : vector<16xf32>
      %and3A_673 = arith.andi %le3A_671, %le3A_672 : vector<16xi1>
      %le3A_674 = arith.cmpf ole, %scan3A_619, %gather3A_661 : vector<16xf32>
      %jit3A_675 = arith.constant 1 : i32
      %jit3A_676 = arith.constant 2 : i32
      %broadcast_in_dim3A_677 = vector.broadcast %jit3A_675 : i32 to vector<16xi32>
      %broadcast_in_dim3A_678 = vector.broadcast %jit3A_676 : i32 to vector<16xi32>
      %select_n3A_679 = arith.select %le3A_674, %broadcast_in_dim3A_677, %broadcast_in_dim3A_678 : vector<16xi1>, vector<16xi32>
      %jit3A_680 = arith.constant 0 : i32
      %broadcast_in_dim3A_681 = vector.broadcast %jit3A_680 : i32 to vector<16xi32>
      %select_n3A_682 = arith.select %and3A_673, %broadcast_in_dim3A_681, %select_n3A_679 : vector<16xi1>, vector<16xi32>
      %mul3A_683 = arith.constant 16 : i32
      %mul3A_684 = arith.muli %scan3A_617, %mul3A_683 : i32
      %add3A_685 = arith.constant 8192 : i32
      %add3A_686 = arith.addi %add3A_685, %mul3A_684 : i32
      %swap3A_687 = arith.index_cast %add3A_686 : i32 to index
      %swap3A_688 = tpu.vector_load %arg5[%swap3A_687] {strides = array<i32>} : memref<16384xi32, #tpu.memory_space<vmem>>, vector<16xi32>,
      %swap3A_689 = vector.shape_cast %swap3A_688 : vector<16xi32> to vector<16xi32>
      %swap3A_690 = vector.shape_cast %select_n3A_682 : vector<16xi32> to vector<16xi32>
      tpu.vector_store %arg5[%swap3A_687], %swap3A_690 {strides = array<i32>} : memref<16384xi32, #tpu.memory_space<vmem>>, vector<16xi32>,
      %add3A_691 = arith.addf %min3A_663, %get3A_670 : vector<16xf32>
      %scan3A_692 = arith.constant 1 : i32
      %scan3A_693 = arith.addi %scan3A_617, %scan3A_692 : i32
      %broadcast_in_dim3A_694 = vector.shape_cast %max3A_4 : vector<16xi32> to vector<16x1xi32>
      %gather3A_695 = vector.shape_cast %broadcast_in_dim3A_694 : vector<16x1xi32> to vector<16xi32>
      %gather3A_696 = tpu.dynamic_gather %add3A_655[%gather3A_695] in [0] : vector<16xf32>, vector<16xi32> -> vector<16xf32>
      %broadcast_in_dim3A_697 = vector.shape_cast %min3A_9 : vector<16xi32> to vector<16x1xi32>
      %gather3A_698 = vector.shape_cast %broadcast_in_dim3A_697 : vector<16x1xi32> to vector<16xi32>
      %gather3A_699 = tpu.dynamic_gather %add3A_655[%gather3A_698] in [0] : vector<16xf32>, vector<16xi32> -> vector<16xf32>
      %min3A_700 = arith.minimumf %gather3A_696, %add3A_655 : vector<16xf32>
      %min3A_701 = arith.minimumf %min3A_700, %gather3A_699 : vector<16xf32>
      %mul3A_702 = arith.constant 16 : i32
      %mul3A_703 = arith.muli %scan3A_693, %mul3A_702 : i32
      %add3A_704 = arith.constant 0 : i32
      %add3A_705 = arith.addi %add3A_704, %mul3A_703 : i32
      %get3A_706 = arith.index_cast %add3A_705 : i32 to index
      %get3A_707 = tpu.vector_load %arg4[%get3A_706] {strides = array<i32>} : memref<16384xf32, #tpu.memory_space<vmem>>, vector<16xf32>,
      %get3A_708 = vector.shape_cast %get3A_707 : vector<16xf32> to vector<16xf32>
      %le3A_709 = arith.cmpf ole, %gather3A_696, %add3A_655 : vector<16xf32>
      %le3A_710 = arith.cmpf ole, %gather3A_696, %gather3A_699 : vector<16xf32>
      %and3A_711 = arith.andi %le3A_709, %le3A_710 : vector<16xi1>
      %le3A_712 = arith.cmpf ole, %add3A_655, %gather3A_699 : vector<16xf32>
      %jit3A_713 = arith.constant 1 : i32
      %jit3A_714 = arith.constant 2 : i32
      %broadcast_in_dim3A_715 = vector.broadcast %jit3A_713 : i32 to vector<16xi32>
      %broadcast_in_dim3A_716 = vector.broadcast %jit3A_714 : i32 to vector<16xi32>
      %select_n3A_717 = arith.select %le3A_712, %broadcast_in_dim3A_715, %broadcast_in_dim3A_716 : vector<16xi1>, vector<16xi32>
      %jit3A_718 = arith.constant 0 : i32
      %broadcast_in_dim3A_719 = vector.broadcast %jit3A_718 : i32 to vector<16xi32>
      %select_n3A_720 = arith.select %and3A_711, %broadcast_in_dim3A_719, %select_n3A_717 : vector<16xi1>, vector<16xi32>
      %mul3A_721 = arith.constant 16 : i32
      %mul3A_722 = arith.muli %scan3A_693, %mul3A_721 : i32
      %add3A_723 = arith.constant 0 : i32
      %add3A_724 = arith.addi %add3A_723, %mul3A_722 : i32
      %swap3A_725 = arith.index_cast %add3A_724 : i32 to index
      %swap3A_726 = tpu.vector_load %arg5[%swap3A_725] {strides = array<i32>} : memref<16384xi32, #tpu.memory_space<vmem>>, vector<16xi32>,
      %swap3A_727 = vector.shape_cast %swap3A_726 : vector<16xi32> to vector<16xi32>
      %swap3A_728 = vector.shape_cast %select_n3A_720 : vector<16xi32> to vector<16xi32>
      tpu.vector_store %arg5[%swap3A_725], %swap3A_728 {strides = array<i32>} : memref<16384xi32, #tpu.memory_space<vmem>>, vector<16xi32>,
      %add3A_729 = arith.addf %min3A_701, %get3A_708 : vector<16xf32>
      %broadcast_in_dim3A_730 = vector.shape_cast %max3A_4 : vector<16xi32> to vector<16x1xi32>
      %gather3A_731 = vector.shape_cast %broadcast_in_dim3A_730 : vector<16x1xi32> to vector<16xi32>
      %gather3A_732 = tpu.dynamic_gather %add3A_691[%gather3A_731] in [0] : vector<16xf32>, vector<16xi32> -> vector<16xf32>
      %broadcast_in_dim3A_733 = vector.shape_cast %min3A_9 : vector<16xi32> to vector<16x1xi32>
      %gather3A_734 = vector.shape_cast %broadcast_in_dim3A_733 : vector<16x1xi32> to vector<16xi32>
      %gather3A_735 = tpu.dynamic_gather %add3A_691[%gather3A_734] in [0] : vector<16xf32>, vector<16xi32> -> vector<16xf32>
      %min3A_736 = arith.minimumf %gather3A_732, %add3A_691 : vector<16xf32>
      %min3A_737 = arith.minimumf %min3A_736, %gather3A_735 : vector<16xf32>
      %mul3A_738 = arith.constant 16 : i32
      %mul3A_739 = arith.muli %scan3A_693, %mul3A_738 : i32
      %add3A_740 = arith.constant 8192 : i32
      %add3A_741 = arith.addi %add3A_740, %mul3A_739 : i32
      %get3A_742 = arith.index_cast %add3A_741 : i32 to index
      %get3A_743 = tpu.vector_load %arg4[%get3A_742] {strides = array<i32>} : memref<16384xf32, #tpu.memory_space<vmem>>, vector<16xf32>,
      %get3A_744 = vector.shape_cast %get3A_743 : vector<16xf32> to vector<16xf32>
      %le3A_745 = arith.cmpf ole, %gather3A_732, %add3A_691 : vector<16xf32>
      %le3A_746 = arith.cmpf ole, %gather3A_732, %gather3A_735 : vector<16xf32>
      %and3A_747 = arith.andi %le3A_745, %le3A_746 : vector<16xi1>
      %le3A_748 = arith.cmpf ole, %add3A_691, %gather3A_735 : vector<16xf32>
      %jit3A_749 = arith.constant 1 : i32
      %jit3A_750 = arith.constant 2 : i32
      %broadcast_in_dim3A_751 = vector.broadcast %jit3A_749 : i32 to vector<16xi32>
      %broadcast_in_dim3A_752 = vector.broadcast %jit3A_750 : i32 to vector<16xi32>
      %select_n3A_753 = arith.select %le3A_748, %broadcast_in_dim3A_751, %broadcast_in_dim3A_752 : vector<16xi1>, vector<16xi32>
      %jit3A_754 = arith.constant 0 : i32
      %broadcast_in_dim3A_755 = vector.broadcast %jit3A_754 : i32 to vector<16xi32>
      %select_n3A_756 = arith.select %and3A_747, %broadcast_in_dim3A_755, %select_n3A_753 : vector<16xi1>, vector<16xi32>
      %mul3A_757 = arith.constant 16 : i32
      %mul3A_758 = arith.muli %scan3A_693, %mul3A_757 : i32
      %add3A_759 = arith.constant 8192 : i32
      %add3A_760 = arith.addi %add3A_759, %mul3A_758 : i32
      %swap3A_761 = arith.index_cast %add3A_760 : i32 to index
      %swap3A_762 = tpu.vector_load %arg5[%swap3A_761] {strides = array<i32>} : memref<16384xi32, #tpu.memory_space<vmem>>, vector<16xi32>,
      %swap3A_763 = vector.shape_cast %swap3A_762 : vector<16xi32> to vector<16xi32>
      %swap3A_764 = vector.shape_cast %select_n3A_756 : vector<16xi32> to vector<16xi32>
      tpu.vector_store %arg5[%swap3A_761], %swap3A_764 {strides = array<i32>} : memref<16384xi32, #tpu.memory_space<vmem>>, vector<16xi32>,
      %add3A_765 = arith.addf %min3A_737, %get3A_744 : vector<16xf32>
      %scan3A_766 = arith.constant 2 : i32
      %scan3A_767 = arith.addi %scan3A_617, %scan3A_766 : i32
      %broadcast_in_dim3A_768 = vector.shape_cast %max3A_4 : vector<16xi32> to vector<16x1xi32>
      %gather3A_769 = vector.shape_cast %broadcast_in_dim3A_768 : vector<16x1xi32> to vector<16xi32>
      %gather3A_770 = tpu.dynamic_gather %add3A_729[%gather3A_769] in [0] : vector<16xf32>, vector<16xi32> -> vector<16xf32>
      %broadcast_in_dim3A_771 = vector.shape_cast %min3A_9 : vector<16xi32> to vector<16x1xi32>
      %gather3A_772 = vector.shape_cast %broadcast_in_dim3A_771 : vector<16x1xi32> to vector<16xi32>
      %gather3A_773 = tpu.dynamic_gather %add3A_729[%gather3A_772] in [0] : vector<16xf32>, vector<16xi32> -> vector<16xf32>
      %min3A_774 = arith.minimumf %gather3A_770, %add3A_729 : vector<16xf32>
      %min3A_775 = arith.minimumf %min3A_774, %gather3A_773 : vector<16xf32>
      %mul3A_776 = arith.constant 16 : i32
      %mul3A_777 = arith.muli %scan3A_767, %mul3A_776 : i32
      %add3A_778 = arith.constant 0 : i32
      %add3A_779 = arith.addi %add3A_778, %mul3A_777 : i32
      %get3A_780 = arith.index_cast %add3A_779 : i32 to index
      %get3A_781 = tpu.vector_load %arg4[%get3A_780] {strides = array<i32>} : memref<16384xf32, #tpu.memory_space<vmem>>, vector<16xf32>,
      %get3A_782 = vector.shape_cast %get3A_781 : vector<16xf32> to vector<16xf32>
      %le3A_783 = arith.cmpf ole, %gather3A_770, %add3A_729 : vector<16xf32>
      %le3A_784 = arith.cmpf ole, %gather3A_770, %gather3A_773 : vector<16xf32>
      %and3A_785 = arith.andi %le3A_783, %le3A_784 : vector<16xi1>
      %le3A_786 = arith.cmpf ole, %add3A_729, %gather3A_773 : vector<16xf32>
      %jit3A_787 = arith.constant 1 : i32
      %jit3A_788 = arith.constant 2 : i32
      %broadcast_in_dim3A_789 = vector.broadcast %jit3A_787 : i32 to vector<16xi32>
      %broadcast_in_dim3A_790 = vector.broadcast %jit3A_788 : i32 to vector<16xi32>
      %select_n3A_791 = arith.select %le3A_786, %broadcast_in_dim3A_789, %broadcast_in_dim3A_790 : vector<16xi1>, vector<16xi32>
      %jit3A_792 = arith.constant 0 : i32
      %broadcast_in_dim3A_793 = vector.broadcast %jit3A_792 : i32 to vector<16xi32>
      %select_n3A_794 = arith.select %and3A_785, %broadcast_in_dim3A_793, %select_n3A_791 : vector<16xi1>, vector<16xi32>
      %mul3A_795 = arith.constant 16 : i32
      %mul3A_796 = arith.muli %scan3A_767, %mul3A_795 : i32
      %add3A_797 = arith.constant 0 : i32
      %add3A_798 = arith.addi %add3A_797, %mul3A_796 : i32
      %swap3A_799 = arith.index_cast %add3A_798 : i32 to index
      %swap3A_800 = tpu.vector_load %arg5[%swap3A_799] {strides = array<i32>} : memref<16384xi32, #tpu.memory_space<vmem>>, vector<16xi32>,
      %swap3A_801 = vector.shape_cast %swap3A_800 : vector<16xi32> to vector<16xi32>
      %swap3A_802 = vector.shape_cast %select_n3A_794 : vector<16xi32> to vector<16xi32>
      tpu.vector_store %arg5[%swap3A_799], %swap3A_802 {strides = array<i32>} : memref<16384xi32, #tpu.memory_space<vmem>>, vector<16xi32>,
      %add3A_803 = arith.addf %min3A_775, %get3A_782 : vector<16xf32>
      %broadcast_in_dim3A_804 = vector.shape_cast %max3A_4 : vector<16xi32> to vector<16x1xi32>
      %gather3A_805 = vector.shape_cast %broadcast_in_dim3A_804 : vector<16x1xi32> to vector<16xi32>
      %gather3A_806 = tpu.dynamic_gather %add3A_765[%gather3A_805] in [0] : vector<16xf32>, vector<16xi32> -> vector<16xf32>
      %broadcast_in_dim3A_807 = vector.shape_cast %min3A_9 : vector<16xi32> to vector<16x1xi32>
      %gather3A_808 = vector.shape_cast %broadcast_in_dim3A_807 : vector<16x1xi32> to vector<16xi32>
      %gather3A_809 = tpu.dynamic_gather %add3A_765[%gather3A_808] in [0] : vector<16xf32>, vector<16xi32> -> vector<16xf32>
      %min3A_810 = arith.minimumf %gather3A_806, %add3A_765 : vector<16xf32>
      %min3A_811 = arith.minimumf %min3A_810, %gather3A_809 : vector<16xf32>
      %mul3A_812 = arith.constant 16 : i32
      %mul3A_813 = arith.muli %scan3A_767, %mul3A_812 : i32
      %add3A_814 = arith.constant 8192 : i32
      %add3A_815 = arith.addi %add3A_814, %mul3A_813 : i32
      %get3A_816 = arith.index_cast %add3A_815 : i32 to index
      %get3A_817 = tpu.vector_load %arg4[%get3A_816] {strides = array<i32>} : memref<16384xf32, #tpu.memory_space<vmem>>, vector<16xf32>,
      %get3A_818 = vector.shape_cast %get3A_817 : vector<16xf32> to vector<16xf32>
      %le3A_819 = arith.cmpf ole, %gather3A_806, %add3A_765 : vector<16xf32>
      %le3A_820 = arith.cmpf ole, %gather3A_806, %gather3A_809 : vector<16xf32>
      %and3A_821 = arith.andi %le3A_819, %le3A_820 : vector<16xi1>
      %le3A_822 = arith.cmpf ole, %add3A_765, %gather3A_809 : vector<16xf32>
      %jit3A_823 = arith.constant 1 : i32
      %jit3A_824 = arith.constant 2 : i32
      %broadcast_in_dim3A_825 = vector.broadcast %jit3A_823 : i32 to vector<16xi32>
      %broadcast_in_dim3A_826 = vector.broadcast %jit3A_824 : i32 to vector<16xi32>
      %select_n3A_827 = arith.select %le3A_822, %broadcast_in_dim3A_825, %broadcast_in_dim3A_826 : vector<16xi1>, vector<16xi32>
      %jit3A_828 = arith.constant 0 : i32
      %broadcast_in_dim3A_829 = vector.broadcast %jit3A_828 : i32 to vector<16xi32>
      %select_n3A_830 = arith.select %and3A_821, %broadcast_in_dim3A_829, %select_n3A_827 : vector<16xi1>, vector<16xi32>
      %mul3A_831 = arith.constant 16 : i32
      %mul3A_832 = arith.muli %scan3A_767, %mul3A_831 : i32
      %add3A_833 = arith.constant 8192 : i32
      %add3A_834 = arith.addi %add3A_833, %mul3A_832 : i32
      %swap3A_835 = arith.index_cast %add3A_834 : i32 to index
      %swap3A_836 = tpu.vector_load %arg5[%swap3A_835] {strides = array<i32>} : memref<16384xi32, #tpu.memory_space<vmem>>, vector<16xi32>,
      %swap3A_837 = vector.shape_cast %swap3A_836 : vector<16xi32> to vector<16xi32>
      %swap3A_838 = vector.shape_cast %select_n3A_830 : vector<16xi32> to vector<16xi32>
      tpu.vector_store %arg5[%swap3A_835], %swap3A_838 {strides = array<i32>} : memref<16384xi32, #tpu.memory_space<vmem>>, vector<16xi32>,
      %add3A_839 = arith.addf %min3A_811, %get3A_818 : vector<16xf32>
      %scan3A_840 = arith.constant 3 : i32
      %scan3A_841 = arith.addi %scan3A_617, %scan3A_840 : i32
      %broadcast_in_dim3A_842 = vector.shape_cast %max3A_4 : vector<16xi32> to vector<16x1xi32>
      %gather3A_843 = vector.shape_cast %broadcast_in_dim3A_842 : vector<16x1xi32> to vector<16xi32>
      %gather3A_844 = tpu.dynamic_gather %add3A_803[%gather3A_843] in [0] : vector<16xf32>, vector<16xi32> -> vector<16xf32>
      %broadcast_in_dim3A_845 = vector.shape_cast %min3A_9 : vector<16xi32> to vector<16x1xi32>
      %gather3A_846 = vector.shape_cast %broadcast_in_dim3A_845 : vector<16x1xi32> to vector<16xi32>
      %gather3A_847 = tpu.dynamic_gather %add3A_803[%gather3A_846] in [0] : vector<16xf32>, vector<16xi32> -> vector<16xf32>
      %min3A_848 = arith.minimumf %gather3A_844, %add3A_803 : vector<16xf32>
      %min3A_849 = arith.minimumf %min3A_848, %gather3A_847 : vector<16xf32>
      %mul3A_850 = arith.constant 16 : i32
      %mul3A_851 = arith.muli %scan3A_841, %mul3A_850 : i32
      %add3A_852 = arith.constant 0 : i32
      %add3A_853 = arith.addi %add3A_852, %mul3A_851 : i32
      %get3A_854 = arith.index_cast %add3A_853 : i32 to index
      %get3A_855 = tpu.vector_load %arg4[%get3A_854] {strides = array<i32>} : memref<16384xf32, #tpu.memory_space<vmem>>, vector<16xf32>,
      %get3A_856 = vector.shape_cast %get3A_855 : vector<16xf32> to vector<16xf32>
      %le3A_857 = arith.cmpf ole, %gather3A_844, %add3A_803 : vector<16xf32>
      %le3A_858 = arith.cmpf ole, %gather3A_844, %gather3A_847 : vector<16xf32>
      %and3A_859 = arith.andi %le3A_857, %le3A_858 : vector<16xi1>
      %le3A_860 = arith.cmpf ole, %add3A_803, %gather3A_847 : vector<16xf32>
      %jit3A_861 = arith.constant 1 : i32
      %jit3A_862 = arith.constant 2 : i32
      %broadcast_in_dim3A_863 = vector.broadcast %jit3A_861 : i32 to vector<16xi32>
      %broadcast_in_dim3A_864 = vector.broadcast %jit3A_862 : i32 to vector<16xi32>
      %select_n3A_865 = arith.select %le3A_860, %broadcast_in_dim3A_863, %broadcast_in_dim3A_864 : vector<16xi1>, vector<16xi32>
      %jit3A_866 = arith.constant 0 : i32
      %broadcast_in_dim3A_867 = vector.broadcast %jit3A_866 : i32 to vector<16xi32>
      %select_n3A_868 = arith.select %and3A_859, %broadcast_in_dim3A_867, %select_n3A_865 : vector<16xi1>, vector<16xi32>
      %mul3A_869 = arith.constant 16 : i32
      %mul3A_870 = arith.muli %scan3A_841, %mul3A_869 : i32
      %add3A_871 = arith.constant 0 : i32
      %add3A_872 = arith.addi %add3A_871, %mul3A_870 : i32
      %swap3A_873 = arith.index_cast %add3A_872 : i32 to index
      %swap3A_874 = tpu.vector_load %arg5[%swap3A_873] {strides = array<i32>} : memref<16384xi32, #tpu.memory_space<vmem>>, vector<16xi32>,
      %swap3A_875 = vector.shape_cast %swap3A_874 : vector<16xi32> to vector<16xi32>
      %swap3A_876 = vector.shape_cast %select_n3A_868 : vector<16xi32> to vector<16xi32>
      tpu.vector_store %arg5[%swap3A_873], %swap3A_876 {strides = array<i32>} : memref<16384xi32, #tpu.memory_space<vmem>>, vector<16xi32>,
      %add3A_877 = arith.addf %min3A_849, %get3A_856 : vector<16xf32>
      %broadcast_in_dim3A_878 = vector.shape_cast %max3A_4 : vector<16xi32> to vector<16x1xi32>
      %gather3A_879 = vector.shape_cast %broadcast_in_dim3A_878 : vector<16x1xi32> to vector<16xi32>
      %gather3A_880 = tpu.dynamic_gather %add3A_839[%gather3A_879] in [0] : vector<16xf32>, vector<16xi32> -> vector<16xf32>
      %broadcast_in_dim3A_881 = vector.shape_cast %min3A_9 : vector<16xi32> to vector<16x1xi32>
      %gather3A_882 = vector.shape_cast %broadcast_in_dim3A_881 : vector<16x1xi32> to vector<16xi32>
      %gather3A_883 = tpu.dynamic_gather %add3A_839[%gather3A_882] in [0] : vector<16xf32>, vector<16xi32> -> vector<16xf32>
      %min3A_884 = arith.minimumf %gather3A_880, %add3A_839 : vector<16xf32>
      %min3A_885 = arith.minimumf %min3A_884, %gather3A_883 : vector<16xf32>
      %mul3A_886 = arith.constant 16 : i32
      %mul3A_887 = arith.muli %scan3A_841, %mul3A_886 : i32
      %add3A_888 = arith.constant 8192 : i32
      %add3A_889 = arith.addi %add3A_888, %mul3A_887 : i32
      %get3A_890 = arith.index_cast %add3A_889 : i32 to index
      %get3A_891 = tpu.vector_load %arg4[%get3A_890] {strides = array<i32>} : memref<16384xf32, #tpu.memory_space<vmem>>, vector<16xf32>,
      %get3A_892 = vector.shape_cast %get3A_891 : vector<16xf32> to vector<16xf32>
      %le3A_893 = arith.cmpf ole, %gather3A_880, %add3A_839 : vector<16xf32>
      %le3A_894 = arith.cmpf ole, %gather3A_880, %gather3A_883 : vector<16xf32>
      %and3A_895 = arith.andi %le3A_893, %le3A_894 : vector<16xi1>
      %le3A_896 = arith.cmpf ole, %add3A_839, %gather3A_883 : vector<16xf32>
      %jit3A_897 = arith.constant 1 : i32
      %jit3A_898 = arith.constant 2 : i32
      %broadcast_in_dim3A_899 = vector.broadcast %jit3A_897 : i32 to vector<16xi32>
      %broadcast_in_dim3A_900 = vector.broadcast %jit3A_898 : i32 to vector<16xi32>
      %select_n3A_901 = arith.select %le3A_896, %broadcast_in_dim3A_899, %broadcast_in_dim3A_900 : vector<16xi1>, vector<16xi32>
      %jit3A_902 = arith.constant 0 : i32
      %broadcast_in_dim3A_903 = vector.broadcast %jit3A_902 : i32 to vector<16xi32>
      %select_n3A_904 = arith.select %and3A_895, %broadcast_in_dim3A_903, %select_n3A_901 : vector<16xi1>, vector<16xi32>
      %mul3A_905 = arith.constant 16 : i32
      %mul3A_906 = arith.muli %scan3A_841, %mul3A_905 : i32
      %add3A_907 = arith.constant 8192 : i32
      %add3A_908 = arith.addi %add3A_907, %mul3A_906 : i32
      %swap3A_909 = arith.index_cast %add3A_908 : i32 to index
      %swap3A_910 = tpu.vector_load %arg5[%swap3A_909] {strides = array<i32>} : memref<16384xi32, #tpu.memory_space<vmem>>, vector<16xi32>,
      %swap3A_911 = vector.shape_cast %swap3A_910 : vector<16xi32> to vector<16xi32>
      %swap3A_912 = vector.shape_cast %select_n3A_904 : vector<16xi32> to vector<16xi32>
      tpu.vector_store %arg5[%swap3A_909], %swap3A_912 {strides = array<i32>} : memref<16384xi32, #tpu.memory_space<vmem>>, vector<16xi32>,
      %add3A_913 = arith.addf %min3A_885, %get3A_892 : vector<16xf32>
      scf.yield %add3A_877, %add3A_913 : vector<16xf32>, vector<16xf32>
    }
    %scan3A_54 = arith.constant 508 : i32
    %scan3A_55 = arith.addi %scan3A, %scan3A_54 : i32
    %broadcast_in_dim3A = vector.shape_cast %max3A_4 : vector<16xi32> to vector<16x1xi32>
    %gather3A = vector.shape_cast %broadcast_in_dim3A : vector<16x1xi32> to vector<16xi32>
    %gather3A_56 = tpu.dynamic_gather %scan3A_53#0[%gather3A] in [0] : vector<16xf32>, vector<16xi32> -> vector<16xf32>
    %broadcast_in_dim3A_57 = vector.shape_cast %min3A_9 : vector<16xi32> to vector<16x1xi32>
    %gather3A_58 = vector.shape_cast %broadcast_in_dim3A_57 : vector<16x1xi32> to vector<16xi32>
    %gather3A_59 = tpu.dynamic_gather %scan3A_53#0[%gather3A_58] in [0] : vector<16xf32>, vector<16xi32> -> vector<16xf32>
    %min3A_60 = arith.minimumf %gather3A_56, %scan3A_53#0 : vector<16xf32>
    %min3A_61 = arith.minimumf %min3A_60, %gather3A_59 : vector<16xf32>
    %mul3A_62 = arith.constant 16 : i32
    %mul3A_63 = arith.muli %scan3A_55, %mul3A_62 : i32
    %add3A_64 = arith.constant 0 : i32
    %add3A_65 = arith.addi %add3A_64, %mul3A_63 : i32
    %get3A_66 = arith.index_cast %add3A_65 : i32 to index
    %get3A_67 = tpu.vector_load %arg4[%get3A_66] {strides = array<i32>} : memref<16384xf32, #tpu.memory_space<vmem>>, vector<16xf32>,
    %get3A_68 = vector.shape_cast %get3A_67 : vector<16xf32> to vector<16xf32>
    %le3A = arith.cmpf ole, %gather3A_56, %scan3A_53#0 : vector<16xf32>
    %le3A_69 = arith.cmpf ole, %gather3A_56, %gather3A_59 : vector<16xf32>
    %and3A = arith.andi %le3A, %le3A_69 : vector<16xi1>
    %le3A_70 = arith.cmpf ole, %scan3A_53#0, %gather3A_59 : vector<16xf32>
    %jit3A = arith.constant 1 : i32
    %jit3A_71 = arith.constant 2 : i32
    %broadcast_in_dim3A_72 = vector.broadcast %jit3A : i32 to vector<16xi32>
    %broadcast_in_dim3A_73 = vector.broadcast %jit3A_71 : i32 to vector<16xi32>
    %select_n3A = arith.select %le3A_70, %broadcast_in_dim3A_72, %broadcast_in_dim3A_73 : vector<16xi1>, vector<16xi32>
    %jit3A_74 = arith.constant 0 : i32
    %broadcast_in_dim3A_75 = vector.broadcast %jit3A_74 : i32 to vector<16xi32>
    %select_n3A_76 = arith.select %and3A, %broadcast_in_dim3A_75, %select_n3A : vector<16xi1>, vector<16xi32>
    %mul3A_77 = arith.constant 16 : i32
    %mul3A_78 = arith.muli %scan3A_55, %mul3A_77 : i32
    %add3A_79 = arith.constant 0 : i32
    %add3A_80 = arith.addi %add3A_79, %mul3A_78 : i32
    %swap3A = arith.index_cast %add3A_80 : i32 to index
    %swap3A_81 = tpu.vector_load %arg5[%swap3A] {strides = array<i32>} : memref<16384xi32, #tpu.memory_space<vmem>>, vector<16xi32>,
    %swap3A_82 = vector.shape_cast %swap3A_81 : vector<16xi32> to vector<16xi32>
    %swap3A_83 = vector.shape_cast %select_n3A_76 : vector<16xi32> to vector<16xi32>
    tpu.vector_store %arg5[%swap3A], %swap3A_83 {strides = array<i32>} : memref<16384xi32, #tpu.memory_space<vmem>>, vector<16xi32>,
    %add3A_84 = arith.addf %min3A_61, %get3A_68 : vector<16xf32>
    %broadcast_in_dim3A_85 = vector.shape_cast %max3A_4 : vector<16xi32> to vector<16x1xi32>
    %gather3A_86 = vector.shape_cast %broadcast_in_dim3A_85 : vector<16x1xi32> to vector<16xi32>
    %gather3A_87 = tpu.dynamic_gather %scan3A_53#1[%gather3A_86] in [0] : vector<16xf32>, vector<16xi32> -> vector<16xf32>
    %broadcast_in_dim3A_88 = vector.shape_cast %min3A_9 : vector<16xi32> to vector<16x1xi32>
    %gather3A_89 = vector.shape_cast %broadcast_in_dim3A_88 : vector<16x1xi32> to vector<16xi32>
    %gather3A_90 = tpu.dynamic_gather %scan3A_53#1[%gather3A_89] in [0] : vector<16xf32>, vector<16xi32> -> vector<16xf32>
    %min3A_91 = arith.minimumf %gather3A_87, %scan3A_53#1 : vector<16xf32>
    %min3A_92 = arith.minimumf %min3A_91, %gather3A_90 : vector<16xf32>
    %mul3A_93 = arith.constant 16 : i32
    %mul3A_94 = arith.muli %scan3A_55, %mul3A_93 : i32
    %add3A_95 = arith.constant 8192 : i32
    %add3A_96 = arith.addi %add3A_95, %mul3A_94 : i32
    %get3A_97 = arith.index_cast %add3A_96 : i32 to index
    %get3A_98 = tpu.vector_load %arg4[%get3A_97] {strides = array<i32>} : memref<16384xf32, #tpu.memory_space<vmem>>, vector<16xf32>,
    %get3A_99 = vector.shape_cast %get3A_98 : vector<16xf32> to vector<16xf32>
    %le3A_100 = arith.cmpf ole, %gather3A_87, %scan3A_53#1 : vector<16xf32>
    %le3A_101 = arith.cmpf ole, %gather3A_87, %gather3A_90 : vector<16xf32>
    %and3A_102 = arith.andi %le3A_100, %le3A_101 : vector<16xi1>
    %le3A_103 = arith.cmpf ole, %scan3A_53#1, %gather3A_90 : vector<16xf32>
    %jit3A_104 = arith.constant 1 : i32
    %jit3A_105 = arith.constant 2 : i32
    %broadcast_in_dim3A_106 = vector.broadcast %jit3A_104 : i32 to vector<16xi32>
    %broadcast_in_dim3A_107 = vector.broadcast %jit3A_105 : i32 to vector<16xi32>
    %select_n3A_108 = arith.select %le3A_103, %broadcast_in_dim3A_106, %broadcast_in_dim3A_107 : vector<16xi1>, vector<16xi32>
    %jit3A_109 = arith.constant 0 : i32
    %broadcast_in_dim3A_110 = vector.broadcast %jit3A_109 : i32 to vector<16xi32>
    %select_n3A_111 = arith.select %and3A_102, %broadcast_in_dim3A_110, %select_n3A_108 : vector<16xi1>, vector<16xi32>
    %mul3A_112 = arith.constant 16 : i32
    %mul3A_113 = arith.muli %scan3A_55, %mul3A_112 : i32
    %add3A_114 = arith.constant 8192 : i32
    %add3A_115 = arith.addi %add3A_114, %mul3A_113 : i32
    %swap3A_116 = arith.index_cast %add3A_115 : i32 to index
    %swap3A_117 = tpu.vector_load %arg5[%swap3A_116] {strides = array<i32>} : memref<16384xi32, #tpu.memory_space<vmem>>, vector<16xi32>,
    %swap3A_118 = vector.shape_cast %swap3A_117 : vector<16xi32> to vector<16xi32>
    %swap3A_119 = vector.shape_cast %select_n3A_111 : vector<16xi32> to vector<16xi32>
    tpu.vector_store %arg5[%swap3A_116], %swap3A_119 {strides = array<i32>} : memref<16384xi32, #tpu.memory_space<vmem>>, vector<16xi32>,
    %add3A_120 = arith.addf %min3A_92, %get3A_99 : vector<16xf32>
    %scan3A_121 = arith.constant 509 : i32
    %scan3A_122 = arith.addi %scan3A, %scan3A_121 : i32
    %broadcast_in_dim3A_123 = vector.shape_cast %max3A_4 : vector<16xi32> to vector<16x1xi32>
    %gather3A_124 = vector.shape_cast %broadcast_in_dim3A_123 : vector<16x1xi32> to vector<16xi32>
    %gather3A_125 = tpu.dynamic_gather %add3A_84[%gather3A_124] in [0] : vector<16xf32>, vector<16xi32> -> vector<16xf32>
    %broadcast_in_dim3A_126 = vector.shape_cast %min3A_9 : vector<16xi32> to vector<16x1xi32>
    %gather3A_127 = vector.shape_cast %broadcast_in_dim3A_126 : vector<16x1xi32> to vector<16xi32>
    %gather3A_128 = tpu.dynamic_gather %add3A_84[%gather3A_127] in [0] : vector<16xf32>, vector<16xi32> -> vector<16xf32>
    %min3A_129 = arith.minimumf %gather3A_125, %add3A_84 : vector<16xf32>
    %min3A_130 = arith.minimumf %min3A_129, %gather3A_128 : vector<16xf32>
    %mul3A_131 = arith.constant 16 : i32
    %mul3A_132 = arith.muli %scan3A_122, %mul3A_131 : i32
    %add3A_133 = arith.constant 0 : i32
    %add3A_134 = arith.addi %add3A_133, %mul3A_132 : i32
    %get3A_135 = arith.index_cast %add3A_134 : i32 to index
    %get3A_136 = tpu.vector_load %arg4[%get3A_135] {strides = array<i32>} : memref<16384xf32, #tpu.memory_space<vmem>>, vector<16xf32>,
    %get3A_137 = vector.shape_cast %get3A_136 : vector<16xf32> to vector<16xf32>
    %le3A_138 = arith.cmpf ole, %gather3A_125, %add3A_84 : vector<16xf32>
    %le3A_139 = arith.cmpf ole, %gather3A_125, %gather3A_128 : vector<16xf32>
    %and3A_140 = arith.andi %le3A_138, %le3A_139 : vector<16xi1>
    %le3A_141 = arith.cmpf ole, %add3A_84, %gather3A_128 : vector<16xf32>
    %jit3A_142 = arith.constant 1 : i32
    %jit3A_143 = arith.constant 2 : i32
    %broadcast_in_dim3A_144 = vector.broadcast %jit3A_142 : i32 to vector<16xi32>
    %broadcast_in_dim3A_145 = vector.broadcast %jit3A_143 : i32 to vector<16xi32>
    %select_n3A_146 = arith.select %le3A_141, %broadcast_in_dim3A_144, %broadcast_in_dim3A_145 : vector<16xi1>, vector<16xi32>
    %jit3A_147 = arith.constant 0 : i32
    %broadcast_in_dim3A_148 = vector.broadcast %jit3A_147 : i32 to vector<16xi32>
    %select_n3A_149 = arith.select %and3A_140, %broadcast_in_dim3A_148, %select_n3A_146 : vector<16xi1>, vector<16xi32>
    %mul3A_150 = arith.constant 16 : i32
    %mul3A_151 = arith.muli %scan3A_122, %mul3A_150 : i32
    %add3A_152 = arith.constant 0 : i32
    %add3A_153 = arith.addi %add3A_152, %mul3A_151 : i32
    %swap3A_154 = arith.index_cast %add3A_153 : i32 to index
    %swap3A_155 = tpu.vector_load %arg5[%swap3A_154] {strides = array<i32>} : memref<16384xi32, #tpu.memory_space<vmem>>, vector<16xi32>,
    %swap3A_156 = vector.shape_cast %swap3A_155 : vector<16xi32> to vector<16xi32>
    %swap3A_157 = vector.shape_cast %select_n3A_149 : vector<16xi32> to vector<16xi32>
    tpu.vector_store %arg5[%swap3A_154], %swap3A_157 {strides = array<i32>} : memref<16384xi32, #tpu.memory_space<vmem>>, vector<16xi32>,
    %add3A_158 = arith.addf %min3A_130, %get3A_137 : vector<16xf32>
    %broadcast_in_dim3A_159 = vector.shape_cast %max3A_4 : vector<16xi32> to vector<16x1xi32>
    %gather3A_160 = vector.shape_cast %broadcast_in_dim3A_159 : vector<16x1xi32> to vector<16xi32>
    %gather3A_161 = tpu.dynamic_gather %add3A_120[%gather3A_160] in [0] : vector<16xf32>, vector<16xi32> -> vector<16xf32>
    %broadcast_in_dim3A_162 = vector.shape_cast %min3A_9 : vector<16xi32> to vector<16x1xi32>
    %gather3A_163 = vector.shape_cast %broadcast_in_dim3A_162 : vector<16x1xi32> to vector<16xi32>
    %gather3A_164 = tpu.dynamic_gather %add3A_120[%gather3A_163] in [0] : vector<16xf32>, vector<16xi32> -> vector<16xf32>
    %min3A_165 = arith.minimumf %gather3A_161, %add3A_120 : vector<16xf32>
    %min3A_166 = arith.minimumf %min3A_165, %gather3A_164 : vector<16xf32>
    %mul3A_167 = arith.constant 16 : i32
    %mul3A_168 = arith.muli %scan3A_122, %mul3A_167 : i32
    %add3A_169 = arith.constant 8192 : i32
    %add3A_170 = arith.addi %add3A_169, %mul3A_168 : i32
    %get3A_171 = arith.index_cast %add3A_170 : i32 to index
    %get3A_172 = tpu.vector_load %arg4[%get3A_171] {strides = array<i32>} : memref<16384xf32, #tpu.memory_space<vmem>>, vector<16xf32>,
    %get3A_173 = vector.shape_cast %get3A_172 : vector<16xf32> to vector<16xf32>
    %le3A_174 = arith.cmpf ole, %gather3A_161, %add3A_120 : vector<16xf32>
    %le3A_175 = arith.cmpf ole, %gather3A_161, %gather3A_164 : vector<16xf32>
    %and3A_176 = arith.andi %le3A_174, %le3A_175 : vector<16xi1>
    %le3A_177 = arith.cmpf ole, %add3A_120, %gather3A_164 : vector<16xf32>
    %jit3A_178 = arith.constant 1 : i32
    %jit3A_179 = arith.constant 2 : i32
    %broadcast_in_dim3A_180 = vector.broadcast %jit3A_178 : i32 to vector<16xi32>
    %broadcast_in_dim3A_181 = vector.broadcast %jit3A_179 : i32 to vector<16xi32>
    %select_n3A_182 = arith.select %le3A_177, %broadcast_in_dim3A_180, %broadcast_in_dim3A_181 : vector<16xi1>, vector<16xi32>
    %jit3A_183 = arith.constant 0 : i32
    %broadcast_in_dim3A_184 = vector.broadcast %jit3A_183 : i32 to vector<16xi32>
    %select_n3A_185 = arith.select %and3A_176, %broadcast_in_dim3A_184, %select_n3A_182 : vector<16xi1>, vector<16xi32>
    %mul3A_186 = arith.constant 16 : i32
    %mul3A_187 = arith.muli %scan3A_122, %mul3A_186 : i32
    %add3A_188 = arith.constant 8192 : i32
    %add3A_189 = arith.addi %add3A_188, %mul3A_187 : i32
    %swap3A_190 = arith.index_cast %add3A_189 : i32 to index
    %swap3A_191 = tpu.vector_load %arg5[%swap3A_190] {strides = array<i32>} : memref<16384xi32, #tpu.memory_space<vmem>>, vector<16xi32>,
    %swap3A_192 = vector.shape_cast %swap3A_191 : vector<16xi32> to vector<16xi32>
    %swap3A_193 = vector.shape_cast %select_n3A_185 : vector<16xi32> to vector<16xi32>
    tpu.vector_store %arg5[%swap3A_190], %swap3A_193 {strides = array<i32>} : memref<16384xi32, #tpu.memory_space<vmem>>, vector<16xi32>,
    %add3A_194 = arith.addf %min3A_166, %get3A_173 : vector<16xf32>
    %scan3A_195 = arith.constant 510 : i32
    %scan3A_196 = arith.addi %scan3A, %scan3A_195 : i32
    %broadcast_in_dim3A_197 = vector.shape_cast %max3A_4 : vector<16xi32> to vector<16x1xi32>
    %gather3A_198 = vector.shape_cast %broadcast_in_dim3A_197 : vector<16x1xi32> to vector<16xi32>
    %gather3A_199 = tpu.dynamic_gather %add3A_158[%gather3A_198] in [0] : vector<16xf32>, vector<16xi32> -> vector<16xf32>
    %broadcast_in_dim3A_200 = vector.shape_cast %min3A_9 : vector<16xi32> to vector<16x1xi32>
    %gather3A_201 = vector.shape_cast %broadcast_in_dim3A_200 : vector<16x1xi32> to vector<16xi32>
    %gather3A_202 = tpu.dynamic_gather %add3A_158[%gather3A_201] in [0] : vector<16xf32>, vector<16xi32> -> vector<16xf32>
    %min3A_203 = arith.minimumf %gather3A_199, %add3A_158 : vector<16xf32>
    %min3A_204 = arith.minimumf %min3A_203, %gather3A_202 : vector<16xf32>
    %mul3A_205 = arith.constant 16 : i32
    %mul3A_206 = arith.muli %scan3A_196, %mul3A_205 : i32
    %add3A_207 = arith.constant 0 : i32
    %add3A_208 = arith.addi %add3A_207, %mul3A_206 : i32
    %get3A_209 = arith.index_cast %add3A_208 : i32 to index
    %get3A_210 = tpu.vector_load %arg4[%get3A_209] {strides = array<i32>} : memref<16384xf32, #tpu.memory_space<vmem>>, vector<16xf32>,
    %get3A_211 = vector.shape_cast %get3A_210 : vector<16xf32> to vector<16xf32>
    %le3A_212 = arith.cmpf ole, %gather3A_199, %add3A_158 : vector<16xf32>
    %le3A_213 = arith.cmpf ole, %gather3A_199, %gather3A_202 : vector<16xf32>
    %and3A_214 = arith.andi %le3A_212, %le3A_213 : vector<16xi1>
    %le3A_215 = arith.cmpf ole, %add3A_158, %gather3A_202 : vector<16xf32>
    %jit3A_216 = arith.constant 1 : i32
    %jit3A_217 = arith.constant 2 : i32
    %broadcast_in_dim3A_218 = vector.broadcast %jit3A_216 : i32 to vector<16xi32>
    %broadcast_in_dim3A_219 = vector.broadcast %jit3A_217 : i32 to vector<16xi32>
    %select_n3A_220 = arith.select %le3A_215, %broadcast_in_dim3A_218, %broadcast_in_dim3A_219 : vector<16xi1>, vector<16xi32>
    %jit3A_221 = arith.constant 0 : i32
    %broadcast_in_dim3A_222 = vector.broadcast %jit3A_221 : i32 to vector<16xi32>
    %select_n3A_223 = arith.select %and3A_214, %broadcast_in_dim3A_222, %select_n3A_220 : vector<16xi1>, vector<16xi32>
    %mul3A_224 = arith.constant 16 : i32
    %mul3A_225 = arith.muli %scan3A_196, %mul3A_224 : i32
    %add3A_226 = arith.constant 0 : i32
    %add3A_227 = arith.addi %add3A_226, %mul3A_225 : i32
    %swap3A_228 = arith.index_cast %add3A_227 : i32 to index
    %swap3A_229 = tpu.vector_load %arg5[%swap3A_228] {strides = array<i32>} : memref<16384xi32, #tpu.memory_space<vmem>>, vector<16xi32>,
    %swap3A_230 = vector.shape_cast %swap3A_229 : vector<16xi32> to vector<16xi32>
    %swap3A_231 = vector.shape_cast %select_n3A_223 : vector<16xi32> to vector<16xi32>
    tpu.vector_store %arg5[%swap3A_228], %swap3A_231 {strides = array<i32>} : memref<16384xi32, #tpu.memory_space<vmem>>, vector<16xi32>,
    %add3A_232 = arith.addf %min3A_204, %get3A_211 : vector<16xf32>
    %broadcast_in_dim3A_233 = vector.shape_cast %max3A_4 : vector<16xi32> to vector<16x1xi32>
    %gather3A_234 = vector.shape_cast %broadcast_in_dim3A_233 : vector<16x1xi32> to vector<16xi32>
    %gather3A_235 = tpu.dynamic_gather %add3A_194[%gather3A_234] in [0] : vector<16xf32>, vector<16xi32> -> vector<16xf32>
    %broadcast_in_dim3A_236 = vector.shape_cast %min3A_9 : vector<16xi32> to vector<16x1xi32>
    %gather3A_237 = vector.shape_cast %broadcast_in_dim3A_236 : vector<16x1xi32> to vector<16xi32>
    %gather3A_238 = tpu.dynamic_gather %add3A_194[%gather3A_237] in [0] : vector<16xf32>, vector<16xi32> -> vector<16xf32>
    %min3A_239 = arith.minimumf %gather3A_235, %add3A_194 : vector<16xf32>
    %min3A_240 = arith.minimumf %min3A_239, %gather3A_238 : vector<16xf32>
    %mul3A_241 = arith.constant 16 : i32
    %mul3A_242 = arith.muli %scan3A_196, %mul3A_241 : i32
    %add3A_243 = arith.constant 8192 : i32
    %add3A_244 = arith.addi %add3A_243, %mul3A_242 : i32
    %get3A_245 = arith.index_cast %add3A_244 : i32 to index
    %get3A_246 = tpu.vector_load %arg4[%get3A_245] {strides = array<i32>} : memref<16384xf32, #tpu.memory_space<vmem>>, vector<16xf32>,
    %get3A_247 = vector.shape_cast %get3A_246 : vector<16xf32> to vector<16xf32>
    %le3A_248 = arith.cmpf ole, %gather3A_235, %add3A_194 : vector<16xf32>
    %le3A_249 = arith.cmpf ole, %gather3A_235, %gather3A_238 : vector<16xf32>
    %and3A_250 = arith.andi %le3A_248, %le3A_249 : vector<16xi1>
    %le3A_251 = arith.cmpf ole, %add3A_194, %gather3A_238 : vector<16xf32>
    %jit3A_252 = arith.constant 1 : i32
    %jit3A_253 = arith.constant 2 : i32
    %broadcast_in_dim3A_254 = vector.broadcast %jit3A_252 : i32 to vector<16xi32>
    %broadcast_in_dim3A_255 = vector.broadcast %jit3A_253 : i32 to vector<16xi32>
    %select_n3A_256 = arith.select %le3A_251, %broadcast_in_dim3A_254, %broadcast_in_dim3A_255 : vector<16xi1>, vector<16xi32>
    %jit3A_257 = arith.constant 0 : i32
    %broadcast_in_dim3A_258 = vector.broadcast %jit3A_257 : i32 to vector<16xi32>
    %select_n3A_259 = arith.select %and3A_250, %broadcast_in_dim3A_258, %select_n3A_256 : vector<16xi1>, vector<16xi32>
    %mul3A_260 = arith.constant 16 : i32
    %mul3A_261 = arith.muli %scan3A_196, %mul3A_260 : i32
    %add3A_262 = arith.constant 8192 : i32
    %add3A_263 = arith.addi %add3A_262, %mul3A_261 : i32
    %swap3A_264 = arith.index_cast %add3A_263 : i32 to index
    %swap3A_265 = tpu.vector_load %arg5[%swap3A_264] {strides = array<i32>} : memref<16384xi32, #tpu.memory_space<vmem>>, vector<16xi32>,
    %swap3A_266 = vector.shape_cast %swap3A_265 : vector<16xi32> to vector<16xi32>
    %swap3A_267 = vector.shape_cast %select_n3A_259 : vector<16xi32> to vector<16xi32>
    tpu.vector_store %arg5[%swap3A_264], %swap3A_267 {strides = array<i32>} : memref<16384xi32, #tpu.memory_space<vmem>>, vector<16xi32>,
    %add3A_268 = arith.addf %min3A_240, %get3A_247 : vector<16xf32>
    %scan3A_269 = arith.constant 511 : i32
    %xor3A = arith.constant 8 : i32
    %xor3A_270 = vector.broadcast %xor3A : i32 to vector<16xi32>
    %xor3A_271 = arith.xori %iota3A, %xor3A_270 : vector<16xi32>
    %broadcast_in_dim3A_272 = vector.shape_cast %xor3A_271 : vector<16xi32> to vector<16x1xi32>
    %gather3A_273 = vector.shape_cast %broadcast_in_dim3A_272 : vector<16x1xi32> to vector<16xi32>
    %gather3A_274 = tpu.dynamic_gather %add3A_232[%gather3A_273] in [0] : vector<16xf32>, vector<16xi32> -> vector<16xf32>
    %min3A_275 = arith.minimumf %add3A_232, %gather3A_274 : vector<16xf32>
    %xor3A_276 = arith.constant 4 : i32
    %xor3A_277 = vector.broadcast %xor3A_276 : i32 to vector<16xi32>
    %xor3A_278 = arith.xori %iota3A, %xor3A_277 : vector<16xi32>
    %broadcast_in_dim3A_279 = vector.shape_cast %xor3A_278 : vector<16xi32> to vector<16x1xi32>
    %gather3A_280 = vector.shape_cast %broadcast_in_dim3A_279 : vector<16x1xi32> to vector<16xi32>
    %gather3A_281 = tpu.dynamic_gather %min3A_275[%gather3A_280] in [0] : vector<16xf32>, vector<16xi32> -> vector<16xf32>
    %min3A_282 = arith.minimumf %min3A_275, %gather3A_281 : vector<16xf32>
    %xor3A_283 = arith.constant 2 : i32
    %xor3A_284 = vector.broadcast %xor3A_283 : i32 to vector<16xi32>
    %xor3A_285 = arith.xori %iota3A, %xor3A_284 : vector<16xi32>
    %broadcast_in_dim3A_286 = vector.shape_cast %xor3A_285 : vector<16xi32> to vector<16x1xi32>
    %gather3A_287 = vector.shape_cast %broadcast_in_dim3A_286 : vector<16x1xi32> to vector<16xi32>
    %gather3A_288 = tpu.dynamic_gather %min3A_282[%gather3A_287] in [0] : vector<16xf32>, vector<16xi32> -> vector<16xf32>
    %min3A_289 = arith.minimumf %min3A_282, %gather3A_288 : vector<16xf32>
    %xor3A_290 = arith.constant 1 : i32
    %xor3A_291 = vector.broadcast %xor3A_290 : i32 to vector<16xi32>
    %xor3A_292 = arith.xori %iota3A, %xor3A_291 : vector<16xi32>
    %broadcast_in_dim3A_293 = vector.shape_cast %xor3A_292 : vector<16xi32> to vector<16x1xi32>
    %gather3A_294 = vector.shape_cast %broadcast_in_dim3A_293 : vector<16x1xi32> to vector<16xi32>
    %gather3A_295 = tpu.dynamic_gather %min3A_289[%gather3A_294] in [0] : vector<16xf32>, vector<16xi32> -> vector<16xf32>
    %min3A_296 = arith.minimumf %min3A_289, %gather3A_295 : vector<16xf32>
    %eq3A = arith.cmpf oeq, %add3A_232, %min3A_296 : vector<16xf32>
    %jit3A_297 = arith.constant 16 : i32
    %broadcast_in_dim3A_298 = vector.broadcast %jit3A_297 : i32 to vector<16xi32>
    %select_n3A_299 = arith.select %eq3A, %iota3A, %broadcast_in_dim3A_298 : vector<16xi1>, vector<16xi32>
    %xor3A_300 = arith.constant 8 : i32
    %xor3A_301 = vector.broadcast %xor3A_300 : i32 to vector<16xi32>
    %xor3A_302 = arith.xori %iota3A, %xor3A_301 : vector<16xi32>
    %broadcast_in_dim3A_303 = vector.shape_cast %xor3A_302 : vector<16xi32> to vector<16x1xi32>
    %gather3A_304 = vector.shape_cast %broadcast_in_dim3A_303 : vector<16x1xi32> to vector<16xi32>
    %gather3A_305 = tpu.dynamic_gather %select_n3A_299[%gather3A_304] in [0] : vector<16xi32>, vector<16xi32> -> vector<16xi32>
    %min3A_306 = arith.minsi %select_n3A_299, %gather3A_305 : vector<16xi32>
    %xor3A_307 = arith.constant 4 : i32
    %xor3A_308 = vector.broadcast %xor3A_307 : i32 to vector<16xi32>
    %xor3A_309 = arith.xori %iota3A, %xor3A_308 : vector<16xi32>
    %broadcast_in_dim3A_310 = vector.shape_cast %xor3A_309 : vector<16xi32> to vector<16x1xi32>
    %gather3A_311 = vector.shape_cast %broadcast_in_dim3A_310 : vector<16x1xi32> to vector<16xi32>
    %gather3A_312 = tpu.dynamic_gather %min3A_306[%gather3A_311] in [0] : vector<16xi32>, vector<16xi32> -> vector<16xi32>
    %min3A_313 = arith.minsi %min3A_306, %gather3A_312 : vector<16xi32>
    %xor3A_314 = arith.constant 2 : i32
    %xor3A_315 = vector.broadcast %xor3A_314 : i32 to vector<16xi32>
    %xor3A_316 = arith.xori %iota3A, %xor3A_315 : vector<16xi32>
    %broadcast_in_dim3A_317 = vector.shape_cast %xor3A_316 : vector<16xi32> to vector<16x1xi32>
    %gather3A_318 = vector.shape_cast %broadcast_in_dim3A_317 : vector<16x1xi32> to vector<16xi32>
    %gather3A_319 = tpu.dynamic_gather %min3A_313[%gather3A_318] in [0] : vector<16xi32>, vector<16xi32> -> vector<16xi32>
    %min3A_320 = arith.minsi %min3A_313, %gather3A_319 : vector<16xi32>
    %xor3A_321 = arith.constant 1 : i32
    %xor3A_322 = vector.broadcast %xor3A_321 : i32 to vector<16xi32>
    %xor3A_323 = arith.xori %iota3A, %xor3A_322 : vector<16xi32>
    %broadcast_in_dim3A_324 = vector.shape_cast %xor3A_323 : vector<16xi32> to vector<16x1xi32>
    %gather3A_325 = vector.shape_cast %broadcast_in_dim3A_324 : vector<16x1xi32> to vector<16xi32>
    %gather3A_326 = tpu.dynamic_gather %min3A_320[%gather3A_325] in [0] : vector<16xi32>, vector<16xi32> -> vector<16xi32>
    %min3A_327 = arith.minsi %min3A_320, %gather3A_326 : vector<16xi32>
    %rem3A = arith.constant 7 : i32
    %rem3A_328 = arith.remsi %min3A_13, %rem3A : i32
    %add3A_329 = arith.constant 1 : i32
    %add3A_330 = arith.addi %rem3A_328, %add3A_329 : i32
    %mul3A_331 = arith.constant 64 : i32
    %mul3A_332 = arith.muli %mul3A_331, %add3A_330 : i32
    %sub3A_333 = arith.constant 5 : i32
    %sub3A_334 = arith.subi %mul3A_332, %sub3A_333 : i32
    %xor3A_335 = arith.constant 8 : i32
    %xor3A_336 = vector.broadcast %xor3A_335 : i32 to vector<16xi32>
    %xor3A_337 = arith.xori %iota3A, %xor3A_336 : vector<16xi32>
    %broadcast_in_dim3A_338 = vector.shape_cast %xor3A_337 : vector<16xi32> to vector<16x1xi32>
    %gather3A_339 = vector.shape_cast %broadcast_in_dim3A_338 : vector<16x1xi32> to vector<16xi32>
    %gather3A_340 = tpu.dynamic_gather %add3A_268[%gather3A_339] in [0] : vector<16xf32>, vector<16xi32> -> vector<16xf32>
    %min3A_341 = arith.minimumf %add3A_268, %gather3A_340 : vector<16xf32>
    %xor3A_342 = arith.constant 4 : i32
    %xor3A_343 = vector.broadcast %xor3A_342 : i32 to vector<16xi32>
    %xor3A_344 = arith.xori %iota3A, %xor3A_343 : vector<16xi32>
    %broadcast_in_dim3A_345 = vector.shape_cast %xor3A_344 : vector<16xi32> to vector<16x1xi32>
    %gather3A_346 = vector.shape_cast %broadcast_in_dim3A_345 : vector<16x1xi32> to vector<16xi32>
    %gather3A_347 = tpu.dynamic_gather %min3A_341[%gather3A_346] in [0] : vector<16xf32>, vector<16xi32> -> vector<16xf32>
    %min3A_348 = arith.minimumf %min3A_341, %gather3A_347 : vector<16xf32>
    %xor3A_349 = arith.constant 2 : i32
    %xor3A_350 = vector.broadcast %xor3A_349 : i32 to vector<16xi32>
    %xor3A_351 = arith.xori %iota3A, %xor3A_350 : vector<16xi32>
    %broadcast_in_dim3A_352 = vector.shape_cast %xor3A_351 : vector<16xi32> to vector<16x1xi32>
    %gather3A_353 = vector.shape_cast %broadcast_in_dim3A_352 : vector<16x1xi32> to vector<16xi32>
    %gather3A_354 = tpu.dynamic_gather %min3A_348[%gather3A_353] in [0] : vector<16xf32>, vector<16xi32> -> vector<16xf32>
    %min3A_355 = arith.minimumf %min3A_348, %gather3A_354 : vector<16xf32>
    %xor3A_356 = arith.constant 1 : i32
    %xor3A_357 = vector.broadcast %xor3A_356 : i32 to vector<16xi32>
    %xor3A_358 = arith.xori %iota3A, %xor3A_357 : vector<16xi32>
    %broadcast_in_dim3A_359 = vector.shape_cast %xor3A_358 : vector<16xi32> to vector<16x1xi32>
    %gather3A_360 = vector.shape_cast %broadcast_in_dim3A_359 : vector<16x1xi32> to vector<16xi32>
    %gather3A_361 = tpu.dynamic_gather %min3A_355[%gather3A_360] in [0] : vector<16xf32>, vector<16xi32> -> vector<16xf32>
    %min3A_362 = arith.minimumf %min3A_355, %gather3A_361 : vector<16xf32>
    %eq3A_363 = arith.cmpf oeq, %add3A_268, %min3A_362 : vector<16xf32>
    %jit3A_364 = arith.constant 16 : i32
    %broadcast_in_dim3A_365 = vector.broadcast %jit3A_364 : i32 to vector<16xi32>
    %select_n3A_366 = arith.select %eq3A_363, %iota3A, %broadcast_in_dim3A_365 : vector<16xi1>, vector<16xi32>
    %xor3A_367 = arith.constant 8 : i32
    %xor3A_368 = vector.broadcast %xor3A_367 : i32 to vector<16xi32>
    %xor3A_369 = arith.xori %iota3A, %xor3A_368 : vector<16xi32>
    %broadcast_in_dim3A_370 = vector.shape_cast %xor3A_369 : vector<16xi32> to vector<16x1xi32>
    %gather3A_371 = vector.shape_cast %broadcast_in_dim3A_370 : vector<16x1xi32> to vector<16xi32>
    %gather3A_372 = tpu.dynamic_gather %select_n3A_366[%gather3A_371] in [0] : vector<16xi32>, vector<16xi32> -> vector<16xi32>
    %min3A_373 = arith.minsi %select_n3A_366, %gather3A_372 : vector<16xi32>
    %xor3A_374 = arith.constant 4 : i32
    %xor3A_375 = vector.broadcast %xor3A_374 : i32 to vector<16xi32>
    %xor3A_376 = arith.xori %iota3A, %xor3A_375 : vector<16xi32>
    %broadcast_in_dim3A_377 = vector.shape_cast %xor3A_376 : vector<16xi32> to vector<16x1xi32>
    %gather3A_378 = vector.shape_cast %broadcast_in_dim3A_377 : vector<16x1xi32> to vector<16xi32>
    %gather3A_379 = tpu.dynamic_gather %min3A_373[%gather3A_378] in [0] : vector<16xi32>, vector<16xi32> -> vector<16xi32>
    %min3A_380 = arith.minsi %min3A_373, %gather3A_379 : vector<16xi32>
    %xor3A_381 = arith.constant 2 : i32
    %xor3A_382 = vector.broadcast %xor3A_381 : i32 to vector<16xi32>
    %xor3A_383 = arith.xori %iota3A, %xor3A_382 : vector<16xi32>
    %broadcast_in_dim3A_384 = vector.shape_cast %xor3A_383 : vector<16xi32> to vector<16x1xi32>
    %gather3A_385 = vector.shape_cast %broadcast_in_dim3A_384 : vector<16x1xi32> to vector<16xi32>
    %gather3A_386 = tpu.dynamic_gather %min3A_380[%gather3A_385] in [0] : vector<16xi32>, vector<16xi32> -> vector<16xi32>
    %min3A_387 = arith.minsi %min3A_380, %gather3A_386 : vector<16xi32>
    %xor3A_388 = arith.constant 1 : i32
    %xor3A_389 = vector.broadcast %xor3A_388 : i32 to vector<16xi32>
    %xor3A_390 = arith.xori %iota3A, %xor3A_389 : vector<16xi32>
    %broadcast_in_dim3A_391 = vector.shape_cast %xor3A_390 : vector<16xi32> to vector<16x1xi32>
    %gather3A_392 = vector.shape_cast %broadcast_in_dim3A_391 : vector<16x1xi32> to vector<16xi32>
    %gather3A_393 = tpu.dynamic_gather %min3A_387[%gather3A_392] in [0] : vector<16xi32>, vector<16xi32> -> vector<16xi32>
    %min3A_394 = arith.minsi %min3A_387, %gather3A_393 : vector<16xi32>
    %rem3A_395 = arith.constant 7 : i32
    %rem3A_396 = arith.remsi %min3A_17, %rem3A_395 : i32
    %add3A_397 = arith.constant 1 : i32
    %add3A_398 = arith.addi %rem3A_396, %add3A_397 : i32
    %mul3A_399 = arith.constant 64 : i32
    %mul3A_400 = arith.muli %mul3A_399, %add3A_398 : i32
    %sub3A_401 = arith.constant 5 : i32
    %sub3A_402 = arith.subi %mul3A_400, %sub3A_401 : i32
    %broadcast_in_dim3A_403 = arith.constant 0 : i32
    %broadcast_in_dim3A_404 = vector.broadcast %broadcast_in_dim3A_403 : i32 to vector<16xi32>
    %scan3A_405 = arith.constant 0 : i32
    %scan3A_406 = arith.constant 508 : i32
    %scan3A_407 = arith.addi %scan3A_405, %scan3A_406 : i32
    %scan3A_408 = arith.constant 4 : i32
    %scan3A_409:4 = scf.for %scan3A_617 = %scan3A_405 to %scan3A_407 step %scan3A_408 iter_args(%scan3A_618 = %min3A_327, %scan3A_619 = %min3A_394, %scan3A_620 = %broadcast_in_dim3A_404, %scan3A_621 = %broadcast_in_dim3A_404) -> (vector<16xi32>, vector<16xi32>, vector<16xi32>, vector<16xi32>)  : i32 {
      %sub3A_622 = arith.constant 511 : i32
      %sub3A_623 = arith.subi %sub3A_622, %scan3A_617 : i32
      %rem3A_624 = arith.constant 16 : i32
      %rem3A_625 = arith.remsi %sub3A_623, %rem3A_624 : i32
      %eq3A_626 = vector.broadcast %rem3A_625 : i32 to vector<16xi32>
      %eq3A_627 = arith.cmpi eq, %iota3A, %eq3A_626 : vector<16xi32>
      %add3A_628 = vector.broadcast %sub3A_334 : i32 to vector<16xi32>
      %add3A_629 = arith.addi %add3A_628, %scan3A_618 : vector<16xi32>
      %select_n3A_630 = arith.select %eq3A_627, %add3A_629, %scan3A_620 : vector<16xi1>, vector<16xi32>
      %mul3A_631 = arith.constant 16 : i32
      %mul3A_632 = arith.muli %sub3A_623, %mul3A_631 : i32
      %add3A_633 = arith.constant 0 : i32
      %add3A_634 = arith.addi %add3A_633, %mul3A_632 : i32
      %get3A_635 = arith.index_cast %add3A_634 : i32 to index
      %get3A_636 = tpu.vector_load %arg5[%get3A_635] {strides = array<i32>} : memref<16384xi32, #tpu.memory_space<vmem>>, vector<16xi32>,
      %get3A_637 = vector.shape_cast %get3A_636 : vector<16xi32> to vector<16xi32>
      %broadcast_in_dim3A_638 = vector.shape_cast %scan3A_618 : vector<16xi32> to vector<16x1xi32>
      %gather3A_639 = vector.shape_cast %broadcast_in_dim3A_638 : vector<16x1xi32> to vector<16xi32>
      %gather3A_640 = tpu.dynamic_gather %get3A_637[%gather3A_639] in [0] : vector<16xi32>, vector<16xi32> -> vector<16xi32>
      %add3A_641 = arith.addi %scan3A_618, %gather3A_640 : vector<16xi32>
      %sub3A_642 = arith.constant 1 : i32
      %sub3A_643 = vector.broadcast %sub3A_642 : i32 to vector<16xi32>
      %sub3A_644 = arith.subi %add3A_641, %sub3A_643 : vector<16xi32>
      %jit3A_645 = arith.constant 0 : i32
      %jit3A_646 = arith.constant 10 : i32
      %max3A_647 = vector.broadcast %jit3A_645 : i32 to vector<16xi32>
      %max3A_648 = arith.maxsi %max3A_647, %sub3A_644 : vector<16xi32>
      %min3A_649 = vector.broadcast %jit3A_646 : i32 to vector<16xi32>
      %min3A_650 = arith.minsi %min3A_649, %max3A_648 : vector<16xi32>
      %eq3A_651 = vector.broadcast %rem3A_625 : i32 to vector<16xi32>
      %eq3A_652 = arith.cmpi eq, %iota3A, %eq3A_651 : vector<16xi32>
      %add3A_653 = vector.broadcast %sub3A_402 : i32 to vector<16xi32>
      %add3A_654 = arith.addi %add3A_653, %scan3A_619 : vector<16xi32>
      %select_n3A_655 = arith.select %eq3A_652, %add3A_654, %scan3A_621 : vector<16xi1>, vector<16xi32>
      %mul3A_656 = arith.constant 16 : i32
      %mul3A_657 = arith.muli %sub3A_623, %mul3A_656 : i32
      %add3A_658 = arith.constant 8192 : i32
      %add3A_659 = arith.addi %add3A_658, %mul3A_657 : i32
      %get3A_660 = arith.index_cast %add3A_659 : i32 to index
      %get3A_661 = tpu.vector_load %arg5[%get3A_660] {strides = array<i32>} : memref<16384xi32, #tpu.memory_space<vmem>>, vector<16xi32>,
      %get3A_662 = vector.shape_cast %get3A_661 : vector<16xi32> to vector<16xi32>
      %broadcast_in_dim3A_663 = vector.shape_cast %scan3A_619 : vector<16xi32> to vector<16x1xi32>
      %gather3A_664 = vector.shape_cast %broadcast_in_dim3A_663 : vector<16x1xi32> to vector<16xi32>
      %gather3A_665 = tpu.dynamic_gather %get3A_662[%gather3A_664] in [0] : vector<16xi32>, vector<16xi32> -> vector<16xi32>
      %add3A_666 = arith.addi %scan3A_619, %gather3A_665 : vector<16xi32>
      %sub3A_667 = arith.constant 1 : i32
      %sub3A_668 = vector.broadcast %sub3A_667 : i32 to vector<16xi32>
      %sub3A_669 = arith.subi %add3A_666, %sub3A_668 : vector<16xi32>
      %jit3A_670 = arith.constant 0 : i32
      %jit3A_671 = arith.constant 10 : i32
      %max3A_672 = vector.broadcast %jit3A_670 : i32 to vector<16xi32>
      %max3A_673 = arith.maxsi %max3A_672, %sub3A_669 : vector<16xi32>
      %min3A_674 = vector.broadcast %jit3A_671 : i32 to vector<16xi32>
      %min3A_675 = arith.minsi %min3A_674, %max3A_673 : vector<16xi32>
      %eq3A_676 = arith.constant 0 : i32
      %eq3A_677 = arith.cmpi eq, %rem3A_625, %eq3A_676 : i32
      %convert_element_type3A_678 = arith.extui %eq3A_677 : i1 to i32
      %cond3A_679 = arith.constant 0 : i32
      %cond3A_680 = arith.cmpi ne, %convert_element_type3A_678, %cond3A_679 : i32
      scf.if %cond3A_680 {
        %add3A_864 = arith.constant 0 : i32
        %add3A_865 = arith.addi %add3A_864, %sub3A_623 : i32
        %swap3A_866 = arith.index_cast %add3A_865 : i32 to index
        %swap3A_867 = tpu.vector_load %arg6[%swap3A_866] {strides = array<i32>} : memref<1024xi32, #tpu.memory_space<vmem>>, vector<16xi32>,
        %swap3A_868 = vector.shape_cast %swap3A_867 : vector<16xi32> to vector<16xi32>
        %swap3A_869 = vector.shape_cast %select_n3A_630 : vector<16xi32> to vector<16xi32>
        tpu.vector_store %arg6[%swap3A_866], %swap3A_869 {strides = array<i32>} : memref<1024xi32, #tpu.memory_space<vmem>>, vector<16xi32>,
        %add3A_870 = arith.constant 512 : i32
        %add3A_871 = arith.addi %add3A_870, %sub3A_623 : i32
        %swap3A_872 = arith.index_cast %add3A_871 : i32 to index
        %swap3A_873 = tpu.vector_load %arg6[%swap3A_872] {strides = array<i32>} : memref<1024xi32, #tpu.memory_space<vmem>>, vector<16xi32>,
        %swap3A_874 = vector.shape_cast %swap3A_873 : vector<16xi32> to vector<16xi32>
        %swap3A_875 = vector.shape_cast %select_n3A_655 : vector<16xi32> to vector<16xi32>
        tpu.vector_store %arg6[%swap3A_872], %swap3A_875 {strides = array<i32>} : memref<1024xi32, #tpu.memory_space<vmem>>, vector<16xi32>,
      } else {
      }
      %scan3A_681 = arith.constant 1 : i32
      %scan3A_682 = arith.addi %scan3A_617, %scan3A_681 : i32
      %sub3A_683 = arith.constant 511 : i32
      %sub3A_684 = arith.subi %sub3A_683, %scan3A_682 : i32
      %rem3A_685 = arith.constant 16 : i32
      %rem3A_686 = arith.remsi %sub3A_684, %rem3A_685 : i32
      %eq3A_687 = vector.broadcast %rem3A_686 : i32 to vector<16xi32>
      %eq3A_688 = arith.cmpi eq, %iota3A, %eq3A_687 : vector<16xi32>
      %add3A_689 = vector.broadcast %sub3A_334 : i32 to vector<16xi32>
      %add3A_690 = arith.addi %add3A_689, %min3A_650 : vector<16xi32>
      %select_n3A_691 = arith.select %eq3A_688, %add3A_690, %select_n3A_630 : vector<16xi1>, vector<16xi32>
      %mul3A_692 = arith.constant 16 : i32
      %mul3A_693 = arith.muli %sub3A_684, %mul3A_692 : i32
      %add3A_694 = arith.constant 0 : i32
      %add3A_695 = arith.addi %add3A_694, %mul3A_693 : i32
      %get3A_696 = arith.index_cast %add3A_695 : i32 to index
      %get3A_697 = tpu.vector_load %arg5[%get3A_696] {strides = array<i32>} : memref<16384xi32, #tpu.memory_space<vmem>>, vector<16xi32>,
      %get3A_698 = vector.shape_cast %get3A_697 : vector<16xi32> to vector<16xi32>
      %broadcast_in_dim3A_699 = vector.shape_cast %min3A_650 : vector<16xi32> to vector<16x1xi32>
      %gather3A_700 = vector.shape_cast %broadcast_in_dim3A_699 : vector<16x1xi32> to vector<16xi32>
      %gather3A_701 = tpu.dynamic_gather %get3A_698[%gather3A_700] in [0] : vector<16xi32>, vector<16xi32> -> vector<16xi32>
      %add3A_702 = arith.addi %min3A_650, %gather3A_701 : vector<16xi32>
      %sub3A_703 = arith.constant 1 : i32
      %sub3A_704 = vector.broadcast %sub3A_703 : i32 to vector<16xi32>
      %sub3A_705 = arith.subi %add3A_702, %sub3A_704 : vector<16xi32>
      %jit3A_706 = arith.constant 0 : i32
      %jit3A_707 = arith.constant 10 : i32
      %max3A_708 = vector.broadcast %jit3A_706 : i32 to vector<16xi32>
      %max3A_709 = arith.maxsi %max3A_708, %sub3A_705 : vector<16xi32>
      %min3A_710 = vector.broadcast %jit3A_707 : i32 to vector<16xi32>
      %min3A_711 = arith.minsi %min3A_710, %max3A_709 : vector<16xi32>
      %eq3A_712 = vector.broadcast %rem3A_686 : i32 to vector<16xi32>
      %eq3A_713 = arith.cmpi eq, %iota3A, %eq3A_712 : vector<16xi32>
      %add3A_714 = vector.broadcast %sub3A_402 : i32 to vector<16xi32>
      %add3A_715 = arith.addi %add3A_714, %min3A_675 : vector<16xi32>
      %select_n3A_716 = arith.select %eq3A_713, %add3A_715, %select_n3A_655 : vector<16xi1>, vector<16xi32>
      %mul3A_717 = arith.constant 16 : i32
      %mul3A_718 = arith.muli %sub3A_684, %mul3A_717 : i32
      %add3A_719 = arith.constant 8192 : i32
      %add3A_720 = arith.addi %add3A_719, %mul3A_718 : i32
      %get3A_721 = arith.index_cast %add3A_720 : i32 to index
      %get3A_722 = tpu.vector_load %arg5[%get3A_721] {strides = array<i32>} : memref<16384xi32, #tpu.memory_space<vmem>>, vector<16xi32>,
      %get3A_723 = vector.shape_cast %get3A_722 : vector<16xi32> to vector<16xi32>
      %broadcast_in_dim3A_724 = vector.shape_cast %min3A_675 : vector<16xi32> to vector<16x1xi32>
      %gather3A_725 = vector.shape_cast %broadcast_in_dim3A_724 : vector<16x1xi32> to vector<16xi32>
      %gather3A_726 = tpu.dynamic_gather %get3A_723[%gather3A_725] in [0] : vector<16xi32>, vector<16xi32> -> vector<16xi32>
      %add3A_727 = arith.addi %min3A_675, %gather3A_726 : vector<16xi32>
      %sub3A_728 = arith.constant 1 : i32
      %sub3A_729 = vector.broadcast %sub3A_728 : i32 to vector<16xi32>
      %sub3A_730 = arith.subi %add3A_727, %sub3A_729 : vector<16xi32>
      %jit3A_731 = arith.constant 0 : i32
      %jit3A_732 = arith.constant 10 : i32
      %max3A_733 = vector.broadcast %jit3A_731 : i32 to vector<16xi32>
      %max3A_734 = arith.maxsi %max3A_733, %sub3A_730 : vector<16xi32>
      %min3A_735 = vector.broadcast %jit3A_732 : i32 to vector<16xi32>
      %min3A_736 = arith.minsi %min3A_735, %max3A_734 : vector<16xi32>
      %eq3A_737 = arith.constant 0 : i32
      %eq3A_738 = arith.cmpi eq, %rem3A_686, %eq3A_737 : i32
      %convert_element_type3A_739 = arith.extui %eq3A_738 : i1 to i32
      %cond3A_740 = arith.constant 0 : i32
      %cond3A_741 = arith.cmpi ne, %convert_element_type3A_739, %cond3A_740 : i32
      scf.if %cond3A_741 {
        %add3A_864 = arith.constant 0 : i32
        %add3A_865 = arith.addi %add3A_864, %sub3A_684 : i32
        %swap3A_866 = arith.index_cast %add3A_865 : i32 to index
        %swap3A_867 = tpu.vector_load %arg6[%swap3A_866] {strides = array<i32>} : memref<1024xi32, #tpu.memory_space<vmem>>, vector<16xi32>,
        %swap3A_868 = vector.shape_cast %swap3A_867 : vector<16xi32> to vector<16xi32>
        %swap3A_869 = vector.shape_cast %select_n3A_691 : vector<16xi32> to vector<16xi32>
        tpu.vector_store %arg6[%swap3A_866], %swap3A_869 {strides = array<i32>} : memref<1024xi32, #tpu.memory_space<vmem>>, vector<16xi32>,
        %add3A_870 = arith.constant 512 : i32
        %add3A_871 = arith.addi %add3A_870, %sub3A_684 : i32
        %swap3A_872 = arith.index_cast %add3A_871 : i32 to index
        %swap3A_873 = tpu.vector_load %arg6[%swap3A_872] {strides = array<i32>} : memref<1024xi32, #tpu.memory_space<vmem>>, vector<16xi32>,
        %swap3A_874 = vector.shape_cast %swap3A_873 : vector<16xi32> to vector<16xi32>
        %swap3A_875 = vector.shape_cast %select_n3A_716 : vector<16xi32> to vector<16xi32>
        tpu.vector_store %arg6[%swap3A_872], %swap3A_875 {strides = array<i32>} : memref<1024xi32, #tpu.memory_space<vmem>>, vector<16xi32>,
      } else {
      }
      %scan3A_742 = arith.constant 2 : i32
      %scan3A_743 = arith.addi %scan3A_617, %scan3A_742 : i32
      %sub3A_744 = arith.constant 511 : i32
      %sub3A_745 = arith.subi %sub3A_744, %scan3A_743 : i32
      %rem3A_746 = arith.constant 16 : i32
      %rem3A_747 = arith.remsi %sub3A_745, %rem3A_746 : i32
      %eq3A_748 = vector.broadcast %rem3A_747 : i32 to vector<16xi32>
      %eq3A_749 = arith.cmpi eq, %iota3A, %eq3A_748 : vector<16xi32>
      %add3A_750 = vector.broadcast %sub3A_334 : i32 to vector<16xi32>
      %add3A_751 = arith.addi %add3A_750, %min3A_711 : vector<16xi32>
      %select_n3A_752 = arith.select %eq3A_749, %add3A_751, %select_n3A_691 : vector<16xi1>, vector<16xi32>
      %mul3A_753 = arith.constant 16 : i32
      %mul3A_754 = arith.muli %sub3A_745, %mul3A_753 : i32
      %add3A_755 = arith.constant 0 : i32
      %add3A_756 = arith.addi %add3A_755, %mul3A_754 : i32
      %get3A_757 = arith.index_cast %add3A_756 : i32 to index
      %get3A_758 = tpu.vector_load %arg5[%get3A_757] {strides = array<i32>} : memref<16384xi32, #tpu.memory_space<vmem>>, vector<16xi32>,
      %get3A_759 = vector.shape_cast %get3A_758 : vector<16xi32> to vector<16xi32>
      %broadcast_in_dim3A_760 = vector.shape_cast %min3A_711 : vector<16xi32> to vector<16x1xi32>
      %gather3A_761 = vector.shape_cast %broadcast_in_dim3A_760 : vector<16x1xi32> to vector<16xi32>
      %gather3A_762 = tpu.dynamic_gather %get3A_759[%gather3A_761] in [0] : vector<16xi32>, vector<16xi32> -> vector<16xi32>
      %add3A_763 = arith.addi %min3A_711, %gather3A_762 : vector<16xi32>
      %sub3A_764 = arith.constant 1 : i32
      %sub3A_765 = vector.broadcast %sub3A_764 : i32 to vector<16xi32>
      %sub3A_766 = arith.subi %add3A_763, %sub3A_765 : vector<16xi32>
      %jit3A_767 = arith.constant 0 : i32
      %jit3A_768 = arith.constant 10 : i32
      %max3A_769 = vector.broadcast %jit3A_767 : i32 to vector<16xi32>
      %max3A_770 = arith.maxsi %max3A_769, %sub3A_766 : vector<16xi32>
      %min3A_771 = vector.broadcast %jit3A_768 : i32 to vector<16xi32>
      %min3A_772 = arith.minsi %min3A_771, %max3A_770 : vector<16xi32>
      %eq3A_773 = vector.broadcast %rem3A_747 : i32 to vector<16xi32>
      %eq3A_774 = arith.cmpi eq, %iota3A, %eq3A_773 : vector<16xi32>
      %add3A_775 = vector.broadcast %sub3A_402 : i32 to vector<16xi32>
      %add3A_776 = arith.addi %add3A_775, %min3A_736 : vector<16xi32>
      %select_n3A_777 = arith.select %eq3A_774, %add3A_776, %select_n3A_716 : vector<16xi1>, vector<16xi32>
      %mul3A_778 = arith.constant 16 : i32
      %mul3A_779 = arith.muli %sub3A_745, %mul3A_778 : i32
      %add3A_780 = arith.constant 8192 : i32
      %add3A_781 = arith.addi %add3A_780, %mul3A_779 : i32
      %get3A_782 = arith.index_cast %add3A_781 : i32 to index
      %get3A_783 = tpu.vector_load %arg5[%get3A_782] {strides = array<i32>} : memref<16384xi32, #tpu.memory_space<vmem>>, vector<16xi32>,
      %get3A_784 = vector.shape_cast %get3A_783 : vector<16xi32> to vector<16xi32>
      %broadcast_in_dim3A_785 = vector.shape_cast %min3A_736 : vector<16xi32> to vector<16x1xi32>
      %gather3A_786 = vector.shape_cast %broadcast_in_dim3A_785 : vector<16x1xi32> to vector<16xi32>
      %gather3A_787 = tpu.dynamic_gather %get3A_784[%gather3A_786] in [0] : vector<16xi32>, vector<16xi32> -> vector<16xi32>
      %add3A_788 = arith.addi %min3A_736, %gather3A_787 : vector<16xi32>
      %sub3A_789 = arith.constant 1 : i32
      %sub3A_790 = vector.broadcast %sub3A_789 : i32 to vector<16xi32>
      %sub3A_791 = arith.subi %add3A_788, %sub3A_790 : vector<16xi32>
      %jit3A_792 = arith.constant 0 : i32
      %jit3A_793 = arith.constant 10 : i32
      %max3A_794 = vector.broadcast %jit3A_792 : i32 to vector<16xi32>
      %max3A_795 = arith.maxsi %max3A_794, %sub3A_791 : vector<16xi32>
      %min3A_796 = vector.broadcast %jit3A_793 : i32 to vector<16xi32>
      %min3A_797 = arith.minsi %min3A_796, %max3A_795 : vector<16xi32>
      %eq3A_798 = arith.constant 0 : i32
      %eq3A_799 = arith.cmpi eq, %rem3A_747, %eq3A_798 : i32
      %convert_element_type3A_800 = arith.extui %eq3A_799 : i1 to i32
      %cond3A_801 = arith.constant 0 : i32
      %cond3A_802 = arith.cmpi ne, %convert_element_type3A_800, %cond3A_801 : i32
      scf.if %cond3A_802 {
        %add3A_864 = arith.constant 0 : i32
        %add3A_865 = arith.addi %add3A_864, %sub3A_745 : i32
        %swap3A_866 = arith.index_cast %add3A_865 : i32 to index
        %swap3A_867 = tpu.vector_load %arg6[%swap3A_866] {strides = array<i32>} : memref<1024xi32, #tpu.memory_space<vmem>>, vector<16xi32>,
        %swap3A_868 = vector.shape_cast %swap3A_867 : vector<16xi32> to vector<16xi32>
        %swap3A_869 = vector.shape_cast %select_n3A_752 : vector<16xi32> to vector<16xi32>
        tpu.vector_store %arg6[%swap3A_866], %swap3A_869 {strides = array<i32>} : memref<1024xi32, #tpu.memory_space<vmem>>, vector<16xi32>,
        %add3A_870 = arith.constant 512 : i32
        %add3A_871 = arith.addi %add3A_870, %sub3A_745 : i32
        %swap3A_872 = arith.index_cast %add3A_871 : i32 to index
        %swap3A_873 = tpu.vector_load %arg6[%swap3A_872] {strides = array<i32>} : memref<1024xi32, #tpu.memory_space<vmem>>, vector<16xi32>,
        %swap3A_874 = vector.shape_cast %swap3A_873 : vector<16xi32> to vector<16xi32>
        %swap3A_875 = vector.shape_cast %select_n3A_777 : vector<16xi32> to vector<16xi32>
        tpu.vector_store %arg6[%swap3A_872], %swap3A_875 {strides = array<i32>} : memref<1024xi32, #tpu.memory_space<vmem>>, vector<16xi32>,
      } else {
      }
      %scan3A_803 = arith.constant 3 : i32
      %scan3A_804 = arith.addi %scan3A_617, %scan3A_803 : i32
      %sub3A_805 = arith.constant 511 : i32
      %sub3A_806 = arith.subi %sub3A_805, %scan3A_804 : i32
      %rem3A_807 = arith.constant 16 : i32
      %rem3A_808 = arith.remsi %sub3A_806, %rem3A_807 : i32
      %eq3A_809 = vector.broadcast %rem3A_808 : i32 to vector<16xi32>
      %eq3A_810 = arith.cmpi eq, %iota3A, %eq3A_809 : vector<16xi32>
      %add3A_811 = vector.broadcast %sub3A_334 : i32 to vector<16xi32>
      %add3A_812 = arith.addi %add3A_811, %min3A_772 : vector<16xi32>
      %select_n3A_813 = arith.select %eq3A_810, %add3A_812, %select_n3A_752 : vector<16xi1>, vector<16xi32>
      %mul3A_814 = arith.constant 16 : i32
      %mul3A_815 = arith.muli %sub3A_806, %mul3A_814 : i32
      %add3A_816 = arith.constant 0 : i32
      %add3A_817 = arith.addi %add3A_816, %mul3A_815 : i32
      %get3A_818 = arith.index_cast %add3A_817 : i32 to index
      %get3A_819 = tpu.vector_load %arg5[%get3A_818] {strides = array<i32>} : memref<16384xi32, #tpu.memory_space<vmem>>, vector<16xi32>,
      %get3A_820 = vector.shape_cast %get3A_819 : vector<16xi32> to vector<16xi32>
      %broadcast_in_dim3A_821 = vector.shape_cast %min3A_772 : vector<16xi32> to vector<16x1xi32>
      %gather3A_822 = vector.shape_cast %broadcast_in_dim3A_821 : vector<16x1xi32> to vector<16xi32>
      %gather3A_823 = tpu.dynamic_gather %get3A_820[%gather3A_822] in [0] : vector<16xi32>, vector<16xi32> -> vector<16xi32>
      %add3A_824 = arith.addi %min3A_772, %gather3A_823 : vector<16xi32>
      %sub3A_825 = arith.constant 1 : i32
      %sub3A_826 = vector.broadcast %sub3A_825 : i32 to vector<16xi32>
      %sub3A_827 = arith.subi %add3A_824, %sub3A_826 : vector<16xi32>
      %jit3A_828 = arith.constant 0 : i32
      %jit3A_829 = arith.constant 10 : i32
      %max3A_830 = vector.broadcast %jit3A_828 : i32 to vector<16xi32>
      %max3A_831 = arith.maxsi %max3A_830, %sub3A_827 : vector<16xi32>
      %min3A_832 = vector.broadcast %jit3A_829 : i32 to vector<16xi32>
      %min3A_833 = arith.minsi %min3A_832, %max3A_831 : vector<16xi32>
      %eq3A_834 = vector.broadcast %rem3A_808 : i32 to vector<16xi32>
      %eq3A_835 = arith.cmpi eq, %iota3A, %eq3A_834 : vector<16xi32>
      %add3A_836 = vector.broadcast %sub3A_402 : i32 to vector<16xi32>
      %add3A_837 = arith.addi %add3A_836, %min3A_797 : vector<16xi32>
      %select_n3A_838 = arith.select %eq3A_835, %add3A_837, %select_n3A_777 : vector<16xi1>, vector<16xi32>
      %mul3A_839 = arith.constant 16 : i32
      %mul3A_840 = arith.muli %sub3A_806, %mul3A_839 : i32
      %add3A_841 = arith.constant 8192 : i32
      %add3A_842 = arith.addi %add3A_841, %mul3A_840 : i32
      %get3A_843 = arith.index_cast %add3A_842 : i32 to index
      %get3A_844 = tpu.vector_load %arg5[%get3A_843] {strides = array<i32>} : memref<16384xi32, #tpu.memory_space<vmem>>, vector<16xi32>,
      %get3A_845 = vector.shape_cast %get3A_844 : vector<16xi32> to vector<16xi32>
      %broadcast_in_dim3A_846 = vector.shape_cast %min3A_797 : vector<16xi32> to vector<16x1xi32>
      %gather3A_847 = vector.shape_cast %broadcast_in_dim3A_846 : vector<16x1xi32> to vector<16xi32>
      %gather3A_848 = tpu.dynamic_gather %get3A_845[%gather3A_847] in [0] : vector<16xi32>, vector<16xi32> -> vector<16xi32>
      %add3A_849 = arith.addi %min3A_797, %gather3A_848 : vector<16xi32>
      %sub3A_850 = arith.constant 1 : i32
      %sub3A_851 = vector.broadcast %sub3A_850 : i32 to vector<16xi32>
      %sub3A_852 = arith.subi %add3A_849, %sub3A_851 : vector<16xi32>
      %jit3A_853 = arith.constant 0 : i32
      %jit3A_854 = arith.constant 10 : i32
      %max3A_855 = vector.broadcast %jit3A_853 : i32 to vector<16xi32>
      %max3A_856 = arith.maxsi %max3A_855, %sub3A_852 : vector<16xi32>
      %min3A_857 = vector.broadcast %jit3A_854 : i32 to vector<16xi32>
      %min3A_858 = arith.minsi %min3A_857, %max3A_856 : vector<16xi32>
      %eq3A_859 = arith.constant 0 : i32
      %eq3A_860 = arith.cmpi eq, %rem3A_808, %eq3A_859 : i32
      %convert_element_type3A_861 = arith.extui %eq3A_860 : i1 to i32
      %cond3A_862 = arith.constant 0 : i32
      %cond3A_863 = arith.cmpi ne, %convert_element_type3A_861, %cond3A_862 : i32
      scf.if %cond3A_863 {
        %add3A_864 = arith.constant 0 : i32
        %add3A_865 = arith.addi %add3A_864, %sub3A_806 : i32
        %swap3A_866 = arith.index_cast %add3A_865 : i32 to index
        %swap3A_867 = tpu.vector_load %arg6[%swap3A_866] {strides = array<i32>} : memref<1024xi32, #tpu.memory_space<vmem>>, vector<16xi32>,
        %swap3A_868 = vector.shape_cast %swap3A_867 : vector<16xi32> to vector<16xi32>
        %swap3A_869 = vector.shape_cast %select_n3A_813 : vector<16xi32> to vector<16xi32>
        tpu.vector_store %arg6[%swap3A_866], %swap3A_869 {strides = array<i32>} : memref<1024xi32, #tpu.memory_space<vmem>>, vector<16xi32>,
        %add3A_870 = arith.constant 512 : i32
        %add3A_871 = arith.addi %add3A_870, %sub3A_806 : i32
        %swap3A_872 = arith.index_cast %add3A_871 : i32 to index
        %swap3A_873 = tpu.vector_load %arg6[%swap3A_872] {strides = array<i32>} : memref<1024xi32, #tpu.memory_space<vmem>>, vector<16xi32>,
        %swap3A_874 = vector.shape_cast %swap3A_873 : vector<16xi32> to vector<16xi32>
        %swap3A_875 = vector.shape_cast %select_n3A_838 : vector<16xi32> to vector<16xi32>
        tpu.vector_store %arg6[%swap3A_872], %swap3A_875 {strides = array<i32>} : memref<1024xi32, #tpu.memory_space<vmem>>, vector<16xi32>,
      } else {
      }
      scf.yield %min3A_833, %min3A_858, %select_n3A_813, %select_n3A_838 : vector<16xi32>, vector<16xi32>, vector<16xi32>, vector<16xi32>
    }
    %scan3A_410 = arith.constant 508 : i32
    %scan3A_411 = arith.addi %scan3A_405, %scan3A_410 : i32
    %sub3A_412 = arith.constant 511 : i32
    %sub3A_413 = arith.subi %sub3A_412, %scan3A_411 : i32
    %rem3A_414 = arith.constant 16 : i32
    %rem3A_415 = arith.remsi %sub3A_413, %rem3A_414 : i32
    %eq3A_416 = vector.broadcast %rem3A_415 : i32 to vector<16xi32>
    %eq3A_417 = arith.cmpi eq, %iota3A, %eq3A_416 : vector<16xi32>
    %add3A_418 = vector.broadcast %sub3A_334 : i32 to vector<16xi32>
    %add3A_419 = arith.addi %add3A_418, %scan3A_409#0 : vector<16xi32>
    %select_n3A_420 = arith.select %eq3A_417, %add3A_419, %scan3A_409#2 : vector<16xi1>, vector<16xi32>
    %mul3A_421 = arith.constant 16 : i32
    %mul3A_422 = arith.muli %sub3A_413, %mul3A_421 : i32
    %add3A_423 = arith.constant 0 : i32
    %add3A_424 = arith.addi %add3A_423, %mul3A_422 : i32
    %get3A_425 = arith.index_cast %add3A_424 : i32 to index
    %get3A_426 = tpu.vector_load %arg5[%get3A_425] {strides = array<i32>} : memref<16384xi32, #tpu.memory_space<vmem>>, vector<16xi32>,
    %get3A_427 = vector.shape_cast %get3A_426 : vector<16xi32> to vector<16xi32>
    %broadcast_in_dim3A_428 = vector.shape_cast %scan3A_409#0 : vector<16xi32> to vector<16x1xi32>
    %gather3A_429 = vector.shape_cast %broadcast_in_dim3A_428 : vector<16x1xi32> to vector<16xi32>
    %gather3A_430 = tpu.dynamic_gather %get3A_427[%gather3A_429] in [0] : vector<16xi32>, vector<16xi32> -> vector<16xi32>
    %add3A_431 = arith.addi %scan3A_409#0, %gather3A_430 : vector<16xi32>
    %sub3A_432 = arith.constant 1 : i32
    %sub3A_433 = vector.broadcast %sub3A_432 : i32 to vector<16xi32>
    %sub3A_434 = arith.subi %add3A_431, %sub3A_433 : vector<16xi32>
    %jit3A_435 = arith.constant 0 : i32
    %jit3A_436 = arith.constant 10 : i32
    %max3A_437 = vector.broadcast %jit3A_435 : i32 to vector<16xi32>
    %max3A_438 = arith.maxsi %max3A_437, %sub3A_434 : vector<16xi32>
    %min3A_439 = vector.broadcast %jit3A_436 : i32 to vector<16xi32>
    %min3A_440 = arith.minsi %min3A_439, %max3A_438 : vector<16xi32>
    %eq3A_441 = vector.broadcast %rem3A_415 : i32 to vector<16xi32>
    %eq3A_442 = arith.cmpi eq, %iota3A, %eq3A_441 : vector<16xi32>
    %add3A_443 = vector.broadcast %sub3A_402 : i32 to vector<16xi32>
    %add3A_444 = arith.addi %add3A_443, %scan3A_409#1 : vector<16xi32>
    %select_n3A_445 = arith.select %eq3A_442, %add3A_444, %scan3A_409#3 : vector<16xi1>, vector<16xi32>
    %mul3A_446 = arith.constant 16 : i32
    %mul3A_447 = arith.muli %sub3A_413, %mul3A_446 : i32
    %add3A_448 = arith.constant 8192 : i32
    %add3A_449 = arith.addi %add3A_448, %mul3A_447 : i32
    %get3A_450 = arith.index_cast %add3A_449 : i32 to index
    %get3A_451 = tpu.vector_load %arg5[%get3A_450] {strides = array<i32>} : memref<16384xi32, #tpu.memory_space<vmem>>, vector<16xi32>,
    %get3A_452 = vector.shape_cast %get3A_451 : vector<16xi32> to vector<16xi32>
    %broadcast_in_dim3A_453 = vector.shape_cast %scan3A_409#1 : vector<16xi32> to vector<16x1xi32>
    %gather3A_454 = vector.shape_cast %broadcast_in_dim3A_453 : vector<16x1xi32> to vector<16xi32>
    %gather3A_455 = tpu.dynamic_gather %get3A_452[%gather3A_454] in [0] : vector<16xi32>, vector<16xi32> -> vector<16xi32>
    %add3A_456 = arith.addi %scan3A_409#1, %gather3A_455 : vector<16xi32>
    %sub3A_457 = arith.constant 1 : i32
    %sub3A_458 = vector.broadcast %sub3A_457 : i32 to vector<16xi32>
    %sub3A_459 = arith.subi %add3A_456, %sub3A_458 : vector<16xi32>
    %jit3A_460 = arith.constant 0 : i32
    %jit3A_461 = arith.constant 10 : i32
    %max3A_462 = vector.broadcast %jit3A_460 : i32 to vector<16xi32>
    %max3A_463 = arith.maxsi %max3A_462, %sub3A_459 : vector<16xi32>
    %min3A_464 = vector.broadcast %jit3A_461 : i32 to vector<16xi32>
    %min3A_465 = arith.minsi %min3A_464, %max3A_463 : vector<16xi32>
    %eq3A_466 = arith.constant 0 : i32
    %eq3A_467 = arith.cmpi eq, %rem3A_415, %eq3A_466 : i32
    %convert_element_type3A = arith.extui %eq3A_467 : i1 to i32
    %cond3A = arith.constant 0 : i32
    %cond3A_468 = arith.cmpi ne, %convert_element_type3A, %cond3A : i32
    scf.if %cond3A_468 {
      %add3A_617 = arith.constant 0 : i32
      %add3A_618 = arith.addi %add3A_617, %sub3A_413 : i32
      %swap3A_619 = arith.index_cast %add3A_618 : i32 to index
      %swap3A_620 = tpu.vector_load %arg6[%swap3A_619] {strides = array<i32>} : memref<1024xi32, #tpu.memory_space<vmem>>, vector<16xi32>,
      %swap3A_621 = vector.shape_cast %swap3A_620 : vector<16xi32> to vector<16xi32>
      %swap3A_622 = vector.shape_cast %select_n3A_420 : vector<16xi32> to vector<16xi32>
      tpu.vector_store %arg6[%swap3A_619], %swap3A_622 {strides = array<i32>} : memref<1024xi32, #tpu.memory_space<vmem>>, vector<16xi32>,
      %add3A_623 = arith.constant 512 : i32
      %add3A_624 = arith.addi %add3A_623, %sub3A_413 : i32
      %swap3A_625 = arith.index_cast %add3A_624 : i32 to index
      %swap3A_626 = tpu.vector_load %arg6[%swap3A_625] {strides = array<i32>} : memref<1024xi32, #tpu.memory_space<vmem>>, vector<16xi32>,
      %swap3A_627 = vector.shape_cast %swap3A_626 : vector<16xi32> to vector<16xi32>
      %swap3A_628 = vector.shape_cast %select_n3A_445 : vector<16xi32> to vector<16xi32>
      tpu.vector_store %arg6[%swap3A_625], %swap3A_628 {strides = array<i32>} : memref<1024xi32, #tpu.memory_space<vmem>>, vector<16xi32>,
    } else {
    }
    %scan3A_469 = arith.constant 509 : i32
    %scan3A_470 = arith.addi %scan3A_405, %scan3A_469 : i32
    %sub3A_471 = arith.constant 511 : i32
    %sub3A_472 = arith.subi %sub3A_471, %scan3A_470 : i32
    %rem3A_473 = arith.constant 16 : i32
    %rem3A_474 = arith.remsi %sub3A_472, %rem3A_473 : i32
    %eq3A_475 = vector.broadcast %rem3A_474 : i32 to vector<16xi32>
    %eq3A_476 = arith.cmpi eq, %iota3A, %eq3A_475 : vector<16xi32>
    %add3A_477 = vector.broadcast %sub3A_334 : i32 to vector<16xi32>
    %add3A_478 = arith.addi %add3A_477, %min3A_440 : vector<16xi32>
    %select_n3A_479 = arith.select %eq3A_476, %add3A_478, %select_n3A_420 : vector<16xi1>, vector<16xi32>
    %mul3A_480 = arith.constant 16 : i32
    %mul3A_481 = arith.muli %sub3A_472, %mul3A_480 : i32
    %add3A_482 = arith.constant 0 : i32
    %add3A_483 = arith.addi %add3A_482, %mul3A_481 : i32
    %get3A_484 = arith.index_cast %add3A_483 : i32 to index
    %get3A_485 = tpu.vector_load %arg5[%get3A_484] {strides = array<i32>} : memref<16384xi32, #tpu.memory_space<vmem>>, vector<16xi32>,
    %get3A_486 = vector.shape_cast %get3A_485 : vector<16xi32> to vector<16xi32>
    %broadcast_in_dim3A_487 = vector.shape_cast %min3A_440 : vector<16xi32> to vector<16x1xi32>
    %gather3A_488 = vector.shape_cast %broadcast_in_dim3A_487 : vector<16x1xi32> to vector<16xi32>
    %gather3A_489 = tpu.dynamic_gather %get3A_486[%gather3A_488] in [0] : vector<16xi32>, vector<16xi32> -> vector<16xi32>
    %add3A_490 = arith.addi %min3A_440, %gather3A_489 : vector<16xi32>
    %sub3A_491 = arith.constant 1 : i32
    %sub3A_492 = vector.broadcast %sub3A_491 : i32 to vector<16xi32>
    %sub3A_493 = arith.subi %add3A_490, %sub3A_492 : vector<16xi32>
    %jit3A_494 = arith.constant 0 : i32
    %jit3A_495 = arith.constant 10 : i32
    %max3A_496 = vector.broadcast %jit3A_494 : i32 to vector<16xi32>
    %max3A_497 = arith.maxsi %max3A_496, %sub3A_493 : vector<16xi32>
    %min3A_498 = vector.broadcast %jit3A_495 : i32 to vector<16xi32>
    %min3A_499 = arith.minsi %min3A_498, %max3A_497 : vector<16xi32>
    %eq3A_500 = vector.broadcast %rem3A_474 : i32 to vector<16xi32>
    %eq3A_501 = arith.cmpi eq, %iota3A, %eq3A_500 : vector<16xi32>
    %add3A_502 = vector.broadcast %sub3A_402 : i32 to vector<16xi32>
    %add3A_503 = arith.addi %add3A_502, %min3A_465 : vector<16xi32>
    %select_n3A_504 = arith.select %eq3A_501, %add3A_503, %select_n3A_445 : vector<16xi1>, vector<16xi32>
    %mul3A_505 = arith.constant 16 : i32
    %mul3A_506 = arith.muli %sub3A_472, %mul3A_505 : i32
    %add3A_507 = arith.constant 8192 : i32
    %add3A_508 = arith.addi %add3A_507, %mul3A_506 : i32
    %get3A_509 = arith.index_cast %add3A_508 : i32 to index
    %get3A_510 = tpu.vector_load %arg5[%get3A_509] {strides = array<i32>} : memref<16384xi32, #tpu.memory_space<vmem>>, vector<16xi32>,
    %get3A_511 = vector.shape_cast %get3A_510 : vector<16xi32> to vector<16xi32>
    %broadcast_in_dim3A_512 = vector.shape_cast %min3A_465 : vector<16xi32> to vector<16x1xi32>
    %gather3A_513 = vector.shape_cast %broadcast_in_dim3A_512 : vector<16x1xi32> to vector<16xi32>
    %gather3A_514 = tpu.dynamic_gather %get3A_511[%gather3A_513] in [0] : vector<16xi32>, vector<16xi32> -> vector<16xi32>
    %add3A_515 = arith.addi %min3A_465, %gather3A_514 : vector<16xi32>
    %sub3A_516 = arith.constant 1 : i32
    %sub3A_517 = vector.broadcast %sub3A_516 : i32 to vector<16xi32>
    %sub3A_518 = arith.subi %add3A_515, %sub3A_517 : vector<16xi32>
    %jit3A_519 = arith.constant 0 : i32
    %jit3A_520 = arith.constant 10 : i32
    %max3A_521 = vector.broadcast %jit3A_519 : i32 to vector<16xi32>
    %max3A_522 = arith.maxsi %max3A_521, %sub3A_518 : vector<16xi32>
    %min3A_523 = vector.broadcast %jit3A_520 : i32 to vector<16xi32>
    %min3A_524 = arith.minsi %min3A_523, %max3A_522 : vector<16xi32>
    %eq3A_525 = arith.constant 0 : i32
    %eq3A_526 = arith.cmpi eq, %rem3A_474, %eq3A_525 : i32
    %convert_element_type3A_527 = arith.extui %eq3A_526 : i1 to i32
    %cond3A_528 = arith.constant 0 : i32
    %cond3A_529 = arith.cmpi ne, %convert_element_type3A_527, %cond3A_528 : i32
    scf.if %cond3A_529 {
      %add3A_617 = arith.constant 0 : i32
      %add3A_618 = arith.addi %add3A_617, %sub3A_472 : i32
      %swap3A_619 = arith.index_cast %add3A_618 : i32 to index
      %swap3A_620 = tpu.vector_load %arg6[%swap3A_619] {strides = array<i32>} : memref<1024xi32, #tpu.memory_space<vmem>>, vector<16xi32>,
      %swap3A_621 = vector.shape_cast %swap3A_620 : vector<16xi32> to vector<16xi32>
      %swap3A_622 = vector.shape_cast %select_n3A_479 : vector<16xi32> to vector<16xi32>
      tpu.vector_store %arg6[%swap3A_619], %swap3A_622 {strides = array<i32>} : memref<1024xi32, #tpu.memory_space<vmem>>, vector<16xi32>,
      %add3A_623 = arith.constant 512 : i32
      %add3A_624 = arith.addi %add3A_623, %sub3A_472 : i32
      %swap3A_625 = arith.index_cast %add3A_624 : i32 to index
      %swap3A_626 = tpu.vector_load %arg6[%swap3A_625] {strides = array<i32>} : memref<1024xi32, #tpu.memory_space<vmem>>, vector<16xi32>,
      %swap3A_627 = vector.shape_cast %swap3A_626 : vector<16xi32> to vector<16xi32>
      %swap3A_628 = vector.shape_cast %select_n3A_504 : vector<16xi32> to vector<16xi32>
      tpu.vector_store %arg6[%swap3A_625], %swap3A_628 {strides = array<i32>} : memref<1024xi32, #tpu.memory_space<vmem>>, vector<16xi32>,
    } else {
    }
    %scan3A_530 = arith.constant 510 : i32
    %scan3A_531 = arith.addi %scan3A_405, %scan3A_530 : i32
    %sub3A_532 = arith.constant 511 : i32
    %sub3A_533 = arith.subi %sub3A_532, %scan3A_531 : i32
    %rem3A_534 = arith.constant 16 : i32
    %rem3A_535 = arith.remsi %sub3A_533, %rem3A_534 : i32
    %eq3A_536 = vector.broadcast %rem3A_535 : i32 to vector<16xi32>
    %eq3A_537 = arith.cmpi eq, %iota3A, %eq3A_536 : vector<16xi32>
    %add3A_538 = vector.broadcast %sub3A_334 : i32 to vector<16xi32>
    %add3A_539 = arith.addi %add3A_538, %min3A_499 : vector<16xi32>
    %select_n3A_540 = arith.select %eq3A_537, %add3A_539, %select_n3A_479 : vector<16xi1>, vector<16xi32>
    %mul3A_541 = arith.constant 16 : i32
    %mul3A_542 = arith.muli %sub3A_533, %mul3A_541 : i32
    %add3A_543 = arith.constant 0 : i32
    %add3A_544 = arith.addi %add3A_543, %mul3A_542 : i32
    %get3A_545 = arith.index_cast %add3A_544 : i32 to index
    %get3A_546 = tpu.vector_load %arg5[%get3A_545] {strides = array<i32>} : memref<16384xi32, #tpu.memory_space<vmem>>, vector<16xi32>,
    %get3A_547 = vector.shape_cast %get3A_546 : vector<16xi32> to vector<16xi32>
    %broadcast_in_dim3A_548 = vector.shape_cast %min3A_499 : vector<16xi32> to vector<16x1xi32>
    %gather3A_549 = vector.shape_cast %broadcast_in_dim3A_548 : vector<16x1xi32> to vector<16xi32>
    %gather3A_550 = tpu.dynamic_gather %get3A_547[%gather3A_549] in [0] : vector<16xi32>, vector<16xi32> -> vector<16xi32>
    %add3A_551 = arith.addi %min3A_499, %gather3A_550 : vector<16xi32>
    %sub3A_552 = arith.constant 1 : i32
    %sub3A_553 = vector.broadcast %sub3A_552 : i32 to vector<16xi32>
    %sub3A_554 = arith.subi %add3A_551, %sub3A_553 : vector<16xi32>
    %jit3A_555 = arith.constant 0 : i32
    %jit3A_556 = arith.constant 10 : i32
    %max3A_557 = vector.broadcast %jit3A_555 : i32 to vector<16xi32>
    %max3A_558 = arith.maxsi %max3A_557, %sub3A_554 : vector<16xi32>
    %min3A_559 = vector.broadcast %jit3A_556 : i32 to vector<16xi32>
    %min3A_560 = arith.minsi %min3A_559, %max3A_558 : vector<16xi32>
    %eq3A_561 = vector.broadcast %rem3A_535 : i32 to vector<16xi32>
    %eq3A_562 = arith.cmpi eq, %iota3A, %eq3A_561 : vector<16xi32>
    %add3A_563 = vector.broadcast %sub3A_402 : i32 to vector<16xi32>
    %add3A_564 = arith.addi %add3A_563, %min3A_524 : vector<16xi32>
    %select_n3A_565 = arith.select %eq3A_562, %add3A_564, %select_n3A_504 : vector<16xi1>, vector<16xi32>
    %mul3A_566 = arith.constant 16 : i32
    %mul3A_567 = arith.muli %sub3A_533, %mul3A_566 : i32
    %add3A_568 = arith.constant 8192 : i32
    %add3A_569 = arith.addi %add3A_568, %mul3A_567 : i32
    %get3A_570 = arith.index_cast %add3A_569 : i32 to index
    %get3A_571 = tpu.vector_load %arg5[%get3A_570] {strides = array<i32>} : memref<16384xi32, #tpu.memory_space<vmem>>, vector<16xi32>,
    %get3A_572 = vector.shape_cast %get3A_571 : vector<16xi32> to vector<16xi32>
    %broadcast_in_dim3A_573 = vector.shape_cast %min3A_524 : vector<16xi32> to vector<16x1xi32>
    %gather3A_574 = vector.shape_cast %broadcast_in_dim3A_573 : vector<16x1xi32> to vector<16xi32>
    %gather3A_575 = tpu.dynamic_gather %get3A_572[%gather3A_574] in [0] : vector<16xi32>, vector<16xi32> -> vector<16xi32>
    %add3A_576 = arith.addi %min3A_524, %gather3A_575 : vector<16xi32>
    %sub3A_577 = arith.constant 1 : i32
    %sub3A_578 = vector.broadcast %sub3A_577 : i32 to vector<16xi32>
    %sub3A_579 = arith.subi %add3A_576, %sub3A_578 : vector<16xi32>
    %jit3A_580 = arith.constant 0 : i32
    %jit3A_581 = arith.constant 10 : i32
    %max3A_582 = vector.broadcast %jit3A_580 : i32 to vector<16xi32>
    %max3A_583 = arith.maxsi %max3A_582, %sub3A_579 : vector<16xi32>
    %min3A_584 = vector.broadcast %jit3A_581 : i32 to vector<16xi32>
    %min3A_585 = arith.minsi %min3A_584, %max3A_583 : vector<16xi32>
    %eq3A_586 = arith.constant 0 : i32
    %eq3A_587 = arith.cmpi eq, %rem3A_535, %eq3A_586 : i32
    %convert_element_type3A_588 = arith.extui %eq3A_587 : i1 to i32
    %cond3A_589 = arith.constant 0 : i32
    %cond3A_590 = arith.cmpi ne, %convert_element_type3A_588, %cond3A_589 : i32
    scf.if %cond3A_590 {
      %add3A_617 = arith.constant 0 : i32
      %add3A_618 = arith.addi %add3A_617, %sub3A_533 : i32
      %swap3A_619 = arith.index_cast %add3A_618 : i32 to index
      %swap3A_620 = tpu.vector_load %arg6[%swap3A_619] {strides = array<i32>} : memref<1024xi32, #tpu.memory_space<vmem>>, vector<16xi32>,
      %swap3A_621 = vector.shape_cast %swap3A_620 : vector<16xi32> to vector<16xi32>
      %swap3A_622 = vector.shape_cast %select_n3A_540 : vector<16xi32> to vector<16xi32>
      tpu.vector_store %arg6[%swap3A_619], %swap3A_622 {strides = array<i32>} : memref<1024xi32, #tpu.memory_space<vmem>>, vector<16xi32>,
      %add3A_623 = arith.constant 512 : i32
      %add3A_624 = arith.addi %add3A_623, %sub3A_533 : i32
      %swap3A_625 = arith.index_cast %add3A_624 : i32 to index
      %swap3A_626 = tpu.vector_load %arg6[%swap3A_625] {strides = array<i32>} : memref<1024xi32, #tpu.memory_space<vmem>>, vector<16xi32>,
      %swap3A_627 = vector.shape_cast %swap3A_626 : vector<16xi32> to vector<16xi32>
      %swap3A_628 = vector.shape_cast %select_n3A_565 : vector<16xi32> to vector<16xi32>
      tpu.vector_store %arg6[%swap3A_625], %swap3A_628 {strides = array<i32>} : memref<1024xi32, #tpu.memory_space<vmem>>, vector<16xi32>,
    } else {
    }
    %scan3A_591 = arith.constant 511 : i32
    %eq3A_592 = arith.constant 0 : i32
    %eq3A_593 = vector.broadcast %eq3A_592 : i32 to vector<16xi32>
    %eq3A_594 = arith.cmpi eq, %iota3A, %eq3A_593 : vector<16xi32>
    %add3A_595 = vector.broadcast %sub3A_334 : i32 to vector<16xi32>
    %add3A_596 = arith.addi %add3A_595, %min3A_560 : vector<16xi32>
    %select_n3A_597 = arith.select %eq3A_594, %add3A_596, %select_n3A_540 : vector<16xi1>, vector<16xi32>
    %swap3A_598 = arith.constant 0 : index
    %swap3A_599 = tpu.vector_load %arg6[%swap3A_598] {strides = array<i32>} : memref<1024xi32, #tpu.memory_space<vmem>>, vector<16xi32>,
    %swap3A_600 = vector.shape_cast %swap3A_599 : vector<16xi32> to vector<16xi32>
    %swap3A_601 = vector.shape_cast %select_n3A_597 : vector<16xi32> to vector<16xi32>
    tpu.vector_store %arg6[%swap3A_598], %swap3A_601 {strides = array<i32>} : memref<1024xi32, #tpu.memory_space<vmem>>, vector<16xi32>,
    %eq3A_602 = arith.constant 0 : i32
    %eq3A_603 = vector.broadcast %eq3A_602 : i32 to vector<16xi32>
    %eq3A_604 = arith.cmpi eq, %iota3A, %eq3A_603 : vector<16xi32>
    %add3A_605 = vector.broadcast %sub3A_402 : i32 to vector<16xi32>
    %add3A_606 = arith.addi %add3A_605, %min3A_585 : vector<16xi32>
    %select_n3A_607 = arith.select %eq3A_604, %add3A_606, %select_n3A_565 : vector<16xi1>, vector<16xi32>
    %swap3A_608 = arith.constant 512 : index
    %swap3A_609 = tpu.vector_load %arg6[%swap3A_608] {strides = array<i32>} : memref<1024xi32, #tpu.memory_space<vmem>>, vector<16xi32>,
    %swap3A_610 = vector.shape_cast %swap3A_609 : vector<16xi32> to vector<16xi32>
    %swap3A_611 = vector.shape_cast %select_n3A_607 : vector<16xi32> to vector<16xi32>
    tpu.vector_store %arg6[%swap3A_608], %swap3A_611 {strides = array<i32>} : memref<1024xi32, #tpu.memory_space<vmem>>, vector<16xi32>,
    %mul3A_612 = arith.constant 512 : i32
    %mul3A_613 = arith.muli %min3A_13, %mul3A_612 : i32
    "tpu.region"() ({
      %run_scoped3A = tpu.sem_alloc : memref<!tpu.dma_semaphore, #tpu.memory_space<semaphore_mem>>
      %dma_start3A_617 = arith.constant 0 : i32
      %dma_start3A_618 = tpu.memref_slice %arg6[%dma_start3A_617] : memref<1024xi32, #tpu.memory_space<vmem>> -> memref<512xi32, #tpu.memory_space<vmem>>
      %dma_start3A_619 = tpu.memref_slice %arg3[%mul3A_613] : memref<28672xi32, #tpu.memory_space<hbm>> -> memref<512xi32, #tpu.memory_space<hbm>>
      %dma_start3A_620 = tpu.memref_slice %arg3[%mul3A_613] : memref<28672xi32, #tpu.memory_space<hbm>> -> memref<512xi32, #tpu.memory_space<hbm>>
      %dma_start3A_621 = arith.constant 0 : i32
      %dma_start3A_622 = tpu.memref_slice %arg6[%dma_start3A_621] : memref<1024xi32, #tpu.memory_space<vmem>> -> memref<512xi32, #tpu.memory_space<vmem>>
      tpu.enqueue_dma source(%dma_start3A_622 : memref<512xi32, #tpu.memory_space<vmem>>) target(%dma_start3A_620 : memref<512xi32, #tpu.memory_space<hbm>>) target_semaphore(%run_scoped3A : memref<!tpu.dma_semaphore, #tpu.memory_space<semaphore_mem>>)
      %dma_wait3A_623 = arith.constant 0 : i32
      %dma_wait3A_624 = tpu.memref_slice %arg6[%dma_wait3A_623] : memref<1024xi32, #tpu.memory_space<vmem>> -> memref<512xi32, #tpu.memory_space<vmem>>
      %dma_wait3A_625 = tpu.memref_slice %arg3[%mul3A_613] : memref<28672xi32, #tpu.memory_space<hbm>> -> memref<512xi32, #tpu.memory_space<hbm>>
      %dma_wait3A_626 = tpu.memref_slice %arg3[%mul3A_613] : memref<28672xi32, #tpu.memory_space<hbm>> -> memref<512xi32, #tpu.memory_space<hbm>>
      %dma_wait3A_627 = arith.constant 0 : i32
      %dma_wait3A_628 = tpu.memref_slice %arg6[%dma_wait3A_627] : memref<1024xi32, #tpu.memory_space<vmem>> -> memref<512xi32, #tpu.memory_space<vmem>>
      tpu.wait_dma2 semaphore(%run_scoped3A : memref<!tpu.dma_semaphore, #tpu.memory_space<semaphore_mem>>) src(%dma_wait3A_628 : memref<512xi32, #tpu.memory_space<vmem>>) dst(%dma_wait3A_626 : memref<512xi32, #tpu.memory_space<hbm>>)
      tpu.yield
    }) : () -> ()
    %convert_element_type3A_614 = arith.extui %lt3A_18 : i1 to i32
    %cond3A_615 = arith.constant 0 : i32
    %cond3A_616 = arith.cmpi ne, %convert_element_type3A_614, %cond3A_615 : i32
    scf.if %cond3A_616 {
      %mul3A_617 = arith.constant 512 : i32
      %mul3A_618 = arith.muli %min3A_17, %mul3A_617 : i32
      "tpu.region"() ({
        %run_scoped3A = tpu.sem_alloc : memref<!tpu.dma_semaphore, #tpu.memory_space<semaphore_mem>>
        %dma_start3A_619 = arith.constant 512 : i32
        %dma_start3A_620 = tpu.memref_slice %arg6[%dma_start3A_619] : memref<1024xi32, #tpu.memory_space<vmem>> -> memref<512xi32, #tpu.memory_space<vmem>>
        %dma_start3A_621 = tpu.memref_slice %arg3[%mul3A_618] : memref<28672xi32, #tpu.memory_space<hbm>> -> memref<512xi32, #tpu.memory_space<hbm>>
        %dma_start3A_622 = tpu.memref_slice %arg3[%mul3A_618] : memref<28672xi32, #tpu.memory_space<hbm>> -> memref<512xi32, #tpu.memory_space<hbm>>
        %dma_start3A_623 = arith.constant 512 : i32
        %dma_start3A_624 = tpu.memref_slice %arg6[%dma_start3A_623] : memref<1024xi32, #tpu.memory_space<vmem>> -> memref<512xi32, #tpu.memory_space<vmem>>
        tpu.enqueue_dma source(%dma_start3A_624 : memref<512xi32, #tpu.memory_space<vmem>>) target(%dma_start3A_622 : memref<512xi32, #tpu.memory_space<hbm>>) target_semaphore(%run_scoped3A : memref<!tpu.dma_semaphore, #tpu.memory_space<semaphore_mem>>)
        %dma_wait3A_625 = arith.constant 512 : i32
        %dma_wait3A_626 = tpu.memref_slice %arg6[%dma_wait3A_625] : memref<1024xi32, #tpu.memory_space<vmem>> -> memref<512xi32, #tpu.memory_space<vmem>>
        %dma_wait3A_627 = tpu.memref_slice %arg3[%mul3A_618] : memref<28672xi32, #tpu.memory_space<hbm>> -> memref<512xi32, #tpu.memory_space<hbm>>
        %dma_wait3A_628 = tpu.memref_slice %arg3[%mul3A_618] : memref<28672xi32, #tpu.memory_space<hbm>> -> memref<512xi32, #tpu.memory_space<hbm>>
        %dma_wait3A_629 = arith.constant 512 : i32
        %dma_wait3A_630 = tpu.memref_slice %arg6[%dma_wait3A_629] : memref<1024xi32, #tpu.memory_space<vmem>> -> memref<512xi32, #tpu.memory_space<vmem>>
        tpu.wait_dma2 semaphore(%run_scoped3A : memref<!tpu.dma_semaphore, #tpu.memory_space<semaphore_mem>>) src(%dma_wait3A_630 : memref<512xi32, #tpu.memory_space<vmem>>) dst(%dma_wait3A_628 : memref<512xi32, #tpu.memory_space<hbm>>)
        tpu.yield
      }) : () -> ()
    } else {
    }
    return
  }
}

#map = affine_map<(d0, d1) -> (0)>
module attributes {stable_mosaic.version = 14 : i64} {
  func.func @_sc_dp_body(%arg0: i32, %arg1: i32, %arg2: memref<458752xf32, #tpu.memory_space<hbm>>, %arg3: memref<28672xi32, #tpu.memory_space<hbm>>, %arg4: memref<16384xf32, #tpu.memory_space<vmem>>, %arg5: memref<16384xi32, #tpu.memory_space<vmem>>, %arg6: memref<1024xi32, #tpu.memory_space<vmem>>, %arg7: memref<!tpu.dma_semaphore, #tpu.memory_space<semaphore_mem>>) attributes {dimension_semantics = [#tpu.dimension_semantics<core_parallel>, #tpu.dimension_semantics<subcore_parallel>], iteration_bounds = array<i64: 2, 16>, scalar_prefetch = 0 : i64, scratch_operands = 4 : i64, tpu.core_type = #tpu.core_type<sc_vector_subcore>, window_params = [{transform_indices = #map}, {transform_indices = #map}]} {
    %mul3A = arith.constant 2 : i32
    %mul3A_0 = arith.muli %arg1, %mul3A : i32
    %add3A = arith.addi %mul3A_0, %arg0 : i32
    %iota3A = tpu.iota {dimensions = array<i32: 0>} : vector<16xi32>
    %sub3A = arith.constant 1 : i32
    %sub3A_1 = vector.broadcast %sub3A : i32 to vector<16xi32>
    %sub3A_2 = arith.subi %iota3A, %sub3A_1 : vector<16xi32>
    %max3A = arith.constant 0 : i32
    %max3A_3 = vector.broadcast %max3A : i32 to vector<16xi32>
    %max3A_4 = arith.maxsi %sub3A_2, %max3A_3 : vector<16xi32>
    %add3A_5 = arith.constant 1 : i32
    %add3A_6 = vector.broadcast %add3A_5 : i32 to vector<16xi32>
    %add3A_7 = arith.addi %iota3A, %add3A_6 : vector<16xi32>
    %min3A = arith.constant 10 : i32
    %min3A_8 = vector.broadcast %min3A : i32 to vector<16xi32>
    %min3A_9 = arith.minsi %add3A_7, %min3A_8 : vector<16xi32>
    %add3A_10 = arith.constant 0 : i32
    %add3A_11 = arith.addi %add3A_10, %add3A : i32
    %min3A_12 = arith.constant 55 : i32
    %min3A_13 = arith.minsi %add3A_11, %min3A_12 : i32
    %add3A_14 = arith.constant 32 : i32
    %add3A_15 = arith.addi %add3A_14, %add3A : i32
    %min3A_16 = arith.constant 55 : i32
    %min3A_17 = arith.minsi %add3A_15, %min3A_16 : i32
    %lt3A = arith.constant 56 : i32
    %lt3A_18 = arith.cmpi slt, %add3A_15, %lt3A : i32
    %mul3A_19 = arith.constant 8192 : i32
    %mul3A_20 = arith.muli %min3A_13, %mul3A_19 : i32
    %dma_start3A = arith.constant 0 : i32
    %dma_start3A_21 = tpu.memref_slice %arg4[%dma_start3A] : memref<16384xf32, #tpu.memory_space<vmem>> -> memref<8192xf32, #tpu.memory_space<vmem>>
    %dma_start3A_22 = tpu.memref_slice %arg2[%mul3A_20] : memref<458752xf32, #tpu.memory_space<hbm>> -> memref<8192xf32, #tpu.memory_space<hbm>>
    %dma_start3A_23 = arith.constant 0 : i32
    %dma_start3A_24 = tpu.memref_slice %arg4[%dma_start3A_23] : memref<16384xf32, #tpu.memory_space<vmem>> -> memref<8192xf32, #tpu.memory_space<vmem>>
    %dma_start3A_25 = tpu.memref_slice %arg2[%mul3A_20] : memref<458752xf32, #tpu.memory_space<hbm>> -> memref<8192xf32, #tpu.memory_space<hbm>>
    tpu.enqueue_dma source(%dma_start3A_25 : memref<8192xf32, #tpu.memory_space<hbm>>) target(%dma_start3A_24 : memref<8192xf32, #tpu.memory_space<vmem>>) target_semaphore(%arg7 : memref<!tpu.dma_semaphore, #tpu.memory_space<semaphore_mem>>)
    %mul3A_26 = arith.constant 8192 : i32
    %mul3A_27 = arith.muli %min3A_17, %mul3A_26 : i32
    %dma_start3A_28 = arith.constant 8192 : i32
    %dma_start3A_29 = tpu.memref_slice %arg4[%dma_start3A_28] : memref<16384xf32, #tpu.memory_space<vmem>> -> memref<8192xf32, #tpu.memory_space<vmem>>
    %dma_start3A_30 = tpu.memref_slice %arg2[%mul3A_27] : memref<458752xf32, #tpu.memory_space<hbm>> -> memref<8192xf32, #tpu.memory_space<hbm>>
    %dma_start3A_31 = arith.constant 8192 : i32
    %dma_start3A_32 = tpu.memref_slice %arg4[%dma_start3A_31] : memref<16384xf32, #tpu.memory_space<vmem>> -> memref<8192xf32, #tpu.memory_space<vmem>>
    %dma_start3A_33 = tpu.memref_slice %arg2[%mul3A_27] : memref<458752xf32, #tpu.memory_space<hbm>> -> memref<8192xf32, #tpu.memory_space<hbm>>
    tpu.enqueue_dma source(%dma_start3A_33 : memref<8192xf32, #tpu.memory_space<hbm>>) target(%dma_start3A_32 : memref<8192xf32, #tpu.memory_space<vmem>>) target_semaphore(%arg7 : memref<!tpu.dma_semaphore, #tpu.memory_space<semaphore_mem>>)
    %dma_wait3A = arith.constant 0 : i32
    %dma_wait3A_34 = tpu.memref_slice %arg4[%dma_wait3A] : memref<16384xf32, #tpu.memory_space<vmem>> -> memref<8192xf32, #tpu.memory_space<vmem>>
    %dma_wait3A_35 = tpu.memref_slice %arg2[%mul3A_20] : memref<458752xf32, #tpu.memory_space<hbm>> -> memref<8192xf32, #tpu.memory_space<hbm>>
    %dma_wait3A_36 = arith.constant 0 : i32
    %dma_wait3A_37 = tpu.memref_slice %arg4[%dma_wait3A_36] : memref<16384xf32, #tpu.memory_space<vmem>> -> memref<8192xf32, #tpu.memory_space<vmem>>
    %dma_wait3A_38 = tpu.memref_slice %arg2[%mul3A_20] : memref<458752xf32, #tpu.memory_space<hbm>> -> memref<8192xf32, #tpu.memory_space<hbm>>
    tpu.wait_dma2 semaphore(%arg7 : memref<!tpu.dma_semaphore, #tpu.memory_space<semaphore_mem>>) src(%dma_wait3A_38 : memref<8192xf32, #tpu.memory_space<hbm>>) dst(%dma_wait3A_37 : memref<8192xf32, #tpu.memory_space<vmem>>)
    %dma_wait3A_39 = arith.constant 8192 : i32
    %dma_wait3A_40 = tpu.memref_slice %arg4[%dma_wait3A_39] : memref<16384xf32, #tpu.memory_space<vmem>> -> memref<8192xf32, #tpu.memory_space<vmem>>
    %dma_wait3A_41 = tpu.memref_slice %arg2[%mul3A_27] : memref<458752xf32, #tpu.memory_space<hbm>> -> memref<8192xf32, #tpu.memory_space<hbm>>
    %dma_wait3A_42 = arith.constant 8192 : i32
    %dma_wait3A_43 = tpu.memref_slice %arg4[%dma_wait3A_42] : memref<16384xf32, #tpu.memory_space<vmem>> -> memref<8192xf32, #tpu.memory_space<vmem>>
    %dma_wait3A_44 = tpu.memref_slice %arg2[%mul3A_27] : memref<458752xf32, #tpu.memory_space<hbm>> -> memref<8192xf32, #tpu.memory_space<hbm>>
    tpu.wait_dma2 semaphore(%arg7 : memref<!tpu.dma_semaphore, #tpu.memory_space<semaphore_mem>>) src(%dma_wait3A_44 : memref<8192xf32, #tpu.memory_space<hbm>>) dst(%dma_wait3A_43 : memref<8192xf32, #tpu.memory_space<vmem>>)
    %get3A = arith.constant 0 : index
    %get3A_45 = tpu.vector_load %arg4[%get3A] {strides = array<i32>} : memref<16384xf32, #tpu.memory_space<vmem>>, vector<16xf32>,
    %get3A_46 = vector.shape_cast %get3A_45 : vector<16xf32> to vector<16xf32>
    %get3A_47 = arith.constant 8192 : index
    %get3A_48 = tpu.vector_load %arg4[%get3A_47] {strides = array<i32>} : memref<16384xf32, #tpu.memory_space<vmem>>, vector<16xf32>,
    %get3A_49 = vector.shape_cast %get3A_48 : vector<16xf32> to vector<16xf32>
    %scan3A = arith.constant 1 : i32
    %scan3A_50 = arith.constant 508 : i32
    %scan3A_51 = arith.addi %scan3A, %scan3A_50 : i32
    %scan3A_52 = arith.constant 4 : i32
    %scan3A_53:2 = scf.for %scan3A_617 = %scan3A to %scan3A_51 step %scan3A_52 iter_args(%scan3A_618 = %get3A_46, %scan3A_619 = %get3A_49) -> (vector<16xf32>, vector<16xf32>)  : i32 {
      %broadcast_in_dim3A_620 = vector.shape_cast %max3A_4 : vector<16xi32> to vector<16x1xi32>
      %gather3A_621 = vector.shape_cast %broadcast_in_dim3A_620 : vector<16x1xi32> to vector<16xi32>
      %gather3A_622 = tpu.dynamic_gather %scan3A_618[%gather3A_621] in [0] : vector<16xf32>, vector<16xi32> -> vector<16xf32>
      %broadcast_in_dim3A_623 = vector.shape_cast %min3A_9 : vector<16xi32> to vector<16x1xi32>
      %gather3A_624 = vector.shape_cast %broadcast_in_dim3A_623 : vector<16x1xi32> to vector<16xi32>
      %gather3A_625 = tpu.dynamic_gather %scan3A_618[%gather3A_624] in [0] : vector<16xf32>, vector<16xi32> -> vector<16xf32>
      %min3A_626 = arith.minimumf %gather3A_622, %scan3A_618 : vector<16xf32>
      %min3A_627 = arith.minimumf %min3A_626, %gather3A_625 : vector<16xf32>
      %mul3A_628 = arith.constant 16 : i32
      %mul3A_629 = arith.muli %scan3A_617, %mul3A_628 : i32
      %add3A_630 = arith.constant 0 : i32
      %add3A_631 = arith.addi %add3A_630, %mul3A_629 : i32
      %get3A_632 = arith.index_cast %add3A_631 : i32 to index
      %get3A_633 = tpu.vector_load %arg4[%get3A_632] {strides = array<i32>} : memref<16384xf32, #tpu.memory_space<vmem>>, vector<16xf32>,
      %get3A_634 = vector.shape_cast %get3A_633 : vector<16xf32> to vector<16xf32>
      %le3A_635 = arith.cmpf ole, %gather3A_622, %scan3A_618 : vector<16xf32>
      %le3A_636 = arith.cmpf ole, %gather3A_622, %gather3A_625 : vector<16xf32>
      %and3A_637 = arith.andi %le3A_635, %le3A_636 : vector<16xi1>
      %le3A_638 = arith.cmpf ole, %scan3A_618, %gather3A_625 : vector<16xf32>
      %jit3A_639 = arith.constant 1 : i32
      %jit3A_640 = arith.constant 2 : i32
      %broadcast_in_dim3A_641 = vector.broadcast %jit3A_639 : i32 to vector<16xi32>
      %broadcast_in_dim3A_642 = vector.broadcast %jit3A_640 : i32 to vector<16xi32>
      %select_n3A_643 = arith.select %le3A_638, %broadcast_in_dim3A_641, %broadcast_in_dim3A_642 : vector<16xi1>, vector<16xi32>
      %jit3A_644 = arith.constant 0 : i32
      %broadcast_in_dim3A_645 = vector.broadcast %jit3A_644 : i32 to vector<16xi32>
      %select_n3A_646 = arith.select %and3A_637, %broadcast_in_dim3A_645, %select_n3A_643 : vector<16xi1>, vector<16xi32>
      %mul3A_647 = arith.constant 16 : i32
      %mul3A_648 = arith.muli %scan3A_617, %mul3A_647 : i32
      %add3A_649 = arith.constant 0 : i32
      %add3A_650 = arith.addi %add3A_649, %mul3A_648 : i32
      %swap3A_651 = arith.index_cast %add3A_650 : i32 to index
      %swap3A_652 = tpu.vector_load %arg5[%swap3A_651] {strides = array<i32>} : memref<16384xi32, #tpu.memory_space<vmem>>, vector<16xi32>,
      %swap3A_653 = vector.shape_cast %swap3A_652 : vector<16xi32> to vector<16xi32>
      %swap3A_654 = vector.shape_cast %select_n3A_646 : vector<16xi32> to vector<16xi32>
      tpu.vector_store %arg5[%swap3A_651], %swap3A_654 {strides = array<i32>} : memref<16384xi32, #tpu.memory_space<vmem>>, vector<16xi32>,
      %add3A_655 = arith.addf %min3A_627, %get3A_634 : vector<16xf32>
      %broadcast_in_dim3A_656 = vector.shape_cast %max3A_4 : vector<16xi32> to vector<16x1xi32>
      %gather3A_657 = vector.shape_cast %broadcast_in_dim3A_656 : vector<16x1xi32> to vector<16xi32>
      %gather3A_658 = tpu.dynamic_gather %scan3A_619[%gather3A_657] in [0] : vector<16xf32>, vector<16xi32> -> vector<16xf32>
      %broadcast_in_dim3A_659 = vector.shape_cast %min3A_9 : vector<16xi32> to vector<16x1xi32>
      %gather3A_660 = vector.shape_cast %broadcast_in_dim3A_659 : vector<16x1xi32> to vector<16xi32>
      %gather3A_661 = tpu.dynamic_gather %scan3A_619[%gather3A_660] in [0] : vector<16xf32>, vector<16xi32> -> vector<16xf32>
      %min3A_662 = arith.minimumf %gather3A_658, %scan3A_619 : vector<16xf32>
      %min3A_663 = arith.minimumf %min3A_662, %gather3A_661 : vector<16xf32>
      %mul3A_664 = arith.constant 16 : i32
      %mul3A_665 = arith.muli %scan3A_617, %mul3A_664 : i32
      %add3A_666 = arith.constant 8192 : i32
      %add3A_667 = arith.addi %add3A_666, %mul3A_665 : i32
      %get3A_668 = arith.index_cast %add3A_667 : i32 to index
      %get3A_669 = tpu.vector_load %arg4[%get3A_668] {strides = array<i32>} : memref<16384xf32, #tpu.memory_space<vmem>>, vector<16xf32>,
      %get3A_670 = vector.shape_cast %get3A_669 : vector<16xf32> to vector<16xf32>
      %le3A_671 = arith.cmpf ole, %gather3A_658, %scan3A_619 : vector<16xf32>
      %le3A_672 = arith.cmpf ole, %gather3A_658, %gather3A_661 : vector<16xf32>
      %and3A_673 = arith.andi %le3A_671, %le3A_672 : vector<16xi1>
      %le3A_674 = arith.cmpf ole, %scan3A_619, %gather3A_661 : vector<16xf32>
      %jit3A_675 = arith.constant 1 : i32
      %jit3A_676 = arith.constant 2 : i32
      %broadcast_in_dim3A_677 = vector.broadcast %jit3A_675 : i32 to vector<16xi32>
      %broadcast_in_dim3A_678 = vector.broadcast %jit3A_676 : i32 to vector<16xi32>
      %select_n3A_679 = arith.select %le3A_674, %broadcast_in_dim3A_677, %broadcast_in_dim3A_678 : vector<16xi1>, vector<16xi32>
      %jit3A_680 = arith.constant 0 : i32
      %broadcast_in_dim3A_681 = vector.broadcast %jit3A_680 : i32 to vector<16xi32>
      %select_n3A_682 = arith.select %and3A_673, %broadcast_in_dim3A_681, %select_n3A_679 : vector<16xi1>, vector<16xi32>
      %mul3A_683 = arith.constant 16 : i32
      %mul3A_684 = arith.muli %scan3A_617, %mul3A_683 : i32
      %add3A_685 = arith.constant 8192 : i32
      %add3A_686 = arith.addi %add3A_685, %mul3A_684 : i32
      %swap3A_687 = arith.index_cast %add3A_686 : i32 to index
      %swap3A_688 = tpu.vector_load %arg5[%swap3A_687] {strides = array<i32>} : memref<16384xi32, #tpu.memory_space<vmem>>, vector<16xi32>,
      %swap3A_689 = vector.shape_cast %swap3A_688 : vector<16xi32> to vector<16xi32>
      %swap3A_690 = vector.shape_cast %select_n3A_682 : vector<16xi32> to vector<16xi32>
      tpu.vector_store %arg5[%swap3A_687], %swap3A_690 {strides = array<i32>} : memref<16384xi32, #tpu.memory_space<vmem>>, vector<16xi32>,
      %add3A_691 = arith.addf %min3A_663, %get3A_670 : vector<16xf32>
      %scan3A_692 = arith.constant 1 : i32
      %scan3A_693 = arith.addi %scan3A_617, %scan3A_692 : i32
      %broadcast_in_dim3A_694 = vector.shape_cast %max3A_4 : vector<16xi32> to vector<16x1xi32>
      %gather3A_695 = vector.shape_cast %broadcast_in_dim3A_694 : vector<16x1xi32> to vector<16xi32>
      %gather3A_696 = tpu.dynamic_gather %add3A_655[%gather3A_695] in [0] : vector<16xf32>, vector<16xi32> -> vector<16xf32>
      %broadcast_in_dim3A_697 = vector.shape_cast %min3A_9 : vector<16xi32> to vector<16x1xi32>
      %gather3A_698 = vector.shape_cast %broadcast_in_dim3A_697 : vector<16x1xi32> to vector<16xi32>
      %gather3A_699 = tpu.dynamic_gather %add3A_655[%gather3A_698] in [0] : vector<16xf32>, vector<16xi32> -> vector<16xf32>
      %min3A_700 = arith.minimumf %gather3A_696, %add3A_655 : vector<16xf32>
      %min3A_701 = arith.minimumf %min3A_700, %gather3A_699 : vector<16xf32>
      %mul3A_702 = arith.constant 16 : i32
      %mul3A_703 = arith.muli %scan3A_693, %mul3A_702 : i32
      %add3A_704 = arith.constant 0 : i32
      %add3A_705 = arith.addi %add3A_704, %mul3A_703 : i32
      %get3A_706 = arith.index_cast %add3A_705 : i32 to index
      %get3A_707 = tpu.vector_load %arg4[%get3A_706] {strides = array<i32>} : memref<16384xf32, #tpu.memory_space<vmem>>, vector<16xf32>,
      %get3A_708 = vector.shape_cast %get3A_707 : vector<16xf32> to vector<16xf32>
      %le3A_709 = arith.cmpf ole, %gather3A_696, %add3A_655 : vector<16xf32>
      %le3A_710 = arith.cmpf ole, %gather3A_696, %gather3A_699 : vector<16xf32>
      %and3A_711 = arith.andi %le3A_709, %le3A_710 : vector<16xi1>
      %le3A_712 = arith.cmpf ole, %add3A_655, %gather3A_699 : vector<16xf32>
      %jit3A_713 = arith.constant 1 : i32
      %jit3A_714 = arith.constant 2 : i32
      %broadcast_in_dim3A_715 = vector.broadcast %jit3A_713 : i32 to vector<16xi32>
      %broadcast_in_dim3A_716 = vector.broadcast %jit3A_714 : i32 to vector<16xi32>
      %select_n3A_717 = arith.select %le3A_712, %broadcast_in_dim3A_715, %broadcast_in_dim3A_716 : vector<16xi1>, vector<16xi32>
      %jit3A_718 = arith.constant 0 : i32
      %broadcast_in_dim3A_719 = vector.broadcast %jit3A_718 : i32 to vector<16xi32>
      %select_n3A_720 = arith.select %and3A_711, %broadcast_in_dim3A_719, %select_n3A_717 : vector<16xi1>, vector<16xi32>
      %mul3A_721 = arith.constant 16 : i32
      %mul3A_722 = arith.muli %scan3A_693, %mul3A_721 : i32
      %add3A_723 = arith.constant 0 : i32
      %add3A_724 = arith.addi %add3A_723, %mul3A_722 : i32
      %swap3A_725 = arith.index_cast %add3A_724 : i32 to index
      %swap3A_726 = tpu.vector_load %arg5[%swap3A_725] {strides = array<i32>} : memref<16384xi32, #tpu.memory_space<vmem>>, vector<16xi32>,
      %swap3A_727 = vector.shape_cast %swap3A_726 : vector<16xi32> to vector<16xi32>
      %swap3A_728 = vector.shape_cast %select_n3A_720 : vector<16xi32> to vector<16xi32>
      tpu.vector_store %arg5[%swap3A_725], %swap3A_728 {strides = array<i32>} : memref<16384xi32, #tpu.memory_space<vmem>>, vector<16xi32>,
      %add3A_729 = arith.addf %min3A_701, %get3A_708 : vector<16xf32>
      %broadcast_in_dim3A_730 = vector.shape_cast %max3A_4 : vector<16xi32> to vector<16x1xi32>
      %gather3A_731 = vector.shape_cast %broadcast_in_dim3A_730 : vector<16x1xi32> to vector<16xi32>
      %gather3A_732 = tpu.dynamic_gather %add3A_691[%gather3A_731] in [0] : vector<16xf32>, vector<16xi32> -> vector<16xf32>
      %broadcast_in_dim3A_733 = vector.shape_cast %min3A_9 : vector<16xi32> to vector<16x1xi32>
      %gather3A_734 = vector.shape_cast %broadcast_in_dim3A_733 : vector<16x1xi32> to vector<16xi32>
      %gather3A_735 = tpu.dynamic_gather %add3A_691[%gather3A_734] in [0] : vector<16xf32>, vector<16xi32> -> vector<16xf32>
      %min3A_736 = arith.minimumf %gather3A_732, %add3A_691 : vector<16xf32>
      %min3A_737 = arith.minimumf %min3A_736, %gather3A_735 : vector<16xf32>
      %mul3A_738 = arith.constant 16 : i32
      %mul3A_739 = arith.muli %scan3A_693, %mul3A_738 : i32
      %add3A_740 = arith.constant 8192 : i32
      %add3A_741 = arith.addi %add3A_740, %mul3A_739 : i32
      %get3A_742 = arith.index_cast %add3A_741 : i32 to index
      %get3A_743 = tpu.vector_load %arg4[%get3A_742] {strides = array<i32>} : memref<16384xf32, #tpu.memory_space<vmem>>, vector<16xf32>,
      %get3A_744 = vector.shape_cast %get3A_743 : vector<16xf32> to vector<16xf32>
      %le3A_745 = arith.cmpf ole, %gather3A_732, %add3A_691 : vector<16xf32>
      %le3A_746 = arith.cmpf ole, %gather3A_732, %gather3A_735 : vector<16xf32>
      %and3A_747 = arith.andi %le3A_745, %le3A_746 : vector<16xi1>
      %le3A_748 = arith.cmpf ole, %add3A_691, %gather3A_735 : vector<16xf32>
      %jit3A_749 = arith.constant 1 : i32
      %jit3A_750 = arith.constant 2 : i32
      %broadcast_in_dim3A_751 = vector.broadcast %jit3A_749 : i32 to vector<16xi32>
      %broadcast_in_dim3A_752 = vector.broadcast %jit3A_750 : i32 to vector<16xi32>
      %select_n3A_753 = arith.select %le3A_748, %broadcast_in_dim3A_751, %broadcast_in_dim3A_752 : vector<16xi1>, vector<16xi32>
      %jit3A_754 = arith.constant 0 : i32
      %broadcast_in_dim3A_755 = vector.broadcast %jit3A_754 : i32 to vector<16xi32>
      %select_n3A_756 = arith.select %and3A_747, %broadcast_in_dim3A_755, %select_n3A_753 : vector<16xi1>, vector<16xi32>
      %mul3A_757 = arith.constant 16 : i32
      %mul3A_758 = arith.muli %scan3A_693, %mul3A_757 : i32
      %add3A_759 = arith.constant 8192 : i32
      %add3A_760 = arith.addi %add3A_759, %mul3A_758 : i32
      %swap3A_761 = arith.index_cast %add3A_760 : i32 to index
      %swap3A_762 = tpu.vector_load %arg5[%swap3A_761] {strides = array<i32>} : memref<16384xi32, #tpu.memory_space<vmem>>, vector<16xi32>,
      %swap3A_763 = vector.shape_cast %swap3A_762 : vector<16xi32> to vector<16xi32>
      %swap3A_764 = vector.shape_cast %select_n3A_756 : vector<16xi32> to vector<16xi32>
      tpu.vector_store %arg5[%swap3A_761], %swap3A_764 {strides = array<i32>} : memref<16384xi32, #tpu.memory_space<vmem>>, vector<16xi32>,
      %add3A_765 = arith.addf %min3A_737, %get3A_744 : vector<16xf32>
      %scan3A_766 = arith.constant 2 : i32
      %scan3A_767 = arith.addi %scan3A_617, %scan3A_766 : i32
      %broadcast_in_dim3A_768 = vector.shape_cast %max3A_4 : vector<16xi32> to vector<16x1xi32>
      %gather3A_769 = vector.shape_cast %broadcast_in_dim3A_768 : vector<16x1xi32> to vector<16xi32>
      %gather3A_770 = tpu.dynamic_gather %add3A_729[%gather3A_769] in [0] : vector<16xf32>, vector<16xi32> -> vector<16xf32>
      %broadcast_in_dim3A_771 = vector.shape_cast %min3A_9 : vector<16xi32> to vector<16x1xi32>
      %gather3A_772 = vector.shape_cast %broadcast_in_dim3A_771 : vector<16x1xi32> to vector<16xi32>
      %gather3A_773 = tpu.dynamic_gather %add3A_729[%gather3A_772] in [0] : vector<16xf32>, vector<16xi32> -> vector<16xf32>
      %min3A_774 = arith.minimumf %gather3A_770, %add3A_729 : vector<16xf32>
      %min3A_775 = arith.minimumf %min3A_774, %gather3A_773 : vector<16xf32>
      %mul3A_776 = arith.constant 16 : i32
      %mul3A_777 = arith.muli %scan3A_767, %mul3A_776 : i32
      %add3A_778 = arith.constant 0 : i32
      %add3A_779 = arith.addi %add3A_778, %mul3A_777 : i32
      %get3A_780 = arith.index_cast %add3A_779 : i32 to index
      %get3A_781 = tpu.vector_load %arg4[%get3A_780] {strides = array<i32>} : memref<16384xf32, #tpu.memory_space<vmem>>, vector<16xf32>,
      %get3A_782 = vector.shape_cast %get3A_781 : vector<16xf32> to vector<16xf32>
      %le3A_783 = arith.cmpf ole, %gather3A_770, %add3A_729 : vector<16xf32>
      %le3A_784 = arith.cmpf ole, %gather3A_770, %gather3A_773 : vector<16xf32>
      %and3A_785 = arith.andi %le3A_783, %le3A_784 : vector<16xi1>
      %le3A_786 = arith.cmpf ole, %add3A_729, %gather3A_773 : vector<16xf32>
      %jit3A_787 = arith.constant 1 : i32
      %jit3A_788 = arith.constant 2 : i32
      %broadcast_in_dim3A_789 = vector.broadcast %jit3A_787 : i32 to vector<16xi32>
      %broadcast_in_dim3A_790 = vector.broadcast %jit3A_788 : i32 to vector<16xi32>
      %select_n3A_791 = arith.select %le3A_786, %broadcast_in_dim3A_789, %broadcast_in_dim3A_790 : vector<16xi1>, vector<16xi32>
      %jit3A_792 = arith.constant 0 : i32
      %broadcast_in_dim3A_793 = vector.broadcast %jit3A_792 : i32 to vector<16xi32>
      %select_n3A_794 = arith.select %and3A_785, %broadcast_in_dim3A_793, %select_n3A_791 : vector<16xi1>, vector<16xi32>
      %mul3A_795 = arith.constant 16 : i32
      %mul3A_796 = arith.muli %scan3A_767, %mul3A_795 : i32
      %add3A_797 = arith.constant 0 : i32
      %add3A_798 = arith.addi %add3A_797, %mul3A_796 : i32
      %swap3A_799 = arith.index_cast %add3A_798 : i32 to index
      %swap3A_800 = tpu.vector_load %arg5[%swap3A_799] {strides = array<i32>} : memref<16384xi32, #tpu.memory_space<vmem>>, vector<16xi32>,
      %swap3A_801 = vector.shape_cast %swap3A_800 : vector<16xi32> to vector<16xi32>
      %swap3A_802 = vector.shape_cast %select_n3A_794 : vector<16xi32> to vector<16xi32>
      tpu.vector_store %arg5[%swap3A_799], %swap3A_802 {strides = array<i32>} : memref<16384xi32, #tpu.memory_space<vmem>>, vector<16xi32>,
      %add3A_803 = arith.addf %min3A_775, %get3A_782 : vector<16xf32>
      %broadcast_in_dim3A_804 = vector.shape_cast %max3A_4 : vector<16xi32> to vector<16x1xi32>
      %gather3A_805 = vector.shape_cast %broadcast_in_dim3A_804 : vector<16x1xi32> to vector<16xi32>
      %gather3A_806 = tpu.dynamic_gather %add3A_765[%gather3A_805] in [0] : vector<16xf32>, vector<16xi32> -> vector<16xf32>
      %broadcast_in_dim3A_807 = vector.shape_cast %min3A_9 : vector<16xi32> to vector<16x1xi32>
      %gather3A_808 = vector.shape_cast %broadcast_in_dim3A_807 : vector<16x1xi32> to vector<16xi32>
      %gather3A_809 = tpu.dynamic_gather %add3A_765[%gather3A_808] in [0] : vector<16xf32>, vector<16xi32> -> vector<16xf32>
      %min3A_810 = arith.minimumf %gather3A_806, %add3A_765 : vector<16xf32>
      %min3A_811 = arith.minimumf %min3A_810, %gather3A_809 : vector<16xf32>
      %mul3A_812 = arith.constant 16 : i32
      %mul3A_813 = arith.muli %scan3A_767, %mul3A_812 : i32
      %add3A_814 = arith.constant 8192 : i32
      %add3A_815 = arith.addi %add3A_814, %mul3A_813 : i32
      %get3A_816 = arith.index_cast %add3A_815 : i32 to index
      %get3A_817 = tpu.vector_load %arg4[%get3A_816] {strides = array<i32>} : memref<16384xf32, #tpu.memory_space<vmem>>, vector<16xf32>,
      %get3A_818 = vector.shape_cast %get3A_817 : vector<16xf32> to vector<16xf32>
      %le3A_819 = arith.cmpf ole, %gather3A_806, %add3A_765 : vector<16xf32>
      %le3A_820 = arith.cmpf ole, %gather3A_806, %gather3A_809 : vector<16xf32>
      %and3A_821 = arith.andi %le3A_819, %le3A_820 : vector<16xi1>
      %le3A_822 = arith.cmpf ole, %add3A_765, %gather3A_809 : vector<16xf32>
      %jit3A_823 = arith.constant 1 : i32
      %jit3A_824 = arith.constant 2 : i32
      %broadcast_in_dim3A_825 = vector.broadcast %jit3A_823 : i32 to vector<16xi32>
      %broadcast_in_dim3A_826 = vector.broadcast %jit3A_824 : i32 to vector<16xi32>
      %select_n3A_827 = arith.select %le3A_822, %broadcast_in_dim3A_825, %broadcast_in_dim3A_826 : vector<16xi1>, vector<16xi32>
      %jit3A_828 = arith.constant 0 : i32
      %broadcast_in_dim3A_829 = vector.broadcast %jit3A_828 : i32 to vector<16xi32>
      %select_n3A_830 = arith.select %and3A_821, %broadcast_in_dim3A_829, %select_n3A_827 : vector<16xi1>, vector<16xi32>
      %mul3A_831 = arith.constant 16 : i32
      %mul3A_832 = arith.muli %scan3A_767, %mul3A_831 : i32
      %add3A_833 = arith.constant 8192 : i32
      %add3A_834 = arith.addi %add3A_833, %mul3A_832 : i32
      %swap3A_835 = arith.index_cast %add3A_834 : i32 to index
      %swap3A_836 = tpu.vector_load %arg5[%swap3A_835] {strides = array<i32>} : memref<16384xi32, #tpu.memory_space<vmem>>, vector<16xi32>,
      %swap3A_837 = vector.shape_cast %swap3A_836 : vector<16xi32> to vector<16xi32>
      %swap3A_838 = vector.shape_cast %select_n3A_830 : vector<16xi32> to vector<16xi32>
      tpu.vector_store %arg5[%swap3A_835], %swap3A_838 {strides = array<i32>} : memref<16384xi32, #tpu.memory_space<vmem>>, vector<16xi32>,
      %add3A_839 = arith.addf %min3A_811, %get3A_818 : vector<16xf32>
      %scan3A_840 = arith.constant 3 : i32
      %scan3A_841 = arith.addi %scan3A_617, %scan3A_840 : i32
      %broadcast_in_dim3A_842 = vector.shape_cast %max3A_4 : vector<16xi32> to vector<16x1xi32>
      %gather3A_843 = vector.shape_cast %broadcast_in_dim3A_842 : vector<16x1xi32> to vector<16xi32>
      %gather3A_844 = tpu.dynamic_gather %add3A_803[%gather3A_843] in [0] : vector<16xf32>, vector<16xi32> -> vector<16xf32>
      %broadcast_in_dim3A_845 = vector.shape_cast %min3A_9 : vector<16xi32> to vector<16x1xi32>
      %gather3A_846 = vector.shape_cast %broadcast_in_dim3A_845 : vector<16x1xi32> to vector<16xi32>
      %gather3A_847 = tpu.dynamic_gather %add3A_803[%gather3A_846] in [0] : vector<16xf32>, vector<16xi32> -> vector<16xf32>
      %min3A_848 = arith.minimumf %gather3A_844, %add3A_803 : vector<16xf32>
      %min3A_849 = arith.minimumf %min3A_848, %gather3A_847 : vector<16xf32>
      %mul3A_850 = arith.constant 16 : i32
      %mul3A_851 = arith.muli %scan3A_841, %mul3A_850 : i32
      %add3A_852 = arith.constant 0 : i32
      %add3A_853 = arith.addi %add3A_852, %mul3A_851 : i32
      %get3A_854 = arith.index_cast %add3A_853 : i32 to index
      %get3A_855 = tpu.vector_load %arg4[%get3A_854] {strides = array<i32>} : memref<16384xf32, #tpu.memory_space<vmem>>, vector<16xf32>,
      %get3A_856 = vector.shape_cast %get3A_855 : vector<16xf32> to vector<16xf32>
      %le3A_857 = arith.cmpf ole, %gather3A_844, %add3A_803 : vector<16xf32>
      %le3A_858 = arith.cmpf ole, %gather3A_844, %gather3A_847 : vector<16xf32>
      %and3A_859 = arith.andi %le3A_857, %le3A_858 : vector<16xi1>
      %le3A_860 = arith.cmpf ole, %add3A_803, %gather3A_847 : vector<16xf32>
      %jit3A_861 = arith.constant 1 : i32
      %jit3A_862 = arith.constant 2 : i32
      %broadcast_in_dim3A_863 = vector.broadcast %jit3A_861 : i32 to vector<16xi32>
      %broadcast_in_dim3A_864 = vector.broadcast %jit3A_862 : i32 to vector<16xi32>
      %select_n3A_865 = arith.select %le3A_860, %broadcast_in_dim3A_863, %broadcast_in_dim3A_864 : vector<16xi1>, vector<16xi32>
      %jit3A_866 = arith.constant 0 : i32
      %broadcast_in_dim3A_867 = vector.broadcast %jit3A_866 : i32 to vector<16xi32>
      %select_n3A_868 = arith.select %and3A_859, %broadcast_in_dim3A_867, %select_n3A_865 : vector<16xi1>, vector<16xi32>
      %mul3A_869 = arith.constant 16 : i32
      %mul3A_870 = arith.muli %scan3A_841, %mul3A_869 : i32
      %add3A_871 = arith.constant 0 : i32
      %add3A_872 = arith.addi %add3A_871, %mul3A_870 : i32
      %swap3A_873 = arith.index_cast %add3A_872 : i32 to index
      %swap3A_874 = tpu.vector_load %arg5[%swap3A_873] {strides = array<i32>} : memref<16384xi32, #tpu.memory_space<vmem>>, vector<16xi32>,
      %swap3A_875 = vector.shape_cast %swap3A_874 : vector<16xi32> to vector<16xi32>
      %swap3A_876 = vector.shape_cast %select_n3A_868 : vector<16xi32> to vector<16xi32>
      tpu.vector_store %arg5[%swap3A_873], %swap3A_876 {strides = array<i32>} : memref<16384xi32, #tpu.memory_space<vmem>>, vector<16xi32>,
      %add3A_877 = arith.addf %min3A_849, %get3A_856 : vector<16xf32>
      %broadcast_in_dim3A_878 = vector.shape_cast %max3A_4 : vector<16xi32> to vector<16x1xi32>
      %gather3A_879 = vector.shape_cast %broadcast_in_dim3A_878 : vector<16x1xi32> to vector<16xi32>
      %gather3A_880 = tpu.dynamic_gather %add3A_839[%gather3A_879] in [0] : vector<16xf32>, vector<16xi32> -> vector<16xf32>
      %broadcast_in_dim3A_881 = vector.shape_cast %min3A_9 : vector<16xi32> to vector<16x1xi32>
      %gather3A_882 = vector.shape_cast %broadcast_in_dim3A_881 : vector<16x1xi32> to vector<16xi32>
      %gather3A_883 = tpu.dynamic_gather %add3A_839[%gather3A_882] in [0] : vector<16xf32>, vector<16xi32> -> vector<16xf32>
      %min3A_884 = arith.minimumf %gather3A_880, %add3A_839 : vector<16xf32>
      %min3A_885 = arith.minimumf %min3A_884, %gather3A_883 : vector<16xf32>
      %mul3A_886 = arith.constant 16 : i32
      %mul3A_887 = arith.muli %scan3A_841, %mul3A_886 : i32
      %add3A_888 = arith.constant 8192 : i32
      %add3A_889 = arith.addi %add3A_888, %mul3A_887 : i32
      %get3A_890 = arith.index_cast %add3A_889 : i32 to index
      %get3A_891 = tpu.vector_load %arg4[%get3A_890] {strides = array<i32>} : memref<16384xf32, #tpu.memory_space<vmem>>, vector<16xf32>,
      %get3A_892 = vector.shape_cast %get3A_891 : vector<16xf32> to vector<16xf32>
      %le3A_893 = arith.cmpf ole, %gather3A_880, %add3A_839 : vector<16xf32>
      %le3A_894 = arith.cmpf ole, %gather3A_880, %gather3A_883 : vector<16xf32>
      %and3A_895 = arith.andi %le3A_893, %le3A_894 : vector<16xi1>
      %le3A_896 = arith.cmpf ole, %add3A_839, %gather3A_883 : vector<16xf32>
      %jit3A_897 = arith.constant 1 : i32
      %jit3A_898 = arith.constant 2 : i32
      %broadcast_in_dim3A_899 = vector.broadcast %jit3A_897 : i32 to vector<16xi32>
      %broadcast_in_dim3A_900 = vector.broadcast %jit3A_898 : i32 to vector<16xi32>
      %select_n3A_901 = arith.select %le3A_896, %broadcast_in_dim3A_899, %broadcast_in_dim3A_900 : vector<16xi1>, vector<16xi32>
      %jit3A_902 = arith.constant 0 : i32
      %broadcast_in_dim3A_903 = vector.broadcast %jit3A_902 : i32 to vector<16xi32>
      %select_n3A_904 = arith.select %and3A_895, %broadcast_in_dim3A_903, %select_n3A_901 : vector<16xi1>, vector<16xi32>
      %mul3A_905 = arith.constant 16 : i32
      %mul3A_906 = arith.muli %scan3A_841, %mul3A_905 : i32
      %add3A_907 = arith.constant 8192 : i32
      %add3A_908 = arith.addi %add3A_907, %mul3A_906 : i32
      %swap3A_909 = arith.index_cast %add3A_908 : i32 to index
      %swap3A_910 = tpu.vector_load %arg5[%swap3A_909] {strides = array<i32>} : memref<16384xi32, #tpu.memory_space<vmem>>, vector<16xi32>,
      %swap3A_911 = vector.shape_cast %swap3A_910 : vector<16xi32> to vector<16xi32>
      %swap3A_912 = vector.shape_cast %select_n3A_904 : vector<16xi32> to vector<16xi32>
      tpu.vector_store %arg5[%swap3A_909], %swap3A_912 {strides = array<i32>} : memref<16384xi32, #tpu.memory_space<vmem>>, vector<16xi32>,
      %add3A_913 = arith.addf %min3A_885, %get3A_892 : vector<16xf32>
      scf.yield %add3A_877, %add3A_913 : vector<16xf32>, vector<16xf32>
    }
    %scan3A_54 = arith.constant 508 : i32
    %scan3A_55 = arith.addi %scan3A, %scan3A_54 : i32
    %broadcast_in_dim3A = vector.shape_cast %max3A_4 : vector<16xi32> to vector<16x1xi32>
    %gather3A = vector.shape_cast %broadcast_in_dim3A : vector<16x1xi32> to vector<16xi32>
    %gather3A_56 = tpu.dynamic_gather %scan3A_53#0[%gather3A] in [0] : vector<16xf32>, vector<16xi32> -> vector<16xf32>
    %broadcast_in_dim3A_57 = vector.shape_cast %min3A_9 : vector<16xi32> to vector<16x1xi32>
    %gather3A_58 = vector.shape_cast %broadcast_in_dim3A_57 : vector<16x1xi32> to vector<16xi32>
    %gather3A_59 = tpu.dynamic_gather %scan3A_53#0[%gather3A_58] in [0] : vector<16xf32>, vector<16xi32> -> vector<16xf32>
    %min3A_60 = arith.minimumf %gather3A_56, %scan3A_53#0 : vector<16xf32>
    %min3A_61 = arith.minimumf %min3A_60, %gather3A_59 : vector<16xf32>
    %mul3A_62 = arith.constant 16 : i32
    %mul3A_63 = arith.muli %scan3A_55, %mul3A_62 : i32
    %add3A_64 = arith.constant 0 : i32
    %add3A_65 = arith.addi %add3A_64, %mul3A_63 : i32
    %get3A_66 = arith.index_cast %add3A_65 : i32 to index
    %get3A_67 = tpu.vector_load %arg4[%get3A_66] {strides = array<i32>} : memref<16384xf32, #tpu.memory_space<vmem>>, vector<16xf32>,
    %get3A_68 = vector.shape_cast %get3A_67 : vector<16xf32> to vector<16xf32>
    %le3A = arith.cmpf ole, %gather3A_56, %scan3A_53#0 : vector<16xf32>
    %le3A_69 = arith.cmpf ole, %gather3A_56, %gather3A_59 : vector<16xf32>
    %and3A = arith.andi %le3A, %le3A_69 : vector<16xi1>
    %le3A_70 = arith.cmpf ole, %scan3A_53#0, %gather3A_59 : vector<16xf32>
    %jit3A = arith.constant 1 : i32
    %jit3A_71 = arith.constant 2 : i32
    %broadcast_in_dim3A_72 = vector.broadcast %jit3A : i32 to vector<16xi32>
    %broadcast_in_dim3A_73 = vector.broadcast %jit3A_71 : i32 to vector<16xi32>
    %select_n3A = arith.select %le3A_70, %broadcast_in_dim3A_72, %broadcast_in_dim3A_73 : vector<16xi1>, vector<16xi32>
    %jit3A_74 = arith.constant 0 : i32
    %broadcast_in_dim3A_75 = vector.broadcast %jit3A_74 : i32 to vector<16xi32>
    %select_n3A_76 = arith.select %and3A, %broadcast_in_dim3A_75, %select_n3A : vector<16xi1>, vector<16xi32>
    %mul3A_77 = arith.constant 16 : i32
    %mul3A_78 = arith.muli %scan3A_55, %mul3A_77 : i32
    %add3A_79 = arith.constant 0 : i32
    %add3A_80 = arith.addi %add3A_79, %mul3A_78 : i32
    %swap3A = arith.index_cast %add3A_80 : i32 to index
    %swap3A_81 = tpu.vector_load %arg5[%swap3A] {strides = array<i32>} : memref<16384xi32, #tpu.memory_space<vmem>>, vector<16xi32>,
    %swap3A_82 = vector.shape_cast %swap3A_81 : vector<16xi32> to vector<16xi32>
    %swap3A_83 = vector.shape_cast %select_n3A_76 : vector<16xi32> to vector<16xi32>
    tpu.vector_store %arg5[%swap3A], %swap3A_83 {strides = array<i32>} : memref<16384xi32, #tpu.memory_space<vmem>>, vector<16xi32>,
    %add3A_84 = arith.addf %min3A_61, %get3A_68 : vector<16xf32>
    %broadcast_in_dim3A_85 = vector.shape_cast %max3A_4 : vector<16xi32> to vector<16x1xi32>
    %gather3A_86 = vector.shape_cast %broadcast_in_dim3A_85 : vector<16x1xi32> to vector<16xi32>
    %gather3A_87 = tpu.dynamic_gather %scan3A_53#1[%gather3A_86] in [0] : vector<16xf32>, vector<16xi32> -> vector<16xf32>
    %broadcast_in_dim3A_88 = vector.shape_cast %min3A_9 : vector<16xi32> to vector<16x1xi32>
    %gather3A_89 = vector.shape_cast %broadcast_in_dim3A_88 : vector<16x1xi32> to vector<16xi32>
    %gather3A_90 = tpu.dynamic_gather %scan3A_53#1[%gather3A_89] in [0] : vector<16xf32>, vector<16xi32> -> vector<16xf32>
    %min3A_91 = arith.minimumf %gather3A_87, %scan3A_53#1 : vector<16xf32>
    %min3A_92 = arith.minimumf %min3A_91, %gather3A_90 : vector<16xf32>
    %mul3A_93 = arith.constant 16 : i32
    %mul3A_94 = arith.muli %scan3A_55, %mul3A_93 : i32
    %add3A_95 = arith.constant 8192 : i32
    %add3A_96 = arith.addi %add3A_95, %mul3A_94 : i32
    %get3A_97 = arith.index_cast %add3A_96 : i32 to index
    %get3A_98 = tpu.vector_load %arg4[%get3A_97] {strides = array<i32>} : memref<16384xf32, #tpu.memory_space<vmem>>, vector<16xf32>,
    %get3A_99 = vector.shape_cast %get3A_98 : vector<16xf32> to vector<16xf32>
    %le3A_100 = arith.cmpf ole, %gather3A_87, %scan3A_53#1 : vector<16xf32>
    %le3A_101 = arith.cmpf ole, %gather3A_87, %gather3A_90 : vector<16xf32>
    %and3A_102 = arith.andi %le3A_100, %le3A_101 : vector<16xi1>
    %le3A_103 = arith.cmpf ole, %scan3A_53#1, %gather3A_90 : vector<16xf32>
    %jit3A_104 = arith.constant 1 : i32
    %jit3A_105 = arith.constant 2 : i32
    %broadcast_in_dim3A_106 = vector.broadcast %jit3A_104 : i32 to vector<16xi32>
    %broadcast_in_dim3A_107 = vector.broadcast %jit3A_105 : i32 to vector<16xi32>
    %select_n3A_108 = arith.select %le3A_103, %broadcast_in_dim3A_106, %broadcast_in_dim3A_107 : vector<16xi1>, vector<16xi32>
    %jit3A_109 = arith.constant 0 : i32
    %broadcast_in_dim3A_110 = vector.broadcast %jit3A_109 : i32 to vector<16xi32>
    %select_n3A_111 = arith.select %and3A_102, %broadcast_in_dim3A_110, %select_n3A_108 : vector<16xi1>, vector<16xi32>
    %mul3A_112 = arith.constant 16 : i32
    %mul3A_113 = arith.muli %scan3A_55, %mul3A_112 : i32
    %add3A_114 = arith.constant 8192 : i32
    %add3A_115 = arith.addi %add3A_114, %mul3A_113 : i32
    %swap3A_116 = arith.index_cast %add3A_115 : i32 to index
    %swap3A_117 = tpu.vector_load %arg5[%swap3A_116] {strides = array<i32>} : memref<16384xi32, #tpu.memory_space<vmem>>, vector<16xi32>,
    %swap3A_118 = vector.shape_cast %swap3A_117 : vector<16xi32> to vector<16xi32>
    %swap3A_119 = vector.shape_cast %select_n3A_111 : vector<16xi32> to vector<16xi32>
    tpu.vector_store %arg5[%swap3A_116], %swap3A_119 {strides = array<i32>} : memref<16384xi32, #tpu.memory_space<vmem>>, vector<16xi32>,
    %add3A_120 = arith.addf %min3A_92, %get3A_99 : vector<16xf32>
    %scan3A_121 = arith.constant 509 : i32
    %scan3A_122 = arith.addi %scan3A, %scan3A_121 : i32
    %broadcast_in_dim3A_123 = vector.shape_cast %max3A_4 : vector<16xi32> to vector<16x1xi32>
    %gather3A_124 = vector.shape_cast %broadcast_in_dim3A_123 : vector<16x1xi32> to vector<16xi32>
    %gather3A_125 = tpu.dynamic_gather %add3A_84[%gather3A_124] in [0] : vector<16xf32>, vector<16xi32> -> vector<16xf32>
    %broadcast_in_dim3A_126 = vector.shape_cast %min3A_9 : vector<16xi32> to vector<16x1xi32>
    %gather3A_127 = vector.shape_cast %broadcast_in_dim3A_126 : vector<16x1xi32> to vector<16xi32>
    %gather3A_128 = tpu.dynamic_gather %add3A_84[%gather3A_127] in [0] : vector<16xf32>, vector<16xi32> -> vector<16xf32>
    %min3A_129 = arith.minimumf %gather3A_125, %add3A_84 : vector<16xf32>
    %min3A_130 = arith.minimumf %min3A_129, %gather3A_128 : vector<16xf32>
    %mul3A_131 = arith.constant 16 : i32
    %mul3A_132 = arith.muli %scan3A_122, %mul3A_131 : i32
    %add3A_133 = arith.constant 0 : i32
    %add3A_134 = arith.addi %add3A_133, %mul3A_132 : i32
    %get3A_135 = arith.index_cast %add3A_134 : i32 to index
    %get3A_136 = tpu.vector_load %arg4[%get3A_135] {strides = array<i32>} : memref<16384xf32, #tpu.memory_space<vmem>>, vector<16xf32>,
    %get3A_137 = vector.shape_cast %get3A_136 : vector<16xf32> to vector<16xf32>
    %le3A_138 = arith.cmpf ole, %gather3A_125, %add3A_84 : vector<16xf32>
    %le3A_139 = arith.cmpf ole, %gather3A_125, %gather3A_128 : vector<16xf32>
    %and3A_140 = arith.andi %le3A_138, %le3A_139 : vector<16xi1>
    %le3A_141 = arith.cmpf ole, %add3A_84, %gather3A_128 : vector<16xf32>
    %jit3A_142 = arith.constant 1 : i32
    %jit3A_143 = arith.constant 2 : i32
    %broadcast_in_dim3A_144 = vector.broadcast %jit3A_142 : i32 to vector<16xi32>
    %broadcast_in_dim3A_145 = vector.broadcast %jit3A_143 : i32 to vector<16xi32>
    %select_n3A_146 = arith.select %le3A_141, %broadcast_in_dim3A_144, %broadcast_in_dim3A_145 : vector<16xi1>, vector<16xi32>
    %jit3A_147 = arith.constant 0 : i32
    %broadcast_in_dim3A_148 = vector.broadcast %jit3A_147 : i32 to vector<16xi32>
    %select_n3A_149 = arith.select %and3A_140, %broadcast_in_dim3A_148, %select_n3A_146 : vector<16xi1>, vector<16xi32>
    %mul3A_150 = arith.constant 16 : i32
    %mul3A_151 = arith.muli %scan3A_122, %mul3A_150 : i32
    %add3A_152 = arith.constant 0 : i32
    %add3A_153 = arith.addi %add3A_152, %mul3A_151 : i32
    %swap3A_154 = arith.index_cast %add3A_153 : i32 to index
    %swap3A_155 = tpu.vector_load %arg5[%swap3A_154] {strides = array<i32>} : memref<16384xi32, #tpu.memory_space<vmem>>, vector<16xi32>,
    %swap3A_156 = vector.shape_cast %swap3A_155 : vector<16xi32> to vector<16xi32>
    %swap3A_157 = vector.shape_cast %select_n3A_149 : vector<16xi32> to vector<16xi32>
    tpu.vector_store %arg5[%swap3A_154], %swap3A_157 {strides = array<i32>} : memref<16384xi32, #tpu.memory_space<vmem>>, vector<16xi32>,
    %add3A_158 = arith.addf %min3A_130, %get3A_137 : vector<16xf32>
    %broadcast_in_dim3A_159 = vector.shape_cast %max3A_4 : vector<16xi32> to vector<16x1xi32>
    %gather3A_160 = vector.shape_cast %broadcast_in_dim3A_159 : vector<16x1xi32> to vector<16xi32>
    %gather3A_161 = tpu.dynamic_gather %add3A_120[%gather3A_160] in [0] : vector<16xf32>, vector<16xi32> -> vector<16xf32>
    %broadcast_in_dim3A_162 = vector.shape_cast %min3A_9 : vector<16xi32> to vector<16x1xi32>
    %gather3A_163 = vector.shape_cast %broadcast_in_dim3A_162 : vector<16x1xi32> to vector<16xi32>
    %gather3A_164 = tpu.dynamic_gather %add3A_120[%gather3A_163] in [0] : vector<16xf32>, vector<16xi32> -> vector<16xf32>
    %min3A_165 = arith.minimumf %gather3A_161, %add3A_120 : vector<16xf32>
    %min3A_166 = arith.minimumf %min3A_165, %gather3A_164 : vector<16xf32>
    %mul3A_167 = arith.constant 16 : i32
    %mul3A_168 = arith.muli %scan3A_122, %mul3A_167 : i32
    %add3A_169 = arith.constant 8192 : i32
    %add3A_170 = arith.addi %add3A_169, %mul3A_168 : i32
    %get3A_171 = arith.index_cast %add3A_170 : i32 to index
    %get3A_172 = tpu.vector_load %arg4[%get3A_171] {strides = array<i32>} : memref<16384xf32, #tpu.memory_space<vmem>>, vector<16xf32>,
    %get3A_173 = vector.shape_cast %get3A_172 : vector<16xf32> to vector<16xf32>
    %le3A_174 = arith.cmpf ole, %gather3A_161, %add3A_120 : vector<16xf32>
    %le3A_175 = arith.cmpf ole, %gather3A_161, %gather3A_164 : vector<16xf32>
    %and3A_176 = arith.andi %le3A_174, %le3A_175 : vector<16xi1>
    %le3A_177 = arith.cmpf ole, %add3A_120, %gather3A_164 : vector<16xf32>
    %jit3A_178 = arith.constant 1 : i32
    %jit3A_179 = arith.constant 2 : i32
    %broadcast_in_dim3A_180 = vector.broadcast %jit3A_178 : i32 to vector<16xi32>
    %broadcast_in_dim3A_181 = vector.broadcast %jit3A_179 : i32 to vector<16xi32>
    %select_n3A_182 = arith.select %le3A_177, %broadcast_in_dim3A_180, %broadcast_in_dim3A_181 : vector<16xi1>, vector<16xi32>
    %jit3A_183 = arith.constant 0 : i32
    %broadcast_in_dim3A_184 = vector.broadcast %jit3A_183 : i32 to vector<16xi32>
    %select_n3A_185 = arith.select %and3A_176, %broadcast_in_dim3A_184, %select_n3A_182 : vector<16xi1>, vector<16xi32>
    %mul3A_186 = arith.constant 16 : i32
    %mul3A_187 = arith.muli %scan3A_122, %mul3A_186 : i32
    %add3A_188 = arith.constant 8192 : i32
    %add3A_189 = arith.addi %add3A_188, %mul3A_187 : i32
    %swap3A_190 = arith.index_cast %add3A_189 : i32 to index
    %swap3A_191 = tpu.vector_load %arg5[%swap3A_190] {strides = array<i32>} : memref<16384xi32, #tpu.memory_space<vmem>>, vector<16xi32>,
    %swap3A_192 = vector.shape_cast %swap3A_191 : vector<16xi32> to vector<16xi32>
    %swap3A_193 = vector.shape_cast %select_n3A_185 : vector<16xi32> to vector<16xi32>
    tpu.vector_store %arg5[%swap3A_190], %swap3A_193 {strides = array<i32>} : memref<16384xi32, #tpu.memory_space<vmem>>, vector<16xi32>,
    %add3A_194 = arith.addf %min3A_166, %get3A_173 : vector<16xf32>
    %scan3A_195 = arith.constant 510 : i32
    %scan3A_196 = arith.addi %scan3A, %scan3A_195 : i32
    %broadcast_in_dim3A_197 = vector.shape_cast %max3A_4 : vector<16xi32> to vector<16x1xi32>
    %gather3A_198 = vector.shape_cast %broadcast_in_dim3A_197 : vector<16x1xi32> to vector<16xi32>
    %gather3A_199 = tpu.dynamic_gather %add3A_158[%gather3A_198] in [0] : vector<16xf32>, vector<16xi32> -> vector<16xf32>
    %broadcast_in_dim3A_200 = vector.shape_cast %min3A_9 : vector<16xi32> to vector<16x1xi32>
    %gather3A_201 = vector.shape_cast %broadcast_in_dim3A_200 : vector<16x1xi32> to vector<16xi32>
    %gather3A_202 = tpu.dynamic_gather %add3A_158[%gather3A_201] in [0] : vector<16xf32>, vector<16xi32> -> vector<16xf32>
    %min3A_203 = arith.minimumf %gather3A_199, %add3A_158 : vector<16xf32>
    %min3A_204 = arith.minimumf %min3A_203, %gather3A_202 : vector<16xf32>
    %mul3A_205 = arith.constant 16 : i32
    %mul3A_206 = arith.muli %scan3A_196, %mul3A_205 : i32
    %add3A_207 = arith.constant 0 : i32
    %add3A_208 = arith.addi %add3A_207, %mul3A_206 : i32
    %get3A_209 = arith.index_cast %add3A_208 : i32 to index
    %get3A_210 = tpu.vector_load %arg4[%get3A_209] {strides = array<i32>} : memref<16384xf32, #tpu.memory_space<vmem>>, vector<16xf32>,
    %get3A_211 = vector.shape_cast %get3A_210 : vector<16xf32> to vector<16xf32>
    %le3A_212 = arith.cmpf ole, %gather3A_199, %add3A_158 : vector<16xf32>
    %le3A_213 = arith.cmpf ole, %gather3A_199, %gather3A_202 : vector<16xf32>
    %and3A_214 = arith.andi %le3A_212, %le3A_213 : vector<16xi1>
    %le3A_215 = arith.cmpf ole, %add3A_158, %gather3A_202 : vector<16xf32>
    %jit3A_216 = arith.constant 1 : i32
    %jit3A_217 = arith.constant 2 : i32
    %broadcast_in_dim3A_218 = vector.broadcast %jit3A_216 : i32 to vector<16xi32>
    %broadcast_in_dim3A_219 = vector.broadcast %jit3A_217 : i32 to vector<16xi32>
    %select_n3A_220 = arith.select %le3A_215, %broadcast_in_dim3A_218, %broadcast_in_dim3A_219 : vector<16xi1>, vector<16xi32>
    %jit3A_221 = arith.constant 0 : i32
    %broadcast_in_dim3A_222 = vector.broadcast %jit3A_221 : i32 to vector<16xi32>
    %select_n3A_223 = arith.select %and3A_214, %broadcast_in_dim3A_222, %select_n3A_220 : vector<16xi1>, vector<16xi32>
    %mul3A_224 = arith.constant 16 : i32
    %mul3A_225 = arith.muli %scan3A_196, %mul3A_224 : i32
    %add3A_226 = arith.constant 0 : i32
    %add3A_227 = arith.addi %add3A_226, %mul3A_225 : i32
    %swap3A_228 = arith.index_cast %add3A_227 : i32 to index
    %swap3A_229 = tpu.vector_load %arg5[%swap3A_228] {strides = array<i32>} : memref<16384xi32, #tpu.memory_space<vmem>>, vector<16xi32>,
    %swap3A_230 = vector.shape_cast %swap3A_229 : vector<16xi32> to vector<16xi32>
    %swap3A_231 = vector.shape_cast %select_n3A_223 : vector<16xi32> to vector<16xi32>
    tpu.vector_store %arg5[%swap3A_228], %swap3A_231 {strides = array<i32>} : memref<16384xi32, #tpu.memory_space<vmem>>, vector<16xi32>,
    %add3A_232 = arith.addf %min3A_204, %get3A_211 : vector<16xf32>
    %broadcast_in_dim3A_233 = vector.shape_cast %max3A_4 : vector<16xi32> to vector<16x1xi32>
    %gather3A_234 = vector.shape_cast %broadcast_in_dim3A_233 : vector<16x1xi32> to vector<16xi32>
    %gather3A_235 = tpu.dynamic_gather %add3A_194[%gather3A_234] in [0] : vector<16xf32>, vector<16xi32> -> vector<16xf32>
    %broadcast_in_dim3A_236 = vector.shape_cast %min3A_9 : vector<16xi32> to vector<16x1xi32>
    %gather3A_237 = vector.shape_cast %broadcast_in_dim3A_236 : vector<16x1xi32> to vector<16xi32>
    %gather3A_238 = tpu.dynamic_gather %add3A_194[%gather3A_237] in [0] : vector<16xf32>, vector<16xi32> -> vector<16xf32>
    %min3A_239 = arith.minimumf %gather3A_235, %add3A_194 : vector<16xf32>
    %min3A_240 = arith.minimumf %min3A_239, %gather3A_238 : vector<16xf32>
    %mul3A_241 = arith.constant 16 : i32
    %mul3A_242 = arith.muli %scan3A_196, %mul3A_241 : i32
    %add3A_243 = arith.constant 8192 : i32
    %add3A_244 = arith.addi %add3A_243, %mul3A_242 : i32
    %get3A_245 = arith.index_cast %add3A_244 : i32 to index
    %get3A_246 = tpu.vector_load %arg4[%get3A_245] {strides = array<i32>} : memref<16384xf32, #tpu.memory_space<vmem>>, vector<16xf32>,
    %get3A_247 = vector.shape_cast %get3A_246 : vector<16xf32> to vector<16xf32>
    %le3A_248 = arith.cmpf ole, %gather3A_235, %add3A_194 : vector<16xf32>
    %le3A_249 = arith.cmpf ole, %gather3A_235, %gather3A_238 : vector<16xf32>
    %and3A_250 = arith.andi %le3A_248, %le3A_249 : vector<16xi1>
    %le3A_251 = arith.cmpf ole, %add3A_194, %gather3A_238 : vector<16xf32>
    %jit3A_252 = arith.constant 1 : i32
    %jit3A_253 = arith.constant 2 : i32
    %broadcast_in_dim3A_254 = vector.broadcast %jit3A_252 : i32 to vector<16xi32>
    %broadcast_in_dim3A_255 = vector.broadcast %jit3A_253 : i32 to vector<16xi32>
    %select_n3A_256 = arith.select %le3A_251, %broadcast_in_dim3A_254, %broadcast_in_dim3A_255 : vector<16xi1>, vector<16xi32>
    %jit3A_257 = arith.constant 0 : i32
    %broadcast_in_dim3A_258 = vector.broadcast %jit3A_257 : i32 to vector<16xi32>
    %select_n3A_259 = arith.select %and3A_250, %broadcast_in_dim3A_258, %select_n3A_256 : vector<16xi1>, vector<16xi32>
    %mul3A_260 = arith.constant 16 : i32
    %mul3A_261 = arith.muli %scan3A_196, %mul3A_260 : i32
    %add3A_262 = arith.constant 8192 : i32
    %add3A_263 = arith.addi %add3A_262, %mul3A_261 : i32
    %swap3A_264 = arith.index_cast %add3A_263 : i32 to index
    %swap3A_265 = tpu.vector_load %arg5[%swap3A_264] {strides = array<i32>} : memref<16384xi32, #tpu.memory_space<vmem>>, vector<16xi32>,
    %swap3A_266 = vector.shape_cast %swap3A_265 : vector<16xi32> to vector<16xi32>
    %swap3A_267 = vector.shape_cast %select_n3A_259 : vector<16xi32> to vector<16xi32>
    tpu.vector_store %arg5[%swap3A_264], %swap3A_267 {strides = array<i32>} : memref<16384xi32, #tpu.memory_space<vmem>>, vector<16xi32>,
    %add3A_268 = arith.addf %min3A_240, %get3A_247 : vector<16xf32>
    %scan3A_269 = arith.constant 511 : i32
    %xor3A = arith.constant 8 : i32
    %xor3A_270 = vector.broadcast %xor3A : i32 to vector<16xi32>
    %xor3A_271 = arith.xori %iota3A, %xor3A_270 : vector<16xi32>
    %broadcast_in_dim3A_272 = vector.shape_cast %xor3A_271 : vector<16xi32> to vector<16x1xi32>
    %gather3A_273 = vector.shape_cast %broadcast_in_dim3A_272 : vector<16x1xi32> to vector<16xi32>
    %gather3A_274 = tpu.dynamic_gather %add3A_232[%gather3A_273] in [0] : vector<16xf32>, vector<16xi32> -> vector<16xf32>
    %min3A_275 = arith.minimumf %add3A_232, %gather3A_274 : vector<16xf32>
    %xor3A_276 = arith.constant 4 : i32
    %xor3A_277 = vector.broadcast %xor3A_276 : i32 to vector<16xi32>
    %xor3A_278 = arith.xori %iota3A, %xor3A_277 : vector<16xi32>
    %broadcast_in_dim3A_279 = vector.shape_cast %xor3A_278 : vector<16xi32> to vector<16x1xi32>
    %gather3A_280 = vector.shape_cast %broadcast_in_dim3A_279 : vector<16x1xi32> to vector<16xi32>
    %gather3A_281 = tpu.dynamic_gather %min3A_275[%gather3A_280] in [0] : vector<16xf32>, vector<16xi32> -> vector<16xf32>
    %min3A_282 = arith.minimumf %min3A_275, %gather3A_281 : vector<16xf32>
    %xor3A_283 = arith.constant 2 : i32
    %xor3A_284 = vector.broadcast %xor3A_283 : i32 to vector<16xi32>
    %xor3A_285 = arith.xori %iota3A, %xor3A_284 : vector<16xi32>
    %broadcast_in_dim3A_286 = vector.shape_cast %xor3A_285 : vector<16xi32> to vector<16x1xi32>
    %gather3A_287 = vector.shape_cast %broadcast_in_dim3A_286 : vector<16x1xi32> to vector<16xi32>
    %gather3A_288 = tpu.dynamic_gather %min3A_282[%gather3A_287] in [0] : vector<16xf32>, vector<16xi32> -> vector<16xf32>
    %min3A_289 = arith.minimumf %min3A_282, %gather3A_288 : vector<16xf32>
    %xor3A_290 = arith.constant 1 : i32
    %xor3A_291 = vector.broadcast %xor3A_290 : i32 to vector<16xi32>
    %xor3A_292 = arith.xori %iota3A, %xor3A_291 : vector<16xi32>
    %broadcast_in_dim3A_293 = vector.shape_cast %xor3A_292 : vector<16xi32> to vector<16x1xi32>
    %gather3A_294 = vector.shape_cast %broadcast_in_dim3A_293 : vector<16x1xi32> to vector<16xi32>
    %gather3A_295 = tpu.dynamic_gather %min3A_289[%gather3A_294] in [0] : vector<16xf32>, vector<16xi32> -> vector<16xf32>
    %min3A_296 = arith.minimumf %min3A_289, %gather3A_295 : vector<16xf32>
    %eq3A = arith.cmpf oeq, %add3A_232, %min3A_296 : vector<16xf32>
    %jit3A_297 = arith.constant 16 : i32
    %broadcast_in_dim3A_298 = vector.broadcast %jit3A_297 : i32 to vector<16xi32>
    %select_n3A_299 = arith.select %eq3A, %iota3A, %broadcast_in_dim3A_298 : vector<16xi1>, vector<16xi32>
    %xor3A_300 = arith.constant 8 : i32
    %xor3A_301 = vector.broadcast %xor3A_300 : i32 to vector<16xi32>
    %xor3A_302 = arith.xori %iota3A, %xor3A_301 : vector<16xi32>
    %broadcast_in_dim3A_303 = vector.shape_cast %xor3A_302 : vector<16xi32> to vector<16x1xi32>
    %gather3A_304 = vector.shape_cast %broadcast_in_dim3A_303 : vector<16x1xi32> to vector<16xi32>
    %gather3A_305 = tpu.dynamic_gather %select_n3A_299[%gather3A_304] in [0] : vector<16xi32>, vector<16xi32> -> vector<16xi32>
    %min3A_306 = arith.minsi %select_n3A_299, %gather3A_305 : vector<16xi32>
    %xor3A_307 = arith.constant 4 : i32
    %xor3A_308 = vector.broadcast %xor3A_307 : i32 to vector<16xi32>
    %xor3A_309 = arith.xori %iota3A, %xor3A_308 : vector<16xi32>
    %broadcast_in_dim3A_310 = vector.shape_cast %xor3A_309 : vector<16xi32> to vector<16x1xi32>
    %gather3A_311 = vector.shape_cast %broadcast_in_dim3A_310 : vector<16x1xi32> to vector<16xi32>
    %gather3A_312 = tpu.dynamic_gather %min3A_306[%gather3A_311] in [0] : vector<16xi32>, vector<16xi32> -> vector<16xi32>
    %min3A_313 = arith.minsi %min3A_306, %gather3A_312 : vector<16xi32>
    %xor3A_314 = arith.constant 2 : i32
    %xor3A_315 = vector.broadcast %xor3A_314 : i32 to vector<16xi32>
    %xor3A_316 = arith.xori %iota3A, %xor3A_315 : vector<16xi32>
    %broadcast_in_dim3A_317 = vector.shape_cast %xor3A_316 : vector<16xi32> to vector<16x1xi32>
    %gather3A_318 = vector.shape_cast %broadcast_in_dim3A_317 : vector<16x1xi32> to vector<16xi32>
    %gather3A_319 = tpu.dynamic_gather %min3A_313[%gather3A_318] in [0] : vector<16xi32>, vector<16xi32> -> vector<16xi32>
    %min3A_320 = arith.minsi %min3A_313, %gather3A_319 : vector<16xi32>
    %xor3A_321 = arith.constant 1 : i32
    %xor3A_322 = vector.broadcast %xor3A_321 : i32 to vector<16xi32>
    %xor3A_323 = arith.xori %iota3A, %xor3A_322 : vector<16xi32>
    %broadcast_in_dim3A_324 = vector.shape_cast %xor3A_323 : vector<16xi32> to vector<16x1xi32>
    %gather3A_325 = vector.shape_cast %broadcast_in_dim3A_324 : vector<16x1xi32> to vector<16xi32>
    %gather3A_326 = tpu.dynamic_gather %min3A_320[%gather3A_325] in [0] : vector<16xi32>, vector<16xi32> -> vector<16xi32>
    %min3A_327 = arith.minsi %min3A_320, %gather3A_326 : vector<16xi32>
    %rem3A = arith.constant 7 : i32
    %rem3A_328 = arith.remsi %min3A_13, %rem3A : i32
    %add3A_329 = arith.constant 1 : i32
    %add3A_330 = arith.addi %rem3A_328, %add3A_329 : i32
    %mul3A_331 = arith.constant 64 : i32
    %mul3A_332 = arith.muli %mul3A_331, %add3A_330 : i32
    %sub3A_333 = arith.constant 5 : i32
    %sub3A_334 = arith.subi %mul3A_332, %sub3A_333 : i32
    %xor3A_335 = arith.constant 8 : i32
    %xor3A_336 = vector.broadcast %xor3A_335 : i32 to vector<16xi32>
    %xor3A_337 = arith.xori %iota3A, %xor3A_336 : vector<16xi32>
    %broadcast_in_dim3A_338 = vector.shape_cast %xor3A_337 : vector<16xi32> to vector<16x1xi32>
    %gather3A_339 = vector.shape_cast %broadcast_in_dim3A_338 : vector<16x1xi32> to vector<16xi32>
    %gather3A_340 = tpu.dynamic_gather %add3A_268[%gather3A_339] in [0] : vector<16xf32>, vector<16xi32> -> vector<16xf32>
    %min3A_341 = arith.minimumf %add3A_268, %gather3A_340 : vector<16xf32>
    %xor3A_342 = arith.constant 4 : i32
    %xor3A_343 = vector.broadcast %xor3A_342 : i32 to vector<16xi32>
    %xor3A_344 = arith.xori %iota3A, %xor3A_343 : vector<16xi32>
    %broadcast_in_dim3A_345 = vector.shape_cast %xor3A_344 : vector<16xi32> to vector<16x1xi32>
    %gather3A_346 = vector.shape_cast %broadcast_in_dim3A_345 : vector<16x1xi32> to vector<16xi32>
    %gather3A_347 = tpu.dynamic_gather %min3A_341[%gather3A_346] in [0] : vector<16xf32>, vector<16xi32> -> vector<16xf32>
    %min3A_348 = arith.minimumf %min3A_341, %gather3A_347 : vector<16xf32>
    %xor3A_349 = arith.constant 2 : i32
    %xor3A_350 = vector.broadcast %xor3A_349 : i32 to vector<16xi32>
    %xor3A_351 = arith.xori %iota3A, %xor3A_350 : vector<16xi32>
    %broadcast_in_dim3A_352 = vector.shape_cast %xor3A_351 : vector<16xi32> to vector<16x1xi32>
    %gather3A_353 = vector.shape_cast %broadcast_in_dim3A_352 : vector<16x1xi32> to vector<16xi32>
    %gather3A_354 = tpu.dynamic_gather %min3A_348[%gather3A_353] in [0] : vector<16xf32>, vector<16xi32> -> vector<16xf32>
    %min3A_355 = arith.minimumf %min3A_348, %gather3A_354 : vector<16xf32>
    %xor3A_356 = arith.constant 1 : i32
    %xor3A_357 = vector.broadcast %xor3A_356 : i32 to vector<16xi32>
    %xor3A_358 = arith.xori %iota3A, %xor3A_357 : vector<16xi32>
    %broadcast_in_dim3A_359 = vector.shape_cast %xor3A_358 : vector<16xi32> to vector<16x1xi32>
    %gather3A_360 = vector.shape_cast %broadcast_in_dim3A_359 : vector<16x1xi32> to vector<16xi32>
    %gather3A_361 = tpu.dynamic_gather %min3A_355[%gather3A_360] in [0] : vector<16xf32>, vector<16xi32> -> vector<16xf32>
    %min3A_362 = arith.minimumf %min3A_355, %gather3A_361 : vector<16xf32>
    %eq3A_363 = arith.cmpf oeq, %add3A_268, %min3A_362 : vector<16xf32>
    %jit3A_364 = arith.constant 16 : i32
    %broadcast_in_dim3A_365 = vector.broadcast %jit3A_364 : i32 to vector<16xi32>
    %select_n3A_366 = arith.select %eq3A_363, %iota3A, %broadcast_in_dim3A_365 : vector<16xi1>, vector<16xi32>
    %xor3A_367 = arith.constant 8 : i32
    %xor3A_368 = vector.broadcast %xor3A_367 : i32 to vector<16xi32>
    %xor3A_369 = arith.xori %iota3A, %xor3A_368 : vector<16xi32>
    %broadcast_in_dim3A_370 = vector.shape_cast %xor3A_369 : vector<16xi32> to vector<16x1xi32>
    %gather3A_371 = vector.shape_cast %broadcast_in_dim3A_370 : vector<16x1xi32> to vector<16xi32>
    %gather3A_372 = tpu.dynamic_gather %select_n3A_366[%gather3A_371] in [0] : vector<16xi32>, vector<16xi32> -> vector<16xi32>
    %min3A_373 = arith.minsi %select_n3A_366, %gather3A_372 : vector<16xi32>
    %xor3A_374 = arith.constant 4 : i32
    %xor3A_375 = vector.broadcast %xor3A_374 : i32 to vector<16xi32>
    %xor3A_376 = arith.xori %iota3A, %xor3A_375 : vector<16xi32>
    %broadcast_in_dim3A_377 = vector.shape_cast %xor3A_376 : vector<16xi32> to vector<16x1xi32>
    %gather3A_378 = vector.shape_cast %broadcast_in_dim3A_377 : vector<16x1xi32> to vector<16xi32>
    %gather3A_379 = tpu.dynamic_gather %min3A_373[%gather3A_378] in [0] : vector<16xi32>, vector<16xi32> -> vector<16xi32>
    %min3A_380 = arith.minsi %min3A_373, %gather3A_379 : vector<16xi32>
    %xor3A_381 = arith.constant 2 : i32
    %xor3A_382 = vector.broadcast %xor3A_381 : i32 to vector<16xi32>
    %xor3A_383 = arith.xori %iota3A, %xor3A_382 : vector<16xi32>
    %broadcast_in_dim3A_384 = vector.shape_cast %xor3A_383 : vector<16xi32> to vector<16x1xi32>
    %gather3A_385 = vector.shape_cast %broadcast_in_dim3A_384 : vector<16x1xi32> to vector<16xi32>
    %gather3A_386 = tpu.dynamic_gather %min3A_380[%gather3A_385] in [0] : vector<16xi32>, vector<16xi32> -> vector<16xi32>
    %min3A_387 = arith.minsi %min3A_380, %gather3A_386 : vector<16xi32>
    %xor3A_388 = arith.constant 1 : i32
    %xor3A_389 = vector.broadcast %xor3A_388 : i32 to vector<16xi32>
    %xor3A_390 = arith.xori %iota3A, %xor3A_389 : vector<16xi32>
    %broadcast_in_dim3A_391 = vector.shape_cast %xor3A_390 : vector<16xi32> to vector<16x1xi32>
    %gather3A_392 = vector.shape_cast %broadcast_in_dim3A_391 : vector<16x1xi32> to vector<16xi32>
    %gather3A_393 = tpu.dynamic_gather %min3A_387[%gather3A_392] in [0] : vector<16xi32>, vector<16xi32> -> vector<16xi32>
    %min3A_394 = arith.minsi %min3A_387, %gather3A_393 : vector<16xi32>
    %rem3A_395 = arith.constant 7 : i32
    %rem3A_396 = arith.remsi %min3A_17, %rem3A_395 : i32
    %add3A_397 = arith.constant 1 : i32
    %add3A_398 = arith.addi %rem3A_396, %add3A_397 : i32
    %mul3A_399 = arith.constant 64 : i32
    %mul3A_400 = arith.muli %mul3A_399, %add3A_398 : i32
    %sub3A_401 = arith.constant 5 : i32
    %sub3A_402 = arith.subi %mul3A_400, %sub3A_401 : i32
    %broadcast_in_dim3A_403 = arith.constant 0 : i32
    %broadcast_in_dim3A_404 = vector.broadcast %broadcast_in_dim3A_403 : i32 to vector<16xi32>
    %scan3A_405 = arith.constant 0 : i32
    %scan3A_406 = arith.constant 508 : i32
    %scan3A_407 = arith.addi %scan3A_405, %scan3A_406 : i32
    %scan3A_408 = arith.constant 4 : i32
    %scan3A_409:4 = scf.for %scan3A_617 = %scan3A_405 to %scan3A_407 step %scan3A_408 iter_args(%scan3A_618 = %min3A_327, %scan3A_619 = %min3A_394, %scan3A_620 = %broadcast_in_dim3A_404, %scan3A_621 = %broadcast_in_dim3A_404) -> (vector<16xi32>, vector<16xi32>, vector<16xi32>, vector<16xi32>)  : i32 {
      %sub3A_622 = arith.constant 511 : i32
      %sub3A_623 = arith.subi %sub3A_622, %scan3A_617 : i32
      %rem3A_624 = arith.constant 16 : i32
      %rem3A_625 = arith.remsi %sub3A_623, %rem3A_624 : i32
      %eq3A_626 = vector.broadcast %rem3A_625 : i32 to vector<16xi32>
      %eq3A_627 = arith.cmpi eq, %iota3A, %eq3A_626 : vector<16xi32>
      %add3A_628 = vector.broadcast %sub3A_334 : i32 to vector<16xi32>
      %add3A_629 = arith.addi %add3A_628, %scan3A_618 : vector<16xi32>
      %select_n3A_630 = arith.select %eq3A_627, %add3A_629, %scan3A_620 : vector<16xi1>, vector<16xi32>
      %mul3A_631 = arith.constant 16 : i32
      %mul3A_632 = arith.muli %sub3A_623, %mul3A_631 : i32
      %add3A_633 = arith.constant 0 : i32
      %add3A_634 = arith.addi %add3A_633, %mul3A_632 : i32
      %get3A_635 = arith.index_cast %add3A_634 : i32 to index
      %get3A_636 = tpu.vector_load %arg5[%get3A_635] {strides = array<i32>} : memref<16384xi32, #tpu.memory_space<vmem>>, vector<16xi32>,
      %get3A_637 = vector.shape_cast %get3A_636 : vector<16xi32> to vector<16xi32>
      %broadcast_in_dim3A_638 = vector.shape_cast %scan3A_618 : vector<16xi32> to vector<16x1xi32>
      %gather3A_639 = vector.shape_cast %broadcast_in_dim3A_638 : vector<16x1xi32> to vector<16xi32>
      %gather3A_640 = tpu.dynamic_gather %get3A_637[%gather3A_639] in [0] : vector<16xi32>, vector<16xi32> -> vector<16xi32>
      %add3A_641 = arith.addi %scan3A_618, %gather3A_640 : vector<16xi32>
      %sub3A_642 = arith.constant 1 : i32
      %sub3A_643 = vector.broadcast %sub3A_642 : i32 to vector<16xi32>
      %sub3A_644 = arith.subi %add3A_641, %sub3A_643 : vector<16xi32>
      %jit3A_645 = arith.constant 0 : i32
      %jit3A_646 = arith.constant 10 : i32
      %max3A_647 = vector.broadcast %jit3A_645 : i32 to vector<16xi32>
      %max3A_648 = arith.maxsi %max3A_647, %sub3A_644 : vector<16xi32>
      %min3A_649 = vector.broadcast %jit3A_646 : i32 to vector<16xi32>
      %min3A_650 = arith.minsi %min3A_649, %max3A_648 : vector<16xi32>
      %eq3A_651 = vector.broadcast %rem3A_625 : i32 to vector<16xi32>
      %eq3A_652 = arith.cmpi eq, %iota3A, %eq3A_651 : vector<16xi32>
      %add3A_653 = vector.broadcast %sub3A_402 : i32 to vector<16xi32>
      %add3A_654 = arith.addi %add3A_653, %scan3A_619 : vector<16xi32>
      %select_n3A_655 = arith.select %eq3A_652, %add3A_654, %scan3A_621 : vector<16xi1>, vector<16xi32>
      %mul3A_656 = arith.constant 16 : i32
      %mul3A_657 = arith.muli %sub3A_623, %mul3A_656 : i32
      %add3A_658 = arith.constant 8192 : i32
      %add3A_659 = arith.addi %add3A_658, %mul3A_657 : i32
      %get3A_660 = arith.index_cast %add3A_659 : i32 to index
      %get3A_661 = tpu.vector_load %arg5[%get3A_660] {strides = array<i32>} : memref<16384xi32, #tpu.memory_space<vmem>>, vector<16xi32>,
      %get3A_662 = vector.shape_cast %get3A_661 : vector<16xi32> to vector<16xi32>
      %broadcast_in_dim3A_663 = vector.shape_cast %scan3A_619 : vector<16xi32> to vector<16x1xi32>
      %gather3A_664 = vector.shape_cast %broadcast_in_dim3A_663 : vector<16x1xi32> to vector<16xi32>
      %gather3A_665 = tpu.dynamic_gather %get3A_662[%gather3A_664] in [0] : vector<16xi32>, vector<16xi32> -> vector<16xi32>
      %add3A_666 = arith.addi %scan3A_619, %gather3A_665 : vector<16xi32>
      %sub3A_667 = arith.constant 1 : i32
      %sub3A_668 = vector.broadcast %sub3A_667 : i32 to vector<16xi32>
      %sub3A_669 = arith.subi %add3A_666, %sub3A_668 : vector<16xi32>
      %jit3A_670 = arith.constant 0 : i32
      %jit3A_671 = arith.constant 10 : i32
      %max3A_672 = vector.broadcast %jit3A_670 : i32 to vector<16xi32>
      %max3A_673 = arith.maxsi %max3A_672, %sub3A_669 : vector<16xi32>
      %min3A_674 = vector.broadcast %jit3A_671 : i32 to vector<16xi32>
      %min3A_675 = arith.minsi %min3A_674, %max3A_673 : vector<16xi32>
      %eq3A_676 = arith.constant 0 : i32
      %eq3A_677 = arith.cmpi eq, %rem3A_625, %eq3A_676 : i32
      %convert_element_type3A_678 = arith.extui %eq3A_677 : i1 to i32
      %cond3A_679 = arith.constant 0 : i32
      %cond3A_680 = arith.cmpi ne, %convert_element_type3A_678, %cond3A_679 : i32
      scf.if %cond3A_680 {
        %add3A_864 = arith.constant 0 : i32
        %add3A_865 = arith.addi %add3A_864, %sub3A_623 : i32
        %swap3A_866 = arith.index_cast %add3A_865 : i32 to index
        %swap3A_867 = tpu.vector_load %arg6[%swap3A_866] {strides = array<i32>} : memref<1024xi32, #tpu.memory_space<vmem>>, vector<16xi32>,
        %swap3A_868 = vector.shape_cast %swap3A_867 : vector<16xi32> to vector<16xi32>
        %swap3A_869 = vector.shape_cast %select_n3A_630 : vector<16xi32> to vector<16xi32>
        tpu.vector_store %arg6[%swap3A_866], %swap3A_869 {strides = array<i32>} : memref<1024xi32, #tpu.memory_space<vmem>>, vector<16xi32>,
        %add3A_870 = arith.constant 512 : i32
        %add3A_871 = arith.addi %add3A_870, %sub3A_623 : i32
        %swap3A_872 = arith.index_cast %add3A_871 : i32 to index
        %swap3A_873 = tpu.vector_load %arg6[%swap3A_872] {strides = array<i32>} : memref<1024xi32, #tpu.memory_space<vmem>>, vector<16xi32>,
        %swap3A_874 = vector.shape_cast %swap3A_873 : vector<16xi32> to vector<16xi32>
        %swap3A_875 = vector.shape_cast %select_n3A_655 : vector<16xi32> to vector<16xi32>
        tpu.vector_store %arg6[%swap3A_872], %swap3A_875 {strides = array<i32>} : memref<1024xi32, #tpu.memory_space<vmem>>, vector<16xi32>,
      } else {
      }
      %scan3A_681 = arith.constant 1 : i32
      %scan3A_682 = arith.addi %scan3A_617, %scan3A_681 : i32
      %sub3A_683 = arith.constant 511 : i32
      %sub3A_684 = arith.subi %sub3A_683, %scan3A_682 : i32
      %rem3A_685 = arith.constant 16 : i32
      %rem3A_686 = arith.remsi %sub3A_684, %rem3A_685 : i32
      %eq3A_687 = vector.broadcast %rem3A_686 : i32 to vector<16xi32>
      %eq3A_688 = arith.cmpi eq, %iota3A, %eq3A_687 : vector<16xi32>
      %add3A_689 = vector.broadcast %sub3A_334 : i32 to vector<16xi32>
      %add3A_690 = arith.addi %add3A_689, %min3A_650 : vector<16xi32>
      %select_n3A_691 = arith.select %eq3A_688, %add3A_690, %select_n3A_630 : vector<16xi1>, vector<16xi32>
      %mul3A_692 = arith.constant 16 : i32
      %mul3A_693 = arith.muli %sub3A_684, %mul3A_692 : i32
      %add3A_694 = arith.constant 0 : i32
      %add3A_695 = arith.addi %add3A_694, %mul3A_693 : i32
      %get3A_696 = arith.index_cast %add3A_695 : i32 to index
      %get3A_697 = tpu.vector_load %arg5[%get3A_696] {strides = array<i32>} : memref<16384xi32, #tpu.memory_space<vmem>>, vector<16xi32>,
      %get3A_698 = vector.shape_cast %get3A_697 : vector<16xi32> to vector<16xi32>
      %broadcast_in_dim3A_699 = vector.shape_cast %min3A_650 : vector<16xi32> to vector<16x1xi32>
      %gather3A_700 = vector.shape_cast %broadcast_in_dim3A_699 : vector<16x1xi32> to vector<16xi32>
      %gather3A_701 = tpu.dynamic_gather %get3A_698[%gather3A_700] in [0] : vector<16xi32>, vector<16xi32> -> vector<16xi32>
      %add3A_702 = arith.addi %min3A_650, %gather3A_701 : vector<16xi32>
      %sub3A_703 = arith.constant 1 : i32
      %sub3A_704 = vector.broadcast %sub3A_703 : i32 to vector<16xi32>
      %sub3A_705 = arith.subi %add3A_702, %sub3A_704 : vector<16xi32>
      %jit3A_706 = arith.constant 0 : i32
      %jit3A_707 = arith.constant 10 : i32
      %max3A_708 = vector.broadcast %jit3A_706 : i32 to vector<16xi32>
      %max3A_709 = arith.maxsi %max3A_708, %sub3A_705 : vector<16xi32>
      %min3A_710 = vector.broadcast %jit3A_707 : i32 to vector<16xi32>
      %min3A_711 = arith.minsi %min3A_710, %max3A_709 : vector<16xi32>
      %eq3A_712 = vector.broadcast %rem3A_686 : i32 to vector<16xi32>
      %eq3A_713 = arith.cmpi eq, %iota3A, %eq3A_712 : vector<16xi32>
      %add3A_714 = vector.broadcast %sub3A_402 : i32 to vector<16xi32>
      %add3A_715 = arith.addi %add3A_714, %min3A_675 : vector<16xi32>
      %select_n3A_716 = arith.select %eq3A_713, %add3A_715, %select_n3A_655 : vector<16xi1>, vector<16xi32>
      %mul3A_717 = arith.constant 16 : i32
      %mul3A_718 = arith.muli %sub3A_684, %mul3A_717 : i32
      %add3A_719 = arith.constant 8192 : i32
      %add3A_720 = arith.addi %add3A_719, %mul3A_718 : i32
      %get3A_721 = arith.index_cast %add3A_720 : i32 to index
      %get3A_722 = tpu.vector_load %arg5[%get3A_721] {strides = array<i32>} : memref<16384xi32, #tpu.memory_space<vmem>>, vector<16xi32>,
      %get3A_723 = vector.shape_cast %get3A_722 : vector<16xi32> to vector<16xi32>
      %broadcast_in_dim3A_724 = vector.shape_cast %min3A_675 : vector<16xi32> to vector<16x1xi32>
      %gather3A_725 = vector.shape_cast %broadcast_in_dim3A_724 : vector<16x1xi32> to vector<16xi32>
      %gather3A_726 = tpu.dynamic_gather %get3A_723[%gather3A_725] in [0] : vector<16xi32>, vector<16xi32> -> vector<16xi32>
      %add3A_727 = arith.addi %min3A_675, %gather3A_726 : vector<16xi32>
      %sub3A_728 = arith.constant 1 : i32
      %sub3A_729 = vector.broadcast %sub3A_728 : i32 to vector<16xi32>
      %sub3A_730 = arith.subi %add3A_727, %sub3A_729 : vector<16xi32>
      %jit3A_731 = arith.constant 0 : i32
      %jit3A_732 = arith.constant 10 : i32
      %max3A_733 = vector.broadcast %jit3A_731 : i32 to vector<16xi32>
      %max3A_734 = arith.maxsi %max3A_733, %sub3A_730 : vector<16xi32>
      %min3A_735 = vector.broadcast %jit3A_732 : i32 to vector<16xi32>
      %min3A_736 = arith.minsi %min3A_735, %max3A_734 : vector<16xi32>
      %eq3A_737 = arith.constant 0 : i32
      %eq3A_738 = arith.cmpi eq, %rem3A_686, %eq3A_737 : i32
      %convert_element_type3A_739 = arith.extui %eq3A_738 : i1 to i32
      %cond3A_740 = arith.constant 0 : i32
      %cond3A_741 = arith.cmpi ne, %convert_element_type3A_739, %cond3A_740 : i32
      scf.if %cond3A_741 {
        %add3A_864 = arith.constant 0 : i32
        %add3A_865 = arith.addi %add3A_864, %sub3A_684 : i32
        %swap3A_866 = arith.index_cast %add3A_865 : i32 to index
        %swap3A_867 = tpu.vector_load %arg6[%swap3A_866] {strides = array<i32>} : memref<1024xi32, #tpu.memory_space<vmem>>, vector<16xi32>,
        %swap3A_868 = vector.shape_cast %swap3A_867 : vector<16xi32> to vector<16xi32>
        %swap3A_869 = vector.shape_cast %select_n3A_691 : vector<16xi32> to vector<16xi32>
        tpu.vector_store %arg6[%swap3A_866], %swap3A_869 {strides = array<i32>} : memref<1024xi32, #tpu.memory_space<vmem>>, vector<16xi32>,
        %add3A_870 = arith.constant 512 : i32
        %add3A_871 = arith.addi %add3A_870, %sub3A_684 : i32
        %swap3A_872 = arith.index_cast %add3A_871 : i32 to index
        %swap3A_873 = tpu.vector_load %arg6[%swap3A_872] {strides = array<i32>} : memref<1024xi32, #tpu.memory_space<vmem>>, vector<16xi32>,
        %swap3A_874 = vector.shape_cast %swap3A_873 : vector<16xi32> to vector<16xi32>
        %swap3A_875 = vector.shape_cast %select_n3A_716 : vector<16xi32> to vector<16xi32>
        tpu.vector_store %arg6[%swap3A_872], %swap3A_875 {strides = array<i32>} : memref<1024xi32, #tpu.memory_space<vmem>>, vector<16xi32>,
      } else {
      }
      %scan3A_742 = arith.constant 2 : i32
      %scan3A_743 = arith.addi %scan3A_617, %scan3A_742 : i32
      %sub3A_744 = arith.constant 511 : i32
      %sub3A_745 = arith.subi %sub3A_744, %scan3A_743 : i32
      %rem3A_746 = arith.constant 16 : i32
      %rem3A_747 = arith.remsi %sub3A_745, %rem3A_746 : i32
      %eq3A_748 = vector.broadcast %rem3A_747 : i32 to vector<16xi32>
      %eq3A_749 = arith.cmpi eq, %iota3A, %eq3A_748 : vector<16xi32>
      %add3A_750 = vector.broadcast %sub3A_334 : i32 to vector<16xi32>
      %add3A_751 = arith.addi %add3A_750, %min3A_711 : vector<16xi32>
      %select_n3A_752 = arith.select %eq3A_749, %add3A_751, %select_n3A_691 : vector<16xi1>, vector<16xi32>
      %mul3A_753 = arith.constant 16 : i32
      %mul3A_754 = arith.muli %sub3A_745, %mul3A_753 : i32
      %add3A_755 = arith.constant 0 : i32
      %add3A_756 = arith.addi %add3A_755, %mul3A_754 : i32
      %get3A_757 = arith.index_cast %add3A_756 : i32 to index
      %get3A_758 = tpu.vector_load %arg5[%get3A_757] {strides = array<i32>} : memref<16384xi32, #tpu.memory_space<vmem>>, vector<16xi32>,
      %get3A_759 = vector.shape_cast %get3A_758 : vector<16xi32> to vector<16xi32>
      %broadcast_in_dim3A_760 = vector.shape_cast %min3A_711 : vector<16xi32> to vector<16x1xi32>
      %gather3A_761 = vector.shape_cast %broadcast_in_dim3A_760 : vector<16x1xi32> to vector<16xi32>
      %gather3A_762 = tpu.dynamic_gather %get3A_759[%gather3A_761] in [0] : vector<16xi32>, vector<16xi32> -> vector<16xi32>
      %add3A_763 = arith.addi %min3A_711, %gather3A_762 : vector<16xi32>
      %sub3A_764 = arith.constant 1 : i32
      %sub3A_765 = vector.broadcast %sub3A_764 : i32 to vector<16xi32>
      %sub3A_766 = arith.subi %add3A_763, %sub3A_765 : vector<16xi32>
      %jit3A_767 = arith.constant 0 : i32
      %jit3A_768 = arith.constant 10 : i32
      %max3A_769 = vector.broadcast %jit3A_767 : i32 to vector<16xi32>
      %max3A_770 = arith.maxsi %max3A_769, %sub3A_766 : vector<16xi32>
      %min3A_771 = vector.broadcast %jit3A_768 : i32 to vector<16xi32>
      %min3A_772 = arith.minsi %min3A_771, %max3A_770 : vector<16xi32>
      %eq3A_773 = vector.broadcast %rem3A_747 : i32 to vector<16xi32>
      %eq3A_774 = arith.cmpi eq, %iota3A, %eq3A_773 : vector<16xi32>
      %add3A_775 = vector.broadcast %sub3A_402 : i32 to vector<16xi32>
      %add3A_776 = arith.addi %add3A_775, %min3A_736 : vector<16xi32>
      %select_n3A_777 = arith.select %eq3A_774, %add3A_776, %select_n3A_716 : vector<16xi1>, vector<16xi32>
      %mul3A_778 = arith.constant 16 : i32
      %mul3A_779 = arith.muli %sub3A_745, %mul3A_778 : i32
      %add3A_780 = arith.constant 8192 : i32
      %add3A_781 = arith.addi %add3A_780, %mul3A_779 : i32
      %get3A_782 = arith.index_cast %add3A_781 : i32 to index
      %get3A_783 = tpu.vector_load %arg5[%get3A_782] {strides = array<i32>} : memref<16384xi32, #tpu.memory_space<vmem>>, vector<16xi32>,
      %get3A_784 = vector.shape_cast %get3A_783 : vector<16xi32> to vector<16xi32>
      %broadcast_in_dim3A_785 = vector.shape_cast %min3A_736 : vector<16xi32> to vector<16x1xi32>
      %gather3A_786 = vector.shape_cast %broadcast_in_dim3A_785 : vector<16x1xi32> to vector<16xi32>
      %gather3A_787 = tpu.dynamic_gather %get3A_784[%gather3A_786] in [0] : vector<16xi32>, vector<16xi32> -> vector<16xi32>
      %add3A_788 = arith.addi %min3A_736, %gather3A_787 : vector<16xi32>
      %sub3A_789 = arith.constant 1 : i32
      %sub3A_790 = vector.broadcast %sub3A_789 : i32 to vector<16xi32>
      %sub3A_791 = arith.subi %add3A_788, %sub3A_790 : vector<16xi32>
      %jit3A_792 = arith.constant 0 : i32
      %jit3A_793 = arith.constant 10 : i32
      %max3A_794 = vector.broadcast %jit3A_792 : i32 to vector<16xi32>
      %max3A_795 = arith.maxsi %max3A_794, %sub3A_791 : vector<16xi32>
      %min3A_796 = vector.broadcast %jit3A_793 : i32 to vector<16xi32>
      %min3A_797 = arith.minsi %min3A_796, %max3A_795 : vector<16xi32>
      %eq3A_798 = arith.constant 0 : i32
      %eq3A_799 = arith.cmpi eq, %rem3A_747, %eq3A_798 : i32
      %convert_element_type3A_800 = arith.extui %eq3A_799 : i1 to i32
      %cond3A_801 = arith.constant 0 : i32
      %cond3A_802 = arith.cmpi ne, %convert_element_type3A_800, %cond3A_801 : i32
      scf.if %cond3A_802 {
        %add3A_864 = arith.constant 0 : i32
        %add3A_865 = arith.addi %add3A_864, %sub3A_745 : i32
        %swap3A_866 = arith.index_cast %add3A_865 : i32 to index
        %swap3A_867 = tpu.vector_load %arg6[%swap3A_866] {strides = array<i32>} : memref<1024xi32, #tpu.memory_space<vmem>>, vector<16xi32>,
        %swap3A_868 = vector.shape_cast %swap3A_867 : vector<16xi32> to vector<16xi32>
        %swap3A_869 = vector.shape_cast %select_n3A_752 : vector<16xi32> to vector<16xi32>
        tpu.vector_store %arg6[%swap3A_866], %swap3A_869 {strides = array<i32>} : memref<1024xi32, #tpu.memory_space<vmem>>, vector<16xi32>,
        %add3A_870 = arith.constant 512 : i32
        %add3A_871 = arith.addi %add3A_870, %sub3A_745 : i32
        %swap3A_872 = arith.index_cast %add3A_871 : i32 to index
        %swap3A_873 = tpu.vector_load %arg6[%swap3A_872] {strides = array<i32>} : memref<1024xi32, #tpu.memory_space<vmem>>, vector<16xi32>,
        %swap3A_874 = vector.shape_cast %swap3A_873 : vector<16xi32> to vector<16xi32>
        %swap3A_875 = vector.shape_cast %select_n3A_777 : vector<16xi32> to vector<16xi32>
        tpu.vector_store %arg6[%swap3A_872], %swap3A_875 {strides = array<i32>} : memref<1024xi32, #tpu.memory_space<vmem>>, vector<16xi32>,
      } else {
      }
      %scan3A_803 = arith.constant 3 : i32
      %scan3A_804 = arith.addi %scan3A_617, %scan3A_803 : i32
      %sub3A_805 = arith.constant 511 : i32
      %sub3A_806 = arith.subi %sub3A_805, %scan3A_804 : i32
      %rem3A_807 = arith.constant 16 : i32
      %rem3A_808 = arith.remsi %sub3A_806, %rem3A_807 : i32
      %eq3A_809 = vector.broadcast %rem3A_808 : i32 to vector<16xi32>
      %eq3A_810 = arith.cmpi eq, %iota3A, %eq3A_809 : vector<16xi32>
      %add3A_811 = vector.broadcast %sub3A_334 : i32 to vector<16xi32>
      %add3A_812 = arith.addi %add3A_811, %min3A_772 : vector<16xi32>
      %select_n3A_813 = arith.select %eq3A_810, %add3A_812, %select_n3A_752 : vector<16xi1>, vector<16xi32>
      %mul3A_814 = arith.constant 16 : i32
      %mul3A_815 = arith.muli %sub3A_806, %mul3A_814 : i32
      %add3A_816 = arith.constant 0 : i32
      %add3A_817 = arith.addi %add3A_816, %mul3A_815 : i32
      %get3A_818 = arith.index_cast %add3A_817 : i32 to index
      %get3A_819 = tpu.vector_load %arg5[%get3A_818] {strides = array<i32>} : memref<16384xi32, #tpu.memory_space<vmem>>, vector<16xi32>,
      %get3A_820 = vector.shape_cast %get3A_819 : vector<16xi32> to vector<16xi32>
      %broadcast_in_dim3A_821 = vector.shape_cast %min3A_772 : vector<16xi32> to vector<16x1xi32>
      %gather3A_822 = vector.shape_cast %broadcast_in_dim3A_821 : vector<16x1xi32> to vector<16xi32>
      %gather3A_823 = tpu.dynamic_gather %get3A_820[%gather3A_822] in [0] : vector<16xi32>, vector<16xi32> -> vector<16xi32>
      %add3A_824 = arith.addi %min3A_772, %gather3A_823 : vector<16xi32>
      %sub3A_825 = arith.constant 1 : i32
      %sub3A_826 = vector.broadcast %sub3A_825 : i32 to vector<16xi32>
      %sub3A_827 = arith.subi %add3A_824, %sub3A_826 : vector<16xi32>
      %jit3A_828 = arith.constant 0 : i32
      %jit3A_829 = arith.constant 10 : i32
      %max3A_830 = vector.broadcast %jit3A_828 : i32 to vector<16xi32>
      %max3A_831 = arith.maxsi %max3A_830, %sub3A_827 : vector<16xi32>
      %min3A_832 = vector.broadcast %jit3A_829 : i32 to vector<16xi32>
      %min3A_833 = arith.minsi %min3A_832, %max3A_831 : vector<16xi32>
      %eq3A_834 = vector.broadcast %rem3A_808 : i32 to vector<16xi32>
      %eq3A_835 = arith.cmpi eq, %iota3A, %eq3A_834 : vector<16xi32>
      %add3A_836 = vector.broadcast %sub3A_402 : i32 to vector<16xi32>
      %add3A_837 = arith.addi %add3A_836, %min3A_797 : vector<16xi32>
      %select_n3A_838 = arith.select %eq3A_835, %add3A_837, %select_n3A_777 : vector<16xi1>, vector<16xi32>
      %mul3A_839 = arith.constant 16 : i32
      %mul3A_840 = arith.muli %sub3A_806, %mul3A_839 : i32
      %add3A_841 = arith.constant 8192 : i32
      %add3A_842 = arith.addi %add3A_841, %mul3A_840 : i32
      %get3A_843 = arith.index_cast %add3A_842 : i32 to index
      %get3A_844 = tpu.vector_load %arg5[%get3A_843] {strides = array<i32>} : memref<16384xi32, #tpu.memory_space<vmem>>, vector<16xi32>,
      %get3A_845 = vector.shape_cast %get3A_844 : vector<16xi32> to vector<16xi32>
      %broadcast_in_dim3A_846 = vector.shape_cast %min3A_797 : vector<16xi32> to vector<16x1xi32>
      %gather3A_847 = vector.shape_cast %broadcast_in_dim3A_846 : vector<16x1xi32> to vector<16xi32>
      %gather3A_848 = tpu.dynamic_gather %get3A_845[%gather3A_847] in [0] : vector<16xi32>, vector<16xi32> -> vector<16xi32>
      %add3A_849 = arith.addi %min3A_797, %gather3A_848 : vector<16xi32>
      %sub3A_850 = arith.constant 1 : i32
      %sub3A_851 = vector.broadcast %sub3A_850 : i32 to vector<16xi32>
      %sub3A_852 = arith.subi %add3A_849, %sub3A_851 : vector<16xi32>
      %jit3A_853 = arith.constant 0 : i32
      %jit3A_854 = arith.constant 10 : i32
      %max3A_855 = vector.broadcast %jit3A_853 : i32 to vector<16xi32>
      %max3A_856 = arith.maxsi %max3A_855, %sub3A_852 : vector<16xi32>
      %min3A_857 = vector.broadcast %jit3A_854 : i32 to vector<16xi32>
      %min3A_858 = arith.minsi %min3A_857, %max3A_856 : vector<16xi32>
      %eq3A_859 = arith.constant 0 : i32
      %eq3A_860 = arith.cmpi eq, %rem3A_808, %eq3A_859 : i32
      %convert_element_type3A_861 = arith.extui %eq3A_860 : i1 to i32
      %cond3A_862 = arith.constant 0 : i32
      %cond3A_863 = arith.cmpi ne, %convert_element_type3A_861, %cond3A_862 : i32
      scf.if %cond3A_863 {
        %add3A_864 = arith.constant 0 : i32
        %add3A_865 = arith.addi %add3A_864, %sub3A_806 : i32
        %swap3A_866 = arith.index_cast %add3A_865 : i32 to index
        %swap3A_867 = tpu.vector_load %arg6[%swap3A_866] {strides = array<i32>} : memref<1024xi32, #tpu.memory_space<vmem>>, vector<16xi32>,
        %swap3A_868 = vector.shape_cast %swap3A_867 : vector<16xi32> to vector<16xi32>
        %swap3A_869 = vector.shape_cast %select_n3A_813 : vector<16xi32> to vector<16xi32>
        tpu.vector_store %arg6[%swap3A_866], %swap3A_869 {strides = array<i32>} : memref<1024xi32, #tpu.memory_space<vmem>>, vector<16xi32>,
        %add3A_870 = arith.constant 512 : i32
        %add3A_871 = arith.addi %add3A_870, %sub3A_806 : i32
        %swap3A_872 = arith.index_cast %add3A_871 : i32 to index
        %swap3A_873 = tpu.vector_load %arg6[%swap3A_872] {strides = array<i32>} : memref<1024xi32, #tpu.memory_space<vmem>>, vector<16xi32>,
        %swap3A_874 = vector.shape_cast %swap3A_873 : vector<16xi32> to vector<16xi32>
        %swap3A_875 = vector.shape_cast %select_n3A_838 : vector<16xi32> to vector<16xi32>
        tpu.vector_store %arg6[%swap3A_872], %swap3A_875 {strides = array<i32>} : memref<1024xi32, #tpu.memory_space<vmem>>, vector<16xi32>,
      } else {
      }
      scf.yield %min3A_833, %min3A_858, %select_n3A_813, %select_n3A_838 : vector<16xi32>, vector<16xi32>, vector<16xi32>, vector<16xi32>
    }
    %scan3A_410 = arith.constant 508 : i32
    %scan3A_411 = arith.addi %scan3A_405, %scan3A_410 : i32
    %sub3A_412 = arith.constant 511 : i32
    %sub3A_413 = arith.subi %sub3A_412, %scan3A_411 : i32
    %rem3A_414 = arith.constant 16 : i32
    %rem3A_415 = arith.remsi %sub3A_413, %rem3A_414 : i32
    %eq3A_416 = vector.broadcast %rem3A_415 : i32 to vector<16xi32>
    %eq3A_417 = arith.cmpi eq, %iota3A, %eq3A_416 : vector<16xi32>
    %add3A_418 = vector.broadcast %sub3A_334 : i32 to vector<16xi32>
    %add3A_419 = arith.addi %add3A_418, %scan3A_409#0 : vector<16xi32>
    %select_n3A_420 = arith.select %eq3A_417, %add3A_419, %scan3A_409#2 : vector<16xi1>, vector<16xi32>
    %mul3A_421 = arith.constant 16 : i32
    %mul3A_422 = arith.muli %sub3A_413, %mul3A_421 : i32
    %add3A_423 = arith.constant 0 : i32
    %add3A_424 = arith.addi %add3A_423, %mul3A_422 : i32
    %get3A_425 = arith.index_cast %add3A_424 : i32 to index
    %get3A_426 = tpu.vector_load %arg5[%get3A_425] {strides = array<i32>} : memref<16384xi32, #tpu.memory_space<vmem>>, vector<16xi32>,
    %get3A_427 = vector.shape_cast %get3A_426 : vector<16xi32> to vector<16xi32>
    %broadcast_in_dim3A_428 = vector.shape_cast %scan3A_409#0 : vector<16xi32> to vector<16x1xi32>
    %gather3A_429 = vector.shape_cast %broadcast_in_dim3A_428 : vector<16x1xi32> to vector<16xi32>
    %gather3A_430 = tpu.dynamic_gather %get3A_427[%gather3A_429] in [0] : vector<16xi32>, vector<16xi32> -> vector<16xi32>
    %add3A_431 = arith.addi %scan3A_409#0, %gather3A_430 : vector<16xi32>
    %sub3A_432 = arith.constant 1 : i32
    %sub3A_433 = vector.broadcast %sub3A_432 : i32 to vector<16xi32>
    %sub3A_434 = arith.subi %add3A_431, %sub3A_433 : vector<16xi32>
    %jit3A_435 = arith.constant 0 : i32
    %jit3A_436 = arith.constant 10 : i32
    %max3A_437 = vector.broadcast %jit3A_435 : i32 to vector<16xi32>
    %max3A_438 = arith.maxsi %max3A_437, %sub3A_434 : vector<16xi32>
    %min3A_439 = vector.broadcast %jit3A_436 : i32 to vector<16xi32>
    %min3A_440 = arith.minsi %min3A_439, %max3A_438 : vector<16xi32>
    %eq3A_441 = vector.broadcast %rem3A_415 : i32 to vector<16xi32>
    %eq3A_442 = arith.cmpi eq, %iota3A, %eq3A_441 : vector<16xi32>
    %add3A_443 = vector.broadcast %sub3A_402 : i32 to vector<16xi32>
    %add3A_444 = arith.addi %add3A_443, %scan3A_409#1 : vector<16xi32>
    %select_n3A_445 = arith.select %eq3A_442, %add3A_444, %scan3A_409#3 : vector<16xi1>, vector<16xi32>
    %mul3A_446 = arith.constant 16 : i32
    %mul3A_447 = arith.muli %sub3A_413, %mul3A_446 : i32
    %add3A_448 = arith.constant 8192 : i32
    %add3A_449 = arith.addi %add3A_448, %mul3A_447 : i32
    %get3A_450 = arith.index_cast %add3A_449 : i32 to index
    %get3A_451 = tpu.vector_load %arg5[%get3A_450] {strides = array<i32>} : memref<16384xi32, #tpu.memory_space<vmem>>, vector<16xi32>,
    %get3A_452 = vector.shape_cast %get3A_451 : vector<16xi32> to vector<16xi32>
    %broadcast_in_dim3A_453 = vector.shape_cast %scan3A_409#1 : vector<16xi32> to vector<16x1xi32>
    %gather3A_454 = vector.shape_cast %broadcast_in_dim3A_453 : vector<16x1xi32> to vector<16xi32>
    %gather3A_455 = tpu.dynamic_gather %get3A_452[%gather3A_454] in [0] : vector<16xi32>, vector<16xi32> -> vector<16xi32>
    %add3A_456 = arith.addi %scan3A_409#1, %gather3A_455 : vector<16xi32>
    %sub3A_457 = arith.constant 1 : i32
    %sub3A_458 = vector.broadcast %sub3A_457 : i32 to vector<16xi32>
    %sub3A_459 = arith.subi %add3A_456, %sub3A_458 : vector<16xi32>
    %jit3A_460 = arith.constant 0 : i32
    %jit3A_461 = arith.constant 10 : i32
    %max3A_462 = vector.broadcast %jit3A_460 : i32 to vector<16xi32>
    %max3A_463 = arith.maxsi %max3A_462, %sub3A_459 : vector<16xi32>
    %min3A_464 = vector.broadcast %jit3A_461 : i32 to vector<16xi32>
    %min3A_465 = arith.minsi %min3A_464, %max3A_463 : vector<16xi32>
    %eq3A_466 = arith.constant 0 : i32
    %eq3A_467 = arith.cmpi eq, %rem3A_415, %eq3A_466 : i32
    %convert_element_type3A = arith.extui %eq3A_467 : i1 to i32
    %cond3A = arith.constant 0 : i32
    %cond3A_468 = arith.cmpi ne, %convert_element_type3A, %cond3A : i32
    scf.if %cond3A_468 {
      %add3A_617 = arith.constant 0 : i32
      %add3A_618 = arith.addi %add3A_617, %sub3A_413 : i32
      %swap3A_619 = arith.index_cast %add3A_618 : i32 to index
      %swap3A_620 = tpu.vector_load %arg6[%swap3A_619] {strides = array<i32>} : memref<1024xi32, #tpu.memory_space<vmem>>, vector<16xi32>,
      %swap3A_621 = vector.shape_cast %swap3A_620 : vector<16xi32> to vector<16xi32>
      %swap3A_622 = vector.shape_cast %select_n3A_420 : vector<16xi32> to vector<16xi32>
      tpu.vector_store %arg6[%swap3A_619], %swap3A_622 {strides = array<i32>} : memref<1024xi32, #tpu.memory_space<vmem>>, vector<16xi32>,
      %add3A_623 = arith.constant 512 : i32
      %add3A_624 = arith.addi %add3A_623, %sub3A_413 : i32
      %swap3A_625 = arith.index_cast %add3A_624 : i32 to index
      %swap3A_626 = tpu.vector_load %arg6[%swap3A_625] {strides = array<i32>} : memref<1024xi32, #tpu.memory_space<vmem>>, vector<16xi32>,
      %swap3A_627 = vector.shape_cast %swap3A_626 : vector<16xi32> to vector<16xi32>
      %swap3A_628 = vector.shape_cast %select_n3A_445 : vector<16xi32> to vector<16xi32>
      tpu.vector_store %arg6[%swap3A_625], %swap3A_628 {strides = array<i32>} : memref<1024xi32, #tpu.memory_space<vmem>>, vector<16xi32>,
    } else {
    }
    %scan3A_469 = arith.constant 509 : i32
    %scan3A_470 = arith.addi %scan3A_405, %scan3A_469 : i32
    %sub3A_471 = arith.constant 511 : i32
    %sub3A_472 = arith.subi %sub3A_471, %scan3A_470 : i32
    %rem3A_473 = arith.constant 16 : i32
    %rem3A_474 = arith.remsi %sub3A_472, %rem3A_473 : i32
    %eq3A_475 = vector.broadcast %rem3A_474 : i32 to vector<16xi32>
    %eq3A_476 = arith.cmpi eq, %iota3A, %eq3A_475 : vector<16xi32>
    %add3A_477 = vector.broadcast %sub3A_334 : i32 to vector<16xi32>
    %add3A_478 = arith.addi %add3A_477, %min3A_440 : vector<16xi32>
    %select_n3A_479 = arith.select %eq3A_476, %add3A_478, %select_n3A_420 : vector<16xi1>, vector<16xi32>
    %mul3A_480 = arith.constant 16 : i32
    %mul3A_481 = arith.muli %sub3A_472, %mul3A_480 : i32
    %add3A_482 = arith.constant 0 : i32
    %add3A_483 = arith.addi %add3A_482, %mul3A_481 : i32
    %get3A_484 = arith.index_cast %add3A_483 : i32 to index
    %get3A_485 = tpu.vector_load %arg5[%get3A_484] {strides = array<i32>} : memref<16384xi32, #tpu.memory_space<vmem>>, vector<16xi32>,
    %get3A_486 = vector.shape_cast %get3A_485 : vector<16xi32> to vector<16xi32>
    %broadcast_in_dim3A_487 = vector.shape_cast %min3A_440 : vector<16xi32> to vector<16x1xi32>
    %gather3A_488 = vector.shape_cast %broadcast_in_dim3A_487 : vector<16x1xi32> to vector<16xi32>
    %gather3A_489 = tpu.dynamic_gather %get3A_486[%gather3A_488] in [0] : vector<16xi32>, vector<16xi32> -> vector<16xi32>
    %add3A_490 = arith.addi %min3A_440, %gather3A_489 : vector<16xi32>
    %sub3A_491 = arith.constant 1 : i32
    %sub3A_492 = vector.broadcast %sub3A_491 : i32 to vector<16xi32>
    %sub3A_493 = arith.subi %add3A_490, %sub3A_492 : vector<16xi32>
    %jit3A_494 = arith.constant 0 : i32
    %jit3A_495 = arith.constant 10 : i32
    %max3A_496 = vector.broadcast %jit3A_494 : i32 to vector<16xi32>
    %max3A_497 = arith.maxsi %max3A_496, %sub3A_493 : vector<16xi32>
    %min3A_498 = vector.broadcast %jit3A_495 : i32 to vector<16xi32>
    %min3A_499 = arith.minsi %min3A_498, %max3A_497 : vector<16xi32>
    %eq3A_500 = vector.broadcast %rem3A_474 : i32 to vector<16xi32>
    %eq3A_501 = arith.cmpi eq, %iota3A, %eq3A_500 : vector<16xi32>
    %add3A_502 = vector.broadcast %sub3A_402 : i32 to vector<16xi32>
    %add3A_503 = arith.addi %add3A_502, %min3A_465 : vector<16xi32>
    %select_n3A_504 = arith.select %eq3A_501, %add3A_503, %select_n3A_445 : vector<16xi1>, vector<16xi32>
    %mul3A_505 = arith.constant 16 : i32
    %mul3A_506 = arith.muli %sub3A_472, %mul3A_505 : i32
    %add3A_507 = arith.constant 8192 : i32
    %add3A_508 = arith.addi %add3A_507, %mul3A_506 : i32
    %get3A_509 = arith.index_cast %add3A_508 : i32 to index
    %get3A_510 = tpu.vector_load %arg5[%get3A_509] {strides = array<i32>} : memref<16384xi32, #tpu.memory_space<vmem>>, vector<16xi32>,
    %get3A_511 = vector.shape_cast %get3A_510 : vector<16xi32> to vector<16xi32>
    %broadcast_in_dim3A_512 = vector.shape_cast %min3A_465 : vector<16xi32> to vector<16x1xi32>
    %gather3A_513 = vector.shape_cast %broadcast_in_dim3A_512 : vector<16x1xi32> to vector<16xi32>
    %gather3A_514 = tpu.dynamic_gather %get3A_511[%gather3A_513] in [0] : vector<16xi32>, vector<16xi32> -> vector<16xi32>
    %add3A_515 = arith.addi %min3A_465, %gather3A_514 : vector<16xi32>
    %sub3A_516 = arith.constant 1 : i32
    %sub3A_517 = vector.broadcast %sub3A_516 : i32 to vector<16xi32>
    %sub3A_518 = arith.subi %add3A_515, %sub3A_517 : vector<16xi32>
    %jit3A_519 = arith.constant 0 : i32
    %jit3A_520 = arith.constant 10 : i32
    %max3A_521 = vector.broadcast %jit3A_519 : i32 to vector<16xi32>
    %max3A_522 = arith.maxsi %max3A_521, %sub3A_518 : vector<16xi32>
    %min3A_523 = vector.broadcast %jit3A_520 : i32 to vector<16xi32>
    %min3A_524 = arith.minsi %min3A_523, %max3A_522 : vector<16xi32>
    %eq3A_525 = arith.constant 0 : i32
    %eq3A_526 = arith.cmpi eq, %rem3A_474, %eq3A_525 : i32
    %convert_element_type3A_527 = arith.extui %eq3A_526 : i1 to i32
    %cond3A_528 = arith.constant 0 : i32
    %cond3A_529 = arith.cmpi ne, %convert_element_type3A_527, %cond3A_528 : i32
    scf.if %cond3A_529 {
      %add3A_617 = arith.constant 0 : i32
      %add3A_618 = arith.addi %add3A_617, %sub3A_472 : i32
      %swap3A_619 = arith.index_cast %add3A_618 : i32 to index
      %swap3A_620 = tpu.vector_load %arg6[%swap3A_619] {strides = array<i32>} : memref<1024xi32, #tpu.memory_space<vmem>>, vector<16xi32>,
      %swap3A_621 = vector.shape_cast %swap3A_620 : vector<16xi32> to vector<16xi32>
      %swap3A_622 = vector.shape_cast %select_n3A_479 : vector<16xi32> to vector<16xi32>
      tpu.vector_store %arg6[%swap3A_619], %swap3A_622 {strides = array<i32>} : memref<1024xi32, #tpu.memory_space<vmem>>, vector<16xi32>,
      %add3A_623 = arith.constant 512 : i32
      %add3A_624 = arith.addi %add3A_623, %sub3A_472 : i32
      %swap3A_625 = arith.index_cast %add3A_624 : i32 to index
      %swap3A_626 = tpu.vector_load %arg6[%swap3A_625] {strides = array<i32>} : memref<1024xi32, #tpu.memory_space<vmem>>, vector<16xi32>,
      %swap3A_627 = vector.shape_cast %swap3A_626 : vector<16xi32> to vector<16xi32>
      %swap3A_628 = vector.shape_cast %select_n3A_504 : vector<16xi32> to vector<16xi32>
      tpu.vector_store %arg6[%swap3A_625], %swap3A_628 {strides = array<i32>} : memref<1024xi32, #tpu.memory_space<vmem>>, vector<16xi32>,
    } else {
    }
    %scan3A_530 = arith.constant 510 : i32
    %scan3A_531 = arith.addi %scan3A_405, %scan3A_530 : i32
    %sub3A_532 = arith.constant 511 : i32
    %sub3A_533 = arith.subi %sub3A_532, %scan3A_531 : i32
    %rem3A_534 = arith.constant 16 : i32
    %rem3A_535 = arith.remsi %sub3A_533, %rem3A_534 : i32
    %eq3A_536 = vector.broadcast %rem3A_535 : i32 to vector<16xi32>
    %eq3A_537 = arith.cmpi eq, %iota3A, %eq3A_536 : vector<16xi32>
    %add3A_538 = vector.broadcast %sub3A_334 : i32 to vector<16xi32>
    %add3A_539 = arith.addi %add3A_538, %min3A_499 : vector<16xi32>
    %select_n3A_540 = arith.select %eq3A_537, %add3A_539, %select_n3A_479 : vector<16xi1>, vector<16xi32>
    %mul3A_541 = arith.constant 16 : i32
    %mul3A_542 = arith.muli %sub3A_533, %mul3A_541 : i32
    %add3A_543 = arith.constant 0 : i32
    %add3A_544 = arith.addi %add3A_543, %mul3A_542 : i32
    %get3A_545 = arith.index_cast %add3A_544 : i32 to index
    %get3A_546 = tpu.vector_load %arg5[%get3A_545] {strides = array<i32>} : memref<16384xi32, #tpu.memory_space<vmem>>, vector<16xi32>,
    %get3A_547 = vector.shape_cast %get3A_546 : vector<16xi32> to vector<16xi32>
    %broadcast_in_dim3A_548 = vector.shape_cast %min3A_499 : vector<16xi32> to vector<16x1xi32>
    %gather3A_549 = vector.shape_cast %broadcast_in_dim3A_548 : vector<16x1xi32> to vector<16xi32>
    %gather3A_550 = tpu.dynamic_gather %get3A_547[%gather3A_549] in [0] : vector<16xi32>, vector<16xi32> -> vector<16xi32>
    %add3A_551 = arith.addi %min3A_499, %gather3A_550 : vector<16xi32>
    %sub3A_552 = arith.constant 1 : i32
    %sub3A_553 = vector.broadcast %sub3A_552 : i32 to vector<16xi32>
    %sub3A_554 = arith.subi %add3A_551, %sub3A_553 : vector<16xi32>
    %jit3A_555 = arith.constant 0 : i32
    %jit3A_556 = arith.constant 10 : i32
    %max3A_557 = vector.broadcast %jit3A_555 : i32 to vector<16xi32>
    %max3A_558 = arith.maxsi %max3A_557, %sub3A_554 : vector<16xi32>
    %min3A_559 = vector.broadcast %jit3A_556 : i32 to vector<16xi32>
    %min3A_560 = arith.minsi %min3A_559, %max3A_558 : vector<16xi32>
    %eq3A_561 = vector.broadcast %rem3A_535 : i32 to vector<16xi32>
    %eq3A_562 = arith.cmpi eq, %iota3A, %eq3A_561 : vector<16xi32>
    %add3A_563 = vector.broadcast %sub3A_402 : i32 to vector<16xi32>
    %add3A_564 = arith.addi %add3A_563, %min3A_524 : vector<16xi32>
    %select_n3A_565 = arith.select %eq3A_562, %add3A_564, %select_n3A_504 : vector<16xi1>, vector<16xi32>
    %mul3A_566 = arith.constant 16 : i32
    %mul3A_567 = arith.muli %sub3A_533, %mul3A_566 : i32
    %add3A_568 = arith.constant 8192 : i32
    %add3A_569 = arith.addi %add3A_568, %mul3A_567 : i32
    %get3A_570 = arith.index_cast %add3A_569 : i32 to index
    %get3A_571 = tpu.vector_load %arg5[%get3A_570] {strides = array<i32>} : memref<16384xi32, #tpu.memory_space<vmem>>, vector<16xi32>,
    %get3A_572 = vector.shape_cast %get3A_571 : vector<16xi32> to vector<16xi32>
    %broadcast_in_dim3A_573 = vector.shape_cast %min3A_524 : vector<16xi32> to vector<16x1xi32>
    %gather3A_574 = vector.shape_cast %broadcast_in_dim3A_573 : vector<16x1xi32> to vector<16xi32>
    %gather3A_575 = tpu.dynamic_gather %get3A_572[%gather3A_574] in [0] : vector<16xi32>, vector<16xi32> -> vector<16xi32>
    %add3A_576 = arith.addi %min3A_524, %gather3A_575 : vector<16xi32>
    %sub3A_577 = arith.constant 1 : i32
    %sub3A_578 = vector.broadcast %sub3A_577 : i32 to vector<16xi32>
    %sub3A_579 = arith.subi %add3A_576, %sub3A_578 : vector<16xi32>
    %jit3A_580 = arith.constant 0 : i32
    %jit3A_581 = arith.constant 10 : i32
    %max3A_582 = vector.broadcast %jit3A_580 : i32 to vector<16xi32>
    %max3A_583 = arith.maxsi %max3A_582, %sub3A_579 : vector<16xi32>
    %min3A_584 = vector.broadcast %jit3A_581 : i32 to vector<16xi32>
    %min3A_585 = arith.minsi %min3A_584, %max3A_583 : vector<16xi32>
    %eq3A_586 = arith.constant 0 : i32
    %eq3A_587 = arith.cmpi eq, %rem3A_535, %eq3A_586 : i32
    %convert_element_type3A_588 = arith.extui %eq3A_587 : i1 to i32
    %cond3A_589 = arith.constant 0 : i32
    %cond3A_590 = arith.cmpi ne, %convert_element_type3A_588, %cond3A_589 : i32
    scf.if %cond3A_590 {
      %add3A_617 = arith.constant 0 : i32
      %add3A_618 = arith.addi %add3A_617, %sub3A_533 : i32
      %swap3A_619 = arith.index_cast %add3A_618 : i32 to index
      %swap3A_620 = tpu.vector_load %arg6[%swap3A_619] {strides = array<i32>} : memref<1024xi32, #tpu.memory_space<vmem>>, vector<16xi32>,
      %swap3A_621 = vector.shape_cast %swap3A_620 : vector<16xi32> to vector<16xi32>
      %swap3A_622 = vector.shape_cast %select_n3A_540 : vector<16xi32> to vector<16xi32>
      tpu.vector_store %arg6[%swap3A_619], %swap3A_622 {strides = array<i32>} : memref<1024xi32, #tpu.memory_space<vmem>>, vector<16xi32>,
      %add3A_623 = arith.constant 512 : i32
      %add3A_624 = arith.addi %add3A_623, %sub3A_533 : i32
      %swap3A_625 = arith.index_cast %add3A_624 : i32 to index
      %swap3A_626 = tpu.vector_load %arg6[%swap3A_625] {strides = array<i32>} : memref<1024xi32, #tpu.memory_space<vmem>>, vector<16xi32>,
      %swap3A_627 = vector.shape_cast %swap3A_626 : vector<16xi32> to vector<16xi32>
      %swap3A_628 = vector.shape_cast %select_n3A_565 : vector<16xi32> to vector<16xi32>
      tpu.vector_store %arg6[%swap3A_625], %swap3A_628 {strides = array<i32>} : memref<1024xi32, #tpu.memory_space<vmem>>, vector<16xi32>,
    } else {
    }
    %scan3A_591 = arith.constant 511 : i32
    %eq3A_592 = arith.constant 0 : i32
    %eq3A_593 = vector.broadcast %eq3A_592 : i32 to vector<16xi32>
    %eq3A_594 = arith.cmpi eq, %iota3A, %eq3A_593 : vector<16xi32>
    %add3A_595 = vector.broadcast %sub3A_334 : i32 to vector<16xi32>
    %add3A_596 = arith.addi %add3A_595, %min3A_560 : vector<16xi32>
    %select_n3A_597 = arith.select %eq3A_594, %add3A_596, %select_n3A_540 : vector<16xi1>, vector<16xi32>
    %swap3A_598 = arith.constant 0 : index
    %swap3A_599 = tpu.vector_load %arg6[%swap3A_598] {strides = array<i32>} : memref<1024xi32, #tpu.memory_space<vmem>>, vector<16xi32>,
    %swap3A_600 = vector.shape_cast %swap3A_599 : vector<16xi32> to vector<16xi32>
    %swap3A_601 = vector.shape_cast %select_n3A_597 : vector<16xi32> to vector<16xi32>
    tpu.vector_store %arg6[%swap3A_598], %swap3A_601 {strides = array<i32>} : memref<1024xi32, #tpu.memory_space<vmem>>, vector<16xi32>,
    %eq3A_602 = arith.constant 0 : i32
    %eq3A_603 = vector.broadcast %eq3A_602 : i32 to vector<16xi32>
    %eq3A_604 = arith.cmpi eq, %iota3A, %eq3A_603 : vector<16xi32>
    %add3A_605 = vector.broadcast %sub3A_402 : i32 to vector<16xi32>
    %add3A_606 = arith.addi %add3A_605, %min3A_585 : vector<16xi32>
    %select_n3A_607 = arith.select %eq3A_604, %add3A_606, %select_n3A_565 : vector<16xi1>, vector<16xi32>
    %swap3A_608 = arith.constant 512 : index
    %swap3A_609 = tpu.vector_load %arg6[%swap3A_608] {strides = array<i32>} : memref<1024xi32, #tpu.memory_space<vmem>>, vector<16xi32>,
    %swap3A_610 = vector.shape_cast %swap3A_609 : vector<16xi32> to vector<16xi32>
    %swap3A_611 = vector.shape_cast %select_n3A_607 : vector<16xi32> to vector<16xi32>
    tpu.vector_store %arg6[%swap3A_608], %swap3A_611 {strides = array<i32>} : memref<1024xi32, #tpu.memory_space<vmem>>, vector<16xi32>,
    %mul3A_612 = arith.constant 512 : i32
    %mul3A_613 = arith.muli %min3A_13, %mul3A_612 : i32
    "tpu.region"() ({
      %run_scoped3A = tpu.sem_alloc : memref<!tpu.dma_semaphore, #tpu.memory_space<semaphore_mem>>
      %dma_start3A_617 = arith.constant 0 : i32
      %dma_start3A_618 = tpu.memref_slice %arg6[%dma_start3A_617] : memref<1024xi32, #tpu.memory_space<vmem>> -> memref<512xi32, #tpu.memory_space<vmem>>
      %dma_start3A_619 = tpu.memref_slice %arg3[%mul3A_613] : memref<28672xi32, #tpu.memory_space<hbm>> -> memref<512xi32, #tpu.memory_space<hbm>>
      %dma_start3A_620 = tpu.memref_slice %arg3[%mul3A_613] : memref<28672xi32, #tpu.memory_space<hbm>> -> memref<512xi32, #tpu.memory_space<hbm>>
      %dma_start3A_621 = arith.constant 0 : i32
      %dma_start3A_622 = tpu.memref_slice %arg6[%dma_start3A_621] : memref<1024xi32, #tpu.memory_space<vmem>> -> memref<512xi32, #tpu.memory_space<vmem>>
      tpu.enqueue_dma source(%dma_start3A_622 : memref<512xi32, #tpu.memory_space<vmem>>) target(%dma_start3A_620 : memref<512xi32, #tpu.memory_space<hbm>>) target_semaphore(%run_scoped3A : memref<!tpu.dma_semaphore, #tpu.memory_space<semaphore_mem>>)
      %dma_wait3A_623 = arith.constant 0 : i32
      %dma_wait3A_624 = tpu.memref_slice %arg6[%dma_wait3A_623] : memref<1024xi32, #tpu.memory_space<vmem>> -> memref<512xi32, #tpu.memory_space<vmem>>
      %dma_wait3A_625 = tpu.memref_slice %arg3[%mul3A_613] : memref<28672xi32, #tpu.memory_space<hbm>> -> memref<512xi32, #tpu.memory_space<hbm>>
      %dma_wait3A_626 = tpu.memref_slice %arg3[%mul3A_613] : memref<28672xi32, #tpu.memory_space<hbm>> -> memref<512xi32, #tpu.memory_space<hbm>>
      %dma_wait3A_627 = arith.constant 0 : i32
      %dma_wait3A_628 = tpu.memref_slice %arg6[%dma_wait3A_627] : memref<1024xi32, #tpu.memory_space<vmem>> -> memref<512xi32, #tpu.memory_space<vmem>>
      tpu.wait_dma2 semaphore(%run_scoped3A : memref<!tpu.dma_semaphore, #tpu.memory_space<semaphore_mem>>) src(%dma_wait3A_628 : memref<512xi32, #tpu.memory_space<vmem>>) dst(%dma_wait3A_626 : memref<512xi32, #tpu.memory_space<hbm>>)
      tpu.yield
    }) : () -> ()
    %convert_element_type3A_614 = arith.extui %lt3A_18 : i1 to i32
    %cond3A_615 = arith.constant 0 : i32
    %cond3A_616 = arith.cmpi ne, %convert_element_type3A_614, %cond3A_615 : i32
    scf.if %cond3A_616 {
      %mul3A_617 = arith.constant 512 : i32
      %mul3A_618 = arith.muli %min3A_17, %mul3A_617 : i32
      "tpu.region"() ({
        %run_scoped3A = tpu.sem_alloc : memref<!tpu.dma_semaphore, #tpu.memory_space<semaphore_mem>>
        %dma_start3A_619 = arith.constant 512 : i32
        %dma_start3A_620 = tpu.memref_slice %arg6[%dma_start3A_619] : memref<1024xi32, #tpu.memory_space<vmem>> -> memref<512xi32, #tpu.memory_space<vmem>>
        %dma_start3A_621 = tpu.memref_slice %arg3[%mul3A_618] : memref<28672xi32, #tpu.memory_space<hbm>> -> memref<512xi32, #tpu.memory_space<hbm>>
        %dma_start3A_622 = tpu.memref_slice %arg3[%mul3A_618] : memref<28672xi32, #tpu.memory_space<hbm>> -> memref<512xi32, #tpu.memory_space<hbm>>
        %dma_start3A_623 = arith.constant 512 : i32
        %dma_start3A_624 = tpu.memref_slice %arg6[%dma_start3A_623] : memref<1024xi32, #tpu.memory_space<vmem>> -> memref<512xi32, #tpu.memory_space<vmem>>
        tpu.enqueue_dma source(%dma_start3A_624 : memref<512xi32, #tpu.memory_space<vmem>>) target(%dma_start3A_622 : memref<512xi32, #tpu.memory_space<hbm>>) target_semaphore(%run_scoped3A : memref<!tpu.dma_semaphore, #tpu.memory_space<semaphore_mem>>)
        %dma_wait3A_625 = arith.constant 512 : i32
        %dma_wait3A_626 = tpu.memref_slice %arg6[%dma_wait3A_625] : memref<1024xi32, #tpu.memory_space<vmem>> -> memref<512xi32, #tpu.memory_space<vmem>>
        %dma_wait3A_627 = tpu.memref_slice %arg3[%mul3A_618] : memref<28672xi32, #tpu.memory_space<hbm>> -> memref<512xi32, #tpu.memory_space<hbm>>
        %dma_wait3A_628 = tpu.memref_slice %arg3[%mul3A_618] : memref<28672xi32, #tpu.memory_space<hbm>> -> memref<512xi32, #tpu.memory_space<hbm>>
        %dma_wait3A_629 = arith.constant 512 : i32
        %dma_wait3A_630 = tpu.memref_slice %arg6[%dma_wait3A_629] : memref<1024xi32, #tpu.memory_space<vmem>> -> memref<512xi32, #tpu.memory_space<vmem>>
        tpu.wait_dma2 semaphore(%run_scoped3A : memref<!tpu.dma_semaphore, #tpu.memory_space<semaphore_mem>>) src(%dma_wait3A_630 : memref<512xi32, #tpu.memory_space<vmem>>) dst(%dma_wait3A_628 : memref<512xi32, #tpu.memory_space<hbm>>)
        tpu.yield
      }) : () -> ()
    } else {
    }
    return
  }
}

module attributes {stable_mosaic.version = 14 : i64} {
  func.func @_bands_body(%arg0: i32, %arg1: memref<1x3x512x512xf32, #tpu.memory_space<vmem>>, %arg2: memref<1x2x7x512x16xf32, #tpu.memory_space<vmem>>) attributes {dimension_semantics = [#tpu.dimension_semantics<arbitrary>], iteration_bounds = array<i64: 4>, scalar_prefetch = 0 : i64, scratch_operands = 0 : i64, tpu.core_type = #tpu.core_type<tc>, window_params = [{transform_indices = @transform_0, window_bounds = array<i64: 1, 3, 512, 512>}, {transform_indices = @transform_1, window_bounds = array<i64: 1, 2, 7, 512, 16>}]} {
    %get3A = arith.constant 0 : index
    %get3A_0 = arith.constant 0 : index
    %get3A_1 = arith.constant 0 : index
    %get3A_2 = arith.constant 0 : index
    %get3A_3 = vector.load %arg1[%get3A, %get3A_0, %get3A_1, %get3A_2] : memref<1x3x512x512xf32, #tpu.memory_space<vmem>>, vector<1x3x512x512xf32>
    %get3A_4 = vector.shape_cast %get3A_3 : vector<1x3x512x512xf32> to vector<3x512x512xf32>
    %slice3A = vector.extract_strided_slice %get3A_4 {offsets = [0, 0, 0], sizes = [1, 512, 512], strides = [1, 1, 1]} : vector<3x512x512xf32> to vector<1x512x512xf32>
    %squeeze3A = vector.shape_cast %slice3A : vector<1x512x512xf32> to vector<512x512xf32>
    %mul3A = arith.constant 2.989000e-01 : f32
    %mul3A_5 = vector.broadcast %mul3A : f32 to vector<512x512xf32>
    %mul3A_6 = arith.mulf %squeeze3A, %mul3A_5 : vector<512x512xf32>
    %slice3A_7 = vector.extract_strided_slice %get3A_4 {offsets = [1, 0, 0], sizes = [1, 512, 512], strides = [1, 1, 1]} : vector<3x512x512xf32> to vector<1x512x512xf32>
    %squeeze3A_8 = vector.shape_cast %slice3A_7 : vector<1x512x512xf32> to vector<512x512xf32>
    %mul3A_9 = arith.constant 5.870000e-01 : f32
    %mul3A_10 = vector.broadcast %mul3A_9 : f32 to vector<512x512xf32>
    %mul3A_11 = arith.mulf %squeeze3A_8, %mul3A_10 : vector<512x512xf32>
    %add3A = arith.addf %mul3A_6, %mul3A_11 : vector<512x512xf32>
    %slice3A_12 = vector.extract_strided_slice %get3A_4 {offsets = [2, 0, 0], sizes = [1, 512, 512], strides = [1, 1, 1]} : vector<3x512x512xf32> to vector<1x512x512xf32>
    %squeeze3A_13 = vector.shape_cast %slice3A_12 : vector<1x512x512xf32> to vector<512x512xf32>
    %mul3A_14 = arith.constant 1.140000e-01 : f32
    %mul3A_15 = vector.broadcast %mul3A_14 : f32 to vector<512x512xf32>
    %mul3A_16 = arith.mulf %squeeze3A_13, %mul3A_15 : vector<512x512xf32>
    %add3A_17 = arith.addf %add3A, %mul3A_16 : vector<512x512xf32>
    %broadcast_in_dim3A = arith.constant 0.000000e+00 : f32
    %broadcast_in_dim3A_18 = vector.broadcast %broadcast_in_dim3A : f32 to vector<512x1xf32>
    %broadcast_in_dim3A_19 = arith.constant 0.000000e+00 : f32
    %broadcast_in_dim3A_20 = vector.broadcast %broadcast_in_dim3A_19 : f32 to vector<1x514xf32>
    %concatenate3A = tpu.concatenate %broadcast_in_dim3A_18, %add3A_17, %broadcast_in_dim3A_18 in 1 : vector<512x1xf32>, vector<512x512xf32>, vector<512x1xf32> -> vector<512x514xf32>
    %concatenate3A_21 = tpu.concatenate %broadcast_in_dim3A_20, %concatenate3A, %broadcast_in_dim3A_20 in 0 : vector<1x514xf32>, vector<512x514xf32>, vector<1x514xf32> -> vector<514x514xf32>
    %slice3A_22 = vector.extract_strided_slice %concatenate3A_21 {offsets = [0, 2], sizes = [512, 512], strides = [1, 1]} : vector<514x514xf32> to vector<512x512xf32>
    %slice3A_23 = vector.extract_strided_slice %concatenate3A_21 {offsets = [1, 2], sizes = [512, 512], strides = [1, 1]} : vector<514x514xf32> to vector<512x512xf32>
    %mul3A_24 = arith.constant 2.000000e+00 : f32
    %mul3A_25 = vector.broadcast %mul3A_24 : f32 to vector<512x512xf32>
    %mul3A_26 = arith.mulf %mul3A_25, %slice3A_23 : vector<512x512xf32>
    %add3A_27 = arith.addf %slice3A_22, %mul3A_26 : vector<512x512xf32>
    %slice3A_28 = vector.extract_strided_slice %concatenate3A_21 {offsets = [2, 2], sizes = [512, 512], strides = [1, 1]} : vector<514x514xf32> to vector<512x512xf32>
    %add3A_29 = arith.addf %add3A_27, %slice3A_28 : vector<512x512xf32>
    %slice3A_30 = vector.extract_strided_slice %concatenate3A_21 {offsets = [0, 0], sizes = [512, 512], strides = [1, 1]} : vector<514x514xf32> to vector<512x512xf32>
    %slice3A_31 = vector.extract_strided_slice %concatenate3A_21 {offsets = [1, 0], sizes = [512, 512], strides = [1, 1]} : vector<514x514xf32> to vector<512x512xf32>
    %mul3A_32 = arith.constant 2.000000e+00 : f32
    %mul3A_33 = vector.broadcast %mul3A_32 : f32 to vector<512x512xf32>
    %mul3A_34 = arith.mulf %mul3A_33, %slice3A_31 : vector<512x512xf32>
    %add3A_35 = arith.addf %slice3A_30, %mul3A_34 : vector<512x512xf32>
    %slice3A_36 = vector.extract_strided_slice %concatenate3A_21 {offsets = [2, 0], sizes = [512, 512], strides = [1, 1]} : vector<514x514xf32> to vector<512x512xf32>
    %add3A_37 = arith.addf %add3A_35, %slice3A_36 : vector<512x512xf32>
    %sub3A = arith.subf %add3A_29, %add3A_37 : vector<512x512xf32>
    %slice3A_38 = vector.extract_strided_slice %concatenate3A_21 {offsets = [2, 0], sizes = [512, 512], strides = [1, 1]} : vector<514x514xf32> to vector<512x512xf32>
    %slice3A_39 = vector.extract_strided_slice %concatenate3A_21 {offsets = [2, 1], sizes = [512, 512], strides = [1, 1]} : vector<514x514xf32> to vector<512x512xf32>
    %mul3A_40 = arith.constant 2.000000e+00 : f32
    %mul3A_41 = vector.broadcast %mul3A_40 : f32 to vector<512x512xf32>
    %mul3A_42 = arith.mulf %mul3A_41, %slice3A_39 : vector<512x512xf32>
    %add3A_43 = arith.addf %slice3A_38, %mul3A_42 : vector<512x512xf32>
    %slice3A_44 = vector.extract_strided_slice %concatenate3A_21 {offsets = [2, 2], sizes = [512, 512], strides = [1, 1]} : vector<514x514xf32> to vector<512x512xf32>
    %add3A_45 = arith.addf %add3A_43, %slice3A_44 : vector<512x512xf32>
    %slice3A_46 = vector.extract_strided_slice %concatenate3A_21 {offsets = [0, 0], sizes = [512, 512], strides = [1, 1]} : vector<514x514xf32> to vector<512x512xf32>
    %slice3A_47 = vector.extract_strided_slice %concatenate3A_21 {offsets = [0, 1], sizes = [512, 512], strides = [1, 1]} : vector<514x514xf32> to vector<512x512xf32>
    %mul3A_48 = arith.constant 2.000000e+00 : f32
    %mul3A_49 = vector.broadcast %mul3A_48 : f32 to vector<512x512xf32>
    %mul3A_50 = arith.mulf %mul3A_49, %slice3A_47 : vector<512x512xf32>
    %add3A_51 = arith.addf %slice3A_46, %mul3A_50 : vector<512x512xf32>
    %slice3A_52 = vector.extract_strided_slice %concatenate3A_21 {offsets = [0, 2], sizes = [512, 512], strides = [1, 1]} : vector<514x514xf32> to vector<512x512xf32>
    %add3A_53 = arith.addf %add3A_51, %slice3A_52 : vector<512x512xf32>
    %sub3A_54 = arith.subf %add3A_45, %add3A_53 : vector<512x512xf32>
    %mul3A_55 = arith.mulf %sub3A, %sub3A : vector<512x512xf32>
    %mul3A_56 = arith.mulf %sub3A_54, %sub3A_54 : vector<512x512xf32>
    %add3A_57 = arith.addf %mul3A_55, %mul3A_56 : vector<512x512xf32>
    %add3A_58 = arith.constant 9.99999993E-9 : f32
    %add3A_59 = vector.broadcast %add3A_58 : f32 to vector<512x512xf32>
    %add3A_60 = arith.addf %add3A_57, %add3A_59 : vector<512x512xf32>
    %sqrt3A = math.sqrt %add3A_60 : vector<512x512xf32>
    %neg3A = arith.constant 0.000000e+00 : f32
    %neg3A_61 = vector.broadcast %neg3A : f32 to vector<512x512xf32>
    %neg3A_62 = arith.subf %neg3A_61, %sqrt3A : vector<512x512xf32>
    %broadcast_in_dim3A_63 = arith.constant 3.000000e+08 : f32
    %broadcast_in_dim3A_64 = vector.broadcast %broadcast_in_dim3A_63 : f32 to vector<512x5xf32>
    %iota3A = tpu.iota {dimensions = array<i32: 1>} : vector<512x16xi32>
    %slice3A_65 = vector.extract_strided_slice %neg3A_62 {offsets = [0, 59], sizes = [512, 11], strides = [1, 1]} : vector<512x512xf32> to vector<512x11xf32>
    %concatenate3A_66 = tpu.concatenate %slice3A_65, %broadcast_in_dim3A_64 in 1 : vector<512x11xf32>, vector<512x5xf32> -> vector<512x16xf32>
    %slice3A_67 = vector.extract_strided_slice %neg3A_62 {offsets = [59, 0], sizes = [16, 512], strides = [1, 1]} : vector<512x512xf32> to vector<16x512xf32>
    %transpose3A = tpu.transpose %slice3A_67, [1, 0] : vector<16x512xf32> -> vector<512x16xf32>
    %lt3A = arith.constant 11 : i32
    %lt3A_68 = vector.broadcast %lt3A : i32 to vector<512x16xi32>
    %lt3A_69 = arith.cmpi slt, %iota3A, %lt3A_68 : vector<512x16xi32>
    %jit3A = arith.constant 3.000000e+08 : f32
    %broadcast_in_dim3A_70 = vector.broadcast %jit3A : f32 to vector<512x16xf32>
    %select_n3A = arith.select %lt3A_69, %transpose3A, %broadcast_in_dim3A_70 : vector<512x16xi1>, vector<512x16xf32>
    %slice3A_71 = vector.extract_strided_slice %neg3A_62 {offsets = [0, 123], sizes = [512, 11], strides = [1, 1]} : vector<512x512xf32> to vector<512x11xf32>
    %concatenate3A_72 = tpu.concatenate %slice3A_71, %broadcast_in_dim3A_64 in 1 : vector<512x11xf32>, vector<512x5xf32> -> vector<512x16xf32>
    %slice3A_73 = vector.extract_strided_slice %neg3A_62 {offsets = [123, 0], sizes = [16, 512], strides = [1, 1]} : vector<512x512xf32> to vector<16x512xf32>
    %transpose3A_74 = tpu.transpose %slice3A_73, [1, 0] : vector<16x512xf32> -> vector<512x16xf32>
    %lt3A_75 = arith.constant 11 : i32
    %lt3A_76 = vector.broadcast %lt3A_75 : i32 to vector<512x16xi32>
    %lt3A_77 = arith.cmpi slt, %iota3A, %lt3A_76 : vector<512x16xi32>
    %jit3A_78 = arith.constant 3.000000e+08 : f32
    %broadcast_in_dim3A_79 = vector.broadcast %jit3A_78 : f32 to vector<512x16xf32>
    %select_n3A_80 = arith.select %lt3A_77, %transpose3A_74, %broadcast_in_dim3A_79 : vector<512x16xi1>, vector<512x16xf32>
    %slice3A_81 = vector.extract_strided_slice %neg3A_62 {offsets = [0, 187], sizes = [512, 11], strides = [1, 1]} : vector<512x512xf32> to vector<512x11xf32>
    %concatenate3A_82 = tpu.concatenate %slice3A_81, %broadcast_in_dim3A_64 in 1 : vector<512x11xf32>, vector<512x5xf32> -> vector<512x16xf32>
    %slice3A_83 = vector.extract_strided_slice %neg3A_62 {offsets = [187, 0], sizes = [16, 512], strides = [1, 1]} : vector<512x512xf32> to vector<16x512xf32>
    %transpose3A_84 = tpu.transpose %slice3A_83, [1, 0] : vector<16x512xf32> -> vector<512x16xf32>
    %lt3A_85 = arith.constant 11 : i32
    %lt3A_86 = vector.broadcast %lt3A_85 : i32 to vector<512x16xi32>
    %lt3A_87 = arith.cmpi slt, %iota3A, %lt3A_86 : vector<512x16xi32>
    %jit3A_88 = arith.constant 3.000000e+08 : f32
    %broadcast_in_dim3A_89 = vector.broadcast %jit3A_88 : f32 to vector<512x16xf32>
    %select_n3A_90 = arith.select %lt3A_87, %transpose3A_84, %broadcast_in_dim3A_89 : vector<512x16xi1>, vector<512x16xf32>
    %slice3A_91 = vector.extract_strided_slice %neg3A_62 {offsets = [0, 251], sizes = [512, 11], strides = [1, 1]} : vector<512x512xf32> to vector<512x11xf32>
    %concatenate3A_92 = tpu.concatenate %slice3A_91, %broadcast_in_dim3A_64 in 1 : vector<512x11xf32>, vector<512x5xf32> -> vector<512x16xf32>
    %slice3A_93 = vector.extract_strided_slice %neg3A_62 {offsets = [251, 0], sizes = [16, 512], strides = [1, 1]} : vector<512x512xf32> to vector<16x512xf32>
    %transpose3A_94 = tpu.transpose %slice3A_93, [1, 0] : vector<16x512xf32> -> vector<512x16xf32>
    %lt3A_95 = arith.constant 11 : i32
    %lt3A_96 = vector.broadcast %lt3A_95 : i32 to vector<512x16xi32>
    %lt3A_97 = arith.cmpi slt, %iota3A, %lt3A_96 : vector<512x16xi32>
    %jit3A_98 = arith.constant 3.000000e+08 : f32
    %broadcast_in_dim3A_99 = vector.broadcast %jit3A_98 : f32 to vector<512x16xf32>
    %select_n3A_100 = arith.select %lt3A_97, %transpose3A_94, %broadcast_in_dim3A_99 : vector<512x16xi1>, vector<512x16xf32>
    %slice3A_101 = vector.extract_strided_slice %neg3A_62 {offsets = [0, 315], sizes = [512, 11], strides = [1, 1]} : vector<512x512xf32> to vector<512x11xf32>
    %concatenate3A_102 = tpu.concatenate %slice3A_101, %broadcast_in_dim3A_64 in 1 : vector<512x11xf32>, vector<512x5xf32> -> vector<512x16xf32>
    %slice3A_103 = vector.extract_strided_slice %neg3A_62 {offsets = [315, 0], sizes = [16, 512], strides = [1, 1]} : vector<512x512xf32> to vector<16x512xf32>
    %transpose3A_104 = tpu.transpose %slice3A_103, [1, 0] : vector<16x512xf32> -> vector<512x16xf32>
    %lt3A_105 = arith.constant 11 : i32
    %lt3A_106 = vector.broadcast %lt3A_105 : i32 to vector<512x16xi32>
    %lt3A_107 = arith.cmpi slt, %iota3A, %lt3A_106 : vector<512x16xi32>
    %jit3A_108 = arith.constant 3.000000e+08 : f32
    %broadcast_in_dim3A_109 = vector.broadcast %jit3A_108 : f32 to vector<512x16xf32>
    %select_n3A_110 = arith.select %lt3A_107, %transpose3A_104, %broadcast_in_dim3A_109 : vector<512x16xi1>, vector<512x16xf32>
    %slice3A_111 = vector.extract_strided_slice %neg3A_62 {offsets = [0, 379], sizes = [512, 11], strides = [1, 1]} : vector<512x512xf32> to vector<512x11xf32>
    %concatenate3A_112 = tpu.concatenate %slice3A_111, %broadcast_in_dim3A_64 in 1 : vector<512x11xf32>, vector<512x5xf32> -> vector<512x16xf32>
    %slice3A_113 = vector.extract_strided_slice %neg3A_62 {offsets = [379, 0], sizes = [16, 512], strides = [1, 1]} : vector<512x512xf32> to vector<16x512xf32>
    %transpose3A_114 = tpu.transpose %slice3A_113, [1, 0] : vector<16x512xf32> -> vector<512x16xf32>
    %lt3A_115 = arith.constant 11 : i32
    %lt3A_116 = vector.broadcast %lt3A_115 : i32 to vector<512x16xi32>
    %lt3A_117 = arith.cmpi slt, %iota3A, %lt3A_116 : vector<512x16xi32>
    %jit3A_118 = arith.constant 3.000000e+08 : f32
    %broadcast_in_dim3A_119 = vector.broadcast %jit3A_118 : f32 to vector<512x16xf32>
    %select_n3A_120 = arith.select %lt3A_117, %transpose3A_114, %broadcast_in_dim3A_119 : vector<512x16xi1>, vector<512x16xf32>
    %slice3A_121 = vector.extract_strided_slice %neg3A_62 {offsets = [0, 443], sizes = [512, 11], strides = [1, 1]} : vector<512x512xf32> to vector<512x11xf32>
    %concatenate3A_122 = tpu.concatenate %slice3A_121, %broadcast_in_dim3A_64 in 1 : vector<512x11xf32>, vector<512x5xf32> -> vector<512x16xf32>
    %slice3A_123 = vector.extract_strided_slice %neg3A_62 {offsets = [443, 0], sizes = [16, 512], strides = [1, 1]} : vector<512x512xf32> to vector<16x512xf32>
    %transpose3A_124 = tpu.transpose %slice3A_123, [1, 0] : vector<16x512xf32> -> vector<512x16xf32>
    %lt3A_125 = arith.constant 11 : i32
    %lt3A_126 = vector.broadcast %lt3A_125 : i32 to vector<512x16xi32>
    %lt3A_127 = arith.cmpi slt, %iota3A, %lt3A_126 : vector<512x16xi32>
    %jit3A_128 = arith.constant 3.000000e+08 : f32
    %broadcast_in_dim3A_129 = vector.broadcast %jit3A_128 : f32 to vector<512x16xf32>
    %select_n3A_130 = arith.select %lt3A_127, %transpose3A_124, %broadcast_in_dim3A_129 : vector<512x16xi1>, vector<512x16xf32>
    %stack3A = vector.shape_cast %concatenate3A_66 : vector<512x16xf32> to vector<1x512x16xf32>
    %stack3A_131 = vector.shape_cast %concatenate3A_72 : vector<512x16xf32> to vector<1x512x16xf32>
    %stack3A_132 = vector.shape_cast %concatenate3A_82 : vector<512x16xf32> to vector<1x512x16xf32>
    %stack3A_133 = vector.shape_cast %concatenate3A_92 : vector<512x16xf32> to vector<1x512x16xf32>
    %stack3A_134 = vector.shape_cast %concatenate3A_102 : vector<512x16xf32> to vector<1x512x16xf32>
    %stack3A_135 = vector.shape_cast %concatenate3A_112 : vector<512x16xf32> to vector<1x512x16xf32>
    %stack3A_136 = vector.shape_cast %concatenate3A_122 : vector<512x16xf32> to vector<1x512x16xf32>
    %stack3A_137 = tpu.concatenate %stack3A, %stack3A_131, %stack3A_132, %stack3A_133, %stack3A_134, %stack3A_135, %stack3A_136 in 0 : vector<1x512x16xf32>, vector<1x512x16xf32>, vector<1x512x16xf32>, vector<1x512x16xf32>, vector<1x512x16xf32>, vector<1x512x16xf32>, vector<1x512x16xf32> -> vector<7x512x16xf32>
    %stack3A_138 = vector.shape_cast %select_n3A : vector<512x16xf32> to vector<1x512x16xf32>
    %stack3A_139 = vector.shape_cast %select_n3A_80 : vector<512x16xf32> to vector<1x512x16xf32>
    %stack3A_140 = vector.shape_cast %select_n3A_90 : vector<512x16xf32> to vector<1x512x16xf32>
    %stack3A_141 = vector.shape_cast %select_n3A_100 : vector<512x16xf32> to vector<1x512x16xf32>
    %stack3A_142 = vector.shape_cast %select_n3A_110 : vector<512x16xf32> to vector<1x512x16xf32>
    %stack3A_143 = vector.shape_cast %select_n3A_120 : vector<512x16xf32> to vector<1x512x16xf32>
    %stack3A_144 = vector.shape_cast %select_n3A_130 : vector<512x16xf32> to vector<1x512x16xf32>
    %stack3A_145 = tpu.concatenate %stack3A_138, %stack3A_139, %stack3A_140, %stack3A_141, %stack3A_142, %stack3A_143, %stack3A_144 in 0 : vector<1x512x16xf32>, vector<1x512x16xf32>, vector<1x512x16xf32>, vector<1x512x16xf32>, vector<1x512x16xf32>, vector<1x512x16xf32>, vector<1x512x16xf32> -> vector<7x512x16xf32>
    %stack3A_146 = vector.shape_cast %stack3A_137 : vector<7x512x16xf32> to vector<1x7x512x16xf32>
    %stack3A_147 = vector.shape_cast %stack3A_145 : vector<7x512x16xf32> to vector<1x7x512x16xf32>
    %stack3A_148 = tpu.concatenate %stack3A_146, %stack3A_147 in 0 : vector<1x7x512x16xf32>, vector<1x7x512x16xf32> -> vector<2x7x512x16xf32>
    %swap3A = arith.constant 0 : index
    %swap3A_149 = arith.constant 0 : index
    %swap3A_150 = arith.constant 0 : index
    %swap3A_151 = arith.constant 0 : index
    %swap3A_152 = arith.constant 0 : index
    %swap3A_153 = vector.load %arg2[%swap3A, %swap3A_149, %swap3A_150, %swap3A_151, %swap3A_152] : memref<1x2x7x512x16xf32, #tpu.memory_space<vmem>>, vector<1x2x7x512x16xf32>
    %swap3A_154 = vector.shape_cast %swap3A_153 : vector<1x2x7x512x16xf32> to vector<2x7x512x16xf32>
    %swap3A_155 = vector.shape_cast %stack3A_148 : vector<2x7x512x16xf32> to vector<1x2x7x512x16xf32>
    tpu.vector_store %arg2[%swap3A, %swap3A_149, %swap3A_150, %swap3A_151, %swap3A_152], %swap3A_155 {strides = array<i32>} : memref<1x2x7x512x16xf32, #tpu.memory_space<vmem>>, vector<1x2x7x512x16xf32>,
    return
  }
  func.func @transform_0(%arg0: i32) -> (i32, i32, i32, i32) {
    %add3A = arith.constant 4 : i32
    %add3A_0 = arith.addi %arg0, %add3A : i32
    %c0_i32 = arith.constant 0 : i32
    %c0_i32_1 = arith.constant 0 : i32
    %c0_i32_2 = arith.constant 0 : i32
    %c0_i32_3 = arith.constant 0 : i32
    return %add3A_0, %c0_i32, %c0_i32_1, %c0_i32_2 : i32, i32, i32, i32
  }
  func.func @transform_1(%arg0: i32) -> (i32, i32, i32, i32, i32) {
    %c0_i32 = arith.constant 0 : i32
    %c0_i32_0 = arith.constant 0 : i32
    %c0_i32_1 = arith.constant 0 : i32
    %c0_i32_2 = arith.constant 0 : i32
    %c0_i32_3 = arith.constant 0 : i32
    return %arg0, %c0_i32, %c0_i32_0, %c0_i32_1, %c0_i32_2 : i32, i32, i32, i32, i32
  }
}

module attributes {stable_mosaic.version = 14 : i64} {
  func.func @_bands_body(%arg0: i32, %arg1: memref<1x3x512x512xf32, #tpu.memory_space<vmem>>, %arg2: memref<1x2x7x512x16xf32, #tpu.memory_space<vmem>>) attributes {dimension_semantics = [#tpu.dimension_semantics<arbitrary>], iteration_bounds = array<i64: 4>, scalar_prefetch = 0 : i64, scratch_operands = 0 : i64, tpu.core_type = #tpu.core_type<tc>, window_params = [{transform_indices = @transform_0, window_bounds = array<i64: 1, 3, 512, 512>}, {transform_indices = @transform_1, window_bounds = array<i64: 1, 2, 7, 512, 16>}]} {
    %get3A = arith.constant 0 : index
    %get3A_0 = arith.constant 0 : index
    %get3A_1 = arith.constant 0 : index
    %get3A_2 = arith.constant 0 : index
    %get3A_3 = vector.load %arg1[%get3A, %get3A_0, %get3A_1, %get3A_2] : memref<1x3x512x512xf32, #tpu.memory_space<vmem>>, vector<1x3x512x512xf32>
    %get3A_4 = vector.shape_cast %get3A_3 : vector<1x3x512x512xf32> to vector<3x512x512xf32>
    %slice3A = vector.extract_strided_slice %get3A_4 {offsets = [0, 0, 0], sizes = [1, 512, 512], strides = [1, 1, 1]} : vector<3x512x512xf32> to vector<1x512x512xf32>
    %squeeze3A = vector.shape_cast %slice3A : vector<1x512x512xf32> to vector<512x512xf32>
    %mul3A = arith.constant 2.989000e-01 : f32
    %mul3A_5 = vector.broadcast %mul3A : f32 to vector<512x512xf32>
    %mul3A_6 = arith.mulf %squeeze3A, %mul3A_5 : vector<512x512xf32>
    %slice3A_7 = vector.extract_strided_slice %get3A_4 {offsets = [1, 0, 0], sizes = [1, 512, 512], strides = [1, 1, 1]} : vector<3x512x512xf32> to vector<1x512x512xf32>
    %squeeze3A_8 = vector.shape_cast %slice3A_7 : vector<1x512x512xf32> to vector<512x512xf32>
    %mul3A_9 = arith.constant 5.870000e-01 : f32
    %mul3A_10 = vector.broadcast %mul3A_9 : f32 to vector<512x512xf32>
    %mul3A_11 = arith.mulf %squeeze3A_8, %mul3A_10 : vector<512x512xf32>
    %add3A = arith.addf %mul3A_6, %mul3A_11 : vector<512x512xf32>
    %slice3A_12 = vector.extract_strided_slice %get3A_4 {offsets = [2, 0, 0], sizes = [1, 512, 512], strides = [1, 1, 1]} : vector<3x512x512xf32> to vector<1x512x512xf32>
    %squeeze3A_13 = vector.shape_cast %slice3A_12 : vector<1x512x512xf32> to vector<512x512xf32>
    %mul3A_14 = arith.constant 1.140000e-01 : f32
    %mul3A_15 = vector.broadcast %mul3A_14 : f32 to vector<512x512xf32>
    %mul3A_16 = arith.mulf %squeeze3A_13, %mul3A_15 : vector<512x512xf32>
    %add3A_17 = arith.addf %add3A, %mul3A_16 : vector<512x512xf32>
    %broadcast_in_dim3A = arith.constant 0.000000e+00 : f32
    %broadcast_in_dim3A_18 = vector.broadcast %broadcast_in_dim3A : f32 to vector<512x1xf32>
    %broadcast_in_dim3A_19 = arith.constant 0.000000e+00 : f32
    %broadcast_in_dim3A_20 = vector.broadcast %broadcast_in_dim3A_19 : f32 to vector<1x514xf32>
    %concatenate3A = tpu.concatenate %broadcast_in_dim3A_18, %add3A_17, %broadcast_in_dim3A_18 in 1 : vector<512x1xf32>, vector<512x512xf32>, vector<512x1xf32> -> vector<512x514xf32>
    %concatenate3A_21 = tpu.concatenate %broadcast_in_dim3A_20, %concatenate3A, %broadcast_in_dim3A_20 in 0 : vector<1x514xf32>, vector<512x514xf32>, vector<1x514xf32> -> vector<514x514xf32>
    %slice3A_22 = vector.extract_strided_slice %concatenate3A_21 {offsets = [0, 2], sizes = [512, 512], strides = [1, 1]} : vector<514x514xf32> to vector<512x512xf32>
    %slice3A_23 = vector.extract_strided_slice %concatenate3A_21 {offsets = [1, 2], sizes = [512, 512], strides = [1, 1]} : vector<514x514xf32> to vector<512x512xf32>
    %mul3A_24 = arith.constant 2.000000e+00 : f32
    %mul3A_25 = vector.broadcast %mul3A_24 : f32 to vector<512x512xf32>
    %mul3A_26 = arith.mulf %mul3A_25, %slice3A_23 : vector<512x512xf32>
    %add3A_27 = arith.addf %slice3A_22, %mul3A_26 : vector<512x512xf32>
    %slice3A_28 = vector.extract_strided_slice %concatenate3A_21 {offsets = [2, 2], sizes = [512, 512], strides = [1, 1]} : vector<514x514xf32> to vector<512x512xf32>
    %add3A_29 = arith.addf %add3A_27, %slice3A_28 : vector<512x512xf32>
    %slice3A_30 = vector.extract_strided_slice %concatenate3A_21 {offsets = [0, 0], sizes = [512, 512], strides = [1, 1]} : vector<514x514xf32> to vector<512x512xf32>
    %slice3A_31 = vector.extract_strided_slice %concatenate3A_21 {offsets = [1, 0], sizes = [512, 512], strides = [1, 1]} : vector<514x514xf32> to vector<512x512xf32>
    %mul3A_32 = arith.constant 2.000000e+00 : f32
    %mul3A_33 = vector.broadcast %mul3A_32 : f32 to vector<512x512xf32>
    %mul3A_34 = arith.mulf %mul3A_33, %slice3A_31 : vector<512x512xf32>
    %add3A_35 = arith.addf %slice3A_30, %mul3A_34 : vector<512x512xf32>
    %slice3A_36 = vector.extract_strided_slice %concatenate3A_21 {offsets = [2, 0], sizes = [512, 512], strides = [1, 1]} : vector<514x514xf32> to vector<512x512xf32>
    %add3A_37 = arith.addf %add3A_35, %slice3A_36 : vector<512x512xf32>
    %sub3A = arith.subf %add3A_29, %add3A_37 : vector<512x512xf32>
    %slice3A_38 = vector.extract_strided_slice %concatenate3A_21 {offsets = [2, 0], sizes = [512, 512], strides = [1, 1]} : vector<514x514xf32> to vector<512x512xf32>
    %slice3A_39 = vector.extract_strided_slice %concatenate3A_21 {offsets = [2, 1], sizes = [512, 512], strides = [1, 1]} : vector<514x514xf32> to vector<512x512xf32>
    %mul3A_40 = arith.constant 2.000000e+00 : f32
    %mul3A_41 = vector.broadcast %mul3A_40 : f32 to vector<512x512xf32>
    %mul3A_42 = arith.mulf %mul3A_41, %slice3A_39 : vector<512x512xf32>
    %add3A_43 = arith.addf %slice3A_38, %mul3A_42 : vector<512x512xf32>
    %slice3A_44 = vector.extract_strided_slice %concatenate3A_21 {offsets = [2, 2], sizes = [512, 512], strides = [1, 1]} : vector<514x514xf32> to vector<512x512xf32>
    %add3A_45 = arith.addf %add3A_43, %slice3A_44 : vector<512x512xf32>
    %slice3A_46 = vector.extract_strided_slice %concatenate3A_21 {offsets = [0, 0], sizes = [512, 512], strides = [1, 1]} : vector<514x514xf32> to vector<512x512xf32>
    %slice3A_47 = vector.extract_strided_slice %concatenate3A_21 {offsets = [0, 1], sizes = [512, 512], strides = [1, 1]} : vector<514x514xf32> to vector<512x512xf32>
    %mul3A_48 = arith.constant 2.000000e+00 : f32
    %mul3A_49 = vector.broadcast %mul3A_48 : f32 to vector<512x512xf32>
    %mul3A_50 = arith.mulf %mul3A_49, %slice3A_47 : vector<512x512xf32>
    %add3A_51 = arith.addf %slice3A_46, %mul3A_50 : vector<512x512xf32>
    %slice3A_52 = vector.extract_strided_slice %concatenate3A_21 {offsets = [0, 2], sizes = [512, 512], strides = [1, 1]} : vector<514x514xf32> to vector<512x512xf32>
    %add3A_53 = arith.addf %add3A_51, %slice3A_52 : vector<512x512xf32>
    %sub3A_54 = arith.subf %add3A_45, %add3A_53 : vector<512x512xf32>
    %mul3A_55 = arith.mulf %sub3A, %sub3A : vector<512x512xf32>
    %mul3A_56 = arith.mulf %sub3A_54, %sub3A_54 : vector<512x512xf32>
    %add3A_57 = arith.addf %mul3A_55, %mul3A_56 : vector<512x512xf32>
    %add3A_58 = arith.constant 9.99999993E-9 : f32
    %add3A_59 = vector.broadcast %add3A_58 : f32 to vector<512x512xf32>
    %add3A_60 = arith.addf %add3A_57, %add3A_59 : vector<512x512xf32>
    %sqrt3A = math.sqrt %add3A_60 : vector<512x512xf32>
    %neg3A = arith.constant 0.000000e+00 : f32
    %neg3A_61 = vector.broadcast %neg3A : f32 to vector<512x512xf32>
    %neg3A_62 = arith.subf %neg3A_61, %sqrt3A : vector<512x512xf32>
    %broadcast_in_dim3A_63 = arith.constant 3.000000e+08 : f32
    %broadcast_in_dim3A_64 = vector.broadcast %broadcast_in_dim3A_63 : f32 to vector<512x5xf32>
    %iota3A = tpu.iota {dimensions = array<i32: 1>} : vector<512x16xi32>
    %slice3A_65 = vector.extract_strided_slice %neg3A_62 {offsets = [0, 59], sizes = [512, 11], strides = [1, 1]} : vector<512x512xf32> to vector<512x11xf32>
    %concatenate3A_66 = tpu.concatenate %slice3A_65, %broadcast_in_dim3A_64 in 1 : vector<512x11xf32>, vector<512x5xf32> -> vector<512x16xf32>
    %slice3A_67 = vector.extract_strided_slice %neg3A_62 {offsets = [59, 0], sizes = [16, 512], strides = [1, 1]} : vector<512x512xf32> to vector<16x512xf32>
    %transpose3A = tpu.transpose %slice3A_67, [1, 0] : vector<16x512xf32> -> vector<512x16xf32>
    %lt3A = arith.constant 11 : i32
    %lt3A_68 = vector.broadcast %lt3A : i32 to vector<512x16xi32>
    %lt3A_69 = arith.cmpi slt, %iota3A, %lt3A_68 : vector<512x16xi32>
    %jit3A = arith.constant 3.000000e+08 : f32
    %broadcast_in_dim3A_70 = vector.broadcast %jit3A : f32 to vector<512x16xf32>
    %select_n3A = arith.select %lt3A_69, %transpose3A, %broadcast_in_dim3A_70 : vector<512x16xi1>, vector<512x16xf32>
    %slice3A_71 = vector.extract_strided_slice %neg3A_62 {offsets = [0, 123], sizes = [512, 11], strides = [1, 1]} : vector<512x512xf32> to vector<512x11xf32>
    %concatenate3A_72 = tpu.concatenate %slice3A_71, %broadcast_in_dim3A_64 in 1 : vector<512x11xf32>, vector<512x5xf32> -> vector<512x16xf32>
    %slice3A_73 = vector.extract_strided_slice %neg3A_62 {offsets = [123, 0], sizes = [16, 512], strides = [1, 1]} : vector<512x512xf32> to vector<16x512xf32>
    %transpose3A_74 = tpu.transpose %slice3A_73, [1, 0] : vector<16x512xf32> -> vector<512x16xf32>
    %lt3A_75 = arith.constant 11 : i32
    %lt3A_76 = vector.broadcast %lt3A_75 : i32 to vector<512x16xi32>
    %lt3A_77 = arith.cmpi slt, %iota3A, %lt3A_76 : vector<512x16xi32>
    %jit3A_78 = arith.constant 3.000000e+08 : f32
    %broadcast_in_dim3A_79 = vector.broadcast %jit3A_78 : f32 to vector<512x16xf32>
    %select_n3A_80 = arith.select %lt3A_77, %transpose3A_74, %broadcast_in_dim3A_79 : vector<512x16xi1>, vector<512x16xf32>
    %slice3A_81 = vector.extract_strided_slice %neg3A_62 {offsets = [0, 187], sizes = [512, 11], strides = [1, 1]} : vector<512x512xf32> to vector<512x11xf32>
    %concatenate3A_82 = tpu.concatenate %slice3A_81, %broadcast_in_dim3A_64 in 1 : vector<512x11xf32>, vector<512x5xf32> -> vector<512x16xf32>
    %slice3A_83 = vector.extract_strided_slice %neg3A_62 {offsets = [187, 0], sizes = [16, 512], strides = [1, 1]} : vector<512x512xf32> to vector<16x512xf32>
    %transpose3A_84 = tpu.transpose %slice3A_83, [1, 0] : vector<16x512xf32> -> vector<512x16xf32>
    %lt3A_85 = arith.constant 11 : i32
    %lt3A_86 = vector.broadcast %lt3A_85 : i32 to vector<512x16xi32>
    %lt3A_87 = arith.cmpi slt, %iota3A, %lt3A_86 : vector<512x16xi32>
    %jit3A_88 = arith.constant 3.000000e+08 : f32
    %broadcast_in_dim3A_89 = vector.broadcast %jit3A_88 : f32 to vector<512x16xf32>
    %select_n3A_90 = arith.select %lt3A_87, %transpose3A_84, %broadcast_in_dim3A_89 : vector<512x16xi1>, vector<512x16xf32>
    %slice3A_91 = vector.extract_strided_slice %neg3A_62 {offsets = [0, 251], sizes = [512, 11], strides = [1, 1]} : vector<512x512xf32> to vector<512x11xf32>
    %concatenate3A_92 = tpu.concatenate %slice3A_91, %broadcast_in_dim3A_64 in 1 : vector<512x11xf32>, vector<512x5xf32> -> vector<512x16xf32>
    %slice3A_93 = vector.extract_strided_slice %neg3A_62 {offsets = [251, 0], sizes = [16, 512], strides = [1, 1]} : vector<512x512xf32> to vector<16x512xf32>
    %transpose3A_94 = tpu.transpose %slice3A_93, [1, 0] : vector<16x512xf32> -> vector<512x16xf32>
    %lt3A_95 = arith.constant 11 : i32
    %lt3A_96 = vector.broadcast %lt3A_95 : i32 to vector<512x16xi32>
    %lt3A_97 = arith.cmpi slt, %iota3A, %lt3A_96 : vector<512x16xi32>
    %jit3A_98 = arith.constant 3.000000e+08 : f32
    %broadcast_in_dim3A_99 = vector.broadcast %jit3A_98 : f32 to vector<512x16xf32>
    %select_n3A_100 = arith.select %lt3A_97, %transpose3A_94, %broadcast_in_dim3A_99 : vector<512x16xi1>, vector<512x16xf32>
    %slice3A_101 = vector.extract_strided_slice %neg3A_62 {offsets = [0, 315], sizes = [512, 11], strides = [1, 1]} : vector<512x512xf32> to vector<512x11xf32>
    %concatenate3A_102 = tpu.concatenate %slice3A_101, %broadcast_in_dim3A_64 in 1 : vector<512x11xf32>, vector<512x5xf32> -> vector<512x16xf32>
    %slice3A_103 = vector.extract_strided_slice %neg3A_62 {offsets = [315, 0], sizes = [16, 512], strides = [1, 1]} : vector<512x512xf32> to vector<16x512xf32>
    %transpose3A_104 = tpu.transpose %slice3A_103, [1, 0] : vector<16x512xf32> -> vector<512x16xf32>
    %lt3A_105 = arith.constant 11 : i32
    %lt3A_106 = vector.broadcast %lt3A_105 : i32 to vector<512x16xi32>
    %lt3A_107 = arith.cmpi slt, %iota3A, %lt3A_106 : vector<512x16xi32>
    %jit3A_108 = arith.constant 3.000000e+08 : f32
    %broadcast_in_dim3A_109 = vector.broadcast %jit3A_108 : f32 to vector<512x16xf32>
    %select_n3A_110 = arith.select %lt3A_107, %transpose3A_104, %broadcast_in_dim3A_109 : vector<512x16xi1>, vector<512x16xf32>
    %slice3A_111 = vector.extract_strided_slice %neg3A_62 {offsets = [0, 379], sizes = [512, 11], strides = [1, 1]} : vector<512x512xf32> to vector<512x11xf32>
    %concatenate3A_112 = tpu.concatenate %slice3A_111, %broadcast_in_dim3A_64 in 1 : vector<512x11xf32>, vector<512x5xf32> -> vector<512x16xf32>
    %slice3A_113 = vector.extract_strided_slice %neg3A_62 {offsets = [379, 0], sizes = [16, 512], strides = [1, 1]} : vector<512x512xf32> to vector<16x512xf32>
    %transpose3A_114 = tpu.transpose %slice3A_113, [1, 0] : vector<16x512xf32> -> vector<512x16xf32>
    %lt3A_115 = arith.constant 11 : i32
    %lt3A_116 = vector.broadcast %lt3A_115 : i32 to vector<512x16xi32>
    %lt3A_117 = arith.cmpi slt, %iota3A, %lt3A_116 : vector<512x16xi32>
    %jit3A_118 = arith.constant 3.000000e+08 : f32
    %broadcast_in_dim3A_119 = vector.broadcast %jit3A_118 : f32 to vector<512x16xf32>
    %select_n3A_120 = arith.select %lt3A_117, %transpose3A_114, %broadcast_in_dim3A_119 : vector<512x16xi1>, vector<512x16xf32>
    %slice3A_121 = vector.extract_strided_slice %neg3A_62 {offsets = [0, 443], sizes = [512, 11], strides = [1, 1]} : vector<512x512xf32> to vector<512x11xf32>
    %concatenate3A_122 = tpu.concatenate %slice3A_121, %broadcast_in_dim3A_64 in 1 : vector<512x11xf32>, vector<512x5xf32> -> vector<512x16xf32>
    %slice3A_123 = vector.extract_strided_slice %neg3A_62 {offsets = [443, 0], sizes = [16, 512], strides = [1, 1]} : vector<512x512xf32> to vector<16x512xf32>
    %transpose3A_124 = tpu.transpose %slice3A_123, [1, 0] : vector<16x512xf32> -> vector<512x16xf32>
    %lt3A_125 = arith.constant 11 : i32
    %lt3A_126 = vector.broadcast %lt3A_125 : i32 to vector<512x16xi32>
    %lt3A_127 = arith.cmpi slt, %iota3A, %lt3A_126 : vector<512x16xi32>
    %jit3A_128 = arith.constant 3.000000e+08 : f32
    %broadcast_in_dim3A_129 = vector.broadcast %jit3A_128 : f32 to vector<512x16xf32>
    %select_n3A_130 = arith.select %lt3A_127, %transpose3A_124, %broadcast_in_dim3A_129 : vector<512x16xi1>, vector<512x16xf32>
    %stack3A = vector.shape_cast %concatenate3A_66 : vector<512x16xf32> to vector<1x512x16xf32>
    %stack3A_131 = vector.shape_cast %concatenate3A_72 : vector<512x16xf32> to vector<1x512x16xf32>
    %stack3A_132 = vector.shape_cast %concatenate3A_82 : vector<512x16xf32> to vector<1x512x16xf32>
    %stack3A_133 = vector.shape_cast %concatenate3A_92 : vector<512x16xf32> to vector<1x512x16xf32>
    %stack3A_134 = vector.shape_cast %concatenate3A_102 : vector<512x16xf32> to vector<1x512x16xf32>
    %stack3A_135 = vector.shape_cast %concatenate3A_112 : vector<512x16xf32> to vector<1x512x16xf32>
    %stack3A_136 = vector.shape_cast %concatenate3A_122 : vector<512x16xf32> to vector<1x512x16xf32>
    %stack3A_137 = tpu.concatenate %stack3A, %stack3A_131, %stack3A_132, %stack3A_133, %stack3A_134, %stack3A_135, %stack3A_136 in 0 : vector<1x512x16xf32>, vector<1x512x16xf32>, vector<1x512x16xf32>, vector<1x512x16xf32>, vector<1x512x16xf32>, vector<1x512x16xf32>, vector<1x512x16xf32> -> vector<7x512x16xf32>
    %stack3A_138 = vector.shape_cast %select_n3A : vector<512x16xf32> to vector<1x512x16xf32>
    %stack3A_139 = vector.shape_cast %select_n3A_80 : vector<512x16xf32> to vector<1x512x16xf32>
    %stack3A_140 = vector.shape_cast %select_n3A_90 : vector<512x16xf32> to vector<1x512x16xf32>
    %stack3A_141 = vector.shape_cast %select_n3A_100 : vector<512x16xf32> to vector<1x512x16xf32>
    %stack3A_142 = vector.shape_cast %select_n3A_110 : vector<512x16xf32> to vector<1x512x16xf32>
    %stack3A_143 = vector.shape_cast %select_n3A_120 : vector<512x16xf32> to vector<1x512x16xf32>
    %stack3A_144 = vector.shape_cast %select_n3A_130 : vector<512x16xf32> to vector<1x512x16xf32>
    %stack3A_145 = tpu.concatenate %stack3A_138, %stack3A_139, %stack3A_140, %stack3A_141, %stack3A_142, %stack3A_143, %stack3A_144 in 0 : vector<1x512x16xf32>, vector<1x512x16xf32>, vector<1x512x16xf32>, vector<1x512x16xf32>, vector<1x512x16xf32>, vector<1x512x16xf32>, vector<1x512x16xf32> -> vector<7x512x16xf32>
    %stack3A_146 = vector.shape_cast %stack3A_137 : vector<7x512x16xf32> to vector<1x7x512x16xf32>
    %stack3A_147 = vector.shape_cast %stack3A_145 : vector<7x512x16xf32> to vector<1x7x512x16xf32>
    %stack3A_148 = tpu.concatenate %stack3A_146, %stack3A_147 in 0 : vector<1x7x512x16xf32>, vector<1x7x512x16xf32> -> vector<2x7x512x16xf32>
    %swap3A = arith.constant 0 : index
    %swap3A_149 = arith.constant 0 : index
    %swap3A_150 = arith.constant 0 : index
    %swap3A_151 = arith.constant 0 : index
    %swap3A_152 = arith.constant 0 : index
    %swap3A_153 = vector.load %arg2[%swap3A, %swap3A_149, %swap3A_150, %swap3A_151, %swap3A_152] : memref<1x2x7x512x16xf32, #tpu.memory_space<vmem>>, vector<1x2x7x512x16xf32>
    %swap3A_154 = vector.shape_cast %swap3A_153 : vector<1x2x7x512x16xf32> to vector<2x7x512x16xf32>
    %swap3A_155 = vector.shape_cast %stack3A_148 : vector<2x7x512x16xf32> to vector<1x2x7x512x16xf32>
    tpu.vector_store %arg2[%swap3A, %swap3A_149, %swap3A_150, %swap3A_151, %swap3A_152], %swap3A_155 {strides = array<i32>} : memref<1x2x7x512x16xf32, #tpu.memory_space<vmem>>, vector<1x2x7x512x16xf32>,
    return
  }
  func.func @transform_0(%arg0: i32) -> (i32, i32, i32, i32) {
    %add3A = arith.constant 0 : i32
    %add3A_0 = arith.addi %arg0, %add3A : i32
    %c0_i32 = arith.constant 0 : i32
    %c0_i32_1 = arith.constant 0 : i32
    %c0_i32_2 = arith.constant 0 : i32
    %c0_i32_3 = arith.constant 0 : i32
    return %add3A_0, %c0_i32, %c0_i32_1, %c0_i32_2 : i32, i32, i32, i32
  }
  func.func @transform_1(%arg0: i32) -> (i32, i32, i32, i32, i32) {
    %c0_i32 = arith.constant 0 : i32
    %c0_i32_0 = arith.constant 0 : i32
    %c0_i32_1 = arith.constant 0 : i32
    %c0_i32_2 = arith.constant 0 : i32
    %c0_i32_3 = arith.constant 0 : i32
    return %arg0, %c0_i32, %c0_i32_0, %c0_i32_1, %c0_i32_2 : i32, i32, i32, i32, i32
  }
}

module attributes {stable_mosaic.version = 14 : i64} {
  func.func @_labels_body(%arg0: i32, %arg1: memref<1x2x7x512xi32, #tpu.memory_space<vmem>>, %arg2: memref<1x2x7x512xi32, #tpu.memory_space<vmem>>, %arg3: memref<1x512x512xi32, #tpu.memory_space<vmem>>) attributes {dimension_semantics = [#tpu.dimension_semantics<arbitrary>], iteration_bounds = array<i64: 8>, scalar_prefetch = 0 : i64, scratch_operands = 0 : i64, tpu.core_type = #tpu.core_type<tc>, window_params = [{transform_indices = @transform_0, window_bounds = array<i64: 1, 2, 7, 512>}, {transform_indices = @transform_1, window_bounds = array<i64: 1, 2, 7, 512>}, {transform_indices = @transform_2, window_bounds = array<i64: 1, 512, 512>}]} {
    %lt3A = arith.constant 4 : i32
    %lt3A_0 = arith.cmpi slt, %arg0, %lt3A : i32
    %get3A = arith.constant 0 : index
    %get3A_1 = arith.constant 0 : index
    %get3A_2 = arith.constant 0 : index
    %get3A_3 = arith.constant 0 : index
    %get3A_4 = vector.load %arg1[%get3A, %get3A_1, %get3A_2, %get3A_3] : memref<1x2x7x512xi32, #tpu.memory_space<vmem>>, vector<1x2x7x512xi32>
    %get3A_5 = vector.shape_cast %get3A_4 : vector<1x2x7x512xi32> to vector<2x7x512xi32>
    %get3A_6 = arith.constant 0 : index
    %get3A_7 = arith.constant 0 : index
    %get3A_8 = arith.constant 0 : index
    %get3A_9 = arith.constant 0 : index
    %get3A_10 = vector.load %arg2[%get3A_6, %get3A_7, %get3A_8, %get3A_9] : memref<1x2x7x512xi32, #tpu.memory_space<vmem>>, vector<1x2x7x512xi32>
    %get3A_11 = vector.shape_cast %get3A_10 : vector<1x2x7x512xi32> to vector<2x7x512xi32>
    %select_n3A = arith.select %lt3A_0, %get3A_5, %get3A_11 : vector<2x7x512xi32>
    %slice3A = vector.extract_strided_slice %select_n3A {offsets = [0, 0, 0], sizes = [1, 7, 512], strides = [1, 1, 1]} : vector<2x7x512xi32> to vector<1x7x512xi32>
    %squeeze3A = vector.shape_cast %slice3A : vector<1x7x512xi32> to vector<7x512xi32>
    %slice3A_12 = vector.extract_strided_slice %select_n3A {offsets = [1, 0, 0], sizes = [1, 7, 512], strides = [1, 1, 1]} : vector<2x7x512xi32> to vector<1x7x512xi32>
    %squeeze3A_13 = vector.shape_cast %slice3A_12 : vector<1x7x512xi32> to vector<7x512xi32>
    %transpose3A = tpu.transpose %squeeze3A, [1, 0] : vector<7x512xi32> -> vector<512x7xi32>
    %iota3A = tpu.iota {dimensions = array<i32: 0>} : vector<512x512xi32>
    %iota3A_14 = tpu.iota {dimensions = array<i32: 1>} : vector<512x512xi32>
    %broadcast_in_dim3A = arith.constant 0 : i32
    %broadcast_in_dim3A_15 = vector.broadcast %broadcast_in_dim3A : i32 to vector<512x512xi32>
    %slice3A_16 = vector.extract_strided_slice %transpose3A {offsets = [0, 0], sizes = [512, 1], strides = [1, 1]} : vector<512x7xi32> to vector<512x1xi32>
    %ge3A = vector.broadcast %slice3A_16 : vector<512x1xi32> to vector<512x512xi32>
    %ge3A_17 = arith.cmpi sge, %iota3A_14, %ge3A : vector<512x512xi32>
    %convert_element_type3A = arith.extui %ge3A_17 : vector<512x512xi1> to vector<512x512xi32>
    %add3A = arith.addi %broadcast_in_dim3A_15, %convert_element_type3A : vector<512x512xi32>
    %slice3A_18 = vector.extract_strided_slice %squeeze3A_13 {offsets = [0, 0], sizes = [1, 512], strides = [1, 1]} : vector<7x512xi32> to vector<1x512xi32>
    %ge3A_19 = vector.broadcast %slice3A_18 : vector<1x512xi32> to vector<512x512xi32>
    %ge3A_20 = arith.cmpi sge, %iota3A, %ge3A_19 : vector<512x512xi32>
    %convert_element_type3A_21 = arith.extui %ge3A_20 : vector<512x512xi1> to vector<512x512xi32>
    %mul3A = arith.constant 8 : i32
    %mul3A_22 = vector.broadcast %mul3A : i32 to vector<512x512xi32>
    %mul3A_23 = arith.muli %mul3A_22, %convert_element_type3A_21 : vector<512x512xi32>
    %add3A_24 = arith.addi %add3A, %mul3A_23 : vector<512x512xi32>
    %slice3A_25 = vector.extract_strided_slice %transpose3A {offsets = [0, 1], sizes = [512, 1], strides = [1, 1]} : vector<512x7xi32> to vector<512x1xi32>
    %ge3A_26 = vector.broadcast %slice3A_25 : vector<512x1xi32> to vector<512x512xi32>
    %ge3A_27 = arith.cmpi sge, %iota3A_14, %ge3A_26 : vector<512x512xi32>
    %convert_element_type3A_28 = arith.extui %ge3A_27 : vector<512x512xi1> to vector<512x512xi32>
    %add3A_29 = arith.addi %add3A_24, %convert_element_type3A_28 : vector<512x512xi32>
    %slice3A_30 = vector.extract_strided_slice %squeeze3A_13 {offsets = [1, 0], sizes = [1, 512], strides = [1, 1]} : vector<7x512xi32> to vector<1x512xi32>
    %ge3A_31 = vector.broadcast %slice3A_30 : vector<1x512xi32> to vector<512x512xi32>
    %ge3A_32 = arith.cmpi sge, %iota3A, %ge3A_31 : vector<512x512xi32>
    %convert_element_type3A_33 = arith.extui %ge3A_32 : vector<512x512xi1> to vector<512x512xi32>
    %mul3A_34 = arith.constant 8 : i32
    %mul3A_35 = vector.broadcast %mul3A_34 : i32 to vector<512x512xi32>
    %mul3A_36 = arith.muli %mul3A_35, %convert_element_type3A_33 : vector<512x512xi32>
    %add3A_37 = arith.addi %add3A_29, %mul3A_36 : vector<512x512xi32>
    %slice3A_38 = vector.extract_strided_slice %transpose3A {offsets = [0, 2], sizes = [512, 1], strides = [1, 1]} : vector<512x7xi32> to vector<512x1xi32>
    %ge3A_39 = vector.broadcast %slice3A_38 : vector<512x1xi32> to vector<512x512xi32>
    %ge3A_40 = arith.cmpi sge, %iota3A_14, %ge3A_39 : vector<512x512xi32>
    %convert_element_type3A_41 = arith.extui %ge3A_40 : vector<512x512xi1> to vector<512x512xi32>
    %add3A_42 = arith.addi %add3A_37, %convert_element_type3A_41 : vector<512x512xi32>
    %slice3A_43 = vector.extract_strided_slice %squeeze3A_13 {offsets = [2, 0], sizes = [1, 512], strides = [1, 1]} : vector<7x512xi32> to vector<1x512xi32>
    %ge3A_44 = vector.broadcast %slice3A_43 : vector<1x512xi32> to vector<512x512xi32>
    %ge3A_45 = arith.cmpi sge, %iota3A, %ge3A_44 : vector<512x512xi32>
    %convert_element_type3A_46 = arith.extui %ge3A_45 : vector<512x512xi1> to vector<512x512xi32>
    %mul3A_47 = arith.constant 8 : i32
    %mul3A_48 = vector.broadcast %mul3A_47 : i32 to vector<512x512xi32>
    %mul3A_49 = arith.muli %mul3A_48, %convert_element_type3A_46 : vector<512x512xi32>
    %add3A_50 = arith.addi %add3A_42, %mul3A_49 : vector<512x512xi32>
    %slice3A_51 = vector.extract_strided_slice %transpose3A {offsets = [0, 3], sizes = [512, 1], strides = [1, 1]} : vector<512x7xi32> to vector<512x1xi32>
    %ge3A_52 = vector.broadcast %slice3A_51 : vector<512x1xi32> to vector<512x512xi32>
    %ge3A_53 = arith.cmpi sge, %iota3A_14, %ge3A_52 : vector<512x512xi32>
    %convert_element_type3A_54 = arith.extui %ge3A_53 : vector<512x512xi1> to vector<512x512xi32>
    %add3A_55 = arith.addi %add3A_50, %convert_element_type3A_54 : vector<512x512xi32>
    %slice3A_56 = vector.extract_strided_slice %squeeze3A_13 {offsets = [3, 0], sizes = [1, 512], strides = [1, 1]} : vector<7x512xi32> to vector<1x512xi32>
    %ge3A_57 = vector.broadcast %slice3A_56 : vector<1x512xi32> to vector<512x512xi32>
    %ge3A_58 = arith.cmpi sge, %iota3A, %ge3A_57 : vector<512x512xi32>
    %convert_element_type3A_59 = arith.extui %ge3A_58 : vector<512x512xi1> to vector<512x512xi32>
    %mul3A_60 = arith.constant 8 : i32
    %mul3A_61 = vector.broadcast %mul3A_60 : i32 to vector<512x512xi32>
    %mul3A_62 = arith.muli %mul3A_61, %convert_element_type3A_59 : vector<512x512xi32>
    %add3A_63 = arith.addi %add3A_55, %mul3A_62 : vector<512x512xi32>
    %slice3A_64 = vector.extract_strided_slice %transpose3A {offsets = [0, 4], sizes = [512, 1], strides = [1, 1]} : vector<512x7xi32> to vector<512x1xi32>
    %ge3A_65 = vector.broadcast %slice3A_64 : vector<512x1xi32> to vector<512x512xi32>
    %ge3A_66 = arith.cmpi sge, %iota3A_14, %ge3A_65 : vector<512x512xi32>
    %convert_element_type3A_67 = arith.extui %ge3A_66 : vector<512x512xi1> to vector<512x512xi32>
    %add3A_68 = arith.addi %add3A_63, %convert_element_type3A_67 : vector<512x512xi32>
    %slice3A_69 = vector.extract_strided_slice %squeeze3A_13 {offsets = [4, 0], sizes = [1, 512], strides = [1, 1]} : vector<7x512xi32> to vector<1x512xi32>
    %ge3A_70 = vector.broadcast %slice3A_69 : vector<1x512xi32> to vector<512x512xi32>
    %ge3A_71 = arith.cmpi sge, %iota3A, %ge3A_70 : vector<512x512xi32>
    %convert_element_type3A_72 = arith.extui %ge3A_71 : vector<512x512xi1> to vector<512x512xi32>
    %mul3A_73 = arith.constant 8 : i32
    %mul3A_74 = vector.broadcast %mul3A_73 : i32 to vector<512x512xi32>
    %mul3A_75 = arith.muli %mul3A_74, %convert_element_type3A_72 : vector<512x512xi32>
    %add3A_76 = arith.addi %add3A_68, %mul3A_75 : vector<512x512xi32>
    %slice3A_77 = vector.extract_strided_slice %transpose3A {offsets = [0, 5], sizes = [512, 1], strides = [1, 1]} : vector<512x7xi32> to vector<512x1xi32>
    %ge3A_78 = vector.broadcast %slice3A_77 : vector<512x1xi32> to vector<512x512xi32>
    %ge3A_79 = arith.cmpi sge, %iota3A_14, %ge3A_78 : vector<512x512xi32>
    %convert_element_type3A_80 = arith.extui %ge3A_79 : vector<512x512xi1> to vector<512x512xi32>
    %add3A_81 = arith.addi %add3A_76, %convert_element_type3A_80 : vector<512x512xi32>
    %slice3A_82 = vector.extract_strided_slice %squeeze3A_13 {offsets = [5, 0], sizes = [1, 512], strides = [1, 1]} : vector<7x512xi32> to vector<1x512xi32>
    %ge3A_83 = vector.broadcast %slice3A_82 : vector<1x512xi32> to vector<512x512xi32>
    %ge3A_84 = arith.cmpi sge, %iota3A, %ge3A_83 : vector<512x512xi32>
    %convert_element_type3A_85 = arith.extui %ge3A_84 : vector<512x512xi1> to vector<512x512xi32>
    %mul3A_86 = arith.constant 8 : i32
    %mul3A_87 = vector.broadcast %mul3A_86 : i32 to vector<512x512xi32>
    %mul3A_88 = arith.muli %mul3A_87, %convert_element_type3A_85 : vector<512x512xi32>
    %add3A_89 = arith.addi %add3A_81, %mul3A_88 : vector<512x512xi32>
    %slice3A_90 = vector.extract_strided_slice %transpose3A {offsets = [0, 6], sizes = [512, 1], strides = [1, 1]} : vector<512x7xi32> to vector<512x1xi32>
    %ge3A_91 = vector.broadcast %slice3A_90 : vector<512x1xi32> to vector<512x512xi32>
    %ge3A_92 = arith.cmpi sge, %iota3A_14, %ge3A_91 : vector<512x512xi32>
    %convert_element_type3A_93 = arith.extui %ge3A_92 : vector<512x512xi1> to vector<512x512xi32>
    %add3A_94 = arith.addi %add3A_89, %convert_element_type3A_93 : vector<512x512xi32>
    %slice3A_95 = vector.extract_strided_slice %squeeze3A_13 {offsets = [6, 0], sizes = [1, 512], strides = [1, 1]} : vector<7x512xi32> to vector<1x512xi32>
    %ge3A_96 = vector.broadcast %slice3A_95 : vector<1x512xi32> to vector<512x512xi32>
    %ge3A_97 = arith.cmpi sge, %iota3A, %ge3A_96 : vector<512x512xi32>
    %convert_element_type3A_98 = arith.extui %ge3A_97 : vector<512x512xi1> to vector<512x512xi32>
    %mul3A_99 = arith.constant 8 : i32
    %mul3A_100 = vector.broadcast %mul3A_99 : i32 to vector<512x512xi32>
    %mul3A_101 = arith.muli %mul3A_100, %convert_element_type3A_98 : vector<512x512xi32>
    %add3A_102 = arith.addi %add3A_94, %mul3A_101 : vector<512x512xi32>
    %swap3A = arith.constant 0 : index
    %swap3A_103 = arith.constant 0 : index
    %swap3A_104 = arith.constant 0 : index
    %swap3A_105 = vector.load %arg3[%swap3A, %swap3A_103, %swap3A_104] : memref<1x512x512xi32, #tpu.memory_space<vmem>>, vector<1x512x512xi32>
    %swap3A_106 = vector.shape_cast %swap3A_105 : vector<1x512x512xi32> to vector<512x512xi32>
    %swap3A_107 = vector.shape_cast %add3A_102 : vector<512x512xi32> to vector<1x512x512xi32>
    tpu.vector_store %arg3[%swap3A, %swap3A_103, %swap3A_104], %swap3A_107 {strides = array<i32>} : memref<1x512x512xi32, #tpu.memory_space<vmem>>, vector<1x512x512xi32>,
    return
  }
  func.func @transform_0(%arg0: i32) -> (i32, i32, i32, i32) {
    %min3A = arith.constant 3 : i32
    %min3A_0 = arith.minsi %arg0, %min3A : i32
    %c0_i32 = arith.constant 0 : i32
    %c0_i32_1 = arith.constant 0 : i32
    %c0_i32_2 = arith.constant 0 : i32
    %c0_i32_3 = arith.constant 0 : i32
    return %min3A_0, %c0_i32, %c0_i32_1, %c0_i32_2 : i32, i32, i32, i32
  }
  func.func @transform_1(%arg0: i32) -> (i32, i32, i32, i32) {
    %sub3A = arith.constant 4 : i32
    %sub3A_0 = arith.subi %arg0, %sub3A : i32
    %max3A = arith.constant 0 : i32
    %max3A_1 = arith.maxsi %sub3A_0, %max3A : i32
    %c0_i32 = arith.constant 0 : i32
    %c0_i32_2 = arith.constant 0 : i32
    %c0_i32_3 = arith.constant 0 : i32
    %c0_i32_4 = arith.constant 0 : i32
    return %max3A_1, %c0_i32, %c0_i32_2, %c0_i32_3 : i32, i32, i32, i32
  }
  func.func @transform_2(%arg0: i32) -> (i32, i32, i32) {
    %c0_i32 = arith.constant 0 : i32
    %c0_i32_0 = arith.constant 0 : i32
    %c0_i32_1 = arith.constant 0 : i32
    return %arg0, %c0_i32, %c0_i32_0 : i32, i32, i32
  }
}

</mosaic_0001>

<sc_bundles>
// kernel: kernel.10.cloned.1.call-start
scs
__scs_entry_jumppad:
0x0: {  	(pc) =	sbr.rel $0x88, $3  }
0x1: {  	(tag) =	ssettag $0x0;
	lr =	simm.s32 $0x1  }
0x2: {  	[smem:$0x3FA0] =	sst lr;
	_ =	strace $0xD0000000  }
0x3: {  	_ = 	snop  }
0x4: {  	_ = 	snop  }
0x5: {  	_ = 	snop  }
0x6: {  	_ = 	snop  }
0x7: {  	_ = 	snop  }
__scs_overlays_trampoline_lowered:
0x8: {  	[smem:$0x3FAF] =	sst s0  }
0x9: {  	[smem:$0x3FB0] =	sst s1  }
0xa: {  	[smem:$0x3FB1] =	sst s2  }
0xb: {  	[smem:$0x3FB2] =	sst s3  }
0xc: {  	[smem:$0x3FB3] =	sst s4  }
0xd: {  	[smem:$0x3FB4] =	sst s5  }
0xe: {  	[smem:$0x3FB5] =	sst s6  }
0xf: {  	[smem:$0x3FB6] =	sst s7  }
0x10: {  	[smem:$0x3FB7] =	sst s8  }
0x11: {  	[smem:$0x3FB8] =	sst s9;
	s0 =	simm.s32 @!p0 $0x0  }
0x12: {  	s1 =	sld [smem:$0x3F9E];
	s0 =	simm.s32 @p0 $0x1  }
0x13: {  	[smem:$0x3FB9] =	sst s0;
	s0 =	simm.s32 @!p1 $0x0  }
0x14: {  	s2 =	sld [smem:$0x3F9D];
	s0 =	simm.s32 @p1 $0x1  }
0x15: {  	[smem:$0x3FBA] =	sst s0;
	s0 =	simm.s32 @!p2 $0x0  }
0x16: {  	s3 =	sld [smem:$0x3FDB];
	s0 =	simm.s32 @p2 $0x1  }
0x17: {  	s4 =	simm.s32 $0x1BF5;
	[smem:$0x3FBC] =	sst s0  }
0x18: {  	s0 =	sld [smem:$0x3F9F];
	_ =	swait.ge [sflag:s4], $0x0  }
0x19: {  	s7 =	sld [smem:$0x3FA0]  }
0x1a: {  	s8 =	sadd.s32 $0xFFFFE003, lr  }
0x1b: {  	s9 =	sadd.s32 $0xFFFFFEF7, lr;
	s5 =	simm.s32 $0xFFFFFFFF;
	p2 =	slt.u32 s8, $0xFFFFF086  }
0x1c: {  	p1 =	slt.u32 s9, $0xF7A;
	s5 =	simm.s32 @!p2 $0x0  }
0x1d: {  	s5 =	simm.s32 @p1 $0x1;
	p0 =	seq.s32 s7, s2  }
0x1e: {  	s7 =	smul.u32 @!p0 $0xF7A, s2;
	p2 =	seq.s32 @!p0 s5, $0x0  }
0x1f: {  	s9 =	smul.u32 $0xF7A, s1;
	s8 =	simm.s32 @!p0 $0x1BF5;
	p2 =	por !p2, p0  }
0x20: {  	[sflag:s8] =	ssyncset.s32 @!p0 $0xFFFFF086;
	s6 =	sadd.s32 @!p0 s3, s7;
	s7 =	simm.s32 @!p0 $0x108  }
0x21: {  	s3 =	sadd.s32 s3, s9;
	s6 =	sadd.s32 @!p0 $0x88, s6;
	s7 =	simm.s32 @p2 $0x1082  }
0x22: {  	[simem:s7], [sflag:s8] =	dma.local @!p0 [hbm:s6], $0xF7A  }
0x23: {  	s9 =	sor.u32 $0xD0000000, s2;
	s6 =	simm.s32 $0x108;
	_ =	swait.ge @!p0 [sflag:s8], $0x0  }
0x24: {  	s3 =	sadd.s32 $0x88, s3;
	s6 =	simm.s32 @!p1 $0x1082;
	[sflag:s4] =	ssyncset.s32 $0xFFFFF086  }
0x25: {  	[simem:s6], [sflag:s4] =	dma.local [hbm:s3], $0xF7A  }
0x26: {  	[smem:$0x3FA0] =	sst s1;
	(tag) =	ssettag s2;
	_ =	strace s9  }
0x27: {  	s1 =	sld [smem:$0x3FB0]  }
0x28: {  	s2 =	sld [smem:$0x3FB1]  }
0x29: {  	s4 =	sld [smem:$0x3FB3]  }
0x2a: {  	p0 =	seq.s32 s5, $0x0;
	s5 =	sld [smem:$0x3FB4]  }
0x2b: {  	s6 =	sld [smem:$0x3FB5]  }
0x2c: {  	s7 =	sld [smem:$0x3FB6]  }
0x2d: {  	s3 =	simm.s32 $0x108;
	s8 =	sld [smem:$0x3FB7]  }
0x2e: {  	s3 =	simm.s32 @!p0 $0x1082;
	s9 =	sld [smem:$0x3FB8]  }
0x2f: {  	lr =	sadd.s32 s0, s3;
	s0 =	sld [smem:$0x3FAF]  }
0x30: {  	s3 =	sld [smem:$0x3FB2]  }
0x31: {  	[smem:$0x3FBB] =	sst s10  }
0x32: {  	s10 =	sld [smem:$0x3FB9];
	_ =	sdelay $0x3  }
0x33: {  	p0 =	seq.s32 s10, $0x1;
	s10 =	sld [smem:$0x3FBB];
	_ =	sdelay $0x3  }
0x34: {  	[smem:$0x3FBB] =	sst s10  }
0x35: {  	s10 =	sld [smem:$0x3FBA];
	_ =	sdelay $0x3  }
0x36: {  	p1 =	seq.s32 s10, $0x1;
	s10 =	sld [smem:$0x3FBB];
	_ =	sdelay $0x3  }
0x37: {  	[smem:$0x3FBB] =	sst s10  }
0x38: {  	s10 =	sld [smem:$0x3FBC]  }
0x39: {  	_ = 	snop;
	(pc) =	sbr.ind lr, $3  }
0x3a: {  	_ = 	snop  }
0x3b: {  	_ = 	snop  }
0x3c: {  	p2 =	seq.s32 s10, $0x1;
	s10 =	sld [smem:$0x3FBB]  }
0x3d: {  	_ =	shalt  }
0x3e: {  	_ =	shalt  }
0x3f: {  	_ =	shalt  }
0x40: {  	_ =	shalt  }
0x41: {  	_ =	shalt  }
0x42: {  	_ =	shalt  }
0x43: {  	_ =	shalt  }
0x44: {  	_ =	shalt  }
0x45: {  	_ =	shalt  }
0x46: {  	_ =	shalt  }
0x47: {  	_ =	shalt  }
0x48: {  	_ =	shalt  }
0x49: {  	_ =	shalt  }
0x4a: {  	_ =	shalt  }
0x4b: {  	_ =	shalt  }
0x4c: {  	_ =	shalt  }
0x4d: {  	_ =	shalt  }
0x4e: {  	_ =	shalt  }
0x4f: {  	_ =	shalt  }
0x50: {  	_ =	shalt  }
0x51: {  	_ =	shalt  }
0x52: {  	_ =	shalt  }
0x53: {  	_ =	shalt  }
0x54: {  	_ =	shalt  }
0x55: {  	_ =	shalt  }
0x56: {  	_ =	shalt  }
0x57: {  	_ =	shalt  }
0x58: {  	_ =	shalt  }
0x59: {  	_ =	shalt  }
0x5a: {  	_ =	shalt  }
0x5b: {  	_ =	shalt  }
0x5c: {  	_ =	shalt  }
0x5d: {  	_ =	shalt  }
0x5e: {  	_ =	shalt  }
0x5f: {  	_ =	shalt  }
0x60: {  	_ =	shalt  }
0x61: {  	_ =	shalt  }
0x62: {  	_ =	shalt  }
0x63: {  	_ =	shalt  }
0x64: {  	_ =	shalt  }
0x65: {  	_ =	shalt  }
0x66: {  	_ =	shalt  }
0x67: {  	_ =	shalt  }
0x68: {  	_ =	shalt  }
0x69: {  	_ =	shalt  }
0x6a: {  	_ =	shalt  }
0x6b: {  	_ =	shalt  }
0x6c: {  	_ =	shalt  }
0x6d: {  	_ =	shalt  }
0x6e: {  	_ =	shalt  }
0x6f: {  	_ =	shalt  }
0x70: {  	_ =	shalt  }
0x71: {  	_ =	shalt  }
0x72: {  	_ =	shalt  }
0x73: {  	_ =	shalt  }
0x74: {  	_ =	shalt  }
0x75: {  	_ =	shalt  }
0x76: {  	_ =	shalt  }
0x77: {  	_ =	shalt  }
0x78: {  	_ =	shalt  }
0x79: {  	_ =	shalt  }
0x7a: {  	_ =	shalt  }
0x7b: {  	_ =	shalt  }
0x7c: {  	_ =	shalt  }
0x7d: {  	_ =	shalt  }
0x7e: {  	_ =	shalt  }
0x7f: {  	_ =	shalt  }
0x80: {  	_ =	shalt  }
0x81: {  	_ =	shalt  }
0x82: {  	_ =	shalt  }
0x83: {  	_ =	shalt  }
0x84: {  	_ =	shalt  }
0x85: {  	_ =	shalt  }
0x86: {  	_ =	shalt  }
0x87: {  	_ =	shalt  }
.Lfunc_end0:
.L_simem_size_0:
called_computation.1_lowered:
.L_overlay_start_0:
0x88: {  	s2 =	sld [smem:$0x3FD9]  }
0x89: {  	s3 =	sld [smem:$0x3FFE];
	_ =	sdelay $0x1  }
0x8a: {  	s1 =	srdreg.scid  }
0x8b: {  	s0 =	sand.u32 $0x1, s1  }
0x8c: {  	s16 =	sshll.u32 s0, $0xA;
	s2 =	sadd.s32 s3, s2  }
0x8d: {  	s2 =	sadd.s32 s2, s16  }
0x8e: {  	[smem:$0x3FC7] =	sst s2  }
0x8f: {  	_ = 	snop  }
0x90: {  	(tm) =	ssettm $0x1  }
0x91: {  	s17 =	sld [smem:$0x3FFB];
	_ =	sdelay $0x3  }
0x92: {  	_ =	strace s17  }
0x93: {  	s2 =	sld [smem:$0x3FFC];
	_ =	sdelay $0x3  }
0x94: {  	_ =	strace s2  }
0x95: {  	s2 =	sld [smem:$0x3FFD];
	_ =	sdelay $0x3  }
0x96: {  	_ =	strace s2  }
0x97: {  	_ =	strace $0x8FFFFFFF  }
0x98: {  	s18 =	sld [smem:$0x3FDB];
	_ =	sdelay $0x1  }
0x99: {  	s19 =	simm.s32 $_scs_section_size  }
0x9a: {  	s4 =	simm.s32 $_size__tile_overlayer_lowered;
	s5 =	simm.s32 $_tile_overlayer_lowered  }
0x9b: {  	s22 =	simm.s32 $0x1BFF;
	s21 =	sshll.u32 s5, $0x1;
	s2 =	sadd.s32 s19, s18  }
0x9c: {  	s6 =	simm.s32 $0x0;
	s20 =	sshll.u32 s4, $0x1;
	s4 =	sadd.s32 s21, s2  }
0x9d: {  	[timem:s6], [sflag:s22] =	dma.local [hbm:s4], s20  }
0x9e: {  	_ =	swait.ge [sflag:s22], s20  }
0x9f: {  	s3 =	ssub.s32 $0x0, s20;
	[sflag:s22] =	ssyncset.done $0x0  }
0xa0: {  	[sflag:s22] =	ssyncadd.s32 s3;
	_ =	sdelay $0x1  }
0xa1: {  	s23 =	simm.s32 $0x1B8B  }
0xa2: {  	_ =	swait.ge [sflag:s23], $0x1  }
0xa3: {  	[sflag:s23] =	ssyncset.done $0x0  }
0xa4: {  	s25 =	simm.s32 $0x1B8E;
	s24 =	sld [smem:$0x3FFE];
	[sflag:s23] =	ssyncadd.s32 $0xFFFFFFFF  }
0xa5: {  	s26 =	simm.s32 $execute0_lowered;
	[smem:$0x3FD2] =	sst s25  }
0xa6: {  	s4 =	sshll.u32 s26, $0x1;
	_ =	strace $0x80000046;
	[dreg:$0x1] =	wrdreg $0xFFFFFFFF  }
0xa7: {  	s28 =	simm.s32 $_size_execute0_lowered;
	s2 =	sadd.s32 s2, s4;
	[dreg:$0x0] =	wrdreg $0x0  }
0xa8: {  	s4 =	sshll.u32 s28, $0x1;
	[dreg:$0x2] =	wrdreg s2  }
0xa9: {  	[dreg:$0x3] =	wrdreg s4  }
0xaa: {  	[dreg:$0x4] =	wrdreg $0xC0  }
0xab: {  	_ =	task [dreg:s6], $0x5FFFF  }
0xac: {  	[dreg:$0x1] =	wrdreg $0xFFFFFFFF  }
0xad: {  	[dreg:$0x0] =	wrdreg $0x60  }
0xae: {  	[dreg:$0x2] =	wrdreg s24  }
0xaf: {  	[dreg:$0x3] =	wrdreg $0xA  }
0xb0: {  	_ =	task.clear_ibuf [dreg:s6], $0x4FFFF;
	_ =	strace $0x90000046  }
0xb1: {  	s29 =	simm.s32 $0xA;
	_ =	strace $0x80000048  }
0xb2: {  	_ =	swait.ge [sflag:s29], $0x1  }
0xb3: {  	[sflag:s29] =	ssyncadd.s32 $0xFFFFFFFF  }
0xb4: {  	_ =	strace $0x90000048  }
0xb5: {  	_ =	sfence  }
0xb6: {  	s30 =	sld [smem:$0x0];
	_ =	sdelay $0x2  }
0xb7: {  	s31 =	sshll.u32 s1, $0xD;
	s1 =	sshrl.u32 s1, $0x2  }
0xb8: {  	s3 =	sand.u32 $0x4000, s31;
	s1 =	sadd.s32 s1, s30  }
0xb9: {  	s0 =	sor.u32 s3, s0;
	s1 =	sshll.u32 s1, $0x11  }
0xba: {  	s0 =	sor.u32 s1, s0  }
0xbb: {  	s0 =	sadd.s32 $0x8F2B, s0  }
0xbc: {  	[sflag:s0] =	ssyncadd.remote.s32 $0x1  }
0xbd: {  	_ =	sfence.sel $0xFFFF  }
0xbe: {  	[dreg:$0x0] =	wrdreg $0xFFFFFFFF;
	(pc) =	sbr.abs _section_cstart, $3  }
0xbf: {  	[dreg:$0x1] =	wrdreg $0xFFFFFFFF  }
0xc0: {  	_ =	task.clear_ibuf [dreg:s6], $0x2FFFF;
	_ =	strace $0x9FFFFFFF  }
0xc1: {  	(tm) =	ssettm $0x7FFFFFFF  }
tec
execute0_lowered:
.L_overlay_start_1:
0x0: {  	(tag) =	ssettag $0x1  }
0x1: {  	v0 =	vimm.s32 $0xEDCBA987  }
0x2: {  	v1 =	vimm.s32 $0x65432100;
	v4 =	vimm.s32 $0xBA98FEDC;
	v5 =	vimm.s32 $0x87654321  }
0x3: {  	s1 =	srdreg.scid;
	s0 =	stileid.u32;
	v6 =	vimm.s32 $0x32107654;
	v7 =	vimm.s32 $0xDCFE98BA;
	v0 =	vunpack.c.l.s4.s8 v0  }
0x4: {  	v8 =	vimm.s32 $0x54761032;
	v9 =	vimm.s32 $0xFEDCBA98;
	s3 =	sand.u32 $0x1, s1;
	s28 =	sshll.u32 s0, $0x1;
	v2 =	vunpack.c.l.s4.s8 v1  }
0x5: {  	vm0 =	vcmask $0x1F00;
	vm1 =	vcmask $0x3F0C;
	s5 =	sor.u32 s3, s28;
	v3 =	vunpack.c.0.s8.s32 v0  }
0x6: {  	s4 =	rddreg [dreg:$0x0];
	v4 =	vunpack.c.l.s4.s8 v4;
	v6 =	vunpack.c.l.s4.s8 v6;
	s1 =	smin.u32 s5, $0x17;
	v2 =	vunpack.c.0.s8.s32 v2  }
0x7: {  	s11 =	simm.s32 $0x2;
	v7 =	vunpack.c.l.s4.s8 v7;
	v8 =	vunpack.c.l.s4.s8 v8;
	s29 =	smul.u32 $0x25, s5;
	s6 =	sor.u32 $0x20, s1;
	v3 =	vand.u32 $0xF, v3  }
0x8: {  	s12 =	simm.s32 $0x0;
	v5 =	vunpack.c.l.s4.s8 v5;
	s7 =	sadd.s32 $0x800, s4;
	s2 =	smul.u32 $0x25, s6;
	v2 =	vcombine.low v2, v3;
	v3 =	vunpack.c.0.s8.s32 v4  }
0x9: {  	s8 =	sadd.s32 $0xE800, s4;
	p0 =	sgt.u32 s0, $0xB;
	s1 =	sshrl.u32 s29, $0x8;
	v4 =	vunpack.c.0.s8.s32 v6;
	v6 =	vunpack.c.0.s8.s32 v7;
	v7 =	vunpack.c.0.s8.s32 v8  }
0xa: {  	vm2 =	vcmask $0x3F08;
	s3 =	ssub.s32 $0x2, s3;
	v5 =	vunpack.c.0.s8.s32 v5;
	s1 =	smul.u32 $0x7, s1;
	v8 =	vimm.s32 $0x76543210;
	s2 =	sshrl.u32 s2, $0x8  }
0xb: {  	s30 =	sshrl.u32 s3, $0x1;
	s9 =	sshll.u32 s5, $0xA;
	s2 =	smul.u32 $0x7, s2;
	v10 =	vcombine.low v4, v3;
	v7 =	vcombine.low v7, v6;
	v3 =	vimm.s32 $0xEFCDAB89  }
0xc: {  	s10 =	ssub.s32 s3, s30;
	s3 =	sadd.s32 s7, s9;
	s1 =	ssub.s32 s5, s1;
	v4 =	vimm.s32 $0x67452301;
	v6 =	vunpack.c.l.s4.s8 v9;
	v3 =	vunpack.c.l.s4.s8 v3  }
0xd: {  	s9 =	simm.s32 $0x1;
	v5 =	vand.u32 $0xF, v5;
	v8 =	vunpack.c.l.s4.s8 v8;
	s1 =	sand.u32 $0xFF, s1;
	v4 =	vunpack.c.l.s4.s8 v4;
	s2 =	ssub.s32 s6, s2  }
0xe: {  	s31 =	sshll.u32 s6, $0xA;
	s1 =	sshll.u32 s1, $0x6;
	v6 =	vunpack.c.0.s8.s32 v6;
	v7 =	vand.u32 $0xF, v7;
	s2 =	sand.u32 $0xFF, s2;
	v9 =	vunpack.c.0.s8.s32 v3  }
0xf: {  	s4 =	sadd.s32 s7, s31;
	s1 =	sor.u32 $0x3B, s1;
	v4 =	vunpack.c.0.s8.s32 v4;
	v3 =	vnsel vm0, $0xA, v5;
	vm0 =	vcmask $0x2320;
	s2 =	sshll.u32 s2, $0x6  }
0x10: {  	s7 =	smax.u32 s10, $0x1;
	s10 =	simm.s32 $0x8000;
	v5 =	vunpack.c.0.s8.s32 v8;
	v0 =	vmov s1;
	v3 =	vsel vm0, $0x9, v3;
	s2 =	sor.u32 $0x3B, s2  }
0x11: {  	s5 =	sshll.u32 s5, $0x6;
	s6 =	sshll.u32 s6, $0x6;
	v6 =	vand.u32 $0xF, v6;
	v8 =	vcombine.low v4, v9;
	v1 =	vmov s2;
	s2 =	simm.s32 $0x0  }
0x12: {  	s5 =	sadd.s32 s8, s5;
	s6 =	sadd.s32 s8, s6;
	vm0 =	vcmask $0x3F10;
	v4 =	vimm.s32 $0x2;
	v5 =	vcombine.low v6, v5;
	[smem:$0x7FF] =	sst s2  }
0x13: {  	s8 =	simm.s32 $0x2000;
	s1 =	rddreg [dreg:$0x1];
	v6 =	vand.u32 $0xF, v10;
	v9 =	vlaneseq.u32;
	v8 =	vand.u32 $0xF, v8;
	_ =	strace $0x80000047  }
.LBB2_1:
0x14: {  	[tilespmem:s2], [sflag:$0x1] =	stream.linear.gather [hbm4b:s3+s2], $0x2000, $0x38;
	[tilespmem:$0x8400] =	vst v63  }
0x15: {  	_ = 	snop  }
0x16: {  	[tilespmem:s8], [sflag:$0x1] =	stream.linear.gather [hbm4b:s4+s2], $0x2000, $0x38;
	[tilespmem:$0x8400] =	vst v63  }
0x17: {  	_ =	swait.ge [sflag:s9], $0x2000  }
0x18: {  	[sflag:s9] =	ssyncset.done $0x0  }
0x19: {  	[sflag:s9] =	ssyncadd.s32 $0xFFFFE000  }
0x1a: {  	_ =	swait.ge [sflag:s9], $0x2000  }
0x1b: {  	[sflag:s9] =	ssyncset.done $0x0  }
0x1c: {  	[sflag:s9] =	ssyncadd.s32 $0xFFFFE000  }
0x1d: {  	v10 =	vld [tilespmem:$0x0];
	_ =	sdelay $0x1  }
0x1e: {  	v11 =	vld [tilespmem:$0x2000];
	_ =	sdelay $0x2  }
0x1f: {  	v12 =	vperm.xlane v10, v2  }
0x20: {  	s14 =	simm.s32 $0x2010;
	v13 =	vperm.xlane v10, v3  }
0x21: {  	v14 =	vld [tilespmem:s14+$0xFFFFE000];
	v16 =	vperm.xlane v11, v3;
	vm3 =	vle.f32 v12, v10  }
0x22: {  	vm4 =	vle.f32 v12, v13;
	vm5 =	vle.f32 v10, v13;
	v10 =	vmin.f32 v12, v10  }
0x23: {  	v12 =	vperm.xlane v11, v2;
	vm3 =	vmand vm3, vm4;
	v15 =	vsel vm5, $0x1, v4  }
0x24: {  	s13 =	simm.s32 $0x6010;
	vm11 =	vle.f32 v11, v16;
	v15 =	vsel vm3, $0x0, v15  }
0x25: {  	v10 =	vmin.f32 v10, v13;
	vm3 =	vle.f32 v12, v11;
	vm10 =	vle.f32 v12, v16;
	[tilespmem:s13+$0xFFFFE000] =	vst v15  }
0x26: {  	v10 =	vadd.f32 v14, v10;
	v14 =	vsel vm11, $0x1, v4;
	vm3 =	vmand vm3, vm10;
	v13 =	vld [tilespmem:s14+$0x0]  }
0x27: {  	v11 =	vmin.f32 v12, v11;
	v12 =	vsel vm3, $0x0, v14  }
0x28: {  	v14 =	vperm.xlane v10, v2;
	v15 =	vperm.xlane v10, v3;
	[tilespmem:s13+$0x0] =	vst v12  }
0x29: {  	v12 =	vld [tilespmem:s14+$0xFFFFE010]  }
0x2a: {  	v11 =	vmin.f32 v11, v16;
	vm3 =	vle.f32 v14, v10;
	vm12 =	vle.f32 v14, v15  }
0x2b: {  	vm13 =	vle.f32 v10, v15;
	v10 =	vmin.f32 v14, v10;
	v11 =	vadd.f32 v13, v11  }
0x2c: {  	vm3 =	vmand vm3, vm12;
	v10 =	vmin.f32 v10, v15;
	v13 =	vsel vm13, $0x1, v4  }
0x2d: {  	v13 =	vsel vm3, $0x0, v13;
	v61 =	vperm.xlane v11, v2;
	v14 =	vperm.xlane v11, v3  }
0x2e: {  	[tilespmem:s13+$0xFFFFE010] =	vst v13;
	v10 =	vadd.f32 v12, v10  }
0x2f: {  	v13 =	vld [tilespmem:s14+$0x10];
	vm3 =	vle.f32 v61, v11;
	vm14 =	vle.f32 v61, v14;
	vm15 =	vle.f32 v11, v14  }
0x30: {  	vm3 =	vmand vm3, vm14;
	v12 =	vsel vm15, $0x1, v4  }
0x31: {  	v15 =	vperm.xlane v10, v2;
	v12 =	vsel vm3, $0x0, v12  }
0x32: {  	v11 =	vmin.f32 v61, v11;
	v62 =	vperm.xlane v10, v3;
	[tilespmem:s13+$0x10] =	vst v12  }
0x33: {  	v11 =	vmin.f32 v11, v14;
	vm3 =	vle.f32 v15, v10;
	v12 =	vld [tilespmem:s14+$0xFFFFE020]  }
0x34: {  	vm8 =	vle.f32 v15, v62;
	vm9 =	vle.f32 v10, v62;
	v11 =	vadd.f32 v13, v11  }
0x35: {  	v10 =	vmin.f32 v15, v10;
	vm3 =	vmand vm3, vm8;
	v13 =	vsel vm9, $0x1, v4  }
0x36: {  	v13 =	vsel vm3, $0x0, v13;
	v14 =	vperm.xlane v11, v2;
	v15 =	vperm.xlane v11, v3  }
0x37: {  	v10 =	vmin.f32 v10, v62;
	[tilespmem:s13+$0xFFFFE020] =	vst v13  }
0x38: {  	v13 =	vld [tilespmem:s14+$0x20];
	vm3 =	vle.f32 v14, v11;
	vm10 =	vle.f32 v14, v15;
	v12 =	vadd.f32 v12, v10  }
0x39: {  	vm11 =	vle.f32 v11, v15;
	v10 =	vmin.f32 v14, v11;
	vm3 =	vmand vm3, vm10  }
0x3a: {  	v11 =	vsel vm11, $0x1, v4;
	v14 =	vperm.xlane v12, v2;
	v63 =	vperm.xlane v12, v3  }
0x3b: {  	v10 =	vmin.f32 v10, v15;
	v11 =	vsel vm3, $0x0, v11  }
0x3c: {  	[tilespmem:s13+$0x20] =	vst v11;
	vm3 =	vle.f32 v14, v12;
	vm12 =	vle.f32 v14, v63;
	vm13 =	vle.f32 v12, v63  }
0x3d: {  	v13 =	vadd.f32 v13, v10;
	v11 =	vld [tilespmem:s14+$0xFFFFE030];
	vm3 =	vmand vm3, vm12;
	v15 =	vsel vm13, $0x1, v4  }
0x3e: {  	v12 =	vmin.f32 v14, v12;
	v14 =	vsel vm3, $0x0, v15  }
0x3f: {  	v17 =	vperm.xlane v13, v2;
	v10 =	vperm.xlane v13, v3;
	[tilespmem:s13+$0xFFFFE030] =	vst v14  }
0x40: {  	v15 =	vmin.f32 v12, v63;
	v12 =	vld [tilespmem:s14+$0x30]  }
0x41: {  	vm3 =	vle.f32 v17, v13;
	vm14 =	vle.f32 v17, v10;
	vm15 =	vle.f32 v13, v10  }
0x42: {  	vm3 =	vmand vm3, vm14;
	v14 =	vsel vm15, $0x1, v4;
	v11 =	vadd.f32 v11, v15  }
0x43: {  	s15 =	simm.s32 $0x5;
	v13 =	vmin.f32 v17, v13;
	s14 =	simm.s32 $0x2050;
	v14 =	vsel vm3, $0x0, v14  }
.LBB2_2:
0x44: {  	s15 =	sadd.s32 $0x4, s15;
	v15 =	vperm.xlane v11, v2;
	v16 =	vperm.xlane v11, v3;
	v10 =	vmin.f32 v13, v10;
	[tilespmem:s13+$0x30] =	vst v14;
	s13 =	sadd.s32 $0x40, s13  }
0x45: {  	p1 =	slt.u32 s15, $0x1F9;
	v13 =	vld [tilespmem:s14+$0xFFFFE000];
	v10 =	vadd.f32 v12, v10  }
0x46: {  	vm3 =	vle.f32 v15, v11;
	vm4 =	vle.f32 v15, v16;
	vm5 =	vle.f32 v11, v16  }
0x47: {  	v11 =	vmin.f32 v15, v11;
	vm3 =	vmand vm3, vm4;
	v12 =	vsel vm5, $0x1, v4  }
0x48: {  	v14 =	vperm.xlane v10, v2;
	v15 =	vperm.xlane v10, v3;
	v12 =	vsel vm3, $0x0, v12  }
0x49: {  	v11 =	vmin.f32 v11, v16;
	[tilespmem:s13+$0xFFFFE000] =	vst v12  }
0x4a: {  	vm3 =	vle.f32 v14, v10;
	vm4 =	vle.f32 v14, v15;
	v11 =	vadd.f32 v13, v11;
	v12 =	vld [tilespmem:s14+$0x0]  }
0x4b: {  	v13 =	vmin.f32 v14, v10;
	vm3 =	vmand vm3, vm4;
	vm4 =	vle.f32 v10, v15  }
0x4c: {  	v10 =	vsel vm4, $0x1, v4;
	v14 =	vperm.xlane v11, v2;
	v16 =	vperm.xlane v11, v3  }
0x4d: {  	v13 =	vmin.f32 v13, v15;
	v10 =	vsel vm3, $0x0, v10  }
0x4e: {  	[tilespmem:s13+$0x0] =	vst v10;
	vm3 =	vle.f32 v14, v11;
	vm4 =	vle.f32 v14, v16;
	vm5 =	vle.f32 v11, v16  }
0x4f: {  	v10 =	vadd.f32 v12, v13;
	v12 =	vld [tilespmem:s14+$0xFFFFE010];
	vm3 =	vmand vm3, vm4;
	v13 =	vsel vm5, $0x1, v4  }
0x50: {  	v11 =	vmin.f32 v14, v11;
	v13 =	vsel vm3, $0x0, v13  }
0x51: {  	v11 =	vmin.f32 v11, v16;
	[tilespmem:s13+$0xFFFFE010] =	vst v13;
	v13 =	vperm.xlane v10, v2;
	v14 =	vperm.xlane v10, v3  }
0x52: {  	v15 =	vld [tilespmem:s14+$0x10]  }
0x53: {  	vm3 =	vle.f32 v13, v10;
	vm4 =	vle.f32 v13, v14;
	vm5 =	vle.f32 v10, v14  }
0x54: {  	v11 =	vadd.f32 v12, v11;
	vm3 =	vmand vm3, vm4;
	v12 =	vsel vm5, $0x1, v4  }
0x55: {  	v10 =	vmin.f32 v13, v10;
	v12 =	vsel vm3, $0x0, v12  }
0x56: {  	v10 =	vmin.f32 v10, v14;
	[tilespmem:s13+$0x10] =	vst v12;
	v12 =	vperm.xlane v11, v2;
	v13 =	vperm.xlane v11, v3  }
0x57: {  	v10 =	vadd.f32 v15, v10;
	v14 =	vld [tilespmem:s14+$0xFFFFE020]  }
0x58: {  	vm3 =	vle.f32 v12, v11;
	vm4 =	vle.f32 v12, v13;
	vm5 =	vle.f32 v11, v13  }
0x59: {  	vm3 =	vmand vm3, vm4;
	v15 =	vsel vm5, $0x1, v4;
	v16 =	vperm.xlane v10, v2  }
0x5a: {  	v11 =	vmin.f32 v12, v11;
	v12 =	vsel vm3, $0x0, v15;
	v15 =	vperm.xlane v10, v3  }
0x5b: {  	v11 =	vmin.f32 v11, v13;
	[tilespmem:s13+$0xFFFFE020] =	vst v12;
	v12 =	vmin.f32 v16, v10;
	vm3 =	vle.f32 v16, v10  }
0x5c: {  	v11 =	vadd.f32 v14, v11;
	v13 =	vld [tilespmem:s14+$0x20];
	vm4 =	vle.f32 v16, v15;
	vm5 =	vle.f32 v10, v15  }
0x5d: {  	v10 =	vmin.f32 v12, v15;
	vm3 =	vmand vm3, vm4;
	v12 =	vsel vm5, $0x1, v4  }
0x5e: {  	v12 =	vsel vm3, $0x0, v12;
	v14 =	vperm.xlane v11, v2;
	v15 =	vperm.xlane v11, v3  }
0x5f: {  	[tilespmem:s13+$0x20] =	vst v12  }
0x60: {  	v16 =	vld [tilespmem:s14+$0xFFFFE030];
	vm3 =	vle.f32 v14, v11;
	vm4 =	vle.f32 v14, v15;
	vm5 =	vle.f32 v11, v15  }
0x61: {  	v13 =	vadd.f32 v13, v10;
	vm3 =	vmand vm3, vm4;
	v10 =	vsel vm5, $0x1, v4  }
0x62: {  	v11 =	vmin.f32 v14, v11;
	v10 =	vsel vm3, $0x0, v10  }
.Ltmp0:
0x63: {  	v11 =	vmin.f32 v11, v15;
	[tilespmem:s13+$0xFFFFE030] =	vst v10;
	v14 =	vperm.xlane v13, v2;
	v10 =	vperm.xlane v13, v3;
	(pc) =	sbr.rel @p1 .LBB2_2-.Ltmp0, $4  }
0x64: {  	v12 =	vld [tilespmem:s14+$0x30]  }
0x65: {  	s14 =	sadd.s32 $0x40, s14;
	vm3 =	vle.f32 v14, v13;
	vm4 =	vle.f32 v14, v10;
	vm5 =	vle.f32 v13, v10  }
0x66: {  	v11 =	vadd.f32 v16, v11;
	vm3 =	vmand vm3, vm4;
	v15 =	vsel vm5, $0x1, v4  }
0x67: {  	v13 =	vmin.f32 v14, v13;
	v14 =	vsel vm3, $0x0, v15  }
0x68: {  	v15 =	vperm.xlane v11, v2;
	v16 =	vperm.xlane v11, v3;
	v10 =	vmin.f32 v13, v10;
	[tilespmem:s13+$0x30] =	vst v14  }
0x69: {  	v13 =	vld [tilespmem:s14+$0xFFFFE000];
	v10 =	vadd.f32 v12, v10  }
0x6a: {  	vm3 =	vle.f32 v15, v11;
	vm4 =	vle.f32 v15, v16;
	vm5 =	vle.f32 v11, v16  }
0x6b: {  	v11 =	vmin.f32 v15, v11;
	vm3 =	vmand vm3, vm4;
	v12 =	vsel vm5, $0x1, v4  }
0x6c: {  	s22 =	sadd.s32 $0x40, s13;
	v14 =	vperm.xlane v10, v2;
	v15 =	vperm.xlane v10, v3;
	v12 =	vsel vm3, $0x0, v12  }
0x6d: {  	v11 =	vmin.f32 v11, v16;
	[tilespmem:s22+$0xFFFFE000] =	vst v12  }
0x6e: {  	vm3 =	vle.f32 v14, v10;
	vm4 =	vle.f32 v14, v15;
	v11 =	vadd.f32 v13, v11;
	v12 =	vld [tilespmem:s14+$0x0]  }
0x6f: {  	v13 =	vmin.f32 v14, v10;
	vm3 =	vmand vm3, vm4;
	vm4 =	vle.f32 v10, v15  }
0x70: {  	v10 =	vsel vm4, $0x1, v4;
	v14 =	vperm.xlane v11, v2;
	v16 =	vperm.xlane v11, v3  }
0x71: {  	v13 =	vmin.f32 v13, v15;
	v10 =	vsel vm3, $0x0, v10  }
0x72: {  	[tilespmem:s22+$0x0] =	vst v10;
	vm3 =	vle.f32 v14, v11;
	vm4 =	vle.f32 v14, v16;
	vm5 =	vle.f32 v11, v16  }
0x73: {  	v10 =	vadd.f32 v12, v13;
	v12 =	vld [tilespmem:s14+$0xFFFFE010];
	vm3 =	vmand vm3, vm4;
	v13 =	vsel vm5, $0x1, v4  }
0x74: {  	v13 =	vsel vm3, $0x0, v13  }
0x75: {  	v11 =	vmin.f32 v14, v11;
	[tilespmem:s22+$0xFFFFE010] =	vst v13;
	v13 =	vperm.xlane v10, v2;
	v14 =	vperm.xlane v10, v3  }
0x76: {  	v11 =	vmin.f32 v11, v16  }
0x77: {  	v15 =	vld [tilespmem:s14+$0x10];
	vm3 =	vle.f32 v13, v10;
	vm4 =	vle.f32 v13, v14;
	vm5 =	vle.f32 v10, v14  }
0x78: {  	v11 =	vadd.f32 v12, v11;
	vm3 =	vmand vm3, vm4;
	v12 =	vsel vm5, $0x1, v4  }
0x79: {  	v12 =	vsel vm3, $0x0, v12  }
0x7a: {  	v10 =	vmin.f32 v13, v10;
	[tilespmem:s22+$0x10] =	vst v12;
	v12 =	vperm.xlane v11, v2;
	v13 =	vperm.xlane v11, v3  }
0x7b: {  	v10 =	vmin.f32 v10, v14;
	v14 =	vld [tilespmem:s14+$0xFFFFE020]  }
0x7c: {  	v10 =	vadd.f32 v15, v10;
	vm3 =	vle.f32 v12, v11;
	vm4 =	vle.f32 v12, v13  }
0x7d: {  	vm5 =	vle.f32 v11, v13;
	v11 =	vmin.f32 v12, v11;
	vm3 =	vmand vm3, vm4  }
0x7e: {  	v15 =	vsel vm5, $0x1, v4;
	v16 =	vperm.xlane v10, v2;
	v12 =	vperm.xlane v10, v3  }
0x7f: {  	v11 =	vmin.f32 v11, v13;
	v15 =	vsel vm3, $0x0, v15  }
0x80: {  	[tilespmem:s22+$0xFFFFE020] =	vst v15;
	vm3 =	vle.f32 v16, v10;
	vm4 =	vle.f32 v16, v12;
	v11 =	vadd.f32 v14, v11  }
0x81: {  	vm5 =	vle.f32 v10, v12;
	v13 =	vld [tilespmem:s14+$0x20];
	vm3 =	vmand vm3, vm4  }
0x82: {  	v14 =	vsel vm5, $0x1, v4;
	v15 =	vperm.xlane v11, v2;
	v17 =	vperm.xlane v11, v3  }
0x83: {  	v10 =	vmin.f32 v16, v10;
	v14 =	vsel vm3, $0x0, v14  }
0x84: {  	vm3 =	vle.f32 v15, v11;
	vm4 =	vle.f32 v15, v17;
	vm5 =	vle.f32 v11, v17  }
0x85: {  	v10 =	vmin.f32 v10, v12;
	vm3 =	vmand vm3, vm4;
	v12 =	vsel vm5, $0x1, v4  }
0x86: {  	[tilespmem:s22+$0x20] =	vst v14;
	v10 =	vadd.f32 v13, v10;
	v12 =	vsel vm3, $0x0, v12  }
0x87: {  	v14 =	vld [tilespmem:s14+$0xFFFFE030];
	[tilespmem:s22+$0xFFFFE030] =	vst v12  }
0x88: {  	v12 =	vperm.xlane v10, v2;
	v13 =	vperm.xlane v10, v3;
	v16 =	vld [tilespmem:s14+$0x30];
	_ =	sdelay $0x1  }
0x89: {  	vm3 =	vle.f32 v12, v10;
	vm4 =	vle.f32 v12, v13;
	vm5 =	vle.f32 v10, v13  }
0x8a: {  	v10 =	vmin.f32 v12, v10;
	vm3 =	vmand vm3, vm4;
	v18 =	vsel vm5, $0x1, v4  }
0x8b: {  	v10 =	vmin.f32 v10, v13;
	v12 =	vsel vm3, $0x0, v18  }
0x8c: {  	[tilespmem:s22+$0x30] =	vst v12;
	v10 =	vadd.f32 v16, v10  }
0x8d: {  	v11 =	vmin.f32 v15, v11;
	v12 =	vld [tilespmem:$0x3FD0]  }
0x8e: {  	v11 =	vmin.f32 v11, v17;
	v13 =	vperm.xlane v10, v2  }
0x8f: {  	v11 =	vadd.f32 v14, v11;
	v14 =	vperm.xlane v10, v3  }
0x90: {  	v15 =	vld [tilespmem:$0x1FD0];
	v16 =	vmin.f32 v13, v10  }
0x91: {  	v17 =	vperm.xlane v11, v2;
	v16 =	vmin.f32 v16, v14  }
0x92: {  	v55 =	vperm.xlane v11, v3;
	v12 =	vadd.f32 v12, v16  }
0x93: {  	v19 =	vld [tilespmem:$0x3FE0];
	v16 =	vmin.f32 v17, v11  }
0x94: {  	v16 =	vmin.f32 v16, v55;
	v20 =	vperm.xlane v12, v2  }
0x95: {  	v15 =	vadd.f32 v15, v16;
	v16 =	vperm.xlane v12, v3  }
0x96: {  	v21 =	vld [tilespmem:$0x1FE0];
	v22 =	vmin.f32 v20, v12  }
0x97: {  	v23 =	vperm.xlane v15, v2;
	v22 =	vmin.f32 v22, v16  }
0x98: {  	v24 =	vperm.xlane v15, v3;
	v19 =	vadd.f32 v19, v22  }
0x99: {  	v25 =	vld [tilespmem:$0x3FF0];
	v56 =	vmin.f32 v23, v15  }
0x9a: {  	v22 =	vmin.f32 v56, v24;
	v26 =	vperm.xlane v19, v2  }
0x9b: {  	v21 =	vadd.f32 v21, v22;
	v57 =	vperm.xlane v19, v3  }
0x9c: {  	v27 =	vld [tilespmem:$0x1FF0];
	v28 =	vmin.f32 v26, v19  }
0x9d: {  	v29 =	vperm.xlane v21, v2;
	v28 =	vmin.f32 v28, v57  }
0x9e: {  	v30 =	vperm.xlane v21, v3;
	v25 =	vadd.f32 v25, v28  }
0x9f: {  	v58 =	vmin.f32 v29, v21  }
0xa0: {  	v28 =	vmin.f32 v58, v30;
	v31 =	vperm.xlane v25, v5  }
0xa1: {  	v27 =	vadd.f32 v27, v28  }
0xa2: {  	vm3 =	vle.f32 v17, v11;
	v59 =	vmin.f32 v25, v31  }
0xa3: {  	vm4 =	vle.f32 v17, v55;
	v17 =	vperm.xlane v27, v5;
	v31 =	vperm.xlane v59, v6  }
0xa4: {  	vm3 =	vmand vm3, vm4;
	vm4 =	vle.f32 v11, v55;
	vm5 =	vle.f32 v13, v14  }
0xa5: {  	v11 =	vsel vm4, $0x1, v4;
	v17 =	vmin.f32 v27, v17;
	v60 =	vmin.f32 v59, v31  }
0xa6: {  	vm4 =	vle.f32 v13, v10;
	v61 =	vperm.xlane v17, v6;
	v31 =	vperm.xlane v60, v7  }
0xa7: {  	v11 =	vsel vm3, $0x0, v11;
	vm3 =	vle.f32 v10, v14;
	vm4 =	vmand vm4, vm5  }
0xa8: {  	v14 =	vsel vm3, $0x1, v4;
	v10 =	vmin.f32 v17, v61;
	v13 =	vmin.f32 v60, v31  }
0xa9: {  	v14 =	vsel vm4, $0x0, v14;
	v17 =	vperm.xlane v10, v7;
	v18 =	vperm.xlane v13, v8  }
0xaa: {  	vm3 =	vle.f32 v23, v15;
	vm5 =	vle.f32 v23, v24;
	vm4 =	vle.f32 v15, v24  }
0xab: {  	vm3 =	vmand vm3, vm5;
	v10 =	vmin.f32 v10, v17;
	v13 =	vmin.f32 v13, v18  }
0xac: {  	v15 =	vperm.xlane v10, v8;
	vm5 =	veq.f32 v25, v13;
	v13 =	vsel vm4, $0x1, v4  }
0xad: {  	vm4 =	vle.f32 v20, v12;
	v17 =	vnsel vm5, $0x10, v9;
	vm5 =	vle.f32 v20, v16  }
0xae: {  	v10 =	vmin.f32 v10, v15;
	v13 =	vsel vm3, $0x0, v13;
	v15 =	vperm.xlane v17, v5  }
0xaf: {  	vm3 =	veq.f32 v27, v10;
	vm4 =	vmand vm4, vm5;
	vm5 =	vle.f32 v12, v16  }
0xb0: {  	v10 =	vnsel vm3, $0x10, v9;
	v12 =	vsel vm5, $0x1, v4  }
0xb1: {  	vm5 =	vle.f32 v29, v30;
	vm3 =	vlt.s32 v17, v15;
	v16 =	vperm.xlane v10, v5  }
0xb2: {  	v12 =	vsel vm4, $0x0, v12;
	v15 =	vsel vm3, v17, v15;
	vm3 =	vle.f32 v29, v21  }
0xb3: {  	vm4 =	vle.f32 v21, v30;
	vm3 =	vmand vm3, vm5;
	vm5 =	vlt.s32 v10, v16  }
0xb4: {  	v17 =	vsel vm4, $0x1, v4;
	v10 =	vsel vm5, v10, v16;
	v16 =	vperm.xlane v15, v6  }
0xb5: {  	[tilespmem:$0x5FD0] =	vst v11;
	vm4 =	vle.f32 v26, v19;
	vm5 =	vle.f32 v26, v57;
	v11 =	vperm.xlane v10, v6  }
0xb6: {  	[tilespmem:$0x7FD0] =	vst v14;
	v14 =	vsel vm3, $0x0, v17;
	vm3 =	vmand vm4, vm5;
	vm4 =	vlt.s32 v15, v16  }
0xb7: {  	[tilespmem:$0x5FE0] =	vst v13;
	vm5 =	vle.f32 v19, v57;
	v13 =	vsel vm4, v15, v16;
	vm4 =	vlt.s32 v10, v11  }
0xb8: {  	[tilespmem:$0x7FE0] =	vst v12;
	v12 =	vsel vm5, $0x1, v4;
	v10 =	vsel vm4, v10, v11;
	v11 =	vperm.xlane v13, v7  }
0xb9: {  	s23 =	simm.s32 $0x1FF0;
	[tilespmem:$0x5FF0] =	vst v14;
	v12 =	vsel vm3, $0x0, v12;
	v14 =	vperm.xlane v10, v7  }
0xba: {  	s13 =	sand.u32 $0x1FF0, s23;
	[tilespmem:$0x7FF0] =	vst v12;
	vm3 =	vlt.s32 v13, v11  }
0xbb: {  	s15 =	simm.s32 $0x5FF0;
	v12 =	vld [tilespmem:s13+$0x6000];
	vm4 =	vlt.s32 v10, v14;
	v11 =	vsel vm3, v13, v11  }
0xbc: {  	v10 =	vsel vm4, v10, v14;
	v13 =	vperm.xlane v11, v8;
	v14 =	vld [tilespmem:s15+$0x0]  }
0xbd: {  	v15 =	vperm.xlane v10, v8  }
0xbe: {  	vm3 =	vlt.s32 v11, v13  }
0xbf: {  	vm4 =	vlt.s32 v10, v15;
	v11 =	vsel vm3, v11, v13  }
0xc0: {  	s24 =	simm.s32 $0x1FE0;
	v10 =	vsel vm4, v10, v15;
	v12 =	vperm.xlane v12, v11  }
0xc1: {  	s13 =	sand.u32 $0x1FE0, s24;
	v13 =	vperm.xlane v14, v10  }
0xc2: {  	v14 =	vld [tilespmem:s13+$0x6000];
	v12 =	vadd.s32 v12, v11  }
0xc3: {  	v16 =	vld [tilespmem:s15+$0xFFFFFFF0];
	v12 =	vadd.s32 $0xFFFFFFFF, v12;
	v13 =	vadd.s32 v13, v10  }
0xc4: {  	s25 =	simm.s32 $0x1FF;
	v15 =	vimm.s32 $0x0;
	vm3 =	vgt.s32 v12, $0x0;
	v13 =	vadd.s32 $0xFFFFFFFF, v13  }
0xc5: {  	s13 =	sand.u32 $0xF, s25;
	v11 =	vadd.s32 v1, v11;
	v12 =	vnsel vm3, $0x0, v12;
	vm3 =	vgt.s32 v13, $0x0  }
0xc6: {  	v17 =	vmov s13;
	v12 =	vmin.u32 v12, $0xA;
	v13 =	vnsel vm3, $0x0, v13  }
0xc7: {  	s26 =	simm.s32 $0x1FD0;
	v10 =	vadd.s32 v0, v10;
	v13 =	vmin.u32 v13, $0xA;
	v14 =	vperm.xlane v14, v12  }
0xc8: {  	s28 =	simm.s32 $0x1FE;
	s13 =	sand.u32 $0x1FD0, s26;
	vm3 =	veq.s32 v17, v9;
	v17 =	vadd.s32 v1, v12;
	v16 =	vperm.xlane v16, v13  }
0xc9: {  	s14 =	sand.u32 $0xE, s28;
	v62 =	vld [tilespmem:s13+$0x6000];
	v11 =	vsel vm3, v11, v15;
	v10 =	vsel vm3, v10, v15;
	v12 =	vadd.s32 v14, v12  }
0xca: {  	v15 =	vld [tilespmem:s15+$0xFFFFFFE0];
	v14 =	vmov s14;
	v12 =	vadd.s32 $0xFFFFFFFF, v12;
	v16 =	vadd.s32 v16, v13  }
0xcb: {  	vm3 =	veq.s32 v14, v9;
	vm4 =	vgt.s32 v12, $0x0;
	v14 =	vadd.s32 $0xFFFFFFFF, v16  }
0xcc: {  	s29 =	simm.s32 $0x1FD;
	v12 =	vnsel vm4, $0x0, v12;
	vm4 =	vgt.s32 v14, $0x0  }
0xcd: {  	s13 =	sand.u32 $0xD, s29;
	v11 =	vsel vm3, v17, v11;
	v12 =	vmin.u32 v12, $0xA;
	v14 =	vnsel vm4, $0x0, v14  }
0xce: {  	v16 =	vmov s13;
	v14 =	vmin.u32 v14, $0xA;
	v17 =	vperm.xlane v62, v12  }
0xcf: {  	s30 =	simm.s32 $0x1FC0;
	v13 =	vadd.s32 v0, v13;
	vm4 =	veq.s32 v16, v9;
	v15 =	vperm.xlane v15, v14  }
0xd0: {  	s31 =	sand.u32 $0x1FC0, s30;
	v16 =	vadd.s32 v1, v12;
	v63 =	vadd.s32 v0, v14;
	v17 =	vadd.s32 v17, v12  }
0xd1: {  	s16 =	simm.s32 $0x1FC;
	v12 =	vsel vm4, v16, v11;
	v11 =	vsel vm3, v13, v10;
	v10 =	vld [tilespmem:s31+$0x6000];
	v13 =	vadd.s32 v15, v14  }
0xd2: {  	s20 =	sand.u32 $0xC, s16;
	v16 =	vadd.s32 $0xFFFFFFFF, v17;
	v14 =	vadd.s32 $0xFFFFFFFF, v13;
	v13 =	vsel vm4, v63, v11;
	v11 =	vld [tilespmem:s15+$0xFFFFFFD0]  }
0xd3: {  	s17 =	simm.s32 $0x4;
	s18 =	simm.s32 $0x83FC;
	s14 =	simm.s32 $0x1FB0;
	v17 =	vmov s20;
	vm3 =	vgt.s32 v16, $0x0  }
0xd4: {  	s19 =	sand.u32 $0x1FF0, s14;
	s13 =	simm.s32 $0x83FC;
	s15 =	simm.s32 $0x5FB0;
	v15 =	vnsel vm3, $0x0, v16;
	vm4 =	vgt.s32 v14, $0x0;
	vm3 =	veq.s32 v17, v9  }
.LBB2_4:
0xd5: {  	s17 =	sadd.s32 $0x4, s17;
	v15 =	vmin.u32 v15, $0xA;
	v14 =	vnsel vm4, $0x0, v14;
	s13 =	sadd.s32 $0xFFFFFFFC, s13;
	s16 =	sadd.s32 $0xFFFFFFFC, s16  }
0xd6: {  	p1 =	slt.u32 s17, $0x1F8;
	v14 =	vmin.u32 v14, $0xA;
	v16 =	vadd.s32 v1, v15;
	v10 =	vperm.xlane v10, v15  }
0xd7: {  	p2 =	sne.s32 s20, $0x0;
	v17 =	vadd.s32 v0, v14;
	v11 =	vperm.xlane v11, v14;
	v12 =	vsel vm3, v16, v12  }
0xd8: {  	s20 =	sadd.s32 $0xFFFFFFF0, s14;
	v13 =	vsel vm3, v17, v13;
	v10 =	vadd.s32 v10, v15;
	[tilespmem:s18+$0x0] =	vst @!p2 v12  }
0xd9: {  	s20 =	sand.u32 $0x1FE0, s20;
	v11 =	vadd.s32 v11, v14;
	v10 =	vadd.s32 $0xFFFFFFFF, v10;
	[tilespmem:s18+$0xFFFFFE00] =	vst @!p2 v13;
	s18 =	smov.u32 s13  }
0xda: {  	v14 =	vld [tilespmem:s19+$0x6000];
	v11 =	vadd.s32 $0xFFFFFFFF, v11;
	vm3 =	vgt.s32 v10, $0x0  }
0xdb: {  	v15 =	vld [tilespmem:s15+$0x0];
	vm4 =	vgt.s32 v11, $0x0;
	v10 =	vnsel vm3, $0x0, v10  }
0xdc: {  	v11 =	vnsel vm4, $0x0, v11;
	v10 =	vmin.u32 v10, $0xA  }
0xdd: {  	v11 =	vmin.u32 v11, $0xA  }
0xde: {  	v16 =	vld [tilespmem:s20+$0x6000]  }
0xdf: {  	s19 =	sadd.s32 $0xFFFFFFE0, s14;
	v14 =	vperm.xlane v14, v10;
	v17 =	vld [tilespmem:s15+$0xFFFFFFF0]  }
0xe0: {  	s19 =	sand.u32 $0x1FD0, s19;
	v15 =	vperm.xlane v15, v11;
	v18 =	vld [tilespmem:s15+$0xFFFFFFE0]  }
0xe1: {  	v14 =	vadd.s32 v14, v10;
	v19 =	vld [tilespmem:s19+$0x6000]  }
0xe2: {  	v14 =	vadd.s32 $0xFFFFFFFF, v14;
	v15 =	vadd.s32 v15, v11  }
0xe3: {  	s19 =	sadd.s32 $0x3, s16;
	v11 =	vadd.s32 v0, v11;
	vm3 =	vgt.s32 v14, $0x0;
	v15 =	vadd.s32 $0xFFFFFFFF, v15  }
0xe4: {  	s20 =	sadd.s32 $0x2, s16;
	v10 =	vadd.s32 v1, v10;
	s19 =	sand.u32 $0xF, s19;
	v14 =	vnsel vm3, $0x0, v14;
	vm3 =	vgt.s32 v15, $0x0  }
0xe5: {  	s20 =	sand.u32 $0xE, s20;
	v20 =	vmov s19;
	s19 =	sadd.s32 $0xFFFFFFD0, s14;
	v14 =	vmin.u32 v14, $0xA;
	v15 =	vnsel vm3, $0x0, v15  }
0xe6: {  	s19 =	sand.u32 $0x1FC0, s19;
	vm3 =	veq.s32 v20, v9;
	v15 =	vmin.u32 v15, $0xA;
	v16 =	vperm.xlane v16, v14  }
0xe7: {  	v20 =	vadd.s32 v1, v14;
	v12 =	vsel vm3, v10, v12;
	v17 =	vperm.xlane v17, v15;
	v10 =	vld [tilespmem:s19+$0x6000]  }
0xe8: {  	v13 =	vsel vm3, v11, v13;
	v14 =	vadd.s32 v16, v14;
	v16 =	vmov s20;
	v11 =	vld [tilespmem:s15+$0xFFFFFFD0]  }
0xe9: {  	s19 =	sadd.s32 $0x1, s16;
	v14 =	vadd.s32 $0xFFFFFFFF, v14;
	v17 =	vadd.s32 v17, v15;
	vm3 =	veq.s32 v16, v9  }
0xea: {  	s19 =	sand.u32 $0xD, s19;
	v15 =	vadd.s32 v0, v15;
	vm4 =	vgt.s32 v14, $0x0;
	v16 =	vadd.s32 $0xFFFFFFFF, v17  }
0xeb: {  	v12 =	vsel vm3, v20, v12;
	v14 =	vnsel vm4, $0x0, v14;
	vm4 =	vgt.s32 v16, $0x0  }
0xec: {  	v17 =	vmov s19;
	v14 =	vmin.u32 v14, $0xA;
	v16 =	vnsel vm4, $0x0, v16  }
0xed: {  	vm4 =	veq.s32 v17, v9;
	v16 =	vmin.u32 v16, $0xA;
	v19 =	vperm.xlane v19, v14  }
.Ltmp1:
0xee: {  	v17 =	vperm.xlane v18, v16;
	v18 =	vadd.s32 v1, v14;
	v20 =	vadd.s32 v0, v16;
	(pc) =	sbr.rel @p1 .LBB2_4-.Ltmp1, $4  }
0xef: {  	s14 =	sadd.s32 $0xFFFFFFC0, s14;
	s20 =	sand.u32 $0xC, s16;
	s15 =	sadd.s32 $0xFFFFFFC0, s15;
	v13 =	vsel vm3, v15, v13;
	v14 =	vadd.s32 v19, v14;
	v12 =	vsel vm4, v18, v12  }
0xf0: {  	s19 =	sand.u32 $0x1FF0, s14;
	v15 =	vadd.s32 $0xFFFFFFFF, v14;
	v14 =	vadd.s32 v17, v16;
	v16 =	vmov s20  }
0xf1: {  	v13 =	vsel vm4, v20, v13;
	vm3 =	vgt.s32 v15, $0x0;
	v14 =	vadd.s32 $0xFFFFFFFF, v14  }
0xf2: {  	v15 =	vnsel vm3, $0x0, v15;
	vm4 =	vgt.s32 v14, $0x0;
	vm3 =	veq.s32 v16, v9  }
0xf3: {  	v15 =	vmin.u32 v15, $0xA;
	v14 =	vnsel vm4, $0x0, v14  }
0xf4: {  	v14 =	vmin.u32 v14, $0xA;
	v16 =	vadd.s32 v1, v15  }
0xf5: {  	p1 =	sne.s32 s20, $0x0;
	v17 =	vadd.s32 v0, v14;
	v12 =	vsel vm3, v16, v12  }
0xf6: {  	v10 =	vperm.xlane v10, v15;
	v13 =	vsel vm3, v17, v13;
	[tilespmem:s18+$0x0] =	vst @!p1 v12  }
0xf7: {  	v11 =	vperm.xlane v11, v14;
	[tilespmem:s18+$0xFFFFFE00] =	vst @!p1 v13  }
0xf8: {  	v10 =	vadd.s32 v10, v15;
	v28 =	vld [tilespmem:s19+$0x6000]  }
0xf9: {  	v11 =	vadd.s32 v11, v14;
	v10 =	vadd.s32 $0xFFFFFFFF, v10;
	v29 =	vld [tilespmem:s15+$0x0]  }
0xfa: {  	v11 =	vadd.s32 $0xFFFFFFFF, v11;
	vm3 =	vgt.s32 v10, $0x0  }
0xfb: {  	vm9 =	vgt.s32 v11, $0x0;
	v10 =	vnsel vm3, $0x0, v10  }
0xfc: {  	v11 =	vnsel vm9, $0x0, v11;
	v10 =	vmin.u32 v10, $0xA  }
0xfd: {  	s17 =	sadd.s32 $0xFFFFFFF0, s14;
	v11 =	vmin.u32 v11, $0xA;
	v15 =	vperm.xlane v28, v10  }
0xfe: {  	s17 =	sand.u32 $0x1FE0, s17;
	v14 =	vperm.xlane v29, v11  }
0xff: {  	v30 =	vld [tilespmem:s17+$0x6000];
	v15 =	vadd.s32 v15, v10  }
0x100: {  	v31 =	vld [tilespmem:s15+$0xFFFFFFF0];
	v14 =	vadd.s32 v14, v11;
	v15 =	vadd.s32 $0xFFFFFFFF, v15  }
0x101: {  	v14 =	vadd.s32 $0xFFFFFFFF, v14;
	vm3 =	vgt.s32 v15, $0x0  }
0x102: {  	s16 =	sadd.s32 $0xFFFFFFFC, s16;
	v15 =	vnsel vm3, $0x0, v15;
	vm3 =	vgt.s32 v14, $0x0  }
0x103: {  	s25 =	sadd.s32 $0x3, s16;
	s31 =	sand.u32 $0xC, s16;
	v15 =	vmin.u32 v15, $0xA;
	v14 =	vnsel vm3, $0x0, v14  }
0x104: {  	s26 =	sadd.s32 $0xFFFFFFE0, s14;
	v44 =	vmov s31;
	s17 =	sand.u32 $0xF, s25;
	v14 =	vmin.u32 v14, $0xA;
	v16 =	vperm.xlane v30, v15  }
0x105: {  	s18 =	sand.u32 $0x1FD0, s26;
	v18 =	vmov s17;
	v11 =	vadd.s32 v0, v11;
	v17 =	vperm.xlane v31, v14  }
0x106: {  	v19 =	vld [tilespmem:s18+$0x6000];
	v10 =	vadd.s32 v1, v10;
	v32 =	vadd.s32 v1, v15;
	v15 =	vadd.s32 v16, v15  }
0x107: {  	v33 =	vld [tilespmem:s15+$0xFFFFFFE0];
	vm3 =	veq.s32 v18, v9;
	v34 =	vadd.s32 $0xFFFFFFFF, v15;
	v35 =	vadd.s32 v17, v14  }
0x108: {  	v10 =	vsel vm3, v10, v12;
	vm10 =	vgt.s32 v34, $0x0;
	v15 =	vadd.s32 $0xFFFFFFFF, v35  }
0x109: {  	s28 =	sadd.s32 $0x2, s16;
	v11 =	vsel vm3, v11, v13;
	v12 =	vnsel vm10, $0x0, v34;
	vm3 =	vgt.s32 v15, $0x0  }
0x10a: {  	s29 =	sadd.s32 $0x1, s16;
	vm14 =	veq.s32 v44, v9;
	s17 =	sand.u32 $0xE, s28;
	v12 =	vmin.u32 v12, $0xA;
	v37 =	vnsel vm3, $0x0, v15  }
0x10b: {  	v36 =	vmov s17;
	s17 =	sand.u32 $0xD, s29;
	v13 =	vmin.u32 v37, $0xA;
	v38 =	vperm.xlane v19, v12  }
0x10c: {  	vm11 =	veq.s32 v36, v9;
	v39 =	vmov s17;
	v16 =	vperm.xlane v33, v13  }
0x10d: {  	v10 =	vsel vm11, v32, v10;
	v40 =	vadd.s32 v1, v12;
	v12 =	vadd.s32 v38, v12  }
0x10e: {  	s30 =	sadd.s32 $0xFFFFFFD0, s14;
	v41 =	vadd.s32 v0, v13;
	v12 =	vadd.s32 $0xFFFFFFFF, v12;
	v13 =	vadd.s32 v16, v13  }
0x10f: {  	s14 =	sand.u32 $0x1FC0, s30;
	v42 =	vld [tilespmem:s15+$0xFFFFFFD0];
	v14 =	vadd.s32 v0, v14;
	vm12 =	vgt.s32 v12, $0x0;
	v13 =	vadd.s32 $0xFFFFFFFF, v13  }
0x110: {  	v43 =	vld [tilespmem:s14+$0x6000];
	v11 =	vsel vm11, v14, v11;
	v12 =	vnsel vm12, $0x0, v12;
	vm13 =	vgt.s32 v13, $0x0  }
0x111: {  	vm3 =	veq.s32 v39, v9;
	v12 =	vmin.u32 v12, $0xA;
	v13 =	vnsel vm13, $0x0, v13  }
0x112: {  	v10 =	vsel vm3, v40, v10;
	v13 =	vmin.u32 v13, $0xA;
	v45 =	vadd.s32 v1, v12  }
0x113: {  	s13 =	sadd.s32 $0xFFFFFFFC, s13;
	p1 =	sne.s32 s31, $0x0;
	v11 =	vsel vm3, v41, v11;
	v46 =	vadd.s32 v0, v13;
	v10 =	vsel vm14, v45, v10  }
0x114: {  	v16 =	vperm.xlane v42, v13;
	v11 =	vsel vm14, v46, v11;
	[tilespmem:s13+$0x0] =	vst @!p1 v10  }
0x115: {  	v14 =	vperm.xlane v43, v12;
	[tilespmem:s13+$0xFFFFFE00] =	vst @!p1 v11  }
0x116: {  	v13 =	vadd.s32 v16, v13;
	v47 =	vld [tilespmem:$0x4030]  }
0x117: {  	v12 =	vadd.s32 v14, v12;
	v13 =	vadd.s32 $0xFFFFFFFF, v13;
	v48 =	vld [tilespmem:$0x6030]  }
0x118: {  	v12 =	vadd.s32 $0xFFFFFFFF, v12;
	vm3 =	vgt.s32 v13, $0x0  }
0x119: {  	vm15 =	vgt.s32 v12, $0x0;
	v13 =	vnsel vm3, $0x0, v13  }
0x11a: {  	v12 =	vnsel vm15, $0x0, v12;
	v13 =	vmin.u32 v13, $0xA  }
0x11b: {  	v12 =	vmin.u32 v12, $0xA;
	v15 =	vperm.xlane v47, v13  }
0x11c: {  	v14 =	vperm.xlane v48, v12  }
0x11d: {  	v49 =	vld [tilespmem:$0x4020];
	v15 =	vadd.s32 v15, v13  }
0x11e: {  	v50 =	vld [tilespmem:$0x6020];
	v14 =	vadd.s32 v14, v12;
	v15 =	vadd.s32 $0xFFFFFFFF, v15  }
0x11f: {  	v14 =	vadd.s32 $0xFFFFFFFF, v14;
	vm3 =	vgt.s32 v15, $0x0  }
0x120: {  	v15 =	vnsel vm3, $0x0, v15;
	vm3 =	vgt.s32 v14, $0x0  }
0x121: {  	v15 =	vmin.u32 v15, $0xA;
	v14 =	vnsel vm3, $0x0, v14  }
0x122: {  	v14 =	vmin.u32 v14, $0xA;
	v16 =	vperm.xlane v49, v15  }
0x123: {  	v17 =	vperm.xlane v50, v14  }
0x124: {  	v51 =	vld [tilespmem:$0x4010];
	v16 =	vadd.s32 v16, v15  }
0x125: {  	v52 =	vld [tilespmem:$0x6010];
	v16 =	vadd.s32 $0xFFFFFFFF, v16;
	v17 =	vadd.s32 v17, v14  }
0x126: {  	vm3 =	vgt.s32 v16, $0x0;
	v17 =	vadd.s32 $0xFFFFFFFF, v17  }
0x127: {  	v13 =	vadd.s32 v0, v13;
	v16 =	vnsel vm3, $0x0, v16;
	vm3 =	vgt.s32 v17, $0x0  }
0x128: {  	v12 =	vadd.s32 v1, v12;
	v53 =	vmin.u32 v16, $0xA;
	v54 =	vnsel vm3, $0x0, v17  }
0x129: {  	v11 =	vsel vm0, v11, v13;
	v16 =	vmin.u32 v54, $0xA;
	v55 =	vperm.xlane v51, v53  }
0x12a: {  	v10 =	vsel vm0, v10, v12;
	v56 =	vadd.s32 v0, v15;
	v57 =	vperm.xlane v52, v16  }
0x12b: {  	v11 =	vsel vm1, v11, v56;
	v58 =	vadd.s32 v1, v14;
	v59 =	vadd.s32 v55, v53  }
0x12c: {  	v10 =	vsel vm1, v10, v58;
	v60 =	vadd.s32 $0xFFFFFFFF, v59;
	v61 =	vadd.s32 v57, v16  }
0x12d: {  	v13 =	vadd.s32 v0, v53;
	vm3 =	vgt.s32 v60, $0x0;
	v14 =	vadd.s32 $0xFFFFFFFF, v61  }
0x12e: {  	v11 =	vsel vm2, v11, v13;
	v12 =	vnsel vm3, $0x0, v60;
	vm3 =	vgt.s32 v14, $0x0  }
0x12f: {  	v62 =	vadd.s32 v1, v16;
	v12 =	vmin.u32 v12, $0xA;
	v14 =	vnsel vm3, $0x0, v14  }
0x130: {  	vm3 =	vmmov $0x1;
	v14 =	vmin.u32 v14, $0xA;
	v12 =	vadd.s32 v0, v12  }
0x131: {  	v10 =	vsel vm2, v10, v62;
	v11 =	vsel vm3, v12, v11;
	v63 =	vadd.s32 v1, v14  }
0x132: {  	[tilespmem:$0x8000] =	vst v11;
	v10 =	vsel vm3, v63, v10  }
0x133: {  	[tilespmem:$0x8200] =	vst v10  }
0x134: {  	[hbm4b:s5+s2] =	stream.linear.scatter [tilespmem:s10], [sflag:$0x2], $0x200, $0x38;
	[tilespmem:$0x8400] =	vst v63  }
0x135: {  	_ =	swait.ge [sflag:s11], $0x200  }
0x136: {  	s12 =	sadd.s32 $0x1, s12;
	s14 =	simm.s32 @!p0 $0x8200;
	[sflag:s11] =	ssyncset.done $0x0  }
0x137: {  	s13 =	simm.s32 @!p0 $0x0;
	p1 =	sne.s32 s12, s7;
	[sflag:s11] =	ssyncadd.s32 $0xFFFFFE00  }
0x138: {  	[hbm4b:s6+s13] =	stream.linear.scatter @!p0 [tilespmem:s14], [sflag:$0x2], $0x200, $0x38;
	[tilespmem:$0x8400] =	vst v63  }
.Ltmp2:
0x139: {  	_ = 	snop;
	(pc) =	sbr.rel @p1 .LBB2_1-.Ltmp2, $4  }
0x13a: {  	s13 =	simm.s32 @!p0 $0x2  }
0x13b: {  	_ =	swait.ge @!p0 [sflag:s13], $0x200  }
0x13c: {  	[sflag:s13] =	ssyncset.done @!p0 $0x0  }
0x13d: {  	[sflag:s13] =	ssyncadd.s32 @!p0 $0xFFFFFE00  }
0x13e: {  	_ =	sfence.sel $0x180000  }
0x13f: {  	[bflag:$0x0] =	sbarrier.arrive $0xFFFF  }
0x140: {  	p0 =	sne.s32 s0, $0x0;
	_ =	strace $0x90000047  }
0x141: {  	s0 =	sadd.s32 @!p0 $0x100000, s1;
	[bflag:$0x2] =	sbarrier.arrive $0xFFFF  }
0x142: {  	[sflag:s0] =	ssyncadd.tile.s32 @!p0 $0x1;
	_ =	shalt  }
.Lfunc_end2:
_tile_overlayer_lowered:
.L_overlay_start_2:
0x143: {  	(tag) =	ssettag $0x2  }
0x144: {  	s0 =	rddreg [dreg:$0x0];
	s2 =	stileid.u32  }
0x145: {  	s1 =	rddreg [dreg:$0x1];
	p0 =	sne.s32 s2, $0x0  }
0x146: {  	s3 =	rddreg [dreg:$0x2];
	[bflag:$0x3] =	sbarrier.arrive $0xFFFF;
	s2 =	simm.s32 @!p0 $0x1C02  }
0x147: {  	[timem:s3], [sflag:s2] =	dma.local @!p0 [hbm:s0], s1  }
0x148: {  	s0 =	simm.s32 @!p0 $0x2  }
0x149: {  	_ =	swait.ge @!p0 [sflag:s0], s1  }
0x14a: {  	s1 =	ssub.s32 @!p0 $0x0, s1;
	[sflag:s0] =	ssyncset.done @!p0 $0x0  }
0x14b: {  	[sflag:s0] =	ssyncadd.s32 @!p0 s1  }
0x14c: {  	[bflag:$0x3] =	sbarrier.arrive $0xFFFF  }
0x14d: {  	_ =	shalt  }

// kernel: kernel.7.cloned.1.call-start
scs
__scs_entry_jumppad:
0x0: {  	(pc) =	sbr.rel $0x88, $3  }
0x1: {  	(tag) =	ssettag $0x0;
	lr =	simm.s32 $0x1  }
0x2: {  	[smem:$0x3FA0] =	sst lr;
	_ =	strace $0xD0000000  }
0x3: {  	_ = 	snop  }
0x4: {  	_ = 	snop  }
0x5: {  	_ = 	snop  }
0x6: {  	_ = 	snop  }
0x7: {  	_ = 	snop  }
__scs_overlays_trampoline_lowered:
0x8: {  	[smem:$0x3FAF] =	sst s0  }
0x9: {  	[smem:$0x3FB0] =	sst s1  }
0xa: {  	[smem:$0x3FB1] =	sst s2  }
0xb: {  	[smem:$0x3FB2] =	sst s3  }
0xc: {  	[smem:$0x3FB3] =	sst s4  }
0xd: {  	[smem:$0x3FB4] =	sst s5  }
0xe: {  	[smem:$0x3FB5] =	sst s6  }
0xf: {  	[smem:$0x3FB6] =	sst s7  }
0x10: {  	[smem:$0x3FB7] =	sst s8  }
0x11: {  	[smem:$0x3FB8] =	sst s9;
	s0 =	simm.s32 @!p0 $0x0  }
0x12: {  	s1 =	sld [smem:$0x3F9E];
	s0 =	simm.s32 @p0 $0x1  }
0x13: {  	[smem:$0x3FB9] =	sst s0;
	s0 =	simm.s32 @!p1 $0x0  }
0x14: {  	s2 =	sld [smem:$0x3F9D];
	s0 =	simm.s32 @p1 $0x1  }
0x15: {  	[smem:$0x3FBA] =	sst s0;
	s0 =	simm.s32 @!p2 $0x0  }
0x16: {  	s3 =	sld [smem:$0x3FDB];
	s0 =	simm.s32 @p2 $0x1  }
0x17: {  	s4 =	simm.s32 $0x1BF5;
	[smem:$0x3FBC] =	sst s0  }
0x18: {  	s0 =	sld [smem:$0x3F9F];
	_ =	swait.ge [sflag:s4], $0x0  }
0x19: {  	s7 =	sld [smem:$0x3FA0]  }
0x1a: {  	s8 =	sadd.s32 $0xFFFFE003, lr  }
0x1b: {  	s9 =	sadd.s32 $0xFFFFFEF7, lr;
	s5 =	simm.s32 $0xFFFFFFFF;
	p2 =	slt.u32 s8, $0xFFFFF086  }
0x1c: {  	p1 =	slt.u32 s9, $0xF7A;
	s5 =	simm.s32 @!p2 $0x0  }
0x1d: {  	s5 =	simm.s32 @p1 $0x1;
	p0 =	seq.s32 s7, s2  }
0x1e: {  	s7 =	smul.u32 @!p0 $0xF7A, s2;
	p2 =	seq.s32 @!p0 s5, $0x0  }
0x1f: {  	s9 =	smul.u32 $0xF7A, s1;
	s8 =	simm.s32 @!p0 $0x1BF5;
	p2 =	por !p2, p0  }
0x20: {  	[sflag:s8] =	ssyncset.s32 @!p0 $0xFFFFF086;
	s6 =	sadd.s32 @!p0 s3, s7;
	s7 =	simm.s32 @!p0 $0x108  }
0x21: {  	s3 =	sadd.s32 s3, s9;
	s6 =	sadd.s32 @!p0 $0x88, s6;
	s7 =	simm.s32 @p2 $0x1082  }
0x22: {  	[simem:s7], [sflag:s8] =	dma.local @!p0 [hbm:s6], $0xF7A  }
0x23: {  	s9 =	sor.u32 $0xD0000000, s2;
	s6 =	simm.s32 $0x108;
	_ =	swait.ge @!p0 [sflag:s8], $0x0  }
0x24: {  	s3 =	sadd.s32 $0x88, s3;
	s6 =	simm.s32 @!p1 $0x1082;
	[sflag:s4] =	ssyncset.s32 $0xFFFFF086  }
0x25: {  	[simem:s6], [sflag:s4] =	dma.local [hbm:s3], $0xF7A  }
0x26: {  	[smem:$0x3FA0] =	sst s1;
	(tag) =	ssettag s2;
	_ =	strace s9  }
0x27: {  	s1 =	sld [smem:$0x3FB0]  }
0x28: {  	s2 =	sld [smem:$0x3FB1]  }
0x29: {  	s4 =	sld [smem:$0x3FB3]  }
0x2a: {  	p0 =	seq.s32 s5, $0x0;
	s5 =	sld [smem:$0x3FB4]  }
0x2b: {  	s6 =	sld [smem:$0x3FB5]  }
0x2c: {  	s7 =	sld [smem:$0x3FB6]  }
0x2d: {  	s3 =	simm.s32 $0x108;
	s8 =	sld [smem:$0x3FB7]  }
0x2e: {  	s3 =	simm.s32 @!p0 $0x1082;
	s9 =	sld [smem:$0x3FB8]  }
0x2f: {  	lr =	sadd.s32 s0, s3;
	s0 =	sld [smem:$0x3FAF]  }
0x30: {  	s3 =	sld [smem:$0x3FB2]  }
0x31: {  	[smem:$0x3FBB] =	sst s10  }
0x32: {  	s10 =	sld [smem:$0x3FB9];
	_ =	sdelay $0x3  }
0x33: {  	p0 =	seq.s32 s10, $0x1;
	s10 =	sld [smem:$0x3FBB];
	_ =	sdelay $0x3  }
0x34: {  	[smem:$0x3FBB] =	sst s10  }
0x35: {  	s10 =	sld [smem:$0x3FBA];
	_ =	sdelay $0x3  }
0x36: {  	p1 =	seq.s32 s10, $0x1;
	s10 =	sld [smem:$0x3FBB];
	_ =	sdelay $0x3  }
0x37: {  	[smem:$0x3FBB] =	sst s10  }
0x38: {  	s10 =	sld [smem:$0x3FBC]  }
0x39: {  	_ = 	snop;
	(pc) =	sbr.ind lr, $3  }
0x3a: {  	_ = 	snop  }
0x3b: {  	_ = 	snop  }
0x3c: {  	p2 =	seq.s32 s10, $0x1;
	s10 =	sld [smem:$0x3FBB]  }
0x3d: {  	_ =	shalt  }
0x3e: {  	_ =	shalt  }
0x3f: {  	_ =	shalt  }
0x40: {  	_ =	shalt  }
0x41: {  	_ =	shalt  }
0x42: {  	_ =	shalt  }
0x43: {  	_ =	shalt  }
0x44: {  	_ =	shalt  }
0x45: {  	_ =	shalt  }
0x46: {  	_ =	shalt  }
0x47: {  	_ =	shalt  }
0x48: {  	_ =	shalt  }
0x49: {  	_ =	shalt  }
0x4a: {  	_ =	shalt  }
0x4b: {  	_ =	shalt  }
0x4c: {  	_ =	shalt  }
0x4d: {  	_ =	shalt  }
0x4e: {  	_ =	shalt  }
0x4f: {  	_ =	shalt  }
0x50: {  	_ =	shalt  }
0x51: {  	_ =	shalt  }
0x52: {  	_ =	shalt  }
0x53: {  	_ =	shalt  }
0x54: {  	_ =	shalt  }
0x55: {  	_ =	shalt  }
0x56: {  	_ =	shalt  }
0x57: {  	_ =	shalt  }
0x58: {  	_ =	shalt  }
0x59: {  	_ =	shalt  }
0x5a: {  	_ =	shalt  }
0x5b: {  	_ =	shalt  }
0x5c: {  	_ =	shalt  }
0x5d: {  	_ =	shalt  }
0x5e: {  	_ =	shalt  }
0x5f: {  	_ =	shalt  }
0x60: {  	_ =	shalt  }
0x61: {  	_ =	shalt  }
0x62: {  	_ =	shalt  }
0x63: {  	_ =	shalt  }
0x64: {  	_ =	shalt  }
0x65: {  	_ =	shalt  }
0x66: {  	_ =	shalt  }
0x67: {  	_ =	shalt  }
0x68: {  	_ =	shalt  }
0x69: {  	_ =	shalt  }
0x6a: {  	_ =	shalt  }
0x6b: {  	_ =	shalt  }
0x6c: {  	_ =	shalt  }
0x6d: {  	_ =	shalt  }
0x6e: {  	_ =	shalt  }
0x6f: {  	_ =	shalt  }
0x70: {  	_ =	shalt  }
0x71: {  	_ =	shalt  }
0x72: {  	_ =	shalt  }
0x73: {  	_ =	shalt  }
0x74: {  	_ =	shalt  }
0x75: {  	_ =	shalt  }
0x76: {  	_ =	shalt  }
0x77: {  	_ =	shalt  }
0x78: {  	_ =	shalt  }
0x79: {  	_ =	shalt  }
0x7a: {  	_ =	shalt  }
0x7b: {  	_ =	shalt  }
0x7c: {  	_ =	shalt  }
0x7d: {  	_ =	shalt  }
0x7e: {  	_ =	shalt  }
0x7f: {  	_ =	shalt  }
0x80: {  	_ =	shalt  }
0x81: {  	_ =	shalt  }
0x82: {  	_ =	shalt  }
0x83: {  	_ =	shalt  }
0x84: {  	_ =	shalt  }
0x85: {  	_ =	shalt  }
0x86: {  	_ =	shalt  }
0x87: {  	_ =	shalt  }
.Lfunc_end0:
.L_simem_size_0:
called_computation_lowered:
.L_overlay_start_0:
0x88: {  	s2 =	sld [smem:$0x3FD9]  }
0x89: {  	s3 =	sld [smem:$0x3FFE];
	_ =	sdelay $0x1  }
0x8a: {  	s1 =	srdreg.scid  }
0x8b: {  	s0 =	sand.u32 $0x1, s1  }
0x8c: {  	s17 =	sshll.u32 s0, $0xA;
	s2 =	sadd.s32 s3, s2  }
0x8d: {  	s2 =	sadd.s32 s2, s17  }
0x8e: {  	[smem:$0x3FC7] =	sst s2  }
0x8f: {  	_ = 	snop  }
0x90: {  	s18 =	sld [smem:$0x3FD0];
	(tm) =	ssettm $0x1  }
0x91: {  	s19 =	sld [smem:$0x3FFB];
	_ =	sdelay $0x3  }
0x92: {  	_ =	strace s19  }
0x93: {  	s2 =	sld [smem:$0x3FFC];
	_ =	sdelay $0x3  }
0x94: {  	_ =	strace s2  }
0x95: {  	s2 =	sld [smem:$0x3FFD];
	_ =	sdelay $0x3  }
0x96: {  	_ =	strace s2  }
0x97: {  	_ =	strace $0x8FFFFFFF  }
0x98: {  	s20 =	sld [smem:$0x3FDB];
	_ =	sdelay $0x1  }
0x99: {  	s4 =	simm.s32 $_scs_section_size  }
0x9a: {  	s5 =	simm.s32 $_size__tile_overlayer_lowered;
	s6 =	simm.s32 $_tile_overlayer_lowered  }
0x9b: {  	s7 =	simm.s32 $0x1BFF;
	s21 =	sshll.u32 s6, $0x1;
	s4 =	sadd.s32 s4, s20  }
0x9c: {  	s22 =	simm.s32 $0x0;
	s5 =	sshll.u32 s5, $0x1;
	s6 =	sadd.s32 s21, s4  }
0x9d: {  	[timem:s22], [sflag:s7] =	dma.local [hbm:s6], s5  }
0x9e: {  	_ =	swait.ge [sflag:s7], s5  }
0x9f: {  	s5 =	ssub.s32 $0x0, s5;
	[sflag:s7] =	ssyncset.done $0x0  }
0xa0: {  	[sflag:s7] =	ssyncadd.s32 s5;
	_ =	sdelay $0x1  }
0xa1: {  	s23 =	simm.s32 $0x1B8B  }
0xa2: {  	_ =	swait.ge [sflag:s23], $0x1  }
0xa3: {  	[sflag:s23] =	ssyncset.done $0x0  }
0xa4: {  	[sflag:s23] =	ssyncadd.s32 $0xFFFFFFFF  }
0xa5: {  	s5 =	sld [smem:$0x0]  }
0xa6: {  	s6 =	sand.u32 $0xFFFFFFFE, s1  }
0xa7: {  	p0 =	sne.s32 s1, s6  }
0xa8: {  	s6 =	sshll.u32 @p0 s6, $0xE  }
0xa9: {  	s6 =	sadd.s32 @p0 $0x11B8D, s6;
	s7 =	sshll.u32 @p0 s5, $0x11  }
0xaa: {  	s6 =	sor.u32 @p0 s7, s6  }
0xab: {  	[sflag:s6] =	ssyncadd.remote.s32 @p0 $0x1;
	_ =	sdelay $0x1  }
0xac: {  	s6 =	simm.s32 @p0 $0x1B8D  }
0xad: {  	_ =	swait.eq @p0 [sflag:s6], $0x1  }
0xae: {  	[sflag:s6] =	ssyncadd.s32 @p0 $0xFFFFFFFF  }
0xaf: {  	s7 =	sshll.u32 @!p0 s1, $0xE  }
0xb0: {  	s7 =	sor.u32 @!p0 $0x4000, s7;
	s6 =	simm.s32 @!p0 $0x1B8D  }
0xb1: {  	s5 =	sshll.u32 @!p0 s5, $0x11;
	s7 =	sadd.s32 @!p0 $0x11B8D, s7;
	_ =	swait.eq @!p0 [sflag:s6], $0x1  }
0xb2: {  	s5 =	sor.u32 @!p0 s5, s7;
	[sflag:s6] =	ssyncadd.s32 @!p0 $0xFFFFFFFF  }
0xb3: {  	s25 =	simm.s32 $0x1B8E;
	s24 =	sld [smem:$0x3FFE];
	[sflag:s5] =	ssyncadd.remote.s32 @!p0 $0x1  }
0xb4: {  	s26 =	simm.s32 $execute0_lowered;
	[smem:$0x3FD2] =	sst s25  }
0xb5: {  	s6 =	sshll.u32 s26, $0x1;
	_ =	strace $0x80000049;
	[dreg:$0x1] =	wrdreg $0xFFFFFFFF  }
0xb6: {  	s28 =	simm.s32 $_size_execute0_lowered;
	s4 =	sadd.s32 s4, s6;
	[dreg:$0x0] =	wrdreg $0x0  }
0xb7: {  	s6 =	sshll.u32 s28, $0x1;
	[dreg:$0x2] =	wrdreg s4  }
0xb8: {  	[dreg:$0x3] =	wrdreg s6  }
0xb9: {  	[dreg:$0x4] =	wrdreg $0xC0  }
0xba: {  	_ =	task [dreg:s22], $0x5FFFF  }
0xbb: {  	[dreg:$0x1] =	wrdreg $0xFFFFFFFF  }
0xbc: {  	[dreg:$0x0] =	wrdreg $0x60  }
0xbd: {  	[dreg:$0x2] =	wrdreg s18  }
0xbe: {  	[dreg:$0x3] =	wrdreg s24  }
0xbf: {  	[dreg:$0x4] =	wrdreg $0x9  }
0xc0: {  	_ =	task.clear_ibuf [dreg:s22], $0x5FFFF;
	_ =	strace $0x90000049  }
0xc1: {  	s29 =	simm.s32 $0x9;
	_ =	strace $0x8000004B  }
0xc2: {  	_ =	swait.ge [sflag:s29], $0x1  }
0xc3: {  	[sflag:s29] =	ssyncadd.s32 $0xFFFFFFFF  }
0xc4: {  	_ =	strace $0x9000004B  }
0xc5: {  	_ =	sfence  }
0xc6: {  	s30 =	sld [smem:$0x0];
	_ =	sdelay $0x2  }
0xc7: {  	s31 =	sshll.u32 s1, $0xD;
	s1 =	sshrl.u32 s1, $0x2  }
0xc8: {  	s4 =	sand.u32 $0x4000, s31;
	s1 =	sadd.s32 s1, s30  }
0xc9: {  	s0 =	sor.u32 s4, s0;
	s1 =	sshll.u32 s1, $0x11  }
0xca: {  	s0 =	sor.u32 s1, s0  }
0xcb: {  	s0 =	sadd.s32 $0x8F2B, s0  }
0xcc: {  	[sflag:s0] =	ssyncadd.remote.s32 $0x1  }
0xcd: {  	_ =	sfence.sel $0xFFFF  }
0xce: {  	[dreg:$0x0] =	wrdreg $0xFFFFFFFF;
	(pc) =	sbr.abs _section_cstart, $3  }
0xcf: {  	[dreg:$0x1] =	wrdreg $0xFFFFFFFF  }
0xd0: {  	_ =	task.clear_ibuf [dreg:s22], $0x2FFFF;
	_ =	strace $0x9FFFFFFF  }
0xd1: {  	(tm) =	ssettm $0x7FFFFFFF  }
tec
execute0_lowered:
.L_overlay_start_1:
0x0: {  	(tag) =	ssettag $0x1  }
0x1: {  	v0 =	vimm.s32 $0xEDCBA987  }
0x2: {  	v1 =	vimm.s32 $0x65432100;
	v4 =	vimm.s32 $0xBA98FEDC;
	v5 =	vimm.s32 $0x87654321  }
0x3: {  	s1 =	srdreg.scid;
	s0 =	stileid.u32;
	v6 =	vimm.s32 $0x32107654;
	v7 =	vimm.s32 $0xDCFE98BA;
	v0 =	vunpack.c.l.s4.s8 v0  }
0x4: {  	v8 =	vimm.s32 $0x54761032;
	v9 =	vimm.s32 $0xFEDCBA98;
	s3 =	sand.u32 $0x1, s1;
	s29 =	sshll.u32 s0, $0x1;
	v2 =	vunpack.c.l.s4.s8 v1  }
0x5: {  	vm0 =	vcmask $0x1F00;
	vm1 =	vcmask $0x3F0C;
	s5 =	sor.u32 s3, s29;
	v3 =	vunpack.c.0.s8.s32 v0  }
0x6: {  	s4 =	rddreg [dreg:$0x0];
	v4 =	vunpack.c.l.s4.s8 v4;
	v6 =	vunpack.c.l.s4.s8 v6;
	s1 =	smin.u32 s5, $0x17;
	v2 =	vunpack.c.0.s8.s32 v2  }
0x7: {  	s7 =	rddreg [dreg:$0x1];
	v7 =	vunpack.c.l.s4.s8 v7;
	v8 =	vunpack.c.l.s4.s8 v8;
	s30 =	smul.u32 $0x25, s5;
	s6 =	sor.u32 $0x20, s1;
	v3 =	vand.u32 $0xF, v3  }
0x8: {  	s10 =	simm.s32 $0x8000;
	s11 =	simm.s32 $0x2;
	v5 =	vunpack.c.l.s4.s8 v5;
	s2 =	smul.u32 $0x25, s6;
	v2 =	vcombine.low v2, v3;
	v3 =	vunpack.c.0.s8.s32 v4  }
0x9: {  	s12 =	simm.s32 $0x0;
	s7 =	sadd.s32 $0xF600, s7;
	s1 =	sshrl.u32 s30, $0x8;
	v4 =	vunpack.c.0.s8.s32 v6;
	v6 =	vunpack.c.0.s8.s32 v7;
	v7 =	vunpack.c.0.s8.s32 v8  }
0xa: {  	vm2 =	vcmask $0x3F08;
	s3 =	ssub.s32 $0x2, s3;
	v5 =	vunpack.c.0.s8.s32 v5;
	s1 =	smul.u32 $0x7, s1;
	v8 =	vimm.s32 $0x76543210;
	s2 =	sshrl.u32 s2, $0x8  }
0xb: {  	p0 =	sgt.u32 s0, $0xB;
	s8 =	sshrl.u32 s3, $0x1;
	s2 =	smul.u32 $0x7, s2;
	v10 =	vcombine.low v4, v3;
	v7 =	vcombine.low v7, v6;
	v3 =	vimm.s32 $0xEFCDAB89  }
0xc: {  	s9 =	sshll.u32 s5, $0xA;
	s8 =	ssub.s32 s3, s8;
	s1 =	ssub.s32 s5, s1;
	v4 =	vimm.s32 $0x67452301;
	v6 =	vunpack.c.l.s4.s8 v9;
	v3 =	vunpack.c.l.s4.s8 v3  }
0xd: {  	s3 =	sadd.s32 s4, s9;
	v5 =	vand.u32 $0xF, v5;
	v8 =	vunpack.c.l.s4.s8 v8;
	s1 =	sand.u32 $0xFF, s1;
	v4 =	vunpack.c.l.s4.s8 v4;
	s2 =	ssub.s32 s6, s2  }
0xe: {  	s9 =	simm.s32 $0x1;
	s1 =	sshll.u32 s1, $0x6;
	v6 =	vunpack.c.0.s8.s32 v6;
	v7 =	vand.u32 $0xF, v7;
	s2 =	sand.u32 $0xFF, s2;
	v9 =	vunpack.c.0.s8.s32 v3  }
0xf: {  	s31 =	sshll.u32 s6, $0xA;
	s1 =	sor.u32 $0x3B, s1;
	v4 =	vunpack.c.0.s8.s32 v4;
	v3 =	vnsel vm0, $0xA, v5;
	vm0 =	vcmask $0x2320;
	s2 =	sshll.u32 s2, $0x6  }
0x10: {  	s4 =	sadd.s32 s4, s31;
	s5 =	sshll.u32 s5, $0x6;
	v5 =	vunpack.c.0.s8.s32 v8;
	v0 =	vmov s1;
	v3 =	vsel vm0, $0x9, v3;
	s2 =	sor.u32 $0x3B, s2  }
0x11: {  	s5 =	sadd.s32 s7, s5;
	s6 =	sshll.u32 s6, $0x6;
	v6 =	vand.u32 $0xF, v6;
	v8 =	vcombine.low v4, v9;
	v1 =	vmov s2;
	s2 =	simm.s32 $0x0  }
0x12: {  	s6 =	sadd.s32 s7, s6;
	s7 =	smax.u32 s8, $0x1;
	vm0 =	vcmask $0x3F10;
	v4 =	vimm.s32 $0x2;
	v5 =	vcombine.low v6, v5;
	[smem:$0x7FF] =	sst s2  }
0x13: {  	s8 =	simm.s32 $0x2000;
	s1 =	rddreg [dreg:$0x2];
	v6 =	vand.u32 $0xF, v10;
	v9 =	vlaneseq.u32;
	v8 =	vand.u32 $0xF, v8;
	_ =	strace $0x8000004A  }
.LBB2_1:
0x14: {  	[tilespmem:s2], [sflag:$0x1] =	stream.linear.gather [hbm4b:s3+s2], $0x2000, $0x38;
	[tilespmem:$0x8400] =	vst v63  }
0x15: {  	_ = 	snop  }
0x16: {  	[tilespmem:s8], [sflag:$0x1] =	stream.linear.gather [hbm4b:s4+s2], $0x2000, $0x38;
	[tilespmem:$0x8400] =	vst v63  }
0x17: {  	_ =	swait.ge [sflag:s9], $0x2000  }
0x18: {  	[sflag:s9] =	ssyncset.done $0x0  }
0x19: {  	[sflag:s9] =	ssyncadd.s32 $0xFFFFE000  }
0x1a: {  	_ =	swait.ge [sflag:s9], $0x2000  }
0x1b: {  	[sflag:s9] =	ssyncset.done $0x0  }
0x1c: {  	[sflag:s9] =	ssyncadd.s32 $0xFFFFE000  }
0x1d: {  	v10 =	vld [tilespmem:$0x0];
	_ =	sdelay $0x1  }
0x1e: {  	v11 =	vld [tilespmem:$0x2000];
	_ =	sdelay $0x2  }
0x1f: {  	v12 =	vperm.xlane v10, v2  }
0x20: {  	s14 =	simm.s32 $0x2010;
	v13 =	vperm.xlane v10, v3  }
0x21: {  	v14 =	vld [tilespmem:s14+$0xFFFFE000];
	v16 =	vperm.xlane v11, v3;
	vm3 =	vle.f32 v12, v10  }
0x22: {  	vm4 =	vle.f32 v12, v13;
	vm5 =	vle.f32 v10, v13;
	v10 =	vmin.f32 v12, v10  }
0x23: {  	v12 =	vperm.xlane v11, v2;
	vm3 =	vmand vm3, vm4;
	v15 =	vsel vm5, $0x1, v4  }
0x24: {  	s13 =	simm.s32 $0x6010;
	vm11 =	vle.f32 v11, v16;
	v15 =	vsel vm3, $0x0, v15  }
0x25: {  	v10 =	vmin.f32 v10, v13;
	vm3 =	vle.f32 v12, v11;
	vm10 =	vle.f32 v12, v16;
	[tilespmem:s13+$0xFFFFE000] =	vst v15  }
0x26: {  	v10 =	vadd.f32 v14, v10;
	v14 =	vsel vm11, $0x1, v4;
	vm3 =	vmand vm3, vm10;
	v13 =	vld [tilespmem:s14+$0x0]  }
0x27: {  	v11 =	vmin.f32 v12, v11;
	v12 =	vsel vm3, $0x0, v14  }
0x28: {  	v14 =	vperm.xlane v10, v2;
	v15 =	vperm.xlane v10, v3;
	[tilespmem:s13+$0x0] =	vst v12  }
0x29: {  	v12 =	vld [tilespmem:s14+$0xFFFFE010]  }
0x2a: {  	v11 =	vmin.f32 v11, v16;
	vm3 =	vle.f32 v14, v10;
	vm12 =	vle.f32 v14, v15  }
0x2b: {  	vm13 =	vle.f32 v10, v15;
	v10 =	vmin.f32 v14, v10;
	v11 =	vadd.f32 v13, v11  }
0x2c: {  	vm3 =	vmand vm3, vm12;
	v10 =	vmin.f32 v10, v15;
	v13 =	vsel vm13, $0x1, v4  }
0x2d: {  	v13 =	vsel vm3, $0x0, v13;
	v61 =	vperm.xlane v11, v2;
	v14 =	vperm.xlane v11, v3  }
0x2e: {  	[tilespmem:s13+$0xFFFFE010] =	vst v13;
	v10 =	vadd.f32 v12, v10  }
0x2f: {  	v13 =	vld [tilespmem:s14+$0x10];
	vm3 =	vle.f32 v61, v11;
	vm14 =	vle.f32 v61, v14;
	vm15 =	vle.f32 v11, v14  }
0x30: {  	vm3 =	vmand vm3, vm14;
	v12 =	vsel vm15, $0x1, v4  }
0x31: {  	v15 =	vperm.xlane v10, v2;
	v12 =	vsel vm3, $0x0, v12  }
0x32: {  	v11 =	vmin.f32 v61, v11;
	v62 =	vperm.xlane v10, v3;
	[tilespmem:s13+$0x10] =	vst v12  }
0x33: {  	v11 =	vmin.f32 v11, v14;
	vm3 =	vle.f32 v15, v10;
	v12 =	vld [tilespmem:s14+$0xFFFFE020]  }
0x34: {  	vm8 =	vle.f32 v15, v62;
	vm9 =	vle.f32 v10, v62;
	v11 =	vadd.f32 v13, v11  }
0x35: {  	v10 =	vmin.f32 v15, v10;
	vm3 =	vmand vm3, vm8;
	v13 =	vsel vm9, $0x1, v4  }
0x36: {  	v13 =	vsel vm3, $0x0, v13;
	v14 =	vperm.xlane v11, v2;
	v15 =	vperm.xlane v11, v3  }
0x37: {  	v10 =	vmin.f32 v10, v62;
	[tilespmem:s13+$0xFFFFE020] =	vst v13  }
0x38: {  	v13 =	vld [tilespmem:s14+$0x20];
	vm3 =	vle.f32 v14, v11;
	vm10 =	vle.f32 v14, v15;
	v12 =	vadd.f32 v12, v10  }
0x39: {  	vm11 =	vle.f32 v11, v15;
	v10 =	vmin.f32 v14, v11;
	vm3 =	vmand vm3, vm10  }
0x3a: {  	v11 =	vsel vm11, $0x1, v4;
	v14 =	vperm.xlane v12, v2;
	v63 =	vperm.xlane v12, v3  }
0x3b: {  	v10 =	vmin.f32 v10, v15;
	v11 =	vsel vm3, $0x0, v11  }
0x3c: {  	[tilespmem:s13+$0x20] =	vst v11;
	vm3 =	vle.f32 v14, v12;
	vm12 =	vle.f32 v14, v63;
	vm13 =	vle.f32 v12, v63  }
0x3d: {  	v13 =	vadd.f32 v13, v10;
	v11 =	vld [tilespmem:s14+$0xFFFFE030];
	vm3 =	vmand vm3, vm12;
	v15 =	vsel vm13, $0x1, v4  }
0x3e: {  	v12 =	vmin.f32 v14, v12;
	v14 =	vsel vm3, $0x0, v15  }
0x3f: {  	v17 =	vperm.xlane v13, v2;
	v10 =	vperm.xlane v13, v3;
	[tilespmem:s13+$0xFFFFE030] =	vst v14  }
0x40: {  	v15 =	vmin.f32 v12, v63;
	v12 =	vld [tilespmem:s14+$0x30]  }
0x41: {  	vm3 =	vle.f32 v17, v13;
	vm14 =	vle.f32 v17, v10;
	vm15 =	vle.f32 v13, v10  }
0x42: {  	vm3 =	vmand vm3, vm14;
	v14 =	vsel vm15, $0x1, v4;
	v11 =	vadd.f32 v11, v15  }
0x43: {  	s15 =	simm.s32 $0x5;
	v13 =	vmin.f32 v17, v13;
	s14 =	simm.s32 $0x2050;
	v14 =	vsel vm3, $0x0, v14  }
.LBB2_2:
0x44: {  	s15 =	sadd.s32 $0x4, s15;
	v15 =	vperm.xlane v11, v2;
	v16 =	vperm.xlane v11, v3;
	v10 =	vmin.f32 v13, v10;
	[tilespmem:s13+$0x30] =	vst v14;
	s13 =	sadd.s32 $0x40, s13  }
0x45: {  	p1 =	slt.u32 s15, $0x1F9;
	v13 =	vld [tilespmem:s14+$0xFFFFE000];
	v10 =	vadd.f32 v12, v10  }
0x46: {  	vm3 =	vle.f32 v15, v11;
	vm4 =	vle.f32 v15, v16;
	vm5 =	vle.f32 v11, v16  }
0x47: {  	v11 =	vmin.f32 v15, v11;
	vm3 =	vmand vm3, vm4;
	v12 =	vsel vm5, $0x1, v4  }
0x48: {  	v14 =	vperm.xlane v10, v2;
	v15 =	vperm.xlane v10, v3;
	v12 =	vsel vm3, $0x0, v12  }
0x49: {  	v11 =	vmin.f32 v11, v16;
	[tilespmem:s13+$0xFFFFE000] =	vst v12  }
0x4a: {  	vm3 =	vle.f32 v14, v10;
	vm4 =	vle.f32 v14, v15;
	v11 =	vadd.f32 v13, v11;
	v12 =	vld [tilespmem:s14+$0x0]  }
0x4b: {  	v13 =	vmin.f32 v14, v10;
	vm3 =	vmand vm3, vm4;
	vm4 =	vle.f32 v10, v15  }
0x4c: {  	v10 =	vsel vm4, $0x1, v4;
	v14 =	vperm.xlane v11, v2;
	v16 =	vperm.xlane v11, v3  }
0x4d: {  	v13 =	vmin.f32 v13, v15;
	v10 =	vsel vm3, $0x0, v10  }
0x4e: {  	[tilespmem:s13+$0x0] =	vst v10;
	vm3 =	vle.f32 v14, v11;
	vm4 =	vle.f32 v14, v16;
	vm5 =	vle.f32 v11, v16  }
0x4f: {  	v10 =	vadd.f32 v12, v13;
	v12 =	vld [tilespmem:s14+$0xFFFFE010];
	vm3 =	vmand vm3, vm4;
	v13 =	vsel vm5, $0x1, v4  }
0x50: {  	v11 =	vmin.f32 v14, v11;
	v13 =	vsel vm3, $0x0, v13  }
0x51: {  	v11 =	vmin.f32 v11, v16;
	[tilespmem:s13+$0xFFFFE010] =	vst v13;
	v13 =	vperm.xlane v10, v2;
	v14 =	vperm.xlane v10, v3  }
0x52: {  	v15 =	vld [tilespmem:s14+$0x10]  }
0x53: {  	vm3 =	vle.f32 v13, v10;
	vm4 =	vle.f32 v13, v14;
	vm5 =	vle.f32 v10, v14  }
0x54: {  	v11 =	vadd.f32 v12, v11;
	vm3 =	vmand vm3, vm4;
	v12 =	vsel vm5, $0x1, v4  }
0x55: {  	v10 =	vmin.f32 v13, v10;
	v12 =	vsel vm3, $0x0, v12  }
0x56: {  	v10 =	vmin.f32 v10, v14;
	[tilespmem:s13+$0x10] =	vst v12;
	v12 =	vperm.xlane v11, v2;
	v13 =	vperm.xlane v11, v3  }
0x57: {  	v10 =	vadd.f32 v15, v10;
	v14 =	vld [tilespmem:s14+$0xFFFFE020]  }
0x58: {  	vm3 =	vle.f32 v12, v11;
	vm4 =	vle.f32 v12, v13;
	vm5 =	vle.f32 v11, v13  }
0x59: {  	vm3 =	vmand vm3, vm4;
	v15 =	vsel vm5, $0x1, v4;
	v16 =	vperm.xlane v10, v2  }
0x5a: {  	v11 =	vmin.f32 v12, v11;
	v12 =	vsel vm3, $0x0, v15;
	v15 =	vperm.xlane v10, v3  }
0x5b: {  	v11 =	vmin.f32 v11, v13;
	[tilespmem:s13+$0xFFFFE020] =	vst v12;
	v12 =	vmin.f32 v16, v10;
	vm3 =	vle.f32 v16, v10  }
0x5c: {  	v11 =	vadd.f32 v14, v11;
	v13 =	vld [tilespmem:s14+$0x20];
	vm4 =	vle.f32 v16, v15;
	vm5 =	vle.f32 v10, v15  }
0x5d: {  	v10 =	vmin.f32 v12, v15;
	vm3 =	vmand vm3, vm4;
	v12 =	vsel vm5, $0x1, v4  }
0x5e: {  	v12 =	vsel vm3, $0x0, v12;
	v14 =	vperm.xlane v11, v2;
	v15 =	vperm.xlane v11, v3  }
0x5f: {  	[tilespmem:s13+$0x20] =	vst v12  }
0x60: {  	v16 =	vld [tilespmem:s14+$0xFFFFE030];
	vm3 =	vle.f32 v14, v11;
	vm4 =	vle.f32 v14, v15;
	vm5 =	vle.f32 v11, v15  }
0x61: {  	v13 =	vadd.f32 v13, v10;
	vm3 =	vmand vm3, vm4;
	v10 =	vsel vm5, $0x1, v4  }
0x62: {  	v11 =	vmin.f32 v14, v11;
	v10 =	vsel vm3, $0x0, v10  }
.Ltmp0:
0x63: {  	v11 =	vmin.f32 v11, v15;
	[tilespmem:s13+$0xFFFFE030] =	vst v10;
	v14 =	vperm.xlane v13, v2;
	v10 =	vperm.xlane v13, v3;
	(pc) =	sbr.rel @p1 .LBB2_2-.Ltmp0, $4  }
0x64: {  	v12 =	vld [tilespmem:s14+$0x30]  }
0x65: {  	s14 =	sadd.s32 $0x40, s14;
	vm3 =	vle.f32 v14, v13;
	vm4 =	vle.f32 v14, v10;
	vm5 =	vle.f32 v13, v10  }
0x66: {  	v11 =	vadd.f32 v16, v11;
	vm3 =	vmand vm3, vm4;
	v15 =	vsel vm5, $0x1, v4  }
0x67: {  	v13 =	vmin.f32 v14, v13;
	v14 =	vsel vm3, $0x0, v15  }
0x68: {  	v15 =	vperm.xlane v11, v2;
	v16 =	vperm.xlane v11, v3;
	v10 =	vmin.f32 v13, v10;
	[tilespmem:s13+$0x30] =	vst v14  }
0x69: {  	v13 =	vld [tilespmem:s14+$0xFFFFE000];
	v10 =	vadd.f32 v12, v10  }
0x6a: {  	vm3 =	vle.f32 v15, v11;
	vm4 =	vle.f32 v15, v16;
	vm5 =	vle.f32 v11, v16  }
0x6b: {  	v11 =	vmin.f32 v15, v11;
	vm3 =	vmand vm3, vm4;
	v12 =	vsel vm5, $0x1, v4  }
0x6c: {  	s22 =	sadd.s32 $0x40, s13;
	v14 =	vperm.xlane v10, v2;
	v15 =	vperm.xlane v10, v3;
	v12 =	vsel vm3, $0x0, v12  }
0x6d: {  	v11 =	vmin.f32 v11, v16;
	[tilespmem:s22+$0xFFFFE000] =	vst v12  }
0x6e: {  	vm3 =	vle.f32 v14, v10;
	vm4 =	vle.f32 v14, v15;
	v11 =	vadd.f32 v13, v11;
	v12 =	vld [tilespmem:s14+$0x0]  }
0x6f: {  	v13 =	vmin.f32 v14, v10;
	vm3 =	vmand vm3, vm4;
	vm4 =	vle.f32 v10, v15  }
0x70: {  	v10 =	vsel vm4, $0x1, v4;
	v14 =	vperm.xlane v11, v2;
	v16 =	vperm.xlane v11, v3  }
0x71: {  	v13 =	vmin.f32 v13, v15;
	v10 =	vsel vm3, $0x0, v10  }
0x72: {  	[tilespmem:s22+$0x0] =	vst v10;
	vm3 =	vle.f32 v14, v11;
	vm4 =	vle.f32 v14, v16;
	vm5 =	vle.f32 v11, v16  }
0x73: {  	v10 =	vadd.f32 v12, v13;
	v12 =	vld [tilespmem:s14+$0xFFFFE010];
	vm3 =	vmand vm3, vm4;
	v13 =	vsel vm5, $0x1, v4  }
0x74: {  	v13 =	vsel vm3, $0x0, v13  }
0x75: {  	v11 =	vmin.f32 v14, v11;
	[tilespmem:s22+$0xFFFFE010] =	vst v13;
	v13 =	vperm.xlane v10, v2;
	v14 =	vperm.xlane v10, v3  }
0x76: {  	v11 =	vmin.f32 v11, v16  }
0x77: {  	v15 =	vld [tilespmem:s14+$0x10];
	vm3 =	vle.f32 v13, v10;
	vm4 =	vle.f32 v13, v14;
	vm5 =	vle.f32 v10, v14  }
0x78: {  	v11 =	vadd.f32 v12, v11;
	vm3 =	vmand vm3, vm4;
	v12 =	vsel vm5, $0x1, v4  }
0x79: {  	v12 =	vsel vm3, $0x0, v12  }
0x7a: {  	v10 =	vmin.f32 v13, v10;
	[tilespmem:s22+$0x10] =	vst v12;
	v12 =	vperm.xlane v11, v2;
	v13 =	vperm.xlane v11, v3  }
0x7b: {  	v10 =	vmin.f32 v10, v14;
	v14 =	vld [tilespmem:s14+$0xFFFFE020]  }
0x7c: {  	v10 =	vadd.f32 v15, v10;
	vm3 =	vle.f32 v12, v11;
	vm4 =	vle.f32 v12, v13  }
0x7d: {  	vm5 =	vle.f32 v11, v13;
	v11 =	vmin.f32 v12, v11;
	vm3 =	vmand vm3, vm4  }
0x7e: {  	v15 =	vsel vm5, $0x1, v4;
	v16 =	vperm.xlane v10, v2;
	v12 =	vperm.xlane v10, v3  }
0x7f: {  	v11 =	vmin.f32 v11, v13;
	v15 =	vsel vm3, $0x0, v15  }
0x80: {  	[tilespmem:s22+$0xFFFFE020] =	vst v15;
	vm3 =	vle.f32 v16, v10;
	vm4 =	vle.f32 v16, v12;
	v11 =	vadd.f32 v14, v11  }
0x81: {  	vm5 =	vle.f32 v10, v12;
	v13 =	vld [tilespmem:s14+$0x20];
	vm3 =	vmand vm3, vm4  }
0x82: {  	v14 =	vsel vm5, $0x1, v4;
	v15 =	vperm.xlane v11, v2;
	v17 =	vperm.xlane v11, v3  }
0x83: {  	v10 =	vmin.f32 v16, v10;
	v14 =	vsel vm3, $0x0, v14  }
0x84: {  	vm3 =	vle.f32 v15, v11;
	vm4 =	vle.f32 v15, v17;
	vm5 =	vle.f32 v11, v17  }
0x85: {  	v10 =	vmin.f32 v10, v12;
	vm3 =	vmand vm3, vm4;
	v12 =	vsel vm5, $0x1, v4  }
0x86: {  	[tilespmem:s22+$0x20] =	vst v14;
	v10 =	vadd.f32 v13, v10;
	v12 =	vsel vm3, $0x0, v12  }
0x87: {  	v14 =	vld [tilespmem:s14+$0xFFFFE030];
	[tilespmem:s22+$0xFFFFE030] =	vst v12  }
0x88: {  	v12 =	vperm.xlane v10, v2;
	v13 =	vperm.xlane v10, v3;
	v16 =	vld [tilespmem:s14+$0x30];
	_ =	sdelay $0x1  }
0x89: {  	vm3 =	vle.f32 v12, v10;
	vm4 =	vle.f32 v12, v13;
	vm5 =	vle.f32 v10, v13  }
0x8a: {  	v10 =	vmin.f32 v12, v10;
	vm3 =	vmand vm3, vm4;
	v18 =	vsel vm5, $0x1, v4  }
0x8b: {  	v10 =	vmin.f32 v10, v13;
	v12 =	vsel vm3, $0x0, v18  }
0x8c: {  	[tilespmem:s22+$0x30] =	vst v12;
	v10 =	vadd.f32 v16, v10  }
0x8d: {  	v11 =	vmin.f32 v15, v11;
	v12 =	vld [tilespmem:$0x3FD0]  }
0x8e: {  	v11 =	vmin.f32 v11, v17;
	v13 =	vperm.xlane v10, v2  }
0x8f: {  	v11 =	vadd.f32 v14, v11;
	v14 =	vperm.xlane v10, v3  }
0x90: {  	v15 =	vld [tilespmem:$0x1FD0];
	v16 =	vmin.f32 v13, v10  }
0x91: {  	v17 =	vperm.xlane v11, v2;
	v16 =	vmin.f32 v16, v14  }
0x92: {  	v55 =	vperm.xlane v11, v3;
	v12 =	vadd.f32 v12, v16  }
0x93: {  	v19 =	vld [tilespmem:$0x3FE0];
	v16 =	vmin.f32 v17, v11  }
0x94: {  	v16 =	vmin.f32 v16, v55;
	v20 =	vperm.xlane v12, v2  }
0x95: {  	v15 =	vadd.f32 v15, v16;
	v16 =	vperm.xlane v12, v3  }
0x96: {  	v21 =	vld [tilespmem:$0x1FE0];
	v22 =	vmin.f32 v20, v12  }
0x97: {  	v23 =	vperm.xlane v15, v2;
	v22 =	vmin.f32 v22, v16  }
0x98: {  	v24 =	vperm.xlane v15, v3;
	v19 =	vadd.f32 v19, v22  }
0x99: {  	v25 =	vld [tilespmem:$0x3FF0];
	v56 =	vmin.f32 v23, v15  }
0x9a: {  	v22 =	vmin.f32 v56, v24;
	v26 =	vperm.xlane v19, v2  }
0x9b: {  	v21 =	vadd.f32 v21, v22;
	v57 =	vperm.xlane v19, v3  }
0x9c: {  	v27 =	vld [tilespmem:$0x1FF0];
	v28 =	vmin.f32 v26, v19  }
0x9d: {  	v29 =	vperm.xlane v21, v2;
	v28 =	vmin.f32 v28, v57  }
0x9e: {  	v30 =	vperm.xlane v21, v3;
	v25 =	vadd.f32 v25, v28  }
0x9f: {  	v58 =	vmin.f32 v29, v21  }
0xa0: {  	v28 =	vmin.f32 v58, v30;
	v31 =	vperm.xlane v25, v5  }
0xa1: {  	v27 =	vadd.f32 v27, v28  }
0xa2: {  	vm3 =	vle.f32 v17, v11;
	v59 =	vmin.f32 v25, v31  }
0xa3: {  	vm4 =	vle.f32 v17, v55;
	v17 =	vperm.xlane v27, v5;
	v31 =	vperm.xlane v59, v6  }
0xa4: {  	vm3 =	vmand vm3, vm4;
	vm4 =	vle.f32 v11, v55;
	vm5 =	vle.f32 v13, v14  }
0xa5: {  	v11 =	vsel vm4, $0x1, v4;
	v17 =	vmin.f32 v27, v17;
	v60 =	vmin.f32 v59, v31  }
0xa6: {  	vm4 =	vle.f32 v13, v10;
	v61 =	vperm.xlane v17, v6;
	v31 =	vperm.xlane v60, v7  }
0xa7: {  	v11 =	vsel vm3, $0x0, v11;
	vm3 =	vle.f32 v10, v14;
	vm4 =	vmand vm4, vm5  }
0xa8: {  	v14 =	vsel vm3, $0x1, v4;
	v10 =	vmin.f32 v17, v61;
	v13 =	vmin.f32 v60, v31  }
0xa9: {  	v14 =	vsel vm4, $0x0, v14;
	v17 =	vperm.xlane v10, v7;
	v18 =	vperm.xlane v13, v8  }
0xaa: {  	vm3 =	vle.f32 v23, v15;
	vm5 =	vle.f32 v23, v24;
	vm4 =	vle.f32 v15, v24  }
0xab: {  	vm3 =	vmand vm3, vm5;
	v10 =	vmin.f32 v10, v17;
	v13 =	vmin.f32 v13, v18  }
0xac: {  	v15 =	vperm.xlane v10, v8;
	vm5 =	veq.f32 v25, v13;
	v13 =	vsel vm4, $0x1, v4  }
0xad: {  	vm4 =	vle.f32 v20, v12;
	v17 =	vnsel vm5, $0x10, v9;
	vm5 =	vle.f32 v20, v16  }
0xae: {  	v10 =	vmin.f32 v10, v15;
	v13 =	vsel vm3, $0x0, v13;
	v15 =	vperm.xlane v17, v5  }
0xaf: {  	vm3 =	veq.f32 v27, v10;
	vm4 =	vmand vm4, vm5;
	vm5 =	vle.f32 v12, v16  }
0xb0: {  	v10 =	vnsel vm3, $0x10, v9;
	v12 =	vsel vm5, $0x1, v4  }
0xb1: {  	vm5 =	vle.f32 v29, v30;
	vm3 =	vlt.s32 v17, v15;
	v16 =	vperm.xlane v10, v5  }
0xb2: {  	v12 =	vsel vm4, $0x0, v12;
	v15 =	vsel vm3, v17, v15;
	vm3 =	vle.f32 v29, v21  }
0xb3: {  	vm4 =	vle.f32 v21, v30;
	vm3 =	vmand vm3, vm5;
	vm5 =	vlt.s32 v10, v16  }
0xb4: {  	v17 =	vsel vm4, $0x1, v4;
	v10 =	vsel vm5, v10, v16;
	v16 =	vperm.xlane v15, v6  }
0xb5: {  	[tilespmem:$0x5FD0] =	vst v11;
	vm4 =	vle.f32 v26, v19;
	vm5 =	vle.f32 v26, v57;
	v11 =	vperm.xlane v10, v6  }
0xb6: {  	[tilespmem:$0x7FD0] =	vst v14;
	v14 =	vsel vm3, $0x0, v17;
	vm3 =	vmand vm4, vm5;
	vm4 =	vlt.s32 v15, v16  }
0xb7: {  	[tilespmem:$0x5FE0] =	vst v13;
	vm5 =	vle.f32 v19, v57;
	v13 =	vsel vm4, v15, v16;
	vm4 =	vlt.s32 v10, v11  }
0xb8: {  	[tilespmem:$0x7FE0] =	vst v12;
	v12 =	vsel vm5, $0x1, v4;
	v10 =	vsel vm4, v10, v11;
	v11 =	vperm.xlane v13, v7  }
0xb9: {  	s23 =	simm.s32 $0x1FF0;
	[tilespmem:$0x5FF0] =	vst v14;
	v12 =	vsel vm3, $0x0, v12;
	v14 =	vperm.xlane v10, v7  }
0xba: {  	s13 =	sand.u32 $0x1FF0, s23;
	[tilespmem:$0x7FF0] =	vst v12;
	vm3 =	vlt.s32 v13, v11  }
0xbb: {  	s15 =	simm.s32 $0x5FF0;
	v12 =	vld [tilespmem:s13+$0x6000];
	vm4 =	vlt.s32 v10, v14;
	v11 =	vsel vm3, v13, v11  }
0xbc: {  	v10 =	vsel vm4, v10, v14;
	v13 =	vperm.xlane v11, v8;
	v14 =	vld [tilespmem:s15+$0x0]  }
0xbd: {  	v15 =	vperm.xlane v10, v8  }
0xbe: {  	vm3 =	vlt.s32 v11, v13  }
0xbf: {  	vm4 =	vlt.s32 v10, v15;
	v11 =	vsel vm3, v11, v13  }
0xc0: {  	s24 =	simm.s32 $0x1FE0;
	v10 =	vsel vm4, v10, v15;
	v12 =	vperm.xlane v12, v11  }
0xc1: {  	s13 =	sand.u32 $0x1FE0, s24;
	v13 =	vperm.xlane v14, v10  }
0xc2: {  	v14 =	vld [tilespmem:s13+$0x6000];
	v12 =	vadd.s32 v12, v11  }
0xc3: {  	v16 =	vld [tilespmem:s15+$0xFFFFFFF0];
	v12 =	vadd.s32 $0xFFFFFFFF, v12;
	v13 =	vadd.s32 v13, v10  }
0xc4: {  	s25 =	simm.s32 $0x1FF;
	v15 =	vimm.s32 $0x0;
	vm3 =	vgt.s32 v12, $0x0;
	v13 =	vadd.s32 $0xFFFFFFFF, v13  }
0xc5: {  	s13 =	sand.u32 $0xF, s25;
	v11 =	vadd.s32 v1, v11;
	v12 =	vnsel vm3, $0x0, v12;
	vm3 =	vgt.s32 v13, $0x0  }
0xc6: {  	v17 =	vmov s13;
	v12 =	vmin.u32 v12, $0xA;
	v13 =	vnsel vm3, $0x0, v13  }
0xc7: {  	s26 =	simm.s32 $0x1FD0;
	v10 =	vadd.s32 v0, v10;
	v13 =	vmin.u32 v13, $0xA;
	v14 =	vperm.xlane v14, v12  }
0xc8: {  	s28 =	simm.s32 $0x1FE;
	s13 =	sand.u32 $0x1FD0, s26;
	vm3 =	veq.s32 v17, v9;
	v17 =	vadd.s32 v1, v12;
	v16 =	vperm.xlane v16, v13  }
0xc9: {  	s14 =	sand.u32 $0xE, s28;
	v62 =	vld [tilespmem:s13+$0x6000];
	v11 =	vsel vm3, v11, v15;
	v10 =	vsel vm3, v10, v15;
	v12 =	vadd.s32 v14, v12  }
0xca: {  	v15 =	vld [tilespmem:s15+$0xFFFFFFE0];
	v14 =	vmov s14;
	v12 =	vadd.s32 $0xFFFFFFFF, v12;
	v16 =	vadd.s32 v16, v13  }
0xcb: {  	vm3 =	veq.s32 v14, v9;
	vm4 =	vgt.s32 v12, $0x0;
	v14 =	vadd.s32 $0xFFFFFFFF, v16  }
0xcc: {  	s29 =	simm.s32 $0x1FD;
	v12 =	vnsel vm4, $0x0, v12;
	vm4 =	vgt.s32 v14, $0x0  }
0xcd: {  	s13 =	sand.u32 $0xD, s29;
	v11 =	vsel vm3, v17, v11;
	v12 =	vmin.u32 v12, $0xA;
	v14 =	vnsel vm4, $0x0, v14  }
0xce: {  	v16 =	vmov s13;
	v14 =	vmin.u32 v14, $0xA;
	v17 =	vperm.xlane v62, v12  }
0xcf: {  	s30 =	simm.s32 $0x1FC0;
	v13 =	vadd.s32 v0, v13;
	vm4 =	veq.s32 v16, v9;
	v15 =	vperm.xlane v15, v14  }
0xd0: {  	s31 =	sand.u32 $0x1FC0, s30;
	v16 =	vadd.s32 v1, v12;
	v63 =	vadd.s32 v0, v14;
	v17 =	vadd.s32 v17, v12  }
0xd1: {  	s16 =	simm.s32 $0x1FC;
	v12 =	vsel vm4, v16, v11;
	v11 =	vsel vm3, v13, v10;
	v10 =	vld [tilespmem:s31+$0x6000];
	v13 =	vadd.s32 v15, v14  }
0xd2: {  	s20 =	sand.u32 $0xC, s16;
	v16 =	vadd.s32 $0xFFFFFFFF, v17;
	v14 =	vadd.s32 $0xFFFFFFFF, v13;
	v13 =	vsel vm4, v63, v11;
	v11 =	vld [tilespmem:s15+$0xFFFFFFD0]  }
0xd3: {  	s17 =	simm.s32 $0x4;
	s18 =	simm.s32 $0x83FC;
	s14 =	simm.s32 $0x1FB0;
	v17 =	vmov s20;
	vm3 =	vgt.s32 v16, $0x0  }
0xd4: {  	s19 =	sand.u32 $0x1FF0, s14;
	s13 =	simm.s32 $0x83FC;
	s15 =	simm.s32 $0x5FB0;
	v15 =	vnsel vm3, $0x0, v16;
	vm4 =	vgt.s32 v14, $0x0;
	vm3 =	veq.s32 v17, v9  }
.LBB2_4:
0xd5: {  	s17 =	sadd.s32 $0x4, s17;
	v15 =	vmin.u32 v15, $0xA;
	v14 =	vnsel vm4, $0x0, v14;
	s13 =	sadd.s32 $0xFFFFFFFC, s13;
	s16 =	sadd.s32 $0xFFFFFFFC, s16  }
0xd6: {  	p1 =	slt.u32 s17, $0x1F8;
	v14 =	vmin.u32 v14, $0xA;
	v16 =	vadd.s32 v1, v15;
	v10 =	vperm.xlane v10, v15  }
0xd7: {  	p2 =	sne.s32 s20, $0x0;
	v17 =	vadd.s32 v0, v14;
	v11 =	vperm.xlane v11, v14;
	v12 =	vsel vm3, v16, v12  }
0xd8: {  	s20 =	sadd.s32 $0xFFFFFFF0, s14;
	v13 =	vsel vm3, v17, v13;
	v10 =	vadd.s32 v10, v15;
	[tilespmem:s18+$0x0] =	vst @!p2 v12  }
0xd9: {  	s20 =	sand.u32 $0x1FE0, s20;
	v11 =	vadd.s32 v11, v14;
	v10 =	vadd.s32 $0xFFFFFFFF, v10;
	[tilespmem:s18+$0xFFFFFE00] =	vst @!p2 v13;
	s18 =	smov.u32 s13  }
0xda: {  	v14 =	vld [tilespmem:s19+$0x6000];
	v11 =	vadd.s32 $0xFFFFFFFF, v11;
	vm3 =	vgt.s32 v10, $0x0  }
0xdb: {  	v15 =	vld [tilespmem:s15+$0x0];
	vm4 =	vgt.s32 v11, $0x0;
	v10 =	vnsel vm3, $0x0, v10  }
0xdc: {  	v11 =	vnsel vm4, $0x0, v11;
	v10 =	vmin.u32 v10, $0xA  }
0xdd: {  	v11 =	vmin.u32 v11, $0xA  }
0xde: {  	v16 =	vld [tilespmem:s20+$0x6000]  }
0xdf: {  	s19 =	sadd.s32 $0xFFFFFFE0, s14;
	v14 =	vperm.xlane v14, v10;
	v17 =	vld [tilespmem:s15+$0xFFFFFFF0]  }
0xe0: {  	s19 =	sand.u32 $0x1FD0, s19;
	v15 =	vperm.xlane v15, v11;
	v18 =	vld [tilespmem:s15+$0xFFFFFFE0]  }
0xe1: {  	v14 =	vadd.s32 v14, v10;
	v19 =	vld [tilespmem:s19+$0x6000]  }
0xe2: {  	v14 =	vadd.s32 $0xFFFFFFFF, v14;
	v15 =	vadd.s32 v15, v11  }
0xe3: {  	s19 =	sadd.s32 $0x3, s16;
	v11 =	vadd.s32 v0, v11;
	vm3 =	vgt.s32 v14, $0x0;
	v15 =	vadd.s32 $0xFFFFFFFF, v15  }
0xe4: {  	s20 =	sadd.s32 $0x2, s16;
	v10 =	vadd.s32 v1, v10;
	s19 =	sand.u32 $0xF, s19;
	v14 =	vnsel vm3, $0x0, v14;
	vm3 =	vgt.s32 v15, $0x0  }
0xe5: {  	s20 =	sand.u32 $0xE, s20;
	v20 =	vmov s19;
	s19 =	sadd.s32 $0xFFFFFFD0, s14;
	v14 =	vmin.u32 v14, $0xA;
	v15 =	vnsel vm3, $0x0, v15  }
0xe6: {  	s19 =	sand.u32 $0x1FC0, s19;
	vm3 =	veq.s32 v20, v9;
	v15 =	vmin.u32 v15, $0xA;
	v16 =	vperm.xlane v16, v14  }
0xe7: {  	v20 =	vadd.s32 v1, v14;
	v12 =	vsel vm3, v10, v12;
	v17 =	vperm.xlane v17, v15;
	v10 =	vld [tilespmem:s19+$0x6000]  }
0xe8: {  	v13 =	vsel vm3, v11, v13;
	v14 =	vadd.s32 v16, v14;
	v16 =	vmov s20;
	v11 =	vld [tilespmem:s15+$0xFFFFFFD0]  }
0xe9: {  	s19 =	sadd.s32 $0x1, s16;
	v14 =	vadd.s32 $0xFFFFFFFF, v14;
	v17 =	vadd.s32 v17, v15;
	vm3 =	veq.s32 v16, v9  }
0xea: {  	s19 =	sand.u32 $0xD, s19;
	v15 =	vadd.s32 v0, v15;
	vm4 =	vgt.s32 v14, $0x0;
	v16 =	vadd.s32 $0xFFFFFFFF, v17  }
0xeb: {  	v12 =	vsel vm3, v20, v12;
	v14 =	vnsel vm4, $0x0, v14;
	vm4 =	vgt.s32 v16, $0x0  }
0xec: {  	v17 =	vmov s19;
	v14 =	vmin.u32 v14, $0xA;
	v16 =	vnsel vm4, $0x0, v16  }
0xed: {  	vm4 =	veq.s32 v17, v9;
	v16 =	vmin.u32 v16, $0xA;
	v19 =	vperm.xlane v19, v14  }
.Ltmp1:
0xee: {  	v17 =	vperm.xlane v18, v16;
	v18 =	vadd.s32 v1, v14;
	v20 =	vadd.s32 v0, v16;
	(pc) =	sbr.rel @p1 .LBB2_4-.Ltmp1, $4  }
0xef: {  	s14 =	sadd.s32 $0xFFFFFFC0, s14;
	s20 =	sand.u32 $0xC, s16;
	s15 =	sadd.s32 $0xFFFFFFC0, s15;
	v13 =	vsel vm3, v15, v13;
	v14 =	vadd.s32 v19, v14;
	v12 =	vsel vm4, v18, v12  }
0xf0: {  	s19 =	sand.u32 $0x1FF0, s14;
	v15 =	vadd.s32 $0xFFFFFFFF, v14;
	v14 =	vadd.s32 v17, v16;
	v16 =	vmov s20  }
0xf1: {  	v13 =	vsel vm4, v20, v13;
	vm3 =	vgt.s32 v15, $0x0;
	v14 =	vadd.s32 $0xFFFFFFFF, v14  }
0xf2: {  	v15 =	vnsel vm3, $0x0, v15;
	vm4 =	vgt.s32 v14, $0x0;
	vm3 =	veq.s32 v16, v9  }
0xf3: {  	v15 =	vmin.u32 v15, $0xA;
	v14 =	vnsel vm4, $0x0, v14  }
0xf4: {  	v14 =	vmin.u32 v14, $0xA;
	v16 =	vadd.s32 v1, v15  }
0xf5: {  	p1 =	sne.s32 s20, $0x0;
	v17 =	vadd.s32 v0, v14;
	v12 =	vsel vm3, v16, v12  }
0xf6: {  	v10 =	vperm.xlane v10, v15;
	v13 =	vsel vm3, v17, v13;
	[tilespmem:s18+$0x0] =	vst @!p1 v12  }
0xf7: {  	v11 =	vperm.xlane v11, v14;
	[tilespmem:s18+$0xFFFFFE00] =	vst @!p1 v13  }
0xf8: {  	v10 =	vadd.s32 v10, v15;
	v28 =	vld [tilespmem:s19+$0x6000]  }
0xf9: {  	v11 =	vadd.s32 v11, v14;
	v10 =	vadd.s32 $0xFFFFFFFF, v10;
	v29 =	vld [tilespmem:s15+$0x0]  }
0xfa: {  	v11 =	vadd.s32 $0xFFFFFFFF, v11;
	vm3 =	vgt.s32 v10, $0x0  }
0xfb: {  	vm9 =	vgt.s32 v11, $0x0;
	v10 =	vnsel vm3, $0x0, v10  }
0xfc: {  	v11 =	vnsel vm9, $0x0, v11;
	v10 =	vmin.u32 v10, $0xA  }
0xfd: {  	s17 =	sadd.s32 $0xFFFFFFF0, s14;
	v11 =	vmin.u32 v11, $0xA;
	v15 =	vperm.xlane v28, v10  }
0xfe: {  	s17 =	sand.u32 $0x1FE0, s17;
	v14 =	vperm.xlane v29, v11  }
0xff: {  	v30 =	vld [tilespmem:s17+$0x6000];
	v15 =	vadd.s32 v15, v10  }
0x100: {  	v31 =	vld [tilespmem:s15+$0xFFFFFFF0];
	v14 =	vadd.s32 v14, v11;
	v15 =	vadd.s32 $0xFFFFFFFF, v15  }
0x101: {  	v14 =	vadd.s32 $0xFFFFFFFF, v14;
	vm3 =	vgt.s32 v15, $0x0  }
0x102: {  	s16 =	sadd.s32 $0xFFFFFFFC, s16;
	v15 =	vnsel vm3, $0x0, v15;
	vm3 =	vgt.s32 v14, $0x0  }
0x103: {  	s25 =	sadd.s32 $0x3, s16;
	s31 =	sand.u32 $0xC, s16;
	v15 =	vmin.u32 v15, $0xA;
	v14 =	vnsel vm3, $0x0, v14  }
0x104: {  	s26 =	sadd.s32 $0xFFFFFFE0, s14;
	v44 =	vmov s31;
	s17 =	sand.u32 $0xF, s25;
	v14 =	vmin.u32 v14, $0xA;
	v16 =	vperm.xlane v30, v15  }
0x105: {  	s18 =	sand.u32 $0x1FD0, s26;
	v18 =	vmov s17;
	v11 =	vadd.s32 v0, v11;
	v17 =	vperm.xlane v31, v14  }
0x106: {  	v19 =	vld [tilespmem:s18+$0x6000];
	v10 =	vadd.s32 v1, v10;
	v32 =	vadd.s32 v1, v15;
	v15 =	vadd.s32 v16, v15  }
0x107: {  	v33 =	vld [tilespmem:s15+$0xFFFFFFE0];
	vm3 =	veq.s32 v18, v9;
	v34 =	vadd.s32 $0xFFFFFFFF, v15;
	v35 =	vadd.s32 v17, v14  }
0x108: {  	v10 =	vsel vm3, v10, v12;
	vm10 =	vgt.s32 v34, $0x0;
	v15 =	vadd.s32 $0xFFFFFFFF, v35  }
0x109: {  	s28 =	sadd.s32 $0x2, s16;
	v11 =	vsel vm3, v11, v13;
	v12 =	vnsel vm10, $0x0, v34;
	vm3 =	vgt.s32 v15, $0x0  }
0x10a: {  	s29 =	sadd.s32 $0x1, s16;
	vm14 =	veq.s32 v44, v9;
	s17 =	sand.u32 $0xE, s28;
	v12 =	vmin.u32 v12, $0xA;
	v37 =	vnsel vm3, $0x0, v15  }
0x10b: {  	v36 =	vmov s17;
	s17 =	sand.u32 $0xD, s29;
	v13 =	vmin.u32 v37, $0xA;
	v38 =	vperm.xlane v19, v12  }
0x10c: {  	vm11 =	veq.s32 v36, v9;
	v39 =	vmov s17;
	v16 =	vperm.xlane v33, v13  }
0x10d: {  	v10 =	vsel vm11, v32, v10;
	v40 =	vadd.s32 v1, v12;
	v12 =	vadd.s32 v38, v12  }
0x10e: {  	s30 =	sadd.s32 $0xFFFFFFD0, s14;
	v41 =	vadd.s32 v0, v13;
	v12 =	vadd.s32 $0xFFFFFFFF, v12;
	v13 =	vadd.s32 v16, v13  }
0x10f: {  	s14 =	sand.u32 $0x1FC0, s30;
	v42 =	vld [tilespmem:s15+$0xFFFFFFD0];
	v14 =	vadd.s32 v0, v14;
	vm12 =	vgt.s32 v12, $0x0;
	v13 =	vadd.s32 $0xFFFFFFFF, v13  }
0x110: {  	v43 =	vld [tilespmem:s14+$0x6000];
	v11 =	vsel vm11, v14, v11;
	v12 =	vnsel vm12, $0x0, v12;
	vm13 =	vgt.s32 v13, $0x0  }
0x111: {  	vm3 =	veq.s32 v39, v9;
	v12 =	vmin.u32 v12, $0xA;
	v13 =	vnsel vm13, $0x0, v13  }
0x112: {  	v10 =	vsel vm3, v40, v10;
	v13 =	vmin.u32 v13, $0xA;
	v45 =	vadd.s32 v1, v12  }
0x113: {  	s13 =	sadd.s32 $0xFFFFFFFC, s13;
	p1 =	sne.s32 s31, $0x0;
	v11 =	vsel vm3, v41, v11;
	v46 =	vadd.s32 v0, v13;
	v10 =	vsel vm14, v45, v10  }
0x114: {  	v16 =	vperm.xlane v42, v13;
	v11 =	vsel vm14, v46, v11;
	[tilespmem:s13+$0x0] =	vst @!p1 v10  }
0x115: {  	v14 =	vperm.xlane v43, v12;
	[tilespmem:s13+$0xFFFFFE00] =	vst @!p1 v11  }
0x116: {  	v13 =	vadd.s32 v16, v13;
	v47 =	vld [tilespmem:$0x4030]  }
0x117: {  	v12 =	vadd.s32 v14, v12;
	v13 =	vadd.s32 $0xFFFFFFFF, v13;
	v48 =	vld [tilespmem:$0x6030]  }
0x118: {  	v12 =	vadd.s32 $0xFFFFFFFF, v12;
	vm3 =	vgt.s32 v13, $0x0  }
0x119: {  	vm15 =	vgt.s32 v12, $0x0;
	v13 =	vnsel vm3, $0x0, v13  }
0x11a: {  	v12 =	vnsel vm15, $0x0, v12;
	v13 =	vmin.u32 v13, $0xA  }
0x11b: {  	v12 =	vmin.u32 v12, $0xA;
	v15 =	vperm.xlane v47, v13  }
0x11c: {  	v14 =	vperm.xlane v48, v12  }
0x11d: {  	v49 =	vld [tilespmem:$0x4020];
	v15 =	vadd.s32 v15, v13  }
0x11e: {  	v50 =	vld [tilespmem:$0x6020];
	v14 =	vadd.s32 v14, v12;
	v15 =	vadd.s32 $0xFFFFFFFF, v15  }
0x11f: {  	v14 =	vadd.s32 $0xFFFFFFFF, v14;
	vm3 =	vgt.s32 v15, $0x0  }
0x120: {  	v15 =	vnsel vm3, $0x0, v15;
	vm3 =	vgt.s32 v14, $0x0  }
0x121: {  	v15 =	vmin.u32 v15, $0xA;
	v14 =	vnsel vm3, $0x0, v14  }
0x122: {  	v14 =	vmin.u32 v14, $0xA;
	v16 =	vperm.xlane v49, v15  }
0x123: {  	v17 =	vperm.xlane v50, v14  }
0x124: {  	v51 =	vld [tilespmem:$0x4010];
	v16 =	vadd.s32 v16, v15  }
0x125: {  	v52 =	vld [tilespmem:$0x6010];
	v16 =	vadd.s32 $0xFFFFFFFF, v16;
	v17 =	vadd.s32 v17, v14  }
0x126: {  	vm3 =	vgt.s32 v16, $0x0;
	v17 =	vadd.s32 $0xFFFFFFFF, v17  }
0x127: {  	v13 =	vadd.s32 v0, v13;
	v16 =	vnsel vm3, $0x0, v16;
	vm3 =	vgt.s32 v17, $0x0  }
0x128: {  	v12 =	vadd.s32 v1, v12;
	v53 =	vmin.u32 v16, $0xA;
	v54 =	vnsel vm3, $0x0, v17  }
0x129: {  	v11 =	vsel vm0, v11, v13;
	v16 =	vmin.u32 v54, $0xA;
	v55 =	vperm.xlane v51, v53  }
0x12a: {  	v10 =	vsel vm0, v10, v12;
	v56 =	vadd.s32 v0, v15;
	v57 =	vperm.xlane v52, v16  }
0x12b: {  	v11 =	vsel vm1, v11, v56;
	v58 =	vadd.s32 v1, v14;
	v59 =	vadd.s32 v55, v53  }
0x12c: {  	v10 =	vsel vm1, v10, v58;
	v60 =	vadd.s32 $0xFFFFFFFF, v59;
	v61 =	vadd.s32 v57, v16  }
0x12d: {  	v13 =	vadd.s32 v0, v53;
	vm3 =	vgt.s32 v60, $0x0;
	v14 =	vadd.s32 $0xFFFFFFFF, v61  }
0x12e: {  	v11 =	vsel vm2, v11, v13;
	v12 =	vnsel vm3, $0x0, v60;
	vm3 =	vgt.s32 v14, $0x0  }
0x12f: {  	v62 =	vadd.s32 v1, v16;
	v12 =	vmin.u32 v12, $0xA;
	v14 =	vnsel vm3, $0x0, v14  }
0x130: {  	vm3 =	vmmov $0x1;
	v14 =	vmin.u32 v14, $0xA;
	v12 =	vadd.s32 v0, v12  }
0x131: {  	v10 =	vsel vm2, v10, v62;
	v11 =	vsel vm3, v12, v11;
	v63 =	vadd.s32 v1, v14  }
0x132: {  	[tilespmem:$0x8000] =	vst v11;
	v10 =	vsel vm3, v63, v10  }
0x133: {  	[tilespmem:$0x8200] =	vst v10  }
0x134: {  	[hbm4b:s5+s2] =	stream.linear.scatter [tilespmem:s10], [sflag:$0x2], $0x200, $0x38;
	[tilespmem:$0x8400] =	vst v63  }
0x135: {  	_ =	swait.ge [sflag:s11], $0x200  }
0x136: {  	s12 =	sadd.s32 $0x1, s12;
	s14 =	simm.s32 @!p0 $0x8200;
	[sflag:s11] =	ssyncset.done $0x0  }
0x137: {  	s13 =	simm.s32 @!p0 $0x0;
	p1 =	sne.s32 s12, s7;
	[sflag:s11] =	ssyncadd.s32 $0xFFFFFE00  }
0x138: {  	[hbm4b:s6+s13] =	stream.linear.scatter @!p0 [tilespmem:s14], [sflag:$0x2], $0x200, $0x38;
	[tilespmem:$0x8400] =	vst v63  }
.Ltmp2:
0x139: {  	_ = 	snop;
	(pc) =	sbr.rel @p1 .LBB2_1-.Ltmp2, $4  }
0x13a: {  	s13 =	simm.s32 @!p0 $0x2  }
0x13b: {  	_ =	swait.ge @!p0 [sflag:s13], $0x200  }
0x13c: {  	[sflag:s13] =	ssyncset.done @!p0 $0x0  }
0x13d: {  	[sflag:s13] =	ssyncadd.s32 @!p0 $0xFFFFFE00  }
0x13e: {  	_ =	sfence.sel $0x180000  }
0x13f: {  	[bflag:$0x0] =	sbarrier.arrive $0xFFFF  }
0x140: {  	p0 =	sne.s32 s0, $0x0;
	_ =	strace $0x9000004A  }
0x141: {  	s0 =	sadd.s32 @!p0 $0x100000, s1;
	[bflag:$0x2] =	sbarrier.arrive $0xFFFF  }
0x142: {  	[sflag:s0] =	ssyncadd.tile.s32 @!p0 $0x1;
	_ =	shalt  }
.Lfunc_end2:
_tile_overlayer_lowered:
.L_overlay_start_2:
0x143: {  	(tag) =	ssettag $0x2  }
0x144: {  	s0 =	rddreg [dreg:$0x0];
	s2 =	stileid.u32  }
0x145: {  	s1 =	rddreg [dreg:$0x1];
	p0 =	sne.s32 s2, $0x0  }
0x146: {  	s3 =	rddreg [dreg:$0x2];
	[bflag:$0x3] =	sbarrier.arrive $0xFFFF;
	s2 =	simm.s32 @!p0 $0x1C02  }
0x147: {  	[timem:s3], [sflag:s2] =	dma.local @!p0 [hbm:s0], s1  }
0x148: {  	s0 =	simm.s32 @!p0 $0x2  }
0x149: {  	_ =	swait.ge @!p0 [sflag:s0], s1  }
0x14a: {  	s1 =	ssub.s32 @!p0 $0x0, s1;
	[sflag:s0] =	ssyncset.done @!p0 $0x0  }
0x14b: {  	[sflag:s0] =	ssyncadd.s32 @!p0 s1  }
0x14c: {  	[bflag:$0x3] =	sbarrier.arrive $0xFFFF  }
0x14d: {  	_ =	shalt  }

</sc_bundles>
